<compile_context>
chip_gen: v7x
topology: tpu7x:2x2x1
jax: 0.10.2.dev20260603
libtpu: 0.0.44.dev20260713+nightly
codegen_flags: <defaults>
</compile_context>

<pallas_src>
import functools

import jax
import jax.numpy as jnp
from jax import lax
from jax.experimental import pallas as pl
from jax.experimental.pallas import tpu as pltpu
from jax.experimental.pallas import tpu_sc as plsc

C = 16
H = 1024
W = 1024
N = 1048576
LANES = 16
NUM_CORES = 2
NUM_SUBCORES = 16
NW = NUM_CORES * NUM_SUBCORES
PPW = N // NW
CHUNK = 512
NG16 = CHUNK // LANES
GROWS = 512
NGD = CHUNK // GROWS
NCHUNKS = PPW // CHUNK
NPAIRS = NCHUNKS // 2
GPP = GROWS // LANES


NT = CHUNK // 128


def _sc_body(xs_hbm, ys_hbm, table_hbm, out_hbm,
             xv, yv,
             ia0, ia1, ia2, ia3, ib0, ib1, ib2, ib3,
             wa0, wa1, wa2, wa3, wb0, wb1, wb2, wb3,
             ra0, ra1, ra2, ra3, rb0, rb1, rb2, rb3,
             oa, ob, sem_a, sem_b, sem_o):
    cid = lax.axis_index("c")
    sid = lax.axis_index("s")
    wid = sid * NUM_CORES + cid
    lane = lax.iota(jnp.int32, LANES)

    bufs = {
        0: ((ia0, ia1, ia2, ia3), (wa0, wa1, wa2, wa3),
            (ra0, ra1, ra2, ra3), sem_a, oa),
        1: ((ib0, ib1, ib2, ib3), (wb0, wb1, wb2, wb3),
            (rb0, rb1, rb2, rb3), sem_b, ob),
    }

    def drain_out(b, prev_chunk):
        out_v = bufs[b][4]
        base = wid * PPW + prev_chunk * CHUNK
        for cb in range(2):
            pltpu.make_async_copy(
                out_v.at[cb],
                out_hbm.at[cb, pl.ds(base // 128, NT)],
                sem_o).wait()

    def load_xy(q):
        base = wid * PPW + q * (8 * CHUNK)
        pltpu.sync_copy(xs_hbm.at[pl.ds(base, 8 * CHUNK)], xv)
        pltpu.sync_copy(ys_hbm.at[pl.ds(base, 8 * CHUNK)], yv)

    def fire(xoff, b):
        idxs, ws, rows, sem, _ = bufs[b]

        @plsc.parallel_loop(0, NG16, unroll=2)
        def grp(g):
            s_x = pl.ds(xoff + g * LANES, LANES)
            gx = xv[s_x]
            gy = yv[s_x]
            fx = gx * (W - 1.0)
            fy = gy * (H - 1.0)
            fx = jnp.minimum(jnp.maximum(fx, 0.0), W - 1.0)
            fy = jnp.minimum(jnp.maximum(fy, 0.0), H - 1.0)
            x0 = jnp.minimum(fx.astype(jnp.int32), W - 2)
            y0 = jnp.minimum(fy.astype(jnp.int32), H - 2)
            wx1 = fx - x0.astype(jnp.float32)
            wy1 = fy - y0.astype(jnp.float32)
            wx0 = 1.0 - wx1
            wy0 = 1.0 - wy1
            lin = y0 * W + x0
            part = g // GPP
            off = (g % GPP) * LANES
            idxs[0][part, pl.ds(off, LANES)] = lin
            idxs[1][part, pl.ds(off, LANES)] = lin + 1
            idxs[2][part, pl.ds(off, LANES)] = lin + W
            idxs[3][part, pl.ds(off, LANES)] = lin + (W + 1)
            s = pl.ds(g * LANES, LANES)
            ws[0][s] = wy0 * wx0
            ws[1][s] = wy0 * wx1
            ws[2][s] = wy1 * wx0
            ws[3][s] = wy1 * wx1

        for cn in range(4):
            for part in range(NGD):
                pltpu.async_copy(
                    table_hbm.at[idxs[cn].at[part]],
                    rows[cn].at[pl.ds(part * GROWS, GROWS)],
                    sem)

    def combine(chunk, b, do_drain):
        idxs, ws, rows, sem, out_v = bufs[b]
        for cn in range(4):
            for part in range(NGD):
                pltpu.make_async_copy(
                    table_hbm.at[idxs[cn].at[part]],
                    rows[cn].at[pl.ds(part * GROWS, GROWS)],
                    sem).wait()

        @pl.when(do_drain)
        def _():
            drain_out(b, chunk - 2)

        r0, r1, r2, r3 = rows
        w0, w1, w2, w3 = ws

        @plsc.parallel_loop(0, NG16, unroll=2)
        def grp(g):
            r = g * LANES + lane
            s = pl.ds(g * LANES, LANES)
            a00 = w0[s]
            a01 = w1[s]
            a10 = w2[s]
            a11 = w3[s]
            t = g // 8
            col = pl.ds((g % 8) * LANES, LANES)
            for ch in range(C):
                cc = jnp.full((LANES,), ch, jnp.int32)
                v = (a00 * plsc.load_gather(r0, [r, cc])
                     + a01 * plsc.load_gather(r1, [r, cc])
                     + a10 * plsc.load_gather(r2, [r, cc])
                     + a11 * plsc.load_gather(r3, [r, cc]))
                out_v[ch // 8, t, ch % 8, col] = v

        base = wid * PPW + chunk * CHUNK
        for cb in range(2):
            pltpu.async_copy(
                out_v.at[cb],
                out_hbm.at[cb, pl.ds(base // 128, NT)],
                sem_o)

    load_xy(0)
    fire(0, 0)

    def body2(j, carry):
        fire(((2 * j + 1) % 8) * CHUNK, 1)
        combine(2 * j, 0, j >= 1)

        @pl.when((j < NPAIRS - 1) & ((j + 1) % 4 == 0))
        def _():
            load_xy((j + 1) // 4)

        @pl.when(j < NPAIRS - 1)
        def _():
            fire(((2 * j + 2) % 8) * CHUNK, 0)

        combine(2 * j + 1, 1, j >= 1)
        return carry

    lax.fori_loop(0, NPAIRS, body2, 0)
    drain_out(0, NCHUNKS - 2)
    drain_out(1, NCHUNKS - 1)


@jax.jit
def _sc_sample(xs, ys, table):
    mesh = plsc.VectorSubcoreMesh(core_axis_name="c", subcore_axis_name="s")
    idx_t = pltpu.VMEM((NGD, GROWS), jnp.int32)
    w_t = pltpu.VMEM((CHUNK,), jnp.float32)
    row_t = pltpu.VMEM((CHUNK, C), jnp.float32)
    f = functools.partial(
        pl.kernel, mesh=mesh,
        out_type=jax.ShapeDtypeStruct((2, N // 128, 8, 128), jnp.float32),
        compiler_params=pltpu.CompilerParams(
            needs_layout_passes=False, use_tc_tiling_on_sc=False),
        scratch_types=(
            [pltpu.VMEM((8 * CHUNK,), jnp.float32)] * 2
            + [idx_t] * 8
            + [w_t] * 8
            + [row_t] * 8
            + [pltpu.VMEM((2, NT, 8, 128), jnp.float32)] * 2
            + [pltpu.SemaphoreType.DMA] * 3
        ),
    )(_sc_body)
    return f(xs, ys, table)


def kernel(ray, grid):
    assert ray.shape == (N, 2) and grid.shape == (1, C, H, W)
    xs = ray[:, 1]
    ys = ray[:, 0]
    table = grid[0].transpose(1, 2, 0).reshape(H * W, C)
    out_t = _sc_sample(xs, ys, table)
    return out_t.transpose(1, 3, 0, 2).reshape(N, C)

# --- scband reference (transcript-rebuilt; emitter-appended) ---
"""Pipeline reference for scband-lf2-dgrid-70471823393085 (READ-ONLY COPY).

The authoritative reference and input builder live on the scoring server;
editing this copy changes nothing except your own understanding.
"""

import jax, jax.numpy as jnp
import numpy as np

C = 16
H, W = 1024, 1024
N = 1048576
RAY_MIN = jnp.array([0.0, 0.0], dtype=jnp.float32)
RAY_MAX = jnp.array([1.0, 1.0], dtype=jnp.float32)


def setup_inputs(seed: int = 0) -> dict:
    key = jax.random.key(seed)
    k1, k2 = jax.random.split(key)
    ray = jax.random.uniform(k1, (N, 2), dtype=jnp.float32)
    # learned parameter (nn.Parameter grid); randn instead of zeros so output is nontrivial
    grid = jax.random.normal(k2, (1, C, H, W), dtype=jnp.float32) * 0.1
    return {"ray": ray, "grid": grid}


def reference(ray, grid):
    shape = ray.shape[:-1]
    r = ray.reshape(-1, 2)
    # ((ray - ray_min) / (ray_max - ray_min)).flip(-1) * 2 - 1
    ind_norm = ((r - RAY_MIN) / (RAY_MAX - RAY_MIN))[:, ::-1] * 2.0 - 1.0
    g = grid[0]  # (C, H, W)
    C_, H_, W_ = g.shape
    x = ind_norm[:, 0]  # maps to W
    y = ind_norm[:, 1]  # maps to H
    # align_corners=True unnormalization
    ix = (x + 1.0) * 0.5 * (W_ - 1)
    iy = (y + 1.0) * 0.5 * (H_ - 1)
    ix0 = jnp.floor(ix)
    iy0 = jnp.floor(iy)
    ix1 = ix0 + 1.0
    iy1 = iy0 + 1.0
    wx1 = ix - ix0
    wx0 = 1.0 - wx1
    wy1 = iy - iy0
    wy0 = 1.0 - wy1
    gflat = g.reshape(C_, -1)

    def gather(iy_, ix_):
        valid = (ix_ >= 0) & (ix_ <= W_ - 1) & (iy_ >= 0) & (iy_ <= H_ - 1)
        ixc = jnp.clip(ix_, 0, W_ - 1).astype(jnp.int32)
        iyc = jnp.clip(iy_, 0, H_ - 1).astype(jnp.int32)
        lin = iyc * W_ + ixc
        vals = jnp.take(gflat, lin, axis=1)  # (C, Npts)
        return vals * valid.astype(g.dtype)[None, :]

    v00 = gather(iy0, ix0)
    v01 = gather(iy0, ix1)
    v10 = gather(iy1, ix0)
    v11 = gather(iy1, ix1)
    out = (v00 * (wy0 * wx0)[None, :] + v01 * (wy0 * wx1)[None, :]
           + v10 * (wy1 * wx0)[None, :] + v11 * (wy1 * wx1)[None, :])
    out = out.T.reshape(*shape, C_)
    return out

if __name__ == "__main__":
    import jax
    _d = setup_inputs()
    print(jax.jit(kernel)(*tuple(_d.values())))

</pallas_src>

<mosaic_0001>
#map = affine_map<(d0, d1) -> (0)>
#map1 = affine_map<(d0, d1) -> (0, 0)>
#map2 = affine_map<(d0, d1) -> (0, 0, 0, 0)>
module attributes {stable_mosaic.version = 14 : i64} {
  func.func @_sc_body(%arg0: i32, %arg1: i32, %arg2: memref<1048576xf32, #tpu.memory_space<hbm>>, %arg3: memref<1048576xf32, #tpu.memory_space<hbm>>, %arg4: memref<1048576x16xf32, #tpu.memory_space<hbm>>, %arg5: memref<2x8192x8x128xf32, #tpu.memory_space<hbm>>, %arg6: memref<4096xf32, #tpu.memory_space<vmem>>, %arg7: memref<4096xf32, #tpu.memory_space<vmem>>, %arg8: memref<1x512xi32, #tpu.memory_space<vmem>>, %arg9: memref<1x512xi32, #tpu.memory_space<vmem>>, %arg10: memref<1x512xi32, #tpu.memory_space<vmem>>, %arg11: memref<1x512xi32, #tpu.memory_space<vmem>>, %arg12: memref<1x512xi32, #tpu.memory_space<vmem>>, %arg13: memref<1x512xi32, #tpu.memory_space<vmem>>, %arg14: memref<1x512xi32, #tpu.memory_space<vmem>>, %arg15: memref<1x512xi32, #tpu.memory_space<vmem>>, %arg16: memref<512xf32, #tpu.memory_space<vmem>>, %arg17: memref<512xf32, #tpu.memory_space<vmem>>, %arg18: memref<512xf32, #tpu.memory_space<vmem>>, %arg19: memref<512xf32, #tpu.memory_space<vmem>>, %arg20: memref<512xf32, #tpu.memory_space<vmem>>, %arg21: memref<512xf32, #tpu.memory_space<vmem>>, %arg22: memref<512xf32, #tpu.memory_space<vmem>>, %arg23: memref<512xf32, #tpu.memory_space<vmem>>, %arg24: memref<512x16xf32, #tpu.memory_space<vmem>>, %arg25: memref<512x16xf32, #tpu.memory_space<vmem>>, %arg26: memref<512x16xf32, #tpu.memory_space<vmem>>, %arg27: memref<512x16xf32, #tpu.memory_space<vmem>>, %arg28: memref<512x16xf32, #tpu.memory_space<vmem>>, %arg29: memref<512x16xf32, #tpu.memory_space<vmem>>, %arg30: memref<512x16xf32, #tpu.memory_space<vmem>>, %arg31: memref<512x16xf32, #tpu.memory_space<vmem>>, %arg32: memref<2x4x8x128xf32, #tpu.memory_space<vmem>>, %arg33: memref<2x4x8x128xf32, #tpu.memory_space<vmem>>, %arg34: memref<!tpu.dma_semaphore, #tpu.memory_space<semaphore_mem>>, %arg35: memref<!tpu.dma_semaphore, #tpu.memory_space<semaphore_mem>>, %arg36: memref<!tpu.dma_semaphore, #tpu.memory_space<semaphore_mem>>) attributes {dimension_semantics = [#tpu.dimension_semantics<core_parallel>, #tpu.dimension_semantics<subcore_parallel>], iteration_bounds = array<i64: 2, 16>, scalar_prefetch = 0 : i64, scratch_operands = 31 : i64, tpu.core_type = #tpu.core_type<sc_vector_subcore>, window_params = [{transform_indices = #map}, {transform_indices = #map}, {transform_indices = #map1}, {transform_indices = #map2}]} {
    %mul3A = arith.constant 2 : i32
    %mul3A_0 = arith.muli %arg1, %mul3A : i32
    %add3A = arith.addi %mul3A_0, %arg0 : i32
    %iota3A = tpu.iota {dimensions = array<i32: 0>} : vector<16xi32>
    %mul3A_1 = arith.constant 32768 : i32
    %mul3A_2 = arith.muli %add3A, %mul3A_1 : i32
    %add3A_3 = arith.constant 0 : i32
    %add3A_4 = arith.addi %mul3A_2, %add3A_3 : i32
    "tpu.region"() ({
      %run_scoped3A = tpu.sem_alloc : memref<!tpu.dma_semaphore, #tpu.memory_space<semaphore_mem>>
      %dma_start3A_226 = tpu.memref_slice %arg2[%add3A_4] : memref<1048576xf32, #tpu.memory_space<hbm>> -> memref<4096xf32, #tpu.memory_space<hbm>>
      %dma_start3A_227 = tpu.memref_slice %arg2[%add3A_4] : memref<1048576xf32, #tpu.memory_space<hbm>> -> memref<4096xf32, #tpu.memory_space<hbm>>
      tpu.enqueue_dma source(%dma_start3A_227 : memref<4096xf32, #tpu.memory_space<hbm>>) target(%arg6 : memref<4096xf32, #tpu.memory_space<vmem>>) target_semaphore(%run_scoped3A : memref<!tpu.dma_semaphore, #tpu.memory_space<semaphore_mem>>)
      %dma_wait3A_228 = tpu.memref_slice %arg2[%add3A_4] : memref<1048576xf32, #tpu.memory_space<hbm>> -> memref<4096xf32, #tpu.memory_space<hbm>>
      %dma_wait3A_229 = tpu.memref_slice %arg2[%add3A_4] : memref<1048576xf32, #tpu.memory_space<hbm>> -> memref<4096xf32, #tpu.memory_space<hbm>>
      tpu.wait_dma2 semaphore(%run_scoped3A : memref<!tpu.dma_semaphore, #tpu.memory_space<semaphore_mem>>) src(%dma_wait3A_229 : memref<4096xf32, #tpu.memory_space<hbm>>) dst(%arg6 : memref<4096xf32, #tpu.memory_space<vmem>>)
      tpu.yield
    }) : () -> ()
    "tpu.region"() ({
      %run_scoped3A = tpu.sem_alloc : memref<!tpu.dma_semaphore, #tpu.memory_space<semaphore_mem>>
      %dma_start3A_226 = tpu.memref_slice %arg3[%add3A_4] : memref<1048576xf32, #tpu.memory_space<hbm>> -> memref<4096xf32, #tpu.memory_space<hbm>>
      %dma_start3A_227 = tpu.memref_slice %arg3[%add3A_4] : memref<1048576xf32, #tpu.memory_space<hbm>> -> memref<4096xf32, #tpu.memory_space<hbm>>
      tpu.enqueue_dma source(%dma_start3A_227 : memref<4096xf32, #tpu.memory_space<hbm>>) target(%arg7 : memref<4096xf32, #tpu.memory_space<vmem>>) target_semaphore(%run_scoped3A : memref<!tpu.dma_semaphore, #tpu.memory_space<semaphore_mem>>)
      %dma_wait3A_228 = tpu.memref_slice %arg3[%add3A_4] : memref<1048576xf32, #tpu.memory_space<hbm>> -> memref<4096xf32, #tpu.memory_space<hbm>>
      %dma_wait3A_229 = tpu.memref_slice %arg3[%add3A_4] : memref<1048576xf32, #tpu.memory_space<hbm>> -> memref<4096xf32, #tpu.memory_space<hbm>>
      tpu.wait_dma2 semaphore(%run_scoped3A : memref<!tpu.dma_semaphore, #tpu.memory_space<semaphore_mem>>) src(%dma_wait3A_229 : memref<4096xf32, #tpu.memory_space<hbm>>) dst(%arg7 : memref<4096xf32, #tpu.memory_space<vmem>>)
      tpu.yield
    }) : () -> ()
    %parallel_loop3A = arith.constant 0 : i32
    %parallel_loop3A_5 = arith.constant 32 : i32
    %parallel_loop3A_6 = arith.constant 1 : i32
    scf.for %parallel_loop3A_226 = %parallel_loop3A to %parallel_loop3A_5 step %parallel_loop3A_6  : i32 {
      %parallel_loop3A_227 = arith.constant 16 : i32
      %parallel_loop3A_228 = arith.muli %parallel_loop3A_226, %parallel_loop3A_227 : i32
      %parallel_loop3A_229 = arith.constant 0 : i32
      %parallel_loop3A_230 = arith.addi %parallel_loop3A_229, %parallel_loop3A_228 : i32
      %parallel_loop3A_231 = arith.index_cast %parallel_loop3A_230 : i32 to index
      %parallel_loop3A_232 = tpu.vector_load %arg6[%parallel_loop3A_231] {strides = array<i32>} : memref<4096xf32, #tpu.memory_space<vmem>>, vector<16xf32>,
      %parallel_loop3A_233 = arith.index_cast %parallel_loop3A_230 : i32 to index
      %parallel_loop3A_234 = tpu.vector_load %arg7[%parallel_loop3A_233] {strides = array<i32>} : memref<4096xf32, #tpu.memory_space<vmem>>, vector<16xf32>,
      %parallel_loop3A_235 = arith.constant 1.023000e+03 : f32
      %parallel_loop3A_236 = vector.broadcast %parallel_loop3A_235 : f32 to vector<16xf32>
      %parallel_loop3A_237 = arith.mulf %parallel_loop3A_232, %parallel_loop3A_236 : vector<16xf32>
      %parallel_loop3A_238 = arith.constant 1.023000e+03 : f32
      %parallel_loop3A_239 = vector.broadcast %parallel_loop3A_238 : f32 to vector<16xf32>
      %parallel_loop3A_240 = arith.mulf %parallel_loop3A_234, %parallel_loop3A_239 : vector<16xf32>
      %parallel_loop3A_241 = arith.constant 0.000000e+00 : f32
      %parallel_loop3A_242 = vector.broadcast %parallel_loop3A_241 : f32 to vector<16xf32>
      %parallel_loop3A_243 = arith.maximumf %parallel_loop3A_237, %parallel_loop3A_242 : vector<16xf32>
      %parallel_loop3A_244 = arith.constant 1.023000e+03 : f32
      %parallel_loop3A_245 = vector.broadcast %parallel_loop3A_244 : f32 to vector<16xf32>
      %parallel_loop3A_246 = arith.minimumf %parallel_loop3A_243, %parallel_loop3A_245 : vector<16xf32>
      %parallel_loop3A_247 = arith.constant 0.000000e+00 : f32
      %parallel_loop3A_248 = vector.broadcast %parallel_loop3A_247 : f32 to vector<16xf32>
      %parallel_loop3A_249 = arith.maximumf %parallel_loop3A_240, %parallel_loop3A_248 : vector<16xf32>
      %parallel_loop3A_250 = arith.constant 1.023000e+03 : f32
      %parallel_loop3A_251 = vector.broadcast %parallel_loop3A_250 : f32 to vector<16xf32>
      %parallel_loop3A_252 = arith.minimumf %parallel_loop3A_249, %parallel_loop3A_251 : vector<16xf32>
      %parallel_loop3A_253 = arith.fptosi %parallel_loop3A_246 : vector<16xf32> to vector<16xi32>
      %parallel_loop3A_254 = arith.constant 1022 : i32
      %parallel_loop3A_255 = vector.broadcast %parallel_loop3A_254 : i32 to vector<16xi32>
      %parallel_loop3A_256 = arith.minsi %parallel_loop3A_253, %parallel_loop3A_255 : vector<16xi32>
      %parallel_loop3A_257 = arith.fptosi %parallel_loop3A_252 : vector<16xf32> to vector<16xi32>
      %parallel_loop3A_258 = arith.constant 1022 : i32
      %parallel_loop3A_259 = vector.broadcast %parallel_loop3A_258 : i32 to vector<16xi32>
      %parallel_loop3A_260 = arith.minsi %parallel_loop3A_257, %parallel_loop3A_259 : vector<16xi32>
      %parallel_loop3A_261 = arith.sitofp %parallel_loop3A_256 : vector<16xi32> to vector<16xf32>
      %parallel_loop3A_262 = arith.subf %parallel_loop3A_246, %parallel_loop3A_261 : vector<16xf32>
      %parallel_loop3A_263 = arith.sitofp %parallel_loop3A_260 : vector<16xi32> to vector<16xf32>
      %parallel_loop3A_264 = arith.subf %parallel_loop3A_252, %parallel_loop3A_263 : vector<16xf32>
      %parallel_loop3A_265 = arith.constant 1.000000e+00 : f32
      %parallel_loop3A_266 = vector.broadcast %parallel_loop3A_265 : f32 to vector<16xf32>
      %parallel_loop3A_267 = arith.subf %parallel_loop3A_266, %parallel_loop3A_262 : vector<16xf32>
      %parallel_loop3A_268 = arith.constant 1.000000e+00 : f32
      %parallel_loop3A_269 = vector.broadcast %parallel_loop3A_268 : f32 to vector<16xf32>
      %parallel_loop3A_270 = arith.subf %parallel_loop3A_269, %parallel_loop3A_264 : vector<16xf32>
      %parallel_loop3A_271 = arith.constant 1024 : i32
      %parallel_loop3A_272 = vector.broadcast %parallel_loop3A_271 : i32 to vector<16xi32>
      %parallel_loop3A_273 = arith.muli %parallel_loop3A_260, %parallel_loop3A_272 : vector<16xi32>
      %parallel_loop3A_274 = arith.addi %parallel_loop3A_273, %parallel_loop3A_256 : vector<16xi32>
      %parallel_loop3A_275 = arith.constant 32 : i32
      %parallel_loop3A_276 = arith.divsi %parallel_loop3A_226, %parallel_loop3A_275 : i32
      %parallel_loop3A_277 = arith.constant 0 : i32
      %parallel_loop3A_278 = arith.cmpi sgt, %parallel_loop3A_226, %parallel_loop3A_277 : i32
      %parallel_loop3A_279 = arith.extui %parallel_loop3A_278 : i1 to i32
      %parallel_loop3A_280 = arith.constant 0 : i32
      %parallel_loop3A_281 = arith.cmpi slt, %parallel_loop3A_226, %parallel_loop3A_280 : i32
      %parallel_loop3A_282 = arith.extui %parallel_loop3A_281 : i1 to i32
      %parallel_loop3A_283 = arith.subi %parallel_loop3A_279, %parallel_loop3A_282 : i32
      %parallel_loop3A_284 = arith.constant 0 : i32
      %parallel_loop3A_285 = arith.cmpi sgt, %parallel_loop3A_275, %parallel_loop3A_284 : i32
      %parallel_loop3A_286 = arith.extui %parallel_loop3A_285 : i1 to i32
      %parallel_loop3A_287 = arith.constant 0 : i32
      %parallel_loop3A_288 = arith.cmpi slt, %parallel_loop3A_275, %parallel_loop3A_287 : i32
      %parallel_loop3A_289 = arith.extui %parallel_loop3A_288 : i1 to i32
      %parallel_loop3A_290 = arith.subi %parallel_loop3A_286, %parallel_loop3A_289 : i32
      %parallel_loop3A_291 = arith.cmpi ne, %parallel_loop3A_283, %parallel_loop3A_290 : i32
      %parallel_loop3A_292 = arith.remsi %parallel_loop3A_226, %parallel_loop3A_275 : i32
      %parallel_loop3A_293 = arith.constant 0 : i32
      %parallel_loop3A_294 = arith.cmpi ne, %parallel_loop3A_292, %parallel_loop3A_293 : i32
      %parallel_loop3A_295 = arith.andi %parallel_loop3A_291, %parallel_loop3A_294 : i1
      %parallel_loop3A_296 = arith.constant 1 : i32
      %parallel_loop3A_297 = arith.subi %parallel_loop3A_276, %parallel_loop3A_296 : i32
      %parallel_loop3A_298 = arith.select %parallel_loop3A_295, %parallel_loop3A_297, %parallel_loop3A_276 : i32
      %parallel_loop3A_299 = arith.constant 32 : i32
      %parallel_loop3A_300 = arith.constant 0 : i32
      %parallel_loop3A_301 = arith.cmpi eq, %parallel_loop3A_299, %parallel_loop3A_300 : i32
      %parallel_loop3A_302 = arith.constant 1 : i32
      %parallel_loop3A_303 = arith.select %parallel_loop3A_301, %parallel_loop3A_302, %parallel_loop3A_299 : i32
      %parallel_loop3A_304 = arith.remsi %parallel_loop3A_226, %parallel_loop3A_303 : i32
      %parallel_loop3A_305 = arith.constant 0 : i32
      %parallel_loop3A_306 = arith.cmpi ne, %parallel_loop3A_304, %parallel_loop3A_305 : i32
      %parallel_loop3A_307 = arith.constant 0 : i32
      %parallel_loop3A_308 = arith.cmpi slt, %parallel_loop3A_304, %parallel_loop3A_307 : i32
      %parallel_loop3A_309 = arith.constant 0 : i32
      %parallel_loop3A_310 = arith.cmpi slt, %parallel_loop3A_303, %parallel_loop3A_309 : i32
      %parallel_loop3A_311 = arith.xori %parallel_loop3A_308, %parallel_loop3A_310 : i1
      %parallel_loop3A_312 = arith.andi %parallel_loop3A_311, %parallel_loop3A_306 : i1
      %parallel_loop3A_313 = arith.addi %parallel_loop3A_304, %parallel_loop3A_303 : i32
      %parallel_loop3A_314 = arith.select %parallel_loop3A_312, %parallel_loop3A_313, %parallel_loop3A_304 : i32
      %parallel_loop3A_315 = arith.constant 16 : i32
      %parallel_loop3A_316 = arith.muli %parallel_loop3A_314, %parallel_loop3A_315 : i32
      %parallel_loop3A_317 = arith.index_cast %parallel_loop3A_298 : i32 to index
      %parallel_loop3A_318 = arith.index_cast %parallel_loop3A_316 : i32 to index
      %parallel_loop3A_319 = tpu.vector_load %arg8[%parallel_loop3A_317, %parallel_loop3A_318] {strides = array<i32>} : memref<1x512xi32, #tpu.memory_space<vmem>>, vector<16xi32>,
      tpu.vector_store %arg8[%parallel_loop3A_317, %parallel_loop3A_318], %parallel_loop3A_274 {strides = array<i32>} : memref<1x512xi32, #tpu.memory_space<vmem>>, vector<16xi32>,
      %parallel_loop3A_320 = arith.constant 1 : i32
      %parallel_loop3A_321 = vector.broadcast %parallel_loop3A_320 : i32 to vector<16xi32>
      %parallel_loop3A_322 = arith.addi %parallel_loop3A_274, %parallel_loop3A_321 : vector<16xi32>
      %parallel_loop3A_323 = arith.index_cast %parallel_loop3A_298 : i32 to index
      %parallel_loop3A_324 = arith.index_cast %parallel_loop3A_316 : i32 to index
      %parallel_loop3A_325 = tpu.vector_load %arg9[%parallel_loop3A_323, %parallel_loop3A_324] {strides = array<i32>} : memref<1x512xi32, #tpu.memory_space<vmem>>, vector<16xi32>,
      tpu.vector_store %arg9[%parallel_loop3A_323, %parallel_loop3A_324], %parallel_loop3A_322 {strides = array<i32>} : memref<1x512xi32, #tpu.memory_space<vmem>>, vector<16xi32>,
      %parallel_loop3A_326 = arith.constant 1024 : i32
      %parallel_loop3A_327 = vector.broadcast %parallel_loop3A_326 : i32 to vector<16xi32>
      %parallel_loop3A_328 = arith.addi %parallel_loop3A_274, %parallel_loop3A_327 : vector<16xi32>
      %parallel_loop3A_329 = arith.index_cast %parallel_loop3A_298 : i32 to index
      %parallel_loop3A_330 = arith.index_cast %parallel_loop3A_316 : i32 to index
      %parallel_loop3A_331 = tpu.vector_load %arg10[%parallel_loop3A_329, %parallel_loop3A_330] {strides = array<i32>} : memref<1x512xi32, #tpu.memory_space<vmem>>, vector<16xi32>,
      tpu.vector_store %arg10[%parallel_loop3A_329, %parallel_loop3A_330], %parallel_loop3A_328 {strides = array<i32>} : memref<1x512xi32, #tpu.memory_space<vmem>>, vector<16xi32>,
      %parallel_loop3A_332 = arith.constant 1025 : i32
      %parallel_loop3A_333 = vector.broadcast %parallel_loop3A_332 : i32 to vector<16xi32>
      %parallel_loop3A_334 = arith.addi %parallel_loop3A_274, %parallel_loop3A_333 : vector<16xi32>
      %parallel_loop3A_335 = arith.index_cast %parallel_loop3A_298 : i32 to index
      %parallel_loop3A_336 = arith.index_cast %parallel_loop3A_316 : i32 to index
      %parallel_loop3A_337 = tpu.vector_load %arg11[%parallel_loop3A_335, %parallel_loop3A_336] {strides = array<i32>} : memref<1x512xi32, #tpu.memory_space<vmem>>, vector<16xi32>,
      tpu.vector_store %arg11[%parallel_loop3A_335, %parallel_loop3A_336], %parallel_loop3A_334 {strides = array<i32>} : memref<1x512xi32, #tpu.memory_space<vmem>>, vector<16xi32>,
      %parallel_loop3A_338 = arith.constant 16 : i32
      %parallel_loop3A_339 = arith.muli %parallel_loop3A_226, %parallel_loop3A_338 : i32
      %parallel_loop3A_340 = arith.mulf %parallel_loop3A_270, %parallel_loop3A_267 : vector<16xf32>
      %parallel_loop3A_341 = arith.index_cast %parallel_loop3A_339 : i32 to index
      %parallel_loop3A_342 = tpu.vector_load %arg16[%parallel_loop3A_341] {strides = array<i32>} : memref<512xf32, #tpu.memory_space<vmem>>, vector<16xf32>,
      tpu.vector_store %arg16[%parallel_loop3A_341], %parallel_loop3A_340 {strides = array<i32>} : memref<512xf32, #tpu.memory_space<vmem>>, vector<16xf32>,
      %parallel_loop3A_343 = arith.mulf %parallel_loop3A_270, %parallel_loop3A_262 : vector<16xf32>
      %parallel_loop3A_344 = arith.index_cast %parallel_loop3A_339 : i32 to index
      %parallel_loop3A_345 = tpu.vector_load %arg17[%parallel_loop3A_344] {strides = array<i32>} : memref<512xf32, #tpu.memory_space<vmem>>, vector<16xf32>,
      tpu.vector_store %arg17[%parallel_loop3A_344], %parallel_loop3A_343 {strides = array<i32>} : memref<512xf32, #tpu.memory_space<vmem>>, vector<16xf32>,
      %parallel_loop3A_346 = arith.mulf %parallel_loop3A_264, %parallel_loop3A_267 : vector<16xf32>
      %parallel_loop3A_347 = arith.index_cast %parallel_loop3A_339 : i32 to index
      %parallel_loop3A_348 = tpu.vector_load %arg18[%parallel_loop3A_347] {strides = array<i32>} : memref<512xf32, #tpu.memory_space<vmem>>, vector<16xf32>,
      tpu.vector_store %arg18[%parallel_loop3A_347], %parallel_loop3A_346 {strides = array<i32>} : memref<512xf32, #tpu.memory_space<vmem>>, vector<16xf32>,
      %parallel_loop3A_349 = arith.mulf %parallel_loop3A_264, %parallel_loop3A_262 : vector<16xf32>
      %parallel_loop3A_350 = arith.index_cast %parallel_loop3A_339 : i32 to index
      %parallel_loop3A_351 = tpu.vector_load %arg19[%parallel_loop3A_350] {strides = array<i32>} : memref<512xf32, #tpu.memory_space<vmem>>, vector<16xf32>,
      tpu.vector_store %arg19[%parallel_loop3A_350], %parallel_loop3A_349 {strides = array<i32>} : memref<512xf32, #tpu.memory_space<vmem>>, vector<16xf32>,
    } {sc.loop_unroll_factor = 2 : i64, sc.parallel_access}
    %dma_start3A = arith.constant 0 : i32
    %dma_start3A_7 = arith.constant 0 : i32
    %dma_start3A_8 = arith.constant 0 : i32
    %dma_start3A_9 = tpu.memref_slice %arg24[%dma_start3A_7, %dma_start3A_8] : memref<512x16xf32, #tpu.memory_space<vmem>> -> memref<512x16xf32, #tpu.memory_space<vmem>>
    %dma_start3A_10 = arith.constant 0 : i32
    %dma_start3A_11 = tpu.memref_slice %arg8[%dma_start3A, %dma_start3A_10] : memref<1x512xi32, #tpu.memory_space<vmem>> -> memref<1x512xi32, #tpu.memory_space<vmem>>
    %dma_start3A_12 = tpu.memref_squeeze %dma_start3A_11 : memref<1x512xi32, #tpu.memory_space<vmem>> -> memref<512xi32, #tpu.memory_space<vmem>>
    %dma_start3A_13 = arith.constant 0 : i32
    %dma_start3A_14 = arith.constant 0 : i32
    %dma_start3A_15 = tpu.memref_slice %arg4[%dma_start3A_13, %dma_start3A_14] : memref<1048576x16xf32, #tpu.memory_space<hbm>> -> memref<1048576x16xf32, #tpu.memory_space<hbm>>
    tpu.enqueue_indirect_dma source(%dma_start3A_15 : memref<1048576x16xf32, #tpu.memory_space<hbm>>) target(%dma_start3A_9 : memref<512x16xf32, #tpu.memory_space<vmem>>) offsets(%dma_start3A_12 : memref<512xi32, #tpu.memory_space<vmem>>) semaphore(%arg34 : memref<!tpu.dma_semaphore, #tpu.memory_space<semaphore_mem>>)
    %dma_start3A_16 = arith.constant 0 : i32
    %dma_start3A_17 = arith.constant 0 : i32
    %dma_start3A_18 = arith.constant 0 : i32
    %dma_start3A_19 = tpu.memref_slice %arg25[%dma_start3A_17, %dma_start3A_18] : memref<512x16xf32, #tpu.memory_space<vmem>> -> memref<512x16xf32, #tpu.memory_space<vmem>>
    %dma_start3A_20 = arith.constant 0 : i32
    %dma_start3A_21 = tpu.memref_slice %arg9[%dma_start3A_16, %dma_start3A_20] : memref<1x512xi32, #tpu.memory_space<vmem>> -> memref<1x512xi32, #tpu.memory_space<vmem>>
    %dma_start3A_22 = tpu.memref_squeeze %dma_start3A_21 : memref<1x512xi32, #tpu.memory_space<vmem>> -> memref<512xi32, #tpu.memory_space<vmem>>
    %dma_start3A_23 = arith.constant 0 : i32
    %dma_start3A_24 = arith.constant 0 : i32
    %dma_start3A_25 = tpu.memref_slice %arg4[%dma_start3A_23, %dma_start3A_24] : memref<1048576x16xf32, #tpu.memory_space<hbm>> -> memref<1048576x16xf32, #tpu.memory_space<hbm>>
    tpu.enqueue_indirect_dma source(%dma_start3A_25 : memref<1048576x16xf32, #tpu.memory_space<hbm>>) target(%dma_start3A_19 : memref<512x16xf32, #tpu.memory_space<vmem>>) offsets(%dma_start3A_22 : memref<512xi32, #tpu.memory_space<vmem>>) semaphore(%arg34 : memref<!tpu.dma_semaphore, #tpu.memory_space<semaphore_mem>>)
    %dma_start3A_26 = arith.constant 0 : i32
    %dma_start3A_27 = arith.constant 0 : i32
    %dma_start3A_28 = arith.constant 0 : i32
    %dma_start3A_29 = tpu.memref_slice %arg26[%dma_start3A_27, %dma_start3A_28] : memref<512x16xf32, #tpu.memory_space<vmem>> -> memref<512x16xf32, #tpu.memory_space<vmem>>
    %dma_start3A_30 = arith.constant 0 : i32
    %dma_start3A_31 = tpu.memref_slice %arg10[%dma_start3A_26, %dma_start3A_30] : memref<1x512xi32, #tpu.memory_space<vmem>> -> memref<1x512xi32, #tpu.memory_space<vmem>>
    %dma_start3A_32 = tpu.memref_squeeze %dma_start3A_31 : memref<1x512xi32, #tpu.memory_space<vmem>> -> memref<512xi32, #tpu.memory_space<vmem>>
    %dma_start3A_33 = arith.constant 0 : i32
    %dma_start3A_34 = arith.constant 0 : i32
    %dma_start3A_35 = tpu.memref_slice %arg4[%dma_start3A_33, %dma_start3A_34] : memref<1048576x16xf32, #tpu.memory_space<hbm>> -> memref<1048576x16xf32, #tpu.memory_space<hbm>>
    tpu.enqueue_indirect_dma source(%dma_start3A_35 : memref<1048576x16xf32, #tpu.memory_space<hbm>>) target(%dma_start3A_29 : memref<512x16xf32, #tpu.memory_space<vmem>>) offsets(%dma_start3A_32 : memref<512xi32, #tpu.memory_space<vmem>>) semaphore(%arg34 : memref<!tpu.dma_semaphore, #tpu.memory_space<semaphore_mem>>)
    %dma_start3A_36 = arith.constant 0 : i32
    %dma_start3A_37 = arith.constant 0 : i32
    %dma_start3A_38 = arith.constant 0 : i32
    %dma_start3A_39 = tpu.memref_slice %arg27[%dma_start3A_37, %dma_start3A_38] : memref<512x16xf32, #tpu.memory_space<vmem>> -> memref<512x16xf32, #tpu.memory_space<vmem>>
    %dma_start3A_40 = arith.constant 0 : i32
    %dma_start3A_41 = tpu.memref_slice %arg11[%dma_start3A_36, %dma_start3A_40] : memref<1x512xi32, #tpu.memory_space<vmem>> -> memref<1x512xi32, #tpu.memory_space<vmem>>
    %dma_start3A_42 = tpu.memref_squeeze %dma_start3A_41 : memref<1x512xi32, #tpu.memory_space<vmem>> -> memref<512xi32, #tpu.memory_space<vmem>>
    %dma_start3A_43 = arith.constant 0 : i32
    %dma_start3A_44 = arith.constant 0 : i32
    %dma_start3A_45 = tpu.memref_slice %arg4[%dma_start3A_43, %dma_start3A_44] : memref<1048576x16xf32, #tpu.memory_space<hbm>> -> memref<1048576x16xf32, #tpu.memory_space<hbm>>
    tpu.enqueue_indirect_dma source(%dma_start3A_45 : memref<1048576x16xf32, #tpu.memory_space<hbm>>) target(%dma_start3A_39 : memref<512x16xf32, #tpu.memory_space<vmem>>) offsets(%dma_start3A_42 : memref<512xi32, #tpu.memory_space<vmem>>) semaphore(%arg34 : memref<!tpu.dma_semaphore, #tpu.memory_space<semaphore_mem>>)
    %scan3A = arith.constant 0 : i32
    %scan3A_46 = arith.constant 0 : i32
    %scan3A_47 = arith.constant 32 : i32
    %scan3A_48 = arith.addi %scan3A_46, %scan3A_47 : i32
    %scan3A_49 = arith.constant 1 : i32
    scf.for %scan3A_226 = %scan3A_46 to %scan3A_48 step %scan3A_49  : i32 {
      %mul3A_227 = arith.constant 2 : i32
      %mul3A_228 = arith.muli %mul3A_227, %scan3A_226 : i32
      %add3A_229 = arith.constant 1 : i32
      %add3A_230 = arith.addi %mul3A_228, %add3A_229 : i32
      %jit3A_231 = arith.constant 8 : i32
      %eq3A = arith.constant 0 : i32
      %eq3A_232 = arith.cmpi eq, %jit3A_231, %eq3A : i32
      %jit3A_233 = arith.constant 1 : i32
      %select_n3A_234 = arith.select %eq3A_232, %jit3A_233, %jit3A_231 : i32
      %rem3A_235 = arith.remsi %add3A_230, %select_n3A_234 : i32
      %ne3A_236 = arith.constant 0 : i32
      %ne3A_237 = arith.cmpi ne, %rem3A_235, %ne3A_236 : i32
      %lt3A = arith.constant 0 : i32
      %lt3A_238 = arith.cmpi slt, %rem3A_235, %lt3A : i32
      %lt3A_239 = arith.constant 0 : i32
      %lt3A_240 = arith.cmpi slt, %select_n3A_234, %lt3A_239 : i32
      %ne3A_241 = arith.xori %lt3A_238, %lt3A_240 : i1
      %and3A_242 = arith.andi %ne3A_241, %ne3A_237 : i1
      %add3A_243 = arith.addi %rem3A_235, %select_n3A_234 : i32
      %select_n3A_244 = arith.select %and3A_242, %add3A_243, %rem3A_235 : i32
      %mul3A_245 = arith.constant 512 : i32
      %mul3A_246 = arith.muli %select_n3A_244, %mul3A_245 : i32
      %parallel_loop3A_247 = arith.constant 0 : i32
      %parallel_loop3A_248 = arith.constant 32 : i32
      %parallel_loop3A_249 = arith.constant 1 : i32
      scf.for %parallel_loop3A_606 = %parallel_loop3A_247 to %parallel_loop3A_248 step %parallel_loop3A_249  : i32 {
        %parallel_loop3A_607 = arith.constant 16 : i32
        %parallel_loop3A_608 = arith.muli %parallel_loop3A_606, %parallel_loop3A_607 : i32
        %parallel_loop3A_609 = arith.addi %mul3A_246, %parallel_loop3A_608 : i32
        %parallel_loop3A_610 = arith.index_cast %parallel_loop3A_609 : i32 to index
        %parallel_loop3A_611 = tpu.vector_load %arg6[%parallel_loop3A_610] {strides = array<i32>} : memref<4096xf32, #tpu.memory_space<vmem>>, vector<16xf32>,
        %parallel_loop3A_612 = arith.index_cast %parallel_loop3A_609 : i32 to index
        %parallel_loop3A_613 = tpu.vector_load %arg7[%parallel_loop3A_612] {strides = array<i32>} : memref<4096xf32, #tpu.memory_space<vmem>>, vector<16xf32>,
        %parallel_loop3A_614 = arith.constant 1.023000e+03 : f32
        %parallel_loop3A_615 = vector.broadcast %parallel_loop3A_614 : f32 to vector<16xf32>
        %parallel_loop3A_616 = arith.mulf %parallel_loop3A_611, %parallel_loop3A_615 : vector<16xf32>
        %parallel_loop3A_617 = arith.constant 1.023000e+03 : f32
        %parallel_loop3A_618 = vector.broadcast %parallel_loop3A_617 : f32 to vector<16xf32>
        %parallel_loop3A_619 = arith.mulf %parallel_loop3A_613, %parallel_loop3A_618 : vector<16xf32>
        %parallel_loop3A_620 = arith.constant 0.000000e+00 : f32
        %parallel_loop3A_621 = vector.broadcast %parallel_loop3A_620 : f32 to vector<16xf32>
        %parallel_loop3A_622 = arith.maximumf %parallel_loop3A_616, %parallel_loop3A_621 : vector<16xf32>
        %parallel_loop3A_623 = arith.constant 1.023000e+03 : f32
        %parallel_loop3A_624 = vector.broadcast %parallel_loop3A_623 : f32 to vector<16xf32>
        %parallel_loop3A_625 = arith.minimumf %parallel_loop3A_622, %parallel_loop3A_624 : vector<16xf32>
        %parallel_loop3A_626 = arith.constant 0.000000e+00 : f32
        %parallel_loop3A_627 = vector.broadcast %parallel_loop3A_626 : f32 to vector<16xf32>
        %parallel_loop3A_628 = arith.maximumf %parallel_loop3A_619, %parallel_loop3A_627 : vector<16xf32>
        %parallel_loop3A_629 = arith.constant 1.023000e+03 : f32
        %parallel_loop3A_630 = vector.broadcast %parallel_loop3A_629 : f32 to vector<16xf32>
        %parallel_loop3A_631 = arith.minimumf %parallel_loop3A_628, %parallel_loop3A_630 : vector<16xf32>
        %parallel_loop3A_632 = arith.fptosi %parallel_loop3A_625 : vector<16xf32> to vector<16xi32>
        %parallel_loop3A_633 = arith.constant 1022 : i32
        %parallel_loop3A_634 = vector.broadcast %parallel_loop3A_633 : i32 to vector<16xi32>
        %parallel_loop3A_635 = arith.minsi %parallel_loop3A_632, %parallel_loop3A_634 : vector<16xi32>
        %parallel_loop3A_636 = arith.fptosi %parallel_loop3A_631 : vector<16xf32> to vector<16xi32>
        %parallel_loop3A_637 = arith.constant 1022 : i32
        %parallel_loop3A_638 = vector.broadcast %parallel_loop3A_637 : i32 to vector<16xi32>
        %parallel_loop3A_639 = arith.minsi %parallel_loop3A_636, %parallel_loop3A_638 : vector<16xi32>
        %parallel_loop3A_640 = arith.sitofp %parallel_loop3A_635 : vector<16xi32> to vector<16xf32>
        %parallel_loop3A_641 = arith.subf %parallel_loop3A_625, %parallel_loop3A_640 : vector<16xf32>
        %parallel_loop3A_642 = arith.sitofp %parallel_loop3A_639 : vector<16xi32> to vector<16xf32>
        %parallel_loop3A_643 = arith.subf %parallel_loop3A_631, %parallel_loop3A_642 : vector<16xf32>
        %parallel_loop3A_644 = arith.constant 1.000000e+00 : f32
        %parallel_loop3A_645 = vector.broadcast %parallel_loop3A_644 : f32 to vector<16xf32>
        %parallel_loop3A_646 = arith.subf %parallel_loop3A_645, %parallel_loop3A_641 : vector<16xf32>
        %parallel_loop3A_647 = arith.constant 1.000000e+00 : f32
        %parallel_loop3A_648 = vector.broadcast %parallel_loop3A_647 : f32 to vector<16xf32>
        %parallel_loop3A_649 = arith.subf %parallel_loop3A_648, %parallel_loop3A_643 : vector<16xf32>
        %parallel_loop3A_650 = arith.constant 1024 : i32
        %parallel_loop3A_651 = vector.broadcast %parallel_loop3A_650 : i32 to vector<16xi32>
        %parallel_loop3A_652 = arith.muli %parallel_loop3A_639, %parallel_loop3A_651 : vector<16xi32>
        %parallel_loop3A_653 = arith.addi %parallel_loop3A_652, %parallel_loop3A_635 : vector<16xi32>
        %parallel_loop3A_654 = arith.constant 32 : i32
        %parallel_loop3A_655 = arith.divsi %parallel_loop3A_606, %parallel_loop3A_654 : i32
        %parallel_loop3A_656 = arith.constant 0 : i32
        %parallel_loop3A_657 = arith.cmpi sgt, %parallel_loop3A_606, %parallel_loop3A_656 : i32
        %parallel_loop3A_658 = arith.extui %parallel_loop3A_657 : i1 to i32
        %parallel_loop3A_659 = arith.constant 0 : i32
        %parallel_loop3A_660 = arith.cmpi slt, %parallel_loop3A_606, %parallel_loop3A_659 : i32
        %parallel_loop3A_661 = arith.extui %parallel_loop3A_660 : i1 to i32
        %parallel_loop3A_662 = arith.subi %parallel_loop3A_658, %parallel_loop3A_661 : i32
        %parallel_loop3A_663 = arith.constant 0 : i32
        %parallel_loop3A_664 = arith.cmpi sgt, %parallel_loop3A_654, %parallel_loop3A_663 : i32
        %parallel_loop3A_665 = arith.extui %parallel_loop3A_664 : i1 to i32
        %parallel_loop3A_666 = arith.constant 0 : i32
        %parallel_loop3A_667 = arith.cmpi slt, %parallel_loop3A_654, %parallel_loop3A_666 : i32
        %parallel_loop3A_668 = arith.extui %parallel_loop3A_667 : i1 to i32
        %parallel_loop3A_669 = arith.subi %parallel_loop3A_665, %parallel_loop3A_668 : i32
        %parallel_loop3A_670 = arith.cmpi ne, %parallel_loop3A_662, %parallel_loop3A_669 : i32
        %parallel_loop3A_671 = arith.remsi %parallel_loop3A_606, %parallel_loop3A_654 : i32
        %parallel_loop3A_672 = arith.constant 0 : i32
        %parallel_loop3A_673 = arith.cmpi ne, %parallel_loop3A_671, %parallel_loop3A_672 : i32
        %parallel_loop3A_674 = arith.andi %parallel_loop3A_670, %parallel_loop3A_673 : i1
        %parallel_loop3A_675 = arith.constant 1 : i32
        %parallel_loop3A_676 = arith.subi %parallel_loop3A_655, %parallel_loop3A_675 : i32
        %parallel_loop3A_677 = arith.select %parallel_loop3A_674, %parallel_loop3A_676, %parallel_loop3A_655 : i32
        %parallel_loop3A_678 = arith.constant 32 : i32
        %parallel_loop3A_679 = arith.constant 0 : i32
        %parallel_loop3A_680 = arith.cmpi eq, %parallel_loop3A_678, %parallel_loop3A_679 : i32
        %parallel_loop3A_681 = arith.constant 1 : i32
        %parallel_loop3A_682 = arith.select %parallel_loop3A_680, %parallel_loop3A_681, %parallel_loop3A_678 : i32
        %parallel_loop3A_683 = arith.remsi %parallel_loop3A_606, %parallel_loop3A_682 : i32
        %parallel_loop3A_684 = arith.constant 0 : i32
        %parallel_loop3A_685 = arith.cmpi ne, %parallel_loop3A_683, %parallel_loop3A_684 : i32
        %parallel_loop3A_686 = arith.constant 0 : i32
        %parallel_loop3A_687 = arith.cmpi slt, %parallel_loop3A_683, %parallel_loop3A_686 : i32
        %parallel_loop3A_688 = arith.constant 0 : i32
        %parallel_loop3A_689 = arith.cmpi slt, %parallel_loop3A_682, %parallel_loop3A_688 : i32
        %parallel_loop3A_690 = arith.xori %parallel_loop3A_687, %parallel_loop3A_689 : i1
        %parallel_loop3A_691 = arith.andi %parallel_loop3A_690, %parallel_loop3A_685 : i1
        %parallel_loop3A_692 = arith.addi %parallel_loop3A_683, %parallel_loop3A_682 : i32
        %parallel_loop3A_693 = arith.select %parallel_loop3A_691, %parallel_loop3A_692, %parallel_loop3A_683 : i32
        %parallel_loop3A_694 = arith.constant 16 : i32
        %parallel_loop3A_695 = arith.muli %parallel_loop3A_693, %parallel_loop3A_694 : i32
        %parallel_loop3A_696 = arith.index_cast %parallel_loop3A_677 : i32 to index
        %parallel_loop3A_697 = arith.index_cast %parallel_loop3A_695 : i32 to index
        %parallel_loop3A_698 = tpu.vector_load %arg12[%parallel_loop3A_696, %parallel_loop3A_697] {strides = array<i32>} : memref<1x512xi32, #tpu.memory_space<vmem>>, vector<16xi32>,
        tpu.vector_store %arg12[%parallel_loop3A_696, %parallel_loop3A_697], %parallel_loop3A_653 {strides = array<i32>} : memref<1x512xi32, #tpu.memory_space<vmem>>, vector<16xi32>,
        %parallel_loop3A_699 = arith.constant 1 : i32
        %parallel_loop3A_700 = vector.broadcast %parallel_loop3A_699 : i32 to vector<16xi32>
        %parallel_loop3A_701 = arith.addi %parallel_loop3A_653, %parallel_loop3A_700 : vector<16xi32>
        %parallel_loop3A_702 = arith.index_cast %parallel_loop3A_677 : i32 to index
        %parallel_loop3A_703 = arith.index_cast %parallel_loop3A_695 : i32 to index
        %parallel_loop3A_704 = tpu.vector_load %arg13[%parallel_loop3A_702, %parallel_loop3A_703] {strides = array<i32>} : memref<1x512xi32, #tpu.memory_space<vmem>>, vector<16xi32>,
        tpu.vector_store %arg13[%parallel_loop3A_702, %parallel_loop3A_703], %parallel_loop3A_701 {strides = array<i32>} : memref<1x512xi32, #tpu.memory_space<vmem>>, vector<16xi32>,
        %parallel_loop3A_705 = arith.constant 1024 : i32
        %parallel_loop3A_706 = vector.broadcast %parallel_loop3A_705 : i32 to vector<16xi32>
        %parallel_loop3A_707 = arith.addi %parallel_loop3A_653, %parallel_loop3A_706 : vector<16xi32>
        %parallel_loop3A_708 = arith.index_cast %parallel_loop3A_677 : i32 to index
        %parallel_loop3A_709 = arith.index_cast %parallel_loop3A_695 : i32 to index
        %parallel_loop3A_710 = tpu.vector_load %arg14[%parallel_loop3A_708, %parallel_loop3A_709] {strides = array<i32>} : memref<1x512xi32, #tpu.memory_space<vmem>>, vector<16xi32>,
        tpu.vector_store %arg14[%parallel_loop3A_708, %parallel_loop3A_709], %parallel_loop3A_707 {strides = array<i32>} : memref<1x512xi32, #tpu.memory_space<vmem>>, vector<16xi32>,
        %parallel_loop3A_711 = arith.constant 1025 : i32
        %parallel_loop3A_712 = vector.broadcast %parallel_loop3A_711 : i32 to vector<16xi32>
        %parallel_loop3A_713 = arith.addi %parallel_loop3A_653, %parallel_loop3A_712 : vector<16xi32>
        %parallel_loop3A_714 = arith.index_cast %parallel_loop3A_677 : i32 to index
        %parallel_loop3A_715 = arith.index_cast %parallel_loop3A_695 : i32 to index
        %parallel_loop3A_716 = tpu.vector_load %arg15[%parallel_loop3A_714, %parallel_loop3A_715] {strides = array<i32>} : memref<1x512xi32, #tpu.memory_space<vmem>>, vector<16xi32>,
        tpu.vector_store %arg15[%parallel_loop3A_714, %parallel_loop3A_715], %parallel_loop3A_713 {strides = array<i32>} : memref<1x512xi32, #tpu.memory_space<vmem>>, vector<16xi32>,
        %parallel_loop3A_717 = arith.constant 16 : i32
        %parallel_loop3A_718 = arith.muli %parallel_loop3A_606, %parallel_loop3A_717 : i32
        %parallel_loop3A_719 = arith.mulf %parallel_loop3A_649, %parallel_loop3A_646 : vector<16xf32>
        %parallel_loop3A_720 = arith.index_cast %parallel_loop3A_718 : i32 to index
        %parallel_loop3A_721 = tpu.vector_load %arg20[%parallel_loop3A_720] {strides = array<i32>} : memref<512xf32, #tpu.memory_space<vmem>>, vector<16xf32>,
        tpu.vector_store %arg20[%parallel_loop3A_720], %parallel_loop3A_719 {strides = array<i32>} : memref<512xf32, #tpu.memory_space<vmem>>, vector<16xf32>,
        %parallel_loop3A_722 = arith.mulf %parallel_loop3A_649, %parallel_loop3A_641 : vector<16xf32>
        %parallel_loop3A_723 = arith.index_cast %parallel_loop3A_718 : i32 to index
        %parallel_loop3A_724 = tpu.vector_load %arg21[%parallel_loop3A_723] {strides = array<i32>} : memref<512xf32, #tpu.memory_space<vmem>>, vector<16xf32>,
        tpu.vector_store %arg21[%parallel_loop3A_723], %parallel_loop3A_722 {strides = array<i32>} : memref<512xf32, #tpu.memory_space<vmem>>, vector<16xf32>,
        %parallel_loop3A_725 = arith.mulf %parallel_loop3A_643, %parallel_loop3A_646 : vector<16xf32>
        %parallel_loop3A_726 = arith.index_cast %parallel_loop3A_718 : i32 to index
        %parallel_loop3A_727 = tpu.vector_load %arg22[%parallel_loop3A_726] {strides = array<i32>} : memref<512xf32, #tpu.memory_space<vmem>>, vector<16xf32>,
        tpu.vector_store %arg22[%parallel_loop3A_726], %parallel_loop3A_725 {strides = array<i32>} : memref<512xf32, #tpu.memory_space<vmem>>, vector<16xf32>,
        %parallel_loop3A_728 = arith.mulf %parallel_loop3A_643, %parallel_loop3A_641 : vector<16xf32>
        %parallel_loop3A_729 = arith.index_cast %parallel_loop3A_718 : i32 to index
        %parallel_loop3A_730 = tpu.vector_load %arg23[%parallel_loop3A_729] {strides = array<i32>} : memref<512xf32, #tpu.memory_space<vmem>>, vector<16xf32>,
        tpu.vector_store %arg23[%parallel_loop3A_729], %parallel_loop3A_728 {strides = array<i32>} : memref<512xf32, #tpu.memory_space<vmem>>, vector<16xf32>,
      } {sc.loop_unroll_factor = 2 : i64, sc.parallel_access}
      %dma_start3A_250 = arith.constant 0 : i32
      %dma_start3A_251 = arith.constant 0 : i32
      %dma_start3A_252 = arith.constant 0 : i32
      %dma_start3A_253 = tpu.memref_slice %arg28[%dma_start3A_251, %dma_start3A_252] : memref<512x16xf32, #tpu.memory_space<vmem>> -> memref<512x16xf32, #tpu.memory_space<vmem>>
      %dma_start3A_254 = arith.constant 0 : i32
      %dma_start3A_255 = tpu.memref_slice %arg12[%dma_start3A_250, %dma_start3A_254] : memref<1x512xi32, #tpu.memory_space<vmem>> -> memref<1x512xi32, #tpu.memory_space<vmem>>
      %dma_start3A_256 = tpu.memref_squeeze %dma_start3A_255 : memref<1x512xi32, #tpu.memory_space<vmem>> -> memref<512xi32, #tpu.memory_space<vmem>>
      %dma_start3A_257 = arith.constant 0 : i32
      %dma_start3A_258 = arith.constant 0 : i32
      %dma_start3A_259 = tpu.memref_slice %arg4[%dma_start3A_257, %dma_start3A_258] : memref<1048576x16xf32, #tpu.memory_space<hbm>> -> memref<1048576x16xf32, #tpu.memory_space<hbm>>
      tpu.enqueue_indirect_dma source(%dma_start3A_259 : memref<1048576x16xf32, #tpu.memory_space<hbm>>) target(%dma_start3A_253 : memref<512x16xf32, #tpu.memory_space<vmem>>) offsets(%dma_start3A_256 : memref<512xi32, #tpu.memory_space<vmem>>) semaphore(%arg35 : memref<!tpu.dma_semaphore, #tpu.memory_space<semaphore_mem>>)
      %dma_start3A_260 = arith.constant 0 : i32
      %dma_start3A_261 = arith.constant 0 : i32
      %dma_start3A_262 = arith.constant 0 : i32
      %dma_start3A_263 = tpu.memref_slice %arg29[%dma_start3A_261, %dma_start3A_262] : memref<512x16xf32, #tpu.memory_space<vmem>> -> memref<512x16xf32, #tpu.memory_space<vmem>>
      %dma_start3A_264 = arith.constant 0 : i32
      %dma_start3A_265 = tpu.memref_slice %arg13[%dma_start3A_260, %dma_start3A_264] : memref<1x512xi32, #tpu.memory_space<vmem>> -> memref<1x512xi32, #tpu.memory_space<vmem>>
      %dma_start3A_266 = tpu.memref_squeeze %dma_start3A_265 : memref<1x512xi32, #tpu.memory_space<vmem>> -> memref<512xi32, #tpu.memory_space<vmem>>
      %dma_start3A_267 = arith.constant 0 : i32
      %dma_start3A_268 = arith.constant 0 : i32
      %dma_start3A_269 = tpu.memref_slice %arg4[%dma_start3A_267, %dma_start3A_268] : memref<1048576x16xf32, #tpu.memory_space<hbm>> -> memref<1048576x16xf32, #tpu.memory_space<hbm>>
      tpu.enqueue_indirect_dma source(%dma_start3A_269 : memref<1048576x16xf32, #tpu.memory_space<hbm>>) target(%dma_start3A_263 : memref<512x16xf32, #tpu.memory_space<vmem>>) offsets(%dma_start3A_266 : memref<512xi32, #tpu.memory_space<vmem>>) semaphore(%arg35 : memref<!tpu.dma_semaphore, #tpu.memory_space<semaphore_mem>>)
      %dma_start3A_270 = arith.constant 0 : i32
      %dma_start3A_271 = arith.constant 0 : i32
      %dma_start3A_272 = arith.constant 0 : i32
      %dma_start3A_273 = tpu.memref_slice %arg30[%dma_start3A_271, %dma_start3A_272] : memref<512x16xf32, #tpu.memory_space<vmem>> -> memref<512x16xf32, #tpu.memory_space<vmem>>
      %dma_start3A_274 = arith.constant 0 : i32
      %dma_start3A_275 = tpu.memref_slice %arg14[%dma_start3A_270, %dma_start3A_274] : memref<1x512xi32, #tpu.memory_space<vmem>> -> memref<1x512xi32, #tpu.memory_space<vmem>>
      %dma_start3A_276 = tpu.memref_squeeze %dma_start3A_275 : memref<1x512xi32, #tpu.memory_space<vmem>> -> memref<512xi32, #tpu.memory_space<vmem>>
      %dma_start3A_277 = arith.constant 0 : i32
      %dma_start3A_278 = arith.constant 0 : i32
      %dma_start3A_279 = tpu.memref_slice %arg4[%dma_start3A_277, %dma_start3A_278] : memref<1048576x16xf32, #tpu.memory_space<hbm>> -> memref<1048576x16xf32, #tpu.memory_space<hbm>>
      tpu.enqueue_indirect_dma source(%dma_start3A_279 : memref<1048576x16xf32, #tpu.memory_space<hbm>>) target(%dma_start3A_273 : memref<512x16xf32, #tpu.memory_space<vmem>>) offsets(%dma_start3A_276 : memref<512xi32, #tpu.memory_space<vmem>>) semaphore(%arg35 : memref<!tpu.dma_semaphore, #tpu.memory_space<semaphore_mem>>)
      %dma_start3A_280 = arith.constant 0 : i32
      %dma_start3A_281 = arith.constant 0 : i32
      %dma_start3A_282 = arith.constant 0 : i32
      %dma_start3A_283 = tpu.memref_slice %arg31[%dma_start3A_281, %dma_start3A_282] : memref<512x16xf32, #tpu.memory_space<vmem>> -> memref<512x16xf32, #tpu.memory_space<vmem>>
      %dma_start3A_284 = arith.constant 0 : i32
      %dma_start3A_285 = tpu.memref_slice %arg15[%dma_start3A_280, %dma_start3A_284] : memref<1x512xi32, #tpu.memory_space<vmem>> -> memref<1x512xi32, #tpu.memory_space<vmem>>
      %dma_start3A_286 = tpu.memref_squeeze %dma_start3A_285 : memref<1x512xi32, #tpu.memory_space<vmem>> -> memref<512xi32, #tpu.memory_space<vmem>>
      %dma_start3A_287 = arith.constant 0 : i32
      %dma_start3A_288 = arith.constant 0 : i32
      %dma_start3A_289 = tpu.memref_slice %arg4[%dma_start3A_287, %dma_start3A_288] : memref<1048576x16xf32, #tpu.memory_space<hbm>> -> memref<1048576x16xf32, #tpu.memory_space<hbm>>
      tpu.enqueue_indirect_dma source(%dma_start3A_289 : memref<1048576x16xf32, #tpu.memory_space<hbm>>) target(%dma_start3A_283 : memref<512x16xf32, #tpu.memory_space<vmem>>) offsets(%dma_start3A_286 : memref<512xi32, #tpu.memory_space<vmem>>) semaphore(%arg35 : memref<!tpu.dma_semaphore, #tpu.memory_space<semaphore_mem>>)
      %mul3A_290 = arith.constant 2 : i32
      %mul3A_291 = arith.muli %mul3A_290, %scan3A_226 : i32
      %ge3A = arith.constant 1 : i32
      %ge3A_292 = arith.cmpi sge, %scan3A_226, %ge3A : i32
      %dma_wait3A_293 = arith.constant 0 : i32
      %dma_wait3A_294 = arith.constant 0 : i32
      %dma_wait3A_295 = arith.constant 0 : i32
      %dma_wait3A_296 = tpu.memref_slice %arg24[%dma_wait3A_294, %dma_wait3A_295] : memref<512x16xf32, #tpu.memory_space<vmem>> -> memref<512x16xf32, #tpu.memory_space<vmem>>
      %dma_wait3A_297 = arith.constant 0 : i32
      %dma_wait3A_298 = tpu.memref_slice %arg8[%dma_wait3A_293, %dma_wait3A_297] : memref<1x512xi32, #tpu.memory_space<vmem>> -> memref<1x512xi32, #tpu.memory_space<vmem>>
      %dma_wait3A_299 = tpu.memref_squeeze %dma_wait3A_298 : memref<1x512xi32, #tpu.memory_space<vmem>> -> memref<512xi32, #tpu.memory_space<vmem>>
      %dma_wait3A_300 = arith.constant 0 : i32
      %dma_wait3A_301 = arith.constant 0 : i32
      %dma_wait3A_302 = tpu.memref_slice %arg4[%dma_wait3A_300, %dma_wait3A_301] : memref<1048576x16xf32, #tpu.memory_space<hbm>> -> memref<1048576x16xf32, #tpu.memory_space<hbm>>
      tpu.wait_indirect_dma semaphore(%arg34 : memref<!tpu.dma_semaphore, #tpu.memory_space<semaphore_mem>>) src(%dma_wait3A_302 : memref<1048576x16xf32, #tpu.memory_space<hbm>>) dst(%dma_wait3A_296 : memref<512x16xf32, #tpu.memory_space<vmem>>)
      %dma_wait3A_303 = arith.constant 0 : i32
      %dma_wait3A_304 = arith.constant 0 : i32
      %dma_wait3A_305 = arith.constant 0 : i32
      %dma_wait3A_306 = tpu.memref_slice %arg25[%dma_wait3A_304, %dma_wait3A_305] : memref<512x16xf32, #tpu.memory_space<vmem>> -> memref<512x16xf32, #tpu.memory_space<vmem>>
      %dma_wait3A_307 = arith.constant 0 : i32
      %dma_wait3A_308 = tpu.memref_slice %arg9[%dma_wait3A_303, %dma_wait3A_307] : memref<1x512xi32, #tpu.memory_space<vmem>> -> memref<1x512xi32, #tpu.memory_space<vmem>>
      %dma_wait3A_309 = tpu.memref_squeeze %dma_wait3A_308 : memref<1x512xi32, #tpu.memory_space<vmem>> -> memref<512xi32, #tpu.memory_space<vmem>>
      %dma_wait3A_310 = arith.constant 0 : i32
      %dma_wait3A_311 = arith.constant 0 : i32
      %dma_wait3A_312 = tpu.memref_slice %arg4[%dma_wait3A_310, %dma_wait3A_311] : memref<1048576x16xf32, #tpu.memory_space<hbm>> -> memref<1048576x16xf32, #tpu.memory_space<hbm>>
      tpu.wait_indirect_dma semaphore(%arg34 : memref<!tpu.dma_semaphore, #tpu.memory_space<semaphore_mem>>) src(%dma_wait3A_312 : memref<1048576x16xf32, #tpu.memory_space<hbm>>) dst(%dma_wait3A_306 : memref<512x16xf32, #tpu.memory_space<vmem>>)
      %dma_wait3A_313 = arith.constant 0 : i32
      %dma_wait3A_314 = arith.constant 0 : i32
      %dma_wait3A_315 = arith.constant 0 : i32
      %dma_wait3A_316 = tpu.memref_slice %arg26[%dma_wait3A_314, %dma_wait3A_315] : memref<512x16xf32, #tpu.memory_space<vmem>> -> memref<512x16xf32, #tpu.memory_space<vmem>>
      %dma_wait3A_317 = arith.constant 0 : i32
      %dma_wait3A_318 = tpu.memref_slice %arg10[%dma_wait3A_313, %dma_wait3A_317] : memref<1x512xi32, #tpu.memory_space<vmem>> -> memref<1x512xi32, #tpu.memory_space<vmem>>
      %dma_wait3A_319 = tpu.memref_squeeze %dma_wait3A_318 : memref<1x512xi32, #tpu.memory_space<vmem>> -> memref<512xi32, #tpu.memory_space<vmem>>
      %dma_wait3A_320 = arith.constant 0 : i32
      %dma_wait3A_321 = arith.constant 0 : i32
      %dma_wait3A_322 = tpu.memref_slice %arg4[%dma_wait3A_320, %dma_wait3A_321] : memref<1048576x16xf32, #tpu.memory_space<hbm>> -> memref<1048576x16xf32, #tpu.memory_space<hbm>>
      tpu.wait_indirect_dma semaphore(%arg34 : memref<!tpu.dma_semaphore, #tpu.memory_space<semaphore_mem>>) src(%dma_wait3A_322 : memref<1048576x16xf32, #tpu.memory_space<hbm>>) dst(%dma_wait3A_316 : memref<512x16xf32, #tpu.memory_space<vmem>>)
      %dma_wait3A_323 = arith.constant 0 : i32
      %dma_wait3A_324 = arith.constant 0 : i32
      %dma_wait3A_325 = arith.constant 0 : i32
      %dma_wait3A_326 = tpu.memref_slice %arg27[%dma_wait3A_324, %dma_wait3A_325] : memref<512x16xf32, #tpu.memory_space<vmem>> -> memref<512x16xf32, #tpu.memory_space<vmem>>
      %dma_wait3A_327 = arith.constant 0 : i32
      %dma_wait3A_328 = tpu.memref_slice %arg11[%dma_wait3A_323, %dma_wait3A_327] : memref<1x512xi32, #tpu.memory_space<vmem>> -> memref<1x512xi32, #tpu.memory_space<vmem>>
      %dma_wait3A_329 = tpu.memref_squeeze %dma_wait3A_328 : memref<1x512xi32, #tpu.memory_space<vmem>> -> memref<512xi32, #tpu.memory_space<vmem>>
      %dma_wait3A_330 = arith.constant 0 : i32
      %dma_wait3A_331 = arith.constant 0 : i32
      %dma_wait3A_332 = tpu.memref_slice %arg4[%dma_wait3A_330, %dma_wait3A_331] : memref<1048576x16xf32, #tpu.memory_space<hbm>> -> memref<1048576x16xf32, #tpu.memory_space<hbm>>
      tpu.wait_indirect_dma semaphore(%arg34 : memref<!tpu.dma_semaphore, #tpu.memory_space<semaphore_mem>>) src(%dma_wait3A_332 : memref<1048576x16xf32, #tpu.memory_space<hbm>>) dst(%dma_wait3A_326 : memref<512x16xf32, #tpu.memory_space<vmem>>)
      %convert_element_type3A = arith.extui %ge3A_292 : i1 to i32
      %cond3A = arith.constant 0 : i32
      %cond3A_333 = arith.cmpi ne, %convert_element_type3A, %cond3A : i32
      scf.if %cond3A_333 {
        %sub3A_606 = arith.constant 2 : i32
        %sub3A_607 = arith.subi %mul3A_291, %sub3A_606 : i32
        %mul3A_608 = arith.constant 32768 : i32
        %mul3A_609 = arith.muli %add3A, %mul3A_608 : i32
        %mul3A_610 = arith.constant 512 : i32
        %mul3A_611 = arith.muli %sub3A_607, %mul3A_610 : i32
        %add3A_612 = arith.addi %mul3A_609, %mul3A_611 : i32
        %jit3A_613 = arith.constant 128 : i32
        %div3A_614 = arith.divsi %add3A_612, %jit3A_613 : i32
        %sign3A_615 = arith.constant 0 : i32
        %sign3A_616 = arith.cmpi sgt, %add3A_612, %sign3A_615 : i32
        %sign3A_617 = arith.extui %sign3A_616 : i1 to i32
        %sign3A_618 = arith.constant 0 : i32
        %sign3A_619 = arith.cmpi slt, %add3A_612, %sign3A_618 : i32
        %sign3A_620 = arith.extui %sign3A_619 : i1 to i32
        %sign3A_621 = arith.subi %sign3A_617, %sign3A_620 : i32
        %sign3A_622 = arith.constant 0 : i32
        %sign3A_623 = arith.cmpi sgt, %jit3A_613, %sign3A_622 : i32
        %sign3A_624 = arith.extui %sign3A_623 : i1 to i32
        %sign3A_625 = arith.constant 0 : i32
        %sign3A_626 = arith.cmpi slt, %jit3A_613, %sign3A_625 : i32
        %sign3A_627 = arith.extui %sign3A_626 : i1 to i32
        %sign3A_628 = arith.subi %sign3A_624, %sign3A_627 : i32
        %ne3A_629 = arith.cmpi ne, %sign3A_621, %sign3A_628 : i32
        %rem3A_630 = arith.remsi %add3A_612, %jit3A_613 : i32
        %ne3A_631 = arith.constant 0 : i32
        %ne3A_632 = arith.cmpi ne, %rem3A_630, %ne3A_631 : i32
        %and3A_633 = arith.andi %ne3A_629, %ne3A_632 : i1
        %sub3A_634 = arith.constant 1 : i32
        %sub3A_635 = arith.subi %div3A_614, %sub3A_634 : i32
        %select_n3A_636 = arith.select %and3A_633, %sub3A_635, %div3A_614 : i32
        %dma_wait3A_637 = arith.constant 0 : i32
        %dma_wait3A_638 = arith.constant 0 : i32
        %dma_wait3A_639 = arith.constant 0 : i32
        %dma_wait3A_640 = arith.constant 0 : i32
        %dma_wait3A_641 = arith.constant 0 : i32
        %dma_wait3A_642 = tpu.memref_slice %arg32[%dma_wait3A_637, %dma_wait3A_639, %dma_wait3A_640, %dma_wait3A_641] : memref<2x4x8x128xf32, #tpu.memory_space<vmem>> -> memref<1x4x8x128xf32, #tpu.memory_space<vmem>>
        %dma_wait3A_643 = tpu.memref_squeeze %dma_wait3A_642 : memref<1x4x8x128xf32, #tpu.memory_space<vmem>> -> memref<4x8x128xf32, #tpu.memory_space<vmem>>
        %dma_wait3A_644 = arith.constant 0 : i32
        %dma_wait3A_645 = arith.constant 0 : i32
        %dma_wait3A_646 = tpu.memref_slice %arg5[%dma_wait3A_638, %select_n3A_636, %dma_wait3A_644, %dma_wait3A_645] : memref<2x8192x8x128xf32, #tpu.memory_space<hbm>> -> memref<1x4x8x128xf32, #tpu.memory_space<hbm>>
        %dma_wait3A_647 = tpu.memref_squeeze %dma_wait3A_646 : memref<1x4x8x128xf32, #tpu.memory_space<hbm>> -> memref<4x8x128xf32, #tpu.memory_space<hbm>>
        %dma_wait3A_648 = arith.constant 0 : i32
        %dma_wait3A_649 = arith.constant 0 : i32
        %dma_wait3A_650 = tpu.memref_slice %arg5[%dma_wait3A_638, %select_n3A_636, %dma_wait3A_648, %dma_wait3A_649] : memref<2x8192x8x128xf32, #tpu.memory_space<hbm>> -> memref<1x4x8x128xf32, #tpu.memory_space<hbm>>
        %dma_wait3A_651 = tpu.memref_squeeze %dma_wait3A_650 : memref<1x4x8x128xf32, #tpu.memory_space<hbm>> -> memref<4x8x128xf32, #tpu.memory_space<hbm>>
        %dma_wait3A_652 = arith.constant 0 : i32
        %dma_wait3A_653 = arith.constant 0 : i32
        %dma_wait3A_654 = arith.constant 0 : i32
        %dma_wait3A_655 = tpu.memref_slice %arg32[%dma_wait3A_637, %dma_wait3A_652, %dma_wait3A_653, %dma_wait3A_654] : memref<2x4x8x128xf32, #tpu.memory_space<vmem>> -> memref<1x4x8x128xf32, #tpu.memory_space<vmem>>
        %dma_wait3A_656 = tpu.memref_squeeze %dma_wait3A_655 : memref<1x4x8x128xf32, #tpu.memory_space<vmem>> -> memref<4x8x128xf32, #tpu.memory_space<vmem>>
        tpu.wait_dma2 semaphore(%arg36 : memref<!tpu.dma_semaphore, #tpu.memory_space<semaphore_mem>>) src(%dma_wait3A_656 : memref<4x8x128xf32, #tpu.memory_space<vmem>>) dst(%dma_wait3A_651 : memref<4x8x128xf32, #tpu.memory_space<hbm>>)
        %jit3A_657 = arith.constant 128 : i32
        %div3A_658 = arith.divsi %add3A_612, %jit3A_657 : i32
        %sign3A_659 = arith.constant 0 : i32
        %sign3A_660 = arith.cmpi sgt, %add3A_612, %sign3A_659 : i32
        %sign3A_661 = arith.extui %sign3A_660 : i1 to i32
        %sign3A_662 = arith.constant 0 : i32
        %sign3A_663 = arith.cmpi slt, %add3A_612, %sign3A_662 : i32
        %sign3A_664 = arith.extui %sign3A_663 : i1 to i32
        %sign3A_665 = arith.subi %sign3A_661, %sign3A_664 : i32
        %sign3A_666 = arith.constant 0 : i32
        %sign3A_667 = arith.cmpi sgt, %jit3A_657, %sign3A_666 : i32
        %sign3A_668 = arith.extui %sign3A_667 : i1 to i32
        %sign3A_669 = arith.constant 0 : i32
        %sign3A_670 = arith.cmpi slt, %jit3A_657, %sign3A_669 : i32
        %sign3A_671 = arith.extui %sign3A_670 : i1 to i32
        %sign3A_672 = arith.subi %sign3A_668, %sign3A_671 : i32
        %ne3A_673 = arith.cmpi ne, %sign3A_665, %sign3A_672 : i32
        %rem3A_674 = arith.remsi %add3A_612, %jit3A_657 : i32
        %ne3A_675 = arith.constant 0 : i32
        %ne3A_676 = arith.cmpi ne, %rem3A_674, %ne3A_675 : i32
        %and3A_677 = arith.andi %ne3A_673, %ne3A_676 : i1
        %sub3A_678 = arith.constant 1 : i32
        %sub3A_679 = arith.subi %div3A_658, %sub3A_678 : i32
        %select_n3A_680 = arith.select %and3A_677, %sub3A_679, %div3A_658 : i32
        %dma_wait3A_681 = arith.constant 1 : i32
        %dma_wait3A_682 = arith.constant 1 : i32
        %dma_wait3A_683 = arith.constant 0 : i32
        %dma_wait3A_684 = arith.constant 0 : i32
        %dma_wait3A_685 = arith.constant 0 : i32
        %dma_wait3A_686 = tpu.memref_slice %arg32[%dma_wait3A_681, %dma_wait3A_683, %dma_wait3A_684, %dma_wait3A_685] : memref<2x4x8x128xf32, #tpu.memory_space<vmem>> -> memref<1x4x8x128xf32, #tpu.memory_space<vmem>>
        %dma_wait3A_687 = tpu.memref_squeeze %dma_wait3A_686 : memref<1x4x8x128xf32, #tpu.memory_space<vmem>> -> memref<4x8x128xf32, #tpu.memory_space<vmem>>
        %dma_wait3A_688 = arith.constant 0 : i32
        %dma_wait3A_689 = arith.constant 0 : i32
        %dma_wait3A_690 = tpu.memref_slice %arg5[%dma_wait3A_682, %select_n3A_680, %dma_wait3A_688, %dma_wait3A_689] : memref<2x8192x8x128xf32, #tpu.memory_space<hbm>> -> memref<1x4x8x128xf32, #tpu.memory_space<hbm>>
        %dma_wait3A_691 = tpu.memref_squeeze %dma_wait3A_690 : memref<1x4x8x128xf32, #tpu.memory_space<hbm>> -> memref<4x8x128xf32, #tpu.memory_space<hbm>>
        %dma_wait3A_692 = arith.constant 0 : i32
        %dma_wait3A_693 = arith.constant 0 : i32
        %dma_wait3A_694 = tpu.memref_slice %arg5[%dma_wait3A_682, %select_n3A_680, %dma_wait3A_692, %dma_wait3A_693] : memref<2x8192x8x128xf32, #tpu.memory_space<hbm>> -> memref<1x4x8x128xf32, #tpu.memory_space<hbm>>
        %dma_wait3A_695 = tpu.memref_squeeze %dma_wait3A_694 : memref<1x4x8x128xf32, #tpu.memory_space<hbm>> -> memref<4x8x128xf32, #tpu.memory_space<hbm>>
        %dma_wait3A_696 = arith.constant 0 : i32
        %dma_wait3A_697 = arith.constant 0 : i32
        %dma_wait3A_698 = arith.constant 0 : i32
        %dma_wait3A_699 = tpu.memref_slice %arg32[%dma_wait3A_681, %dma_wait3A_696, %dma_wait3A_697, %dma_wait3A_698] : memref<2x4x8x128xf32, #tpu.memory_space<vmem>> -> memref<1x4x8x128xf32, #tpu.memory_space<vmem>>
        %dma_wait3A_700 = tpu.memref_squeeze %dma_wait3A_699 : memref<1x4x8x128xf32, #tpu.memory_space<vmem>> -> memref<4x8x128xf32, #tpu.memory_space<vmem>>
        tpu.wait_dma2 semaphore(%arg36 : memref<!tpu.dma_semaphore, #tpu.memory_space<semaphore_mem>>) src(%dma_wait3A_700 : memref<4x8x128xf32, #tpu.memory_space<vmem>>) dst(%dma_wait3A_695 : memref<4x8x128xf32, #tpu.memory_space<hbm>>)
      } else {
      }
      %parallel_loop3A_334 = arith.constant 0 : i32
      %parallel_loop3A_335 = arith.constant 32 : i32
      %parallel_loop3A_336 = arith.constant 1 : i32
      scf.for %parallel_loop3A_606 = %parallel_loop3A_334 to %parallel_loop3A_335 step %parallel_loop3A_336  : i32 {
        %parallel_loop3A_607 = arith.constant 16 : i32
        %parallel_loop3A_608 = arith.muli %parallel_loop3A_606, %parallel_loop3A_607 : i32
        %parallel_loop3A_609 = vector.broadcast %parallel_loop3A_608 : i32 to vector<16xi32>
        %parallel_loop3A_610 = arith.addi %parallel_loop3A_609, %iota3A : vector<16xi32>
        %parallel_loop3A_611 = arith.constant 16 : i32
        %parallel_loop3A_612 = arith.muli %parallel_loop3A_606, %parallel_loop3A_611 : i32
        %parallel_loop3A_613 = arith.index_cast %parallel_loop3A_612 : i32 to index
        %parallel_loop3A_614 = tpu.vector_load %arg16[%parallel_loop3A_613] {strides = array<i32>} : memref<512xf32, #tpu.memory_space<vmem>>, vector<16xf32>,
        %parallel_loop3A_615 = arith.index_cast %parallel_loop3A_612 : i32 to index
        %parallel_loop3A_616 = tpu.vector_load %arg17[%parallel_loop3A_615] {strides = array<i32>} : memref<512xf32, #tpu.memory_space<vmem>>, vector<16xf32>,
        %parallel_loop3A_617 = arith.index_cast %parallel_loop3A_612 : i32 to index
        %parallel_loop3A_618 = tpu.vector_load %arg18[%parallel_loop3A_617] {strides = array<i32>} : memref<512xf32, #tpu.memory_space<vmem>>, vector<16xf32>,
        %parallel_loop3A_619 = arith.index_cast %parallel_loop3A_612 : i32 to index
        %parallel_loop3A_620 = tpu.vector_load %arg19[%parallel_loop3A_619] {strides = array<i32>} : memref<512xf32, #tpu.memory_space<vmem>>, vector<16xf32>,
        %parallel_loop3A_621 = arith.constant 8 : i32
        %parallel_loop3A_622 = arith.divsi %parallel_loop3A_606, %parallel_loop3A_621 : i32
        %parallel_loop3A_623 = arith.constant 0 : i32
        %parallel_loop3A_624 = arith.cmpi sgt, %parallel_loop3A_606, %parallel_loop3A_623 : i32
        %parallel_loop3A_625 = arith.extui %parallel_loop3A_624 : i1 to i32
        %parallel_loop3A_626 = arith.constant 0 : i32
        %parallel_loop3A_627 = arith.cmpi slt, %parallel_loop3A_606, %parallel_loop3A_626 : i32
        %parallel_loop3A_628 = arith.extui %parallel_loop3A_627 : i1 to i32
        %parallel_loop3A_629 = arith.subi %parallel_loop3A_625, %parallel_loop3A_628 : i32
        %parallel_loop3A_630 = arith.constant 0 : i32
        %parallel_loop3A_631 = arith.cmpi sgt, %parallel_loop3A_621, %parallel_loop3A_630 : i32
        %parallel_loop3A_632 = arith.extui %parallel_loop3A_631 : i1 to i32
        %parallel_loop3A_633 = arith.constant 0 : i32
        %parallel_loop3A_634 = arith.cmpi slt, %parallel_loop3A_621, %parallel_loop3A_633 : i32
        %parallel_loop3A_635 = arith.extui %parallel_loop3A_634 : i1 to i32
        %parallel_loop3A_636 = arith.subi %parallel_loop3A_632, %parallel_loop3A_635 : i32
        %parallel_loop3A_637 = arith.cmpi ne, %parallel_loop3A_629, %parallel_loop3A_636 : i32
        %parallel_loop3A_638 = arith.remsi %parallel_loop3A_606, %parallel_loop3A_621 : i32
        %parallel_loop3A_639 = arith.constant 0 : i32
        %parallel_loop3A_640 = arith.cmpi ne, %parallel_loop3A_638, %parallel_loop3A_639 : i32
        %parallel_loop3A_641 = arith.andi %parallel_loop3A_637, %parallel_loop3A_640 : i1
        %parallel_loop3A_642 = arith.constant 1 : i32
        %parallel_loop3A_643 = arith.subi %parallel_loop3A_622, %parallel_loop3A_642 : i32
        %parallel_loop3A_644 = arith.select %parallel_loop3A_641, %parallel_loop3A_643, %parallel_loop3A_622 : i32
        %parallel_loop3A_645 = arith.constant 8 : i32
        %parallel_loop3A_646 = arith.constant 0 : i32
        %parallel_loop3A_647 = arith.cmpi eq, %parallel_loop3A_645, %parallel_loop3A_646 : i32
        %parallel_loop3A_648 = arith.constant 1 : i32
        %parallel_loop3A_649 = arith.select %parallel_loop3A_647, %parallel_loop3A_648, %parallel_loop3A_645 : i32
        %parallel_loop3A_650 = arith.remsi %parallel_loop3A_606, %parallel_loop3A_649 : i32
        %parallel_loop3A_651 = arith.constant 0 : i32
        %parallel_loop3A_652 = arith.cmpi ne, %parallel_loop3A_650, %parallel_loop3A_651 : i32
        %parallel_loop3A_653 = arith.constant 0 : i32
        %parallel_loop3A_654 = arith.cmpi slt, %parallel_loop3A_650, %parallel_loop3A_653 : i32
        %parallel_loop3A_655 = arith.constant 0 : i32
        %parallel_loop3A_656 = arith.cmpi slt, %parallel_loop3A_649, %parallel_loop3A_655 : i32
        %parallel_loop3A_657 = arith.xori %parallel_loop3A_654, %parallel_loop3A_656 : i1
        %parallel_loop3A_658 = arith.andi %parallel_loop3A_657, %parallel_loop3A_652 : i1
        %parallel_loop3A_659 = arith.addi %parallel_loop3A_650, %parallel_loop3A_649 : i32
        %parallel_loop3A_660 = arith.select %parallel_loop3A_658, %parallel_loop3A_659, %parallel_loop3A_650 : i32
        %parallel_loop3A_661 = arith.constant 16 : i32
        %parallel_loop3A_662 = arith.muli %parallel_loop3A_660, %parallel_loop3A_661 : i32
        %parallel_loop3A_663 = arith.constant 0 : i32
        %parallel_loop3A_664 = vector.broadcast %parallel_loop3A_663 : i32 to vector<16xi32>
        %parallel_loop3A_665 = tpu.vector_load_idx %arg24[%parallel_loop3A_610, %parallel_loop3A_664] : memref<512x16xf32, #tpu.memory_space<vmem>>[vector<16xi32>, vector<16xi32>], vector<16xf32>,
        %parallel_loop3A_666 = arith.mulf %parallel_loop3A_614, %parallel_loop3A_665 : vector<16xf32>
        %parallel_loop3A_667 = tpu.vector_load_idx %arg25[%parallel_loop3A_610, %parallel_loop3A_664] : memref<512x16xf32, #tpu.memory_space<vmem>>[vector<16xi32>, vector<16xi32>], vector<16xf32>,
        %parallel_loop3A_668 = arith.mulf %parallel_loop3A_616, %parallel_loop3A_667 : vector<16xf32>
        %parallel_loop3A_669 = arith.addf %parallel_loop3A_666, %parallel_loop3A_668 : vector<16xf32>
        %parallel_loop3A_670 = tpu.vector_load_idx %arg26[%parallel_loop3A_610, %parallel_loop3A_664] : memref<512x16xf32, #tpu.memory_space<vmem>>[vector<16xi32>, vector<16xi32>], vector<16xf32>,
        %parallel_loop3A_671 = arith.mulf %parallel_loop3A_618, %parallel_loop3A_670 : vector<16xf32>
        %parallel_loop3A_672 = arith.addf %parallel_loop3A_669, %parallel_loop3A_671 : vector<16xf32>
        %parallel_loop3A_673 = tpu.vector_load_idx %arg27[%parallel_loop3A_610, %parallel_loop3A_664] : memref<512x16xf32, #tpu.memory_space<vmem>>[vector<16xi32>, vector<16xi32>], vector<16xf32>,
        %parallel_loop3A_674 = arith.mulf %parallel_loop3A_620, %parallel_loop3A_673 : vector<16xf32>
        %parallel_loop3A_675 = arith.addf %parallel_loop3A_672, %parallel_loop3A_674 : vector<16xf32>
        %parallel_loop3A_676 = arith.constant 0 : i32
        %parallel_loop3A_677 = arith.constant 0 : i32
        %parallel_loop3A_678 = arith.index_cast %parallel_loop3A_676 : i32 to index
        %parallel_loop3A_679 = arith.index_cast %parallel_loop3A_644 : i32 to index
        %parallel_loop3A_680 = arith.index_cast %parallel_loop3A_677 : i32 to index
        %parallel_loop3A_681 = arith.index_cast %parallel_loop3A_662 : i32 to index
        %parallel_loop3A_682 = tpu.vector_load %arg32[%parallel_loop3A_678, %parallel_loop3A_679, %parallel_loop3A_680, %parallel_loop3A_681] {strides = array<i32>} : memref<2x4x8x128xf32, #tpu.memory_space<vmem>>, vector<16xf32>,
        tpu.vector_store %arg32[%parallel_loop3A_678, %parallel_loop3A_679, %parallel_loop3A_680, %parallel_loop3A_681], %parallel_loop3A_675 {strides = array<i32>} : memref<2x4x8x128xf32, #tpu.memory_space<vmem>>, vector<16xf32>,
        %parallel_loop3A_683 = arith.constant 1 : i32
        %parallel_loop3A_684 = vector.broadcast %parallel_loop3A_683 : i32 to vector<16xi32>
        %parallel_loop3A_685 = tpu.vector_load_idx %arg24[%parallel_loop3A_610, %parallel_loop3A_684] : memref<512x16xf32, #tpu.memory_space<vmem>>[vector<16xi32>, vector<16xi32>], vector<16xf32>,
        %parallel_loop3A_686 = arith.mulf %parallel_loop3A_614, %parallel_loop3A_685 : vector<16xf32>
        %parallel_loop3A_687 = tpu.vector_load_idx %arg25[%parallel_loop3A_610, %parallel_loop3A_684] : memref<512x16xf32, #tpu.memory_space<vmem>>[vector<16xi32>, vector<16xi32>], vector<16xf32>,
        %parallel_loop3A_688 = arith.mulf %parallel_loop3A_616, %parallel_loop3A_687 : vector<16xf32>
        %parallel_loop3A_689 = arith.addf %parallel_loop3A_686, %parallel_loop3A_688 : vector<16xf32>
        %parallel_loop3A_690 = tpu.vector_load_idx %arg26[%parallel_loop3A_610, %parallel_loop3A_684] : memref<512x16xf32, #tpu.memory_space<vmem>>[vector<16xi32>, vector<16xi32>], vector<16xf32>,
        %parallel_loop3A_691 = arith.mulf %parallel_loop3A_618, %parallel_loop3A_690 : vector<16xf32>
        %parallel_loop3A_692 = arith.addf %parallel_loop3A_689, %parallel_loop3A_691 : vector<16xf32>
        %parallel_loop3A_693 = tpu.vector_load_idx %arg27[%parallel_loop3A_610, %parallel_loop3A_684] : memref<512x16xf32, #tpu.memory_space<vmem>>[vector<16xi32>, vector<16xi32>], vector<16xf32>,
        %parallel_loop3A_694 = arith.mulf %parallel_loop3A_620, %parallel_loop3A_693 : vector<16xf32>
        %parallel_loop3A_695 = arith.addf %parallel_loop3A_692, %parallel_loop3A_694 : vector<16xf32>
        %parallel_loop3A_696 = arith.constant 0 : i32
        %parallel_loop3A_697 = arith.constant 1 : i32
        %parallel_loop3A_698 = arith.index_cast %parallel_loop3A_696 : i32 to index
        %parallel_loop3A_699 = arith.index_cast %parallel_loop3A_644 : i32 to index
        %parallel_loop3A_700 = arith.index_cast %parallel_loop3A_697 : i32 to index
        %parallel_loop3A_701 = arith.index_cast %parallel_loop3A_662 : i32 to index
        %parallel_loop3A_702 = tpu.vector_load %arg32[%parallel_loop3A_698, %parallel_loop3A_699, %parallel_loop3A_700, %parallel_loop3A_701] {strides = array<i32>} : memref<2x4x8x128xf32, #tpu.memory_space<vmem>>, vector<16xf32>,
        tpu.vector_store %arg32[%parallel_loop3A_698, %parallel_loop3A_699, %parallel_loop3A_700, %parallel_loop3A_701], %parallel_loop3A_695 {strides = array<i32>} : memref<2x4x8x128xf32, #tpu.memory_space<vmem>>, vector<16xf32>,
        %parallel_loop3A_703 = arith.constant 2 : i32
        %parallel_loop3A_704 = vector.broadcast %parallel_loop3A_703 : i32 to vector<16xi32>
        %parallel_loop3A_705 = tpu.vector_load_idx %arg24[%parallel_loop3A_610, %parallel_loop3A_704] : memref<512x16xf32, #tpu.memory_space<vmem>>[vector<16xi32>, vector<16xi32>], vector<16xf32>,
        %parallel_loop3A_706 = arith.mulf %parallel_loop3A_614, %parallel_loop3A_705 : vector<16xf32>
        %parallel_loop3A_707 = tpu.vector_load_idx %arg25[%parallel_loop3A_610, %parallel_loop3A_704] : memref<512x16xf32, #tpu.memory_space<vmem>>[vector<16xi32>, vector<16xi32>], vector<16xf32>,
        %parallel_loop3A_708 = arith.mulf %parallel_loop3A_616, %parallel_loop3A_707 : vector<16xf32>
        %parallel_loop3A_709 = arith.addf %parallel_loop3A_706, %parallel_loop3A_708 : vector<16xf32>
        %parallel_loop3A_710 = tpu.vector_load_idx %arg26[%parallel_loop3A_610, %parallel_loop3A_704] : memref<512x16xf32, #tpu.memory_space<vmem>>[vector<16xi32>, vector<16xi32>], vector<16xf32>,
        %parallel_loop3A_711 = arith.mulf %parallel_loop3A_618, %parallel_loop3A_710 : vector<16xf32>
        %parallel_loop3A_712 = arith.addf %parallel_loop3A_709, %parallel_loop3A_711 : vector<16xf32>
        %parallel_loop3A_713 = tpu.vector_load_idx %arg27[%parallel_loop3A_610, %parallel_loop3A_704] : memref<512x16xf32, #tpu.memory_space<vmem>>[vector<16xi32>, vector<16xi32>], vector<16xf32>,
        %parallel_loop3A_714 = arith.mulf %parallel_loop3A_620, %parallel_loop3A_713 : vector<16xf32>
        %parallel_loop3A_715 = arith.addf %parallel_loop3A_712, %parallel_loop3A_714 : vector<16xf32>
        %parallel_loop3A_716 = arith.constant 0 : i32
        %parallel_loop3A_717 = arith.constant 2 : i32
        %parallel_loop3A_718 = arith.index_cast %parallel_loop3A_716 : i32 to index
        %parallel_loop3A_719 = arith.index_cast %parallel_loop3A_644 : i32 to index
        %parallel_loop3A_720 = arith.index_cast %parallel_loop3A_717 : i32 to index
        %parallel_loop3A_721 = arith.index_cast %parallel_loop3A_662 : i32 to index
        %parallel_loop3A_722 = tpu.vector_load %arg32[%parallel_loop3A_718, %parallel_loop3A_719, %parallel_loop3A_720, %parallel_loop3A_721] {strides = array<i32>} : memref<2x4x8x128xf32, #tpu.memory_space<vmem>>, vector<16xf32>,
        tpu.vector_store %arg32[%parallel_loop3A_718, %parallel_loop3A_719, %parallel_loop3A_720, %parallel_loop3A_721], %parallel_loop3A_715 {strides = array<i32>} : memref<2x4x8x128xf32, #tpu.memory_space<vmem>>, vector<16xf32>,
        %parallel_loop3A_723 = arith.constant 3 : i32
        %parallel_loop3A_724 = vector.broadcast %parallel_loop3A_723 : i32 to vector<16xi32>
        %parallel_loop3A_725 = tpu.vector_load_idx %arg24[%parallel_loop3A_610, %parallel_loop3A_724] : memref<512x16xf32, #tpu.memory_space<vmem>>[vector<16xi32>, vector<16xi32>], vector<16xf32>,
        %parallel_loop3A_726 = arith.mulf %parallel_loop3A_614, %parallel_loop3A_725 : vector<16xf32>
        %parallel_loop3A_727 = tpu.vector_load_idx %arg25[%parallel_loop3A_610, %parallel_loop3A_724] : memref<512x16xf32, #tpu.memory_space<vmem>>[vector<16xi32>, vector<16xi32>], vector<16xf32>,
        %parallel_loop3A_728 = arith.mulf %parallel_loop3A_616, %parallel_loop3A_727 : vector<16xf32>
        %parallel_loop3A_729 = arith.addf %parallel_loop3A_726, %parallel_loop3A_728 : vector<16xf32>
        %parallel_loop3A_730 = tpu.vector_load_idx %arg26[%parallel_loop3A_610, %parallel_loop3A_724] : memref<512x16xf32, #tpu.memory_space<vmem>>[vector<16xi32>, vector<16xi32>], vector<16xf32>,
        %parallel_loop3A_731 = arith.mulf %parallel_loop3A_618, %parallel_loop3A_730 : vector<16xf32>
        %parallel_loop3A_732 = arith.addf %parallel_loop3A_729, %parallel_loop3A_731 : vector<16xf32>
        %parallel_loop3A_733 = tpu.vector_load_idx %arg27[%parallel_loop3A_610, %parallel_loop3A_724] : memref<512x16xf32, #tpu.memory_space<vmem>>[vector<16xi32>, vector<16xi32>], vector<16xf32>,
        %parallel_loop3A_734 = arith.mulf %parallel_loop3A_620, %parallel_loop3A_733 : vector<16xf32>
        %parallel_loop3A_735 = arith.addf %parallel_loop3A_732, %parallel_loop3A_734 : vector<16xf32>
        %parallel_loop3A_736 = arith.constant 0 : i32
        %parallel_loop3A_737 = arith.constant 3 : i32
        %parallel_loop3A_738 = arith.index_cast %parallel_loop3A_736 : i32 to index
        %parallel_loop3A_739 = arith.index_cast %parallel_loop3A_644 : i32 to index
        %parallel_loop3A_740 = arith.index_cast %parallel_loop3A_737 : i32 to index
        %parallel_loop3A_741 = arith.index_cast %parallel_loop3A_662 : i32 to index
        %parallel_loop3A_742 = tpu.vector_load %arg32[%parallel_loop3A_738, %parallel_loop3A_739, %parallel_loop3A_740, %parallel_loop3A_741] {strides = array<i32>} : memref<2x4x8x128xf32, #tpu.memory_space<vmem>>, vector<16xf32>,
        tpu.vector_store %arg32[%parallel_loop3A_738, %parallel_loop3A_739, %parallel_loop3A_740, %parallel_loop3A_741], %parallel_loop3A_735 {strides = array<i32>} : memref<2x4x8x128xf32, #tpu.memory_space<vmem>>, vector<16xf32>,
        %parallel_loop3A_743 = arith.constant 4 : i32
        %parallel_loop3A_744 = vector.broadcast %parallel_loop3A_743 : i32 to vector<16xi32>
        %parallel_loop3A_745 = tpu.vector_load_idx %arg24[%parallel_loop3A_610, %parallel_loop3A_744] : memref<512x16xf32, #tpu.memory_space<vmem>>[vector<16xi32>, vector<16xi32>], vector<16xf32>,
        %parallel_loop3A_746 = arith.mulf %parallel_loop3A_614, %parallel_loop3A_745 : vector<16xf32>
        %parallel_loop3A_747 = tpu.vector_load_idx %arg25[%parallel_loop3A_610, %parallel_loop3A_744] : memref<512x16xf32, #tpu.memory_space<vmem>>[vector<16xi32>, vector<16xi32>], vector<16xf32>,
        %parallel_loop3A_748 = arith.mulf %parallel_loop3A_616, %parallel_loop3A_747 : vector<16xf32>
        %parallel_loop3A_749 = arith.addf %parallel_loop3A_746, %parallel_loop3A_748 : vector<16xf32>
        %parallel_loop3A_750 = tpu.vector_load_idx %arg26[%parallel_loop3A_610, %parallel_loop3A_744] : memref<512x16xf32, #tpu.memory_space<vmem>>[vector<16xi32>, vector<16xi32>], vector<16xf32>,
        %parallel_loop3A_751 = arith.mulf %parallel_loop3A_618, %parallel_loop3A_750 : vector<16xf32>
        %parallel_loop3A_752 = arith.addf %parallel_loop3A_749, %parallel_loop3A_751 : vector<16xf32>
        %parallel_loop3A_753 = tpu.vector_load_idx %arg27[%parallel_loop3A_610, %parallel_loop3A_744] : memref<512x16xf32, #tpu.memory_space<vmem>>[vector<16xi32>, vector<16xi32>], vector<16xf32>,
        %parallel_loop3A_754 = arith.mulf %parallel_loop3A_620, %parallel_loop3A_753 : vector<16xf32>
        %parallel_loop3A_755 = arith.addf %parallel_loop3A_752, %parallel_loop3A_754 : vector<16xf32>
        %parallel_loop3A_756 = arith.constant 0 : i32
        %parallel_loop3A_757 = arith.constant 4 : i32
        %parallel_loop3A_758 = arith.index_cast %parallel_loop3A_756 : i32 to index
        %parallel_loop3A_759 = arith.index_cast %parallel_loop3A_644 : i32 to index
        %parallel_loop3A_760 = arith.index_cast %parallel_loop3A_757 : i32 to index
        %parallel_loop3A_761 = arith.index_cast %parallel_loop3A_662 : i32 to index
        %parallel_loop3A_762 = tpu.vector_load %arg32[%parallel_loop3A_758, %parallel_loop3A_759, %parallel_loop3A_760, %parallel_loop3A_761] {strides = array<i32>} : memref<2x4x8x128xf32, #tpu.memory_space<vmem>>, vector<16xf32>,
        tpu.vector_store %arg32[%parallel_loop3A_758, %parallel_loop3A_759, %parallel_loop3A_760, %parallel_loop3A_761], %parallel_loop3A_755 {strides = array<i32>} : memref<2x4x8x128xf32, #tpu.memory_space<vmem>>, vector<16xf32>,
        %parallel_loop3A_763 = arith.constant 5 : i32
        %parallel_loop3A_764 = vector.broadcast %parallel_loop3A_763 : i32 to vector<16xi32>
        %parallel_loop3A_765 = tpu.vector_load_idx %arg24[%parallel_loop3A_610, %parallel_loop3A_764] : memref<512x16xf32, #tpu.memory_space<vmem>>[vector<16xi32>, vector<16xi32>], vector<16xf32>,
        %parallel_loop3A_766 = arith.mulf %parallel_loop3A_614, %parallel_loop3A_765 : vector<16xf32>
        %parallel_loop3A_767 = tpu.vector_load_idx %arg25[%parallel_loop3A_610, %parallel_loop3A_764] : memref<512x16xf32, #tpu.memory_space<vmem>>[vector<16xi32>, vector<16xi32>], vector<16xf32>,
        %parallel_loop3A_768 = arith.mulf %parallel_loop3A_616, %parallel_loop3A_767 : vector<16xf32>
        %parallel_loop3A_769 = arith.addf %parallel_loop3A_766, %parallel_loop3A_768 : vector<16xf32>
        %parallel_loop3A_770 = tpu.vector_load_idx %arg26[%parallel_loop3A_610, %parallel_loop3A_764] : memref<512x16xf32, #tpu.memory_space<vmem>>[vector<16xi32>, vector<16xi32>], vector<16xf32>,
        %parallel_loop3A_771 = arith.mulf %parallel_loop3A_618, %parallel_loop3A_770 : vector<16xf32>
        %parallel_loop3A_772 = arith.addf %parallel_loop3A_769, %parallel_loop3A_771 : vector<16xf32>
        %parallel_loop3A_773 = tpu.vector_load_idx %arg27[%parallel_loop3A_610, %parallel_loop3A_764] : memref<512x16xf32, #tpu.memory_space<vmem>>[vector<16xi32>, vector<16xi32>], vector<16xf32>,
        %parallel_loop3A_774 = arith.mulf %parallel_loop3A_620, %parallel_loop3A_773 : vector<16xf32>
        %parallel_loop3A_775 = arith.addf %parallel_loop3A_772, %parallel_loop3A_774 : vector<16xf32>
        %parallel_loop3A_776 = arith.constant 0 : i32
        %parallel_loop3A_777 = arith.constant 5 : i32
        %parallel_loop3A_778 = arith.index_cast %parallel_loop3A_776 : i32 to index
        %parallel_loop3A_779 = arith.index_cast %parallel_loop3A_644 : i32 to index
        %parallel_loop3A_780 = arith.index_cast %parallel_loop3A_777 : i32 to index
        %parallel_loop3A_781 = arith.index_cast %parallel_loop3A_662 : i32 to index
        %parallel_loop3A_782 = tpu.vector_load %arg32[%parallel_loop3A_778, %parallel_loop3A_779, %parallel_loop3A_780, %parallel_loop3A_781] {strides = array<i32>} : memref<2x4x8x128xf32, #tpu.memory_space<vmem>>, vector<16xf32>,
        tpu.vector_store %arg32[%parallel_loop3A_778, %parallel_loop3A_779, %parallel_loop3A_780, %parallel_loop3A_781], %parallel_loop3A_775 {strides = array<i32>} : memref<2x4x8x128xf32, #tpu.memory_space<vmem>>, vector<16xf32>,
        %parallel_loop3A_783 = arith.constant 6 : i32
        %parallel_loop3A_784 = vector.broadcast %parallel_loop3A_783 : i32 to vector<16xi32>
        %parallel_loop3A_785 = tpu.vector_load_idx %arg24[%parallel_loop3A_610, %parallel_loop3A_784] : memref<512x16xf32, #tpu.memory_space<vmem>>[vector<16xi32>, vector<16xi32>], vector<16xf32>,
        %parallel_loop3A_786 = arith.mulf %parallel_loop3A_614, %parallel_loop3A_785 : vector<16xf32>
        %parallel_loop3A_787 = tpu.vector_load_idx %arg25[%parallel_loop3A_610, %parallel_loop3A_784] : memref<512x16xf32, #tpu.memory_space<vmem>>[vector<16xi32>, vector<16xi32>], vector<16xf32>,
        %parallel_loop3A_788 = arith.mulf %parallel_loop3A_616, %parallel_loop3A_787 : vector<16xf32>
        %parallel_loop3A_789 = arith.addf %parallel_loop3A_786, %parallel_loop3A_788 : vector<16xf32>
        %parallel_loop3A_790 = tpu.vector_load_idx %arg26[%parallel_loop3A_610, %parallel_loop3A_784] : memref<512x16xf32, #tpu.memory_space<vmem>>[vector<16xi32>, vector<16xi32>], vector<16xf32>,
        %parallel_loop3A_791 = arith.mulf %parallel_loop3A_618, %parallel_loop3A_790 : vector<16xf32>
        %parallel_loop3A_792 = arith.addf %parallel_loop3A_789, %parallel_loop3A_791 : vector<16xf32>
        %parallel_loop3A_793 = tpu.vector_load_idx %arg27[%parallel_loop3A_610, %parallel_loop3A_784] : memref<512x16xf32, #tpu.memory_space<vmem>>[vector<16xi32>, vector<16xi32>], vector<16xf32>,
        %parallel_loop3A_794 = arith.mulf %parallel_loop3A_620, %parallel_loop3A_793 : vector<16xf32>
        %parallel_loop3A_795 = arith.addf %parallel_loop3A_792, %parallel_loop3A_794 : vector<16xf32>
        %parallel_loop3A_796 = arith.constant 0 : i32
        %parallel_loop3A_797 = arith.constant 6 : i32
        %parallel_loop3A_798 = arith.index_cast %parallel_loop3A_796 : i32 to index
        %parallel_loop3A_799 = arith.index_cast %parallel_loop3A_644 : i32 to index
        %parallel_loop3A_800 = arith.index_cast %parallel_loop3A_797 : i32 to index
        %parallel_loop3A_801 = arith.index_cast %parallel_loop3A_662 : i32 to index
        %parallel_loop3A_802 = tpu.vector_load %arg32[%parallel_loop3A_798, %parallel_loop3A_799, %parallel_loop3A_800, %parallel_loop3A_801] {strides = array<i32>} : memref<2x4x8x128xf32, #tpu.memory_space<vmem>>, vector<16xf32>,
        tpu.vector_store %arg32[%parallel_loop3A_798, %parallel_loop3A_799, %parallel_loop3A_800, %parallel_loop3A_801], %parallel_loop3A_795 {strides = array<i32>} : memref<2x4x8x128xf32, #tpu.memory_space<vmem>>, vector<16xf32>,
        %parallel_loop3A_803 = arith.constant 7 : i32
        %parallel_loop3A_804 = vector.broadcast %parallel_loop3A_803 : i32 to vector<16xi32>
        %parallel_loop3A_805 = tpu.vector_load_idx %arg24[%parallel_loop3A_610, %parallel_loop3A_804] : memref<512x16xf32, #tpu.memory_space<vmem>>[vector<16xi32>, vector<16xi32>], vector<16xf32>,
        %parallel_loop3A_806 = arith.mulf %parallel_loop3A_614, %parallel_loop3A_805 : vector<16xf32>
        %parallel_loop3A_807 = tpu.vector_load_idx %arg25[%parallel_loop3A_610, %parallel_loop3A_804] : memref<512x16xf32, #tpu.memory_space<vmem>>[vector<16xi32>, vector<16xi32>], vector<16xf32>,
        %parallel_loop3A_808 = arith.mulf %parallel_loop3A_616, %parallel_loop3A_807 : vector<16xf32>
        %parallel_loop3A_809 = arith.addf %parallel_loop3A_806, %parallel_loop3A_808 : vector<16xf32>
        %parallel_loop3A_810 = tpu.vector_load_idx %arg26[%parallel_loop3A_610, %parallel_loop3A_804] : memref<512x16xf32, #tpu.memory_space<vmem>>[vector<16xi32>, vector<16xi32>], vector<16xf32>,
        %parallel_loop3A_811 = arith.mulf %parallel_loop3A_618, %parallel_loop3A_810 : vector<16xf32>
        %parallel_loop3A_812 = arith.addf %parallel_loop3A_809, %parallel_loop3A_811 : vector<16xf32>
        %parallel_loop3A_813 = tpu.vector_load_idx %arg27[%parallel_loop3A_610, %parallel_loop3A_804] : memref<512x16xf32, #tpu.memory_space<vmem>>[vector<16xi32>, vector<16xi32>], vector<16xf32>,
        %parallel_loop3A_814 = arith.mulf %parallel_loop3A_620, %parallel_loop3A_813 : vector<16xf32>
        %parallel_loop3A_815 = arith.addf %parallel_loop3A_812, %parallel_loop3A_814 : vector<16xf32>
        %parallel_loop3A_816 = arith.constant 0 : i32
        %parallel_loop3A_817 = arith.constant 7 : i32
        %parallel_loop3A_818 = arith.index_cast %parallel_loop3A_816 : i32 to index
        %parallel_loop3A_819 = arith.index_cast %parallel_loop3A_644 : i32 to index
        %parallel_loop3A_820 = arith.index_cast %parallel_loop3A_817 : i32 to index
        %parallel_loop3A_821 = arith.index_cast %parallel_loop3A_662 : i32 to index
        %parallel_loop3A_822 = tpu.vector_load %arg32[%parallel_loop3A_818, %parallel_loop3A_819, %parallel_loop3A_820, %parallel_loop3A_821] {strides = array<i32>} : memref<2x4x8x128xf32, #tpu.memory_space<vmem>>, vector<16xf32>,
        tpu.vector_store %arg32[%parallel_loop3A_818, %parallel_loop3A_819, %parallel_loop3A_820, %parallel_loop3A_821], %parallel_loop3A_815 {strides = array<i32>} : memref<2x4x8x128xf32, #tpu.memory_space<vmem>>, vector<16xf32>,
        %parallel_loop3A_823 = arith.constant 8 : i32
        %parallel_loop3A_824 = vector.broadcast %parallel_loop3A_823 : i32 to vector<16xi32>
        %parallel_loop3A_825 = tpu.vector_load_idx %arg24[%parallel_loop3A_610, %parallel_loop3A_824] : memref<512x16xf32, #tpu.memory_space<vmem>>[vector<16xi32>, vector<16xi32>], vector<16xf32>,
        %parallel_loop3A_826 = arith.mulf %parallel_loop3A_614, %parallel_loop3A_825 : vector<16xf32>
        %parallel_loop3A_827 = tpu.vector_load_idx %arg25[%parallel_loop3A_610, %parallel_loop3A_824] : memref<512x16xf32, #tpu.memory_space<vmem>>[vector<16xi32>, vector<16xi32>], vector<16xf32>,
        %parallel_loop3A_828 = arith.mulf %parallel_loop3A_616, %parallel_loop3A_827 : vector<16xf32>
        %parallel_loop3A_829 = arith.addf %parallel_loop3A_826, %parallel_loop3A_828 : vector<16xf32>
        %parallel_loop3A_830 = tpu.vector_load_idx %arg26[%parallel_loop3A_610, %parallel_loop3A_824] : memref<512x16xf32, #tpu.memory_space<vmem>>[vector<16xi32>, vector<16xi32>], vector<16xf32>,
        %parallel_loop3A_831 = arith.mulf %parallel_loop3A_618, %parallel_loop3A_830 : vector<16xf32>
        %parallel_loop3A_832 = arith.addf %parallel_loop3A_829, %parallel_loop3A_831 : vector<16xf32>
        %parallel_loop3A_833 = tpu.vector_load_idx %arg27[%parallel_loop3A_610, %parallel_loop3A_824] : memref<512x16xf32, #tpu.memory_space<vmem>>[vector<16xi32>, vector<16xi32>], vector<16xf32>,
        %parallel_loop3A_834 = arith.mulf %parallel_loop3A_620, %parallel_loop3A_833 : vector<16xf32>
        %parallel_loop3A_835 = arith.addf %parallel_loop3A_832, %parallel_loop3A_834 : vector<16xf32>
        %parallel_loop3A_836 = arith.constant 1 : i32
        %parallel_loop3A_837 = arith.constant 0 : i32
        %parallel_loop3A_838 = arith.index_cast %parallel_loop3A_836 : i32 to index
        %parallel_loop3A_839 = arith.index_cast %parallel_loop3A_644 : i32 to index
        %parallel_loop3A_840 = arith.index_cast %parallel_loop3A_837 : i32 to index
        %parallel_loop3A_841 = arith.index_cast %parallel_loop3A_662 : i32 to index
        %parallel_loop3A_842 = tpu.vector_load %arg32[%parallel_loop3A_838, %parallel_loop3A_839, %parallel_loop3A_840, %parallel_loop3A_841] {strides = array<i32>} : memref<2x4x8x128xf32, #tpu.memory_space<vmem>>, vector<16xf32>,
        tpu.vector_store %arg32[%parallel_loop3A_838, %parallel_loop3A_839, %parallel_loop3A_840, %parallel_loop3A_841], %parallel_loop3A_835 {strides = array<i32>} : memref<2x4x8x128xf32, #tpu.memory_space<vmem>>, vector<16xf32>,
        %parallel_loop3A_843 = arith.constant 9 : i32
        %parallel_loop3A_844 = vector.broadcast %parallel_loop3A_843 : i32 to vector<16xi32>
        %parallel_loop3A_845 = tpu.vector_load_idx %arg24[%parallel_loop3A_610, %parallel_loop3A_844] : memref<512x16xf32, #tpu.memory_space<vmem>>[vector<16xi32>, vector<16xi32>], vector<16xf32>,
        %parallel_loop3A_846 = arith.mulf %parallel_loop3A_614, %parallel_loop3A_845 : vector<16xf32>
        %parallel_loop3A_847 = tpu.vector_load_idx %arg25[%parallel_loop3A_610, %parallel_loop3A_844] : memref<512x16xf32, #tpu.memory_space<vmem>>[vector<16xi32>, vector<16xi32>], vector<16xf32>,
        %parallel_loop3A_848 = arith.mulf %parallel_loop3A_616, %parallel_loop3A_847 : vector<16xf32>
        %parallel_loop3A_849 = arith.addf %parallel_loop3A_846, %parallel_loop3A_848 : vector<16xf32>
        %parallel_loop3A_850 = tpu.vector_load_idx %arg26[%parallel_loop3A_610, %parallel_loop3A_844] : memref<512x16xf32, #tpu.memory_space<vmem>>[vector<16xi32>, vector<16xi32>], vector<16xf32>,
        %parallel_loop3A_851 = arith.mulf %parallel_loop3A_618, %parallel_loop3A_850 : vector<16xf32>
        %parallel_loop3A_852 = arith.addf %parallel_loop3A_849, %parallel_loop3A_851 : vector<16xf32>
        %parallel_loop3A_853 = tpu.vector_load_idx %arg27[%parallel_loop3A_610, %parallel_loop3A_844] : memref<512x16xf32, #tpu.memory_space<vmem>>[vector<16xi32>, vector<16xi32>], vector<16xf32>,
        %parallel_loop3A_854 = arith.mulf %parallel_loop3A_620, %parallel_loop3A_853 : vector<16xf32>
        %parallel_loop3A_855 = arith.addf %parallel_loop3A_852, %parallel_loop3A_854 : vector<16xf32>
        %parallel_loop3A_856 = arith.constant 1 : i32
        %parallel_loop3A_857 = arith.constant 1 : i32
        %parallel_loop3A_858 = arith.index_cast %parallel_loop3A_856 : i32 to index
        %parallel_loop3A_859 = arith.index_cast %parallel_loop3A_644 : i32 to index
        %parallel_loop3A_860 = arith.index_cast %parallel_loop3A_857 : i32 to index
        %parallel_loop3A_861 = arith.index_cast %parallel_loop3A_662 : i32 to index
        %parallel_loop3A_862 = tpu.vector_load %arg32[%parallel_loop3A_858, %parallel_loop3A_859, %parallel_loop3A_860, %parallel_loop3A_861] {strides = array<i32>} : memref<2x4x8x128xf32, #tpu.memory_space<vmem>>, vector<16xf32>,
        tpu.vector_store %arg32[%parallel_loop3A_858, %parallel_loop3A_859, %parallel_loop3A_860, %parallel_loop3A_861], %parallel_loop3A_855 {strides = array<i32>} : memref<2x4x8x128xf32, #tpu.memory_space<vmem>>, vector<16xf32>,
        %parallel_loop3A_863 = arith.constant 10 : i32
        %parallel_loop3A_864 = vector.broadcast %parallel_loop3A_863 : i32 to vector<16xi32>
        %parallel_loop3A_865 = tpu.vector_load_idx %arg24[%parallel_loop3A_610, %parallel_loop3A_864] : memref<512x16xf32, #tpu.memory_space<vmem>>[vector<16xi32>, vector<16xi32>], vector<16xf32>,
        %parallel_loop3A_866 = arith.mulf %parallel_loop3A_614, %parallel_loop3A_865 : vector<16xf32>
        %parallel_loop3A_867 = tpu.vector_load_idx %arg25[%parallel_loop3A_610, %parallel_loop3A_864] : memref<512x16xf32, #tpu.memory_space<vmem>>[vector<16xi32>, vector<16xi32>], vector<16xf32>,
        %parallel_loop3A_868 = arith.mulf %parallel_loop3A_616, %parallel_loop3A_867 : vector<16xf32>
        %parallel_loop3A_869 = arith.addf %parallel_loop3A_866, %parallel_loop3A_868 : vector<16xf32>
        %parallel_loop3A_870 = tpu.vector_load_idx %arg26[%parallel_loop3A_610, %parallel_loop3A_864] : memref<512x16xf32, #tpu.memory_space<vmem>>[vector<16xi32>, vector<16xi32>], vector<16xf32>,
        %parallel_loop3A_871 = arith.mulf %parallel_loop3A_618, %parallel_loop3A_870 : vector<16xf32>
        %parallel_loop3A_872 = arith.addf %parallel_loop3A_869, %parallel_loop3A_871 : vector<16xf32>
        %parallel_loop3A_873 = tpu.vector_load_idx %arg27[%parallel_loop3A_610, %parallel_loop3A_864] : memref<512x16xf32, #tpu.memory_space<vmem>>[vector<16xi32>, vector<16xi32>], vector<16xf32>,
        %parallel_loop3A_874 = arith.mulf %parallel_loop3A_620, %parallel_loop3A_873 : vector<16xf32>
        %parallel_loop3A_875 = arith.addf %parallel_loop3A_872, %parallel_loop3A_874 : vector<16xf32>
        %parallel_loop3A_876 = arith.constant 1 : i32
        %parallel_loop3A_877 = arith.constant 2 : i32
        %parallel_loop3A_878 = arith.index_cast %parallel_loop3A_876 : i32 to index
        %parallel_loop3A_879 = arith.index_cast %parallel_loop3A_644 : i32 to index
        %parallel_loop3A_880 = arith.index_cast %parallel_loop3A_877 : i32 to index
        %parallel_loop3A_881 = arith.index_cast %parallel_loop3A_662 : i32 to index
        %parallel_loop3A_882 = tpu.vector_load %arg32[%parallel_loop3A_878, %parallel_loop3A_879, %parallel_loop3A_880, %parallel_loop3A_881] {strides = array<i32>} : memref<2x4x8x128xf32, #tpu.memory_space<vmem>>, vector<16xf32>,
        tpu.vector_store %arg32[%parallel_loop3A_878, %parallel_loop3A_879, %parallel_loop3A_880, %parallel_loop3A_881], %parallel_loop3A_875 {strides = array<i32>} : memref<2x4x8x128xf32, #tpu.memory_space<vmem>>, vector<16xf32>,
        %parallel_loop3A_883 = arith.constant 11 : i32
        %parallel_loop3A_884 = vector.broadcast %parallel_loop3A_883 : i32 to vector<16xi32>
        %parallel_loop3A_885 = tpu.vector_load_idx %arg24[%parallel_loop3A_610, %parallel_loop3A_884] : memref<512x16xf32, #tpu.memory_space<vmem>>[vector<16xi32>, vector<16xi32>], vector<16xf32>,
        %parallel_loop3A_886 = arith.mulf %parallel_loop3A_614, %parallel_loop3A_885 : vector<16xf32>
        %parallel_loop3A_887 = tpu.vector_load_idx %arg25[%parallel_loop3A_610, %parallel_loop3A_884] : memref<512x16xf32, #tpu.memory_space<vmem>>[vector<16xi32>, vector<16xi32>], vector<16xf32>,
        %parallel_loop3A_888 = arith.mulf %parallel_loop3A_616, %parallel_loop3A_887 : vector<16xf32>
        %parallel_loop3A_889 = arith.addf %parallel_loop3A_886, %parallel_loop3A_888 : vector<16xf32>
        %parallel_loop3A_890 = tpu.vector_load_idx %arg26[%parallel_loop3A_610, %parallel_loop3A_884] : memref<512x16xf32, #tpu.memory_space<vmem>>[vector<16xi32>, vector<16xi32>], vector<16xf32>,
        %parallel_loop3A_891 = arith.mulf %parallel_loop3A_618, %parallel_loop3A_890 : vector<16xf32>
        %parallel_loop3A_892 = arith.addf %parallel_loop3A_889, %parallel_loop3A_891 : vector<16xf32>
        %parallel_loop3A_893 = tpu.vector_load_idx %arg27[%parallel_loop3A_610, %parallel_loop3A_884] : memref<512x16xf32, #tpu.memory_space<vmem>>[vector<16xi32>, vector<16xi32>], vector<16xf32>,
        %parallel_loop3A_894 = arith.mulf %parallel_loop3A_620, %parallel_loop3A_893 : vector<16xf32>
        %parallel_loop3A_895 = arith.addf %parallel_loop3A_892, %parallel_loop3A_894 : vector<16xf32>
        %parallel_loop3A_896 = arith.constant 1 : i32
        %parallel_loop3A_897 = arith.constant 3 : i32
        %parallel_loop3A_898 = arith.index_cast %parallel_loop3A_896 : i32 to index
        %parallel_loop3A_899 = arith.index_cast %parallel_loop3A_644 : i32 to index
        %parallel_loop3A_900 = arith.index_cast %parallel_loop3A_897 : i32 to index
        %parallel_loop3A_901 = arith.index_cast %parallel_loop3A_662 : i32 to index
        %parallel_loop3A_902 = tpu.vector_load %arg32[%parallel_loop3A_898, %parallel_loop3A_899, %parallel_loop3A_900, %parallel_loop3A_901] {strides = array<i32>} : memref<2x4x8x128xf32, #tpu.memory_space<vmem>>, vector<16xf32>,
        tpu.vector_store %arg32[%parallel_loop3A_898, %parallel_loop3A_899, %parallel_loop3A_900, %parallel_loop3A_901], %parallel_loop3A_895 {strides = array<i32>} : memref<2x4x8x128xf32, #tpu.memory_space<vmem>>, vector<16xf32>,
        %parallel_loop3A_903 = arith.constant 12 : i32
        %parallel_loop3A_904 = vector.broadcast %parallel_loop3A_903 : i32 to vector<16xi32>
        %parallel_loop3A_905 = tpu.vector_load_idx %arg24[%parallel_loop3A_610, %parallel_loop3A_904] : memref<512x16xf32, #tpu.memory_space<vmem>>[vector<16xi32>, vector<16xi32>], vector<16xf32>,
        %parallel_loop3A_906 = arith.mulf %parallel_loop3A_614, %parallel_loop3A_905 : vector<16xf32>
        %parallel_loop3A_907 = tpu.vector_load_idx %arg25[%parallel_loop3A_610, %parallel_loop3A_904] : memref<512x16xf32, #tpu.memory_space<vmem>>[vector<16xi32>, vector<16xi32>], vector<16xf32>,
        %parallel_loop3A_908 = arith.mulf %parallel_loop3A_616, %parallel_loop3A_907 : vector<16xf32>
        %parallel_loop3A_909 = arith.addf %parallel_loop3A_906, %parallel_loop3A_908 : vector<16xf32>
        %parallel_loop3A_910 = tpu.vector_load_idx %arg26[%parallel_loop3A_610, %parallel_loop3A_904] : memref<512x16xf32, #tpu.memory_space<vmem>>[vector<16xi32>, vector<16xi32>], vector<16xf32>,
        %parallel_loop3A_911 = arith.mulf %parallel_loop3A_618, %parallel_loop3A_910 : vector<16xf32>
        %parallel_loop3A_912 = arith.addf %parallel_loop3A_909, %parallel_loop3A_911 : vector<16xf32>
        %parallel_loop3A_913 = tpu.vector_load_idx %arg27[%parallel_loop3A_610, %parallel_loop3A_904] : memref<512x16xf32, #tpu.memory_space<vmem>>[vector<16xi32>, vector<16xi32>], vector<16xf32>,
        %parallel_loop3A_914 = arith.mulf %parallel_loop3A_620, %parallel_loop3A_913 : vector<16xf32>
        %parallel_loop3A_915 = arith.addf %parallel_loop3A_912, %parallel_loop3A_914 : vector<16xf32>
        %parallel_loop3A_916 = arith.constant 1 : i32
        %parallel_loop3A_917 = arith.constant 4 : i32
        %parallel_loop3A_918 = arith.index_cast %parallel_loop3A_916 : i32 to index
        %parallel_loop3A_919 = arith.index_cast %parallel_loop3A_644 : i32 to index
        %parallel_loop3A_920 = arith.index_cast %parallel_loop3A_917 : i32 to index
        %parallel_loop3A_921 = arith.index_cast %parallel_loop3A_662 : i32 to index
        %parallel_loop3A_922 = tpu.vector_load %arg32[%parallel_loop3A_918, %parallel_loop3A_919, %parallel_loop3A_920, %parallel_loop3A_921] {strides = array<i32>} : memref<2x4x8x128xf32, #tpu.memory_space<vmem>>, vector<16xf32>,
        tpu.vector_store %arg32[%parallel_loop3A_918, %parallel_loop3A_919, %parallel_loop3A_920, %parallel_loop3A_921], %parallel_loop3A_915 {strides = array<i32>} : memref<2x4x8x128xf32, #tpu.memory_space<vmem>>, vector<16xf32>,
        %parallel_loop3A_923 = arith.constant 13 : i32
        %parallel_loop3A_924 = vector.broadcast %parallel_loop3A_923 : i32 to vector<16xi32>
        %parallel_loop3A_925 = tpu.vector_load_idx %arg24[%parallel_loop3A_610, %parallel_loop3A_924] : memref<512x16xf32, #tpu.memory_space<vmem>>[vector<16xi32>, vector<16xi32>], vector<16xf32>,
        %parallel_loop3A_926 = arith.mulf %parallel_loop3A_614, %parallel_loop3A_925 : vector<16xf32>
        %parallel_loop3A_927 = tpu.vector_load_idx %arg25[%parallel_loop3A_610, %parallel_loop3A_924] : memref<512x16xf32, #tpu.memory_space<vmem>>[vector<16xi32>, vector<16xi32>], vector<16xf32>,
        %parallel_loop3A_928 = arith.mulf %parallel_loop3A_616, %parallel_loop3A_927 : vector<16xf32>
        %parallel_loop3A_929 = arith.addf %parallel_loop3A_926, %parallel_loop3A_928 : vector<16xf32>
        %parallel_loop3A_930 = tpu.vector_load_idx %arg26[%parallel_loop3A_610, %parallel_loop3A_924] : memref<512x16xf32, #tpu.memory_space<vmem>>[vector<16xi32>, vector<16xi32>], vector<16xf32>,
        %parallel_loop3A_931 = arith.mulf %parallel_loop3A_618, %parallel_loop3A_930 : vector<16xf32>
        %parallel_loop3A_932 = arith.addf %parallel_loop3A_929, %parallel_loop3A_931 : vector<16xf32>
        %parallel_loop3A_933 = tpu.vector_load_idx %arg27[%parallel_loop3A_610, %parallel_loop3A_924] : memref<512x16xf32, #tpu.memory_space<vmem>>[vector<16xi32>, vector<16xi32>], vector<16xf32>,
        %parallel_loop3A_934 = arith.mulf %parallel_loop3A_620, %parallel_loop3A_933 : vector<16xf32>
        %parallel_loop3A_935 = arith.addf %parallel_loop3A_932, %parallel_loop3A_934 : vector<16xf32>
        %parallel_loop3A_936 = arith.constant 1 : i32
        %parallel_loop3A_937 = arith.constant 5 : i32
        %parallel_loop3A_938 = arith.index_cast %parallel_loop3A_936 : i32 to index
        %parallel_loop3A_939 = arith.index_cast %parallel_loop3A_644 : i32 to index
        %parallel_loop3A_940 = arith.index_cast %parallel_loop3A_937 : i32 to index
        %parallel_loop3A_941 = arith.index_cast %parallel_loop3A_662 : i32 to index
        %parallel_loop3A_942 = tpu.vector_load %arg32[%parallel_loop3A_938, %parallel_loop3A_939, %parallel_loop3A_940, %parallel_loop3A_941] {strides = array<i32>} : memref<2x4x8x128xf32, #tpu.memory_space<vmem>>, vector<16xf32>,
        tpu.vector_store %arg32[%parallel_loop3A_938, %parallel_loop3A_939, %parallel_loop3A_940, %parallel_loop3A_941], %parallel_loop3A_935 {strides = array<i32>} : memref<2x4x8x128xf32, #tpu.memory_space<vmem>>, vector<16xf32>,
        %parallel_loop3A_943 = arith.constant 14 : i32
        %parallel_loop3A_944 = vector.broadcast %parallel_loop3A_943 : i32 to vector<16xi32>
        %parallel_loop3A_945 = tpu.vector_load_idx %arg24[%parallel_loop3A_610, %parallel_loop3A_944] : memref<512x16xf32, #tpu.memory_space<vmem>>[vector<16xi32>, vector<16xi32>], vector<16xf32>,
        %parallel_loop3A_946 = arith.mulf %parallel_loop3A_614, %parallel_loop3A_945 : vector<16xf32>
        %parallel_loop3A_947 = tpu.vector_load_idx %arg25[%parallel_loop3A_610, %parallel_loop3A_944] : memref<512x16xf32, #tpu.memory_space<vmem>>[vector<16xi32>, vector<16xi32>], vector<16xf32>,
        %parallel_loop3A_948 = arith.mulf %parallel_loop3A_616, %parallel_loop3A_947 : vector<16xf32>
        %parallel_loop3A_949 = arith.addf %parallel_loop3A_946, %parallel_loop3A_948 : vector<16xf32>
        %parallel_loop3A_950 = tpu.vector_load_idx %arg26[%parallel_loop3A_610, %parallel_loop3A_944] : memref<512x16xf32, #tpu.memory_space<vmem>>[vector<16xi32>, vector<16xi32>], vector<16xf32>,
        %parallel_loop3A_951 = arith.mulf %parallel_loop3A_618, %parallel_loop3A_950 : vector<16xf32>
        %parallel_loop3A_952 = arith.addf %parallel_loop3A_949, %parallel_loop3A_951 : vector<16xf32>
        %parallel_loop3A_953 = tpu.vector_load_idx %arg27[%parallel_loop3A_610, %parallel_loop3A_944] : memref<512x16xf32, #tpu.memory_space<vmem>>[vector<16xi32>, vector<16xi32>], vector<16xf32>,
        %parallel_loop3A_954 = arith.mulf %parallel_loop3A_620, %parallel_loop3A_953 : vector<16xf32>
        %parallel_loop3A_955 = arith.addf %parallel_loop3A_952, %parallel_loop3A_954 : vector<16xf32>
        %parallel_loop3A_956 = arith.constant 1 : i32
        %parallel_loop3A_957 = arith.constant 6 : i32
        %parallel_loop3A_958 = arith.index_cast %parallel_loop3A_956 : i32 to index
        %parallel_loop3A_959 = arith.index_cast %parallel_loop3A_644 : i32 to index
        %parallel_loop3A_960 = arith.index_cast %parallel_loop3A_957 : i32 to index
        %parallel_loop3A_961 = arith.index_cast %parallel_loop3A_662 : i32 to index
        %parallel_loop3A_962 = tpu.vector_load %arg32[%parallel_loop3A_958, %parallel_loop3A_959, %parallel_loop3A_960, %parallel_loop3A_961] {strides = array<i32>} : memref<2x4x8x128xf32, #tpu.memory_space<vmem>>, vector<16xf32>,
        tpu.vector_store %arg32[%parallel_loop3A_958, %parallel_loop3A_959, %parallel_loop3A_960, %parallel_loop3A_961], %parallel_loop3A_955 {strides = array<i32>} : memref<2x4x8x128xf32, #tpu.memory_space<vmem>>, vector<16xf32>,
        %parallel_loop3A_963 = arith.constant 15 : i32
        %parallel_loop3A_964 = vector.broadcast %parallel_loop3A_963 : i32 to vector<16xi32>
        %parallel_loop3A_965 = tpu.vector_load_idx %arg24[%parallel_loop3A_610, %parallel_loop3A_964] : memref<512x16xf32, #tpu.memory_space<vmem>>[vector<16xi32>, vector<16xi32>], vector<16xf32>,
        %parallel_loop3A_966 = arith.mulf %parallel_loop3A_614, %parallel_loop3A_965 : vector<16xf32>
        %parallel_loop3A_967 = tpu.vector_load_idx %arg25[%parallel_loop3A_610, %parallel_loop3A_964] : memref<512x16xf32, #tpu.memory_space<vmem>>[vector<16xi32>, vector<16xi32>], vector<16xf32>,
        %parallel_loop3A_968 = arith.mulf %parallel_loop3A_616, %parallel_loop3A_967 : vector<16xf32>
        %parallel_loop3A_969 = arith.addf %parallel_loop3A_966, %parallel_loop3A_968 : vector<16xf32>
        %parallel_loop3A_970 = tpu.vector_load_idx %arg26[%parallel_loop3A_610, %parallel_loop3A_964] : memref<512x16xf32, #tpu.memory_space<vmem>>[vector<16xi32>, vector<16xi32>], vector<16xf32>,
        %parallel_loop3A_971 = arith.mulf %parallel_loop3A_618, %parallel_loop3A_970 : vector<16xf32>
        %parallel_loop3A_972 = arith.addf %parallel_loop3A_969, %parallel_loop3A_971 : vector<16xf32>
        %parallel_loop3A_973 = tpu.vector_load_idx %arg27[%parallel_loop3A_610, %parallel_loop3A_964] : memref<512x16xf32, #tpu.memory_space<vmem>>[vector<16xi32>, vector<16xi32>], vector<16xf32>,
        %parallel_loop3A_974 = arith.mulf %parallel_loop3A_620, %parallel_loop3A_973 : vector<16xf32>
        %parallel_loop3A_975 = arith.addf %parallel_loop3A_972, %parallel_loop3A_974 : vector<16xf32>
        %parallel_loop3A_976 = arith.constant 1 : i32
        %parallel_loop3A_977 = arith.constant 7 : i32
        %parallel_loop3A_978 = arith.index_cast %parallel_loop3A_976 : i32 to index
        %parallel_loop3A_979 = arith.index_cast %parallel_loop3A_644 : i32 to index
        %parallel_loop3A_980 = arith.index_cast %parallel_loop3A_977 : i32 to index
        %parallel_loop3A_981 = arith.index_cast %parallel_loop3A_662 : i32 to index
        %parallel_loop3A_982 = tpu.vector_load %arg32[%parallel_loop3A_978, %parallel_loop3A_979, %parallel_loop3A_980, %parallel_loop3A_981] {strides = array<i32>} : memref<2x4x8x128xf32, #tpu.memory_space<vmem>>, vector<16xf32>,
        tpu.vector_store %arg32[%parallel_loop3A_978, %parallel_loop3A_979, %parallel_loop3A_980, %parallel_loop3A_981], %parallel_loop3A_975 {strides = array<i32>} : memref<2x4x8x128xf32, #tpu.memory_space<vmem>>, vector<16xf32>,
      } {sc.loop_unroll_factor = 2 : i64, sc.parallel_access}
      %mul3A_337 = arith.constant 32768 : i32
      %mul3A_338 = arith.muli %add3A, %mul3A_337 : i32
      %mul3A_339 = arith.constant 512 : i32
      %mul3A_340 = arith.muli %mul3A_291, %mul3A_339 : i32
      %add3A_341 = arith.addi %mul3A_338, %mul3A_340 : i32
      %jit3A_342 = arith.constant 128 : i32
      %div3A_343 = arith.divsi %add3A_341, %jit3A_342 : i32
      %sign3A_344 = arith.constant 0 : i32
      %sign3A_345 = arith.cmpi sgt, %add3A_341, %sign3A_344 : i32
      %sign3A_346 = arith.extui %sign3A_345 : i1 to i32
      %sign3A_347 = arith.constant 0 : i32
      %sign3A_348 = arith.cmpi slt, %add3A_341, %sign3A_347 : i32
      %sign3A_349 = arith.extui %sign3A_348 : i1 to i32
      %sign3A_350 = arith.subi %sign3A_346, %sign3A_349 : i32
      %sign3A_351 = arith.constant 0 : i32
      %sign3A_352 = arith.cmpi sgt, %jit3A_342, %sign3A_351 : i32
      %sign3A_353 = arith.extui %sign3A_352 : i1 to i32
      %sign3A_354 = arith.constant 0 : i32
      %sign3A_355 = arith.cmpi slt, %jit3A_342, %sign3A_354 : i32
      %sign3A_356 = arith.extui %sign3A_355 : i1 to i32
      %sign3A_357 = arith.subi %sign3A_353, %sign3A_356 : i32
      %ne3A_358 = arith.cmpi ne, %sign3A_350, %sign3A_357 : i32
      %rem3A_359 = arith.remsi %add3A_341, %jit3A_342 : i32
      %ne3A_360 = arith.constant 0 : i32
      %ne3A_361 = arith.cmpi ne, %rem3A_359, %ne3A_360 : i32
      %and3A_362 = arith.andi %ne3A_358, %ne3A_361 : i1
      %sub3A_363 = arith.constant 1 : i32
      %sub3A_364 = arith.subi %div3A_343, %sub3A_363 : i32
      %select_n3A_365 = arith.select %and3A_362, %sub3A_364, %div3A_343 : i32
      %dma_start3A_366 = arith.constant 0 : i32
      %dma_start3A_367 = arith.constant 0 : i32
      %dma_start3A_368 = arith.constant 0 : i32
      %dma_start3A_369 = arith.constant 0 : i32
      %dma_start3A_370 = arith.constant 0 : i32
      %dma_start3A_371 = tpu.memref_slice %arg32[%dma_start3A_366, %dma_start3A_368, %dma_start3A_369, %dma_start3A_370] : memref<2x4x8x128xf32, #tpu.memory_space<vmem>> -> memref<1x4x8x128xf32, #tpu.memory_space<vmem>>
      %dma_start3A_372 = tpu.memref_squeeze %dma_start3A_371 : memref<1x4x8x128xf32, #tpu.memory_space<vmem>> -> memref<4x8x128xf32, #tpu.memory_space<vmem>>
      %dma_start3A_373 = arith.constant 0 : i32
      %dma_start3A_374 = arith.constant 0 : i32
      %dma_start3A_375 = tpu.memref_slice %arg5[%dma_start3A_367, %select_n3A_365, %dma_start3A_373, %dma_start3A_374] : memref<2x8192x8x128xf32, #tpu.memory_space<hbm>> -> memref<1x4x8x128xf32, #tpu.memory_space<hbm>>
      %dma_start3A_376 = tpu.memref_squeeze %dma_start3A_375 : memref<1x4x8x128xf32, #tpu.memory_space<hbm>> -> memref<4x8x128xf32, #tpu.memory_space<hbm>>
      %dma_start3A_377 = arith.constant 0 : i32
      %dma_start3A_378 = arith.constant 0 : i32
      %dma_start3A_379 = tpu.memref_slice %arg5[%dma_start3A_367, %select_n3A_365, %dma_start3A_377, %dma_start3A_378] : memref<2x8192x8x128xf32, #tpu.memory_space<hbm>> -> memref<1x4x8x128xf32, #tpu.memory_space<hbm>>
      %dma_start3A_380 = tpu.memref_squeeze %dma_start3A_379 : memref<1x4x8x128xf32, #tpu.memory_space<hbm>> -> memref<4x8x128xf32, #tpu.memory_space<hbm>>
      %dma_start3A_381 = arith.constant 0 : i32
      %dma_start3A_382 = arith.constant 0 : i32
      %dma_start3A_383 = arith.constant 0 : i32
      %dma_start3A_384 = tpu.memref_slice %arg32[%dma_start3A_366, %dma_start3A_381, %dma_start3A_382, %dma_start3A_383] : memref<2x4x8x128xf32, #tpu.memory_space<vmem>> -> memref<1x4x8x128xf32, #tpu.memory_space<vmem>>
      %dma_start3A_385 = tpu.memref_squeeze %dma_start3A_384 : memref<1x4x8x128xf32, #tpu.memory_space<vmem>> -> memref<4x8x128xf32, #tpu.memory_space<vmem>>
      tpu.enqueue_dma source(%dma_start3A_385 : memref<4x8x128xf32, #tpu.memory_space<vmem>>) target(%dma_start3A_380 : memref<4x8x128xf32, #tpu.memory_space<hbm>>) target_semaphore(%arg36 : memref<!tpu.dma_semaphore, #tpu.memory_space<semaphore_mem>>)
      %jit3A_386 = arith.constant 128 : i32
      %div3A_387 = arith.divsi %add3A_341, %jit3A_386 : i32
      %sign3A_388 = arith.constant 0 : i32
      %sign3A_389 = arith.cmpi sgt, %add3A_341, %sign3A_388 : i32
      %sign3A_390 = arith.extui %sign3A_389 : i1 to i32
      %sign3A_391 = arith.constant 0 : i32
      %sign3A_392 = arith.cmpi slt, %add3A_341, %sign3A_391 : i32
      %sign3A_393 = arith.extui %sign3A_392 : i1 to i32
      %sign3A_394 = arith.subi %sign3A_390, %sign3A_393 : i32
      %sign3A_395 = arith.constant 0 : i32
      %sign3A_396 = arith.cmpi sgt, %jit3A_386, %sign3A_395 : i32
      %sign3A_397 = arith.extui %sign3A_396 : i1 to i32
      %sign3A_398 = arith.constant 0 : i32
      %sign3A_399 = arith.cmpi slt, %jit3A_386, %sign3A_398 : i32
      %sign3A_400 = arith.extui %sign3A_399 : i1 to i32
      %sign3A_401 = arith.subi %sign3A_397, %sign3A_400 : i32
      %ne3A_402 = arith.cmpi ne, %sign3A_394, %sign3A_401 : i32
      %rem3A_403 = arith.remsi %add3A_341, %jit3A_386 : i32
      %ne3A_404 = arith.constant 0 : i32
      %ne3A_405 = arith.cmpi ne, %rem3A_403, %ne3A_404 : i32
      %and3A_406 = arith.andi %ne3A_402, %ne3A_405 : i1
      %sub3A_407 = arith.constant 1 : i32
      %sub3A_408 = arith.subi %div3A_387, %sub3A_407 : i32
      %select_n3A_409 = arith.select %and3A_406, %sub3A_408, %div3A_387 : i32
      %dma_start3A_410 = arith.constant 1 : i32
      %dma_start3A_411 = arith.constant 1 : i32
      %dma_start3A_412 = arith.constant 0 : i32
      %dma_start3A_413 = arith.constant 0 : i32
      %dma_start3A_414 = arith.constant 0 : i32
      %dma_start3A_415 = tpu.memref_slice %arg32[%dma_start3A_410, %dma_start3A_412, %dma_start3A_413, %dma_start3A_414] : memref<2x4x8x128xf32, #tpu.memory_space<vmem>> -> memref<1x4x8x128xf32, #tpu.memory_space<vmem>>
      %dma_start3A_416 = tpu.memref_squeeze %dma_start3A_415 : memref<1x4x8x128xf32, #tpu.memory_space<vmem>> -> memref<4x8x128xf32, #tpu.memory_space<vmem>>
      %dma_start3A_417 = arith.constant 0 : i32
      %dma_start3A_418 = arith.constant 0 : i32
      %dma_start3A_419 = tpu.memref_slice %arg5[%dma_start3A_411, %select_n3A_409, %dma_start3A_417, %dma_start3A_418] : memref<2x8192x8x128xf32, #tpu.memory_space<hbm>> -> memref<1x4x8x128xf32, #tpu.memory_space<hbm>>
      %dma_start3A_420 = tpu.memref_squeeze %dma_start3A_419 : memref<1x4x8x128xf32, #tpu.memory_space<hbm>> -> memref<4x8x128xf32, #tpu.memory_space<hbm>>
      %dma_start3A_421 = arith.constant 0 : i32
      %dma_start3A_422 = arith.constant 0 : i32
      %dma_start3A_423 = tpu.memref_slice %arg5[%dma_start3A_411, %select_n3A_409, %dma_start3A_421, %dma_start3A_422] : memref<2x8192x8x128xf32, #tpu.memory_space<hbm>> -> memref<1x4x8x128xf32, #tpu.memory_space<hbm>>
      %dma_start3A_424 = tpu.memref_squeeze %dma_start3A_423 : memref<1x4x8x128xf32, #tpu.memory_space<hbm>> -> memref<4x8x128xf32, #tpu.memory_space<hbm>>
      %dma_start3A_425 = arith.constant 0 : i32
      %dma_start3A_426 = arith.constant 0 : i32
      %dma_start3A_427 = arith.constant 0 : i32
      %dma_start3A_428 = tpu.memref_slice %arg32[%dma_start3A_410, %dma_start3A_425, %dma_start3A_426, %dma_start3A_427] : memref<2x4x8x128xf32, #tpu.memory_space<vmem>> -> memref<1x4x8x128xf32, #tpu.memory_space<vmem>>
      %dma_start3A_429 = tpu.memref_squeeze %dma_start3A_428 : memref<1x4x8x128xf32, #tpu.memory_space<vmem>> -> memref<4x8x128xf32, #tpu.memory_space<vmem>>
      tpu.enqueue_dma source(%dma_start3A_429 : memref<4x8x128xf32, #tpu.memory_space<vmem>>) target(%dma_start3A_424 : memref<4x8x128xf32, #tpu.memory_space<hbm>>) target_semaphore(%arg36 : memref<!tpu.dma_semaphore, #tpu.memory_space<semaphore_mem>>)
      %lt3A_430 = arith.constant 31 : i32
      %lt3A_431 = arith.cmpi slt, %scan3A_226, %lt3A_430 : i32
      %add3A_432 = arith.constant 1 : i32
      %add3A_433 = arith.addi %scan3A_226, %add3A_432 : i32
      %jit3A_434 = arith.constant 4 : i32
      %eq3A_435 = arith.constant 0 : i32
      %eq3A_436 = arith.cmpi eq, %jit3A_434, %eq3A_435 : i32
      %jit3A_437 = arith.constant 1 : i32
      %select_n3A_438 = arith.select %eq3A_436, %jit3A_437, %jit3A_434 : i32
      %rem3A_439 = arith.remsi %add3A_433, %select_n3A_438 : i32
      %ne3A_440 = arith.constant 0 : i32
      %ne3A_441 = arith.cmpi ne, %rem3A_439, %ne3A_440 : i32
      %lt3A_442 = arith.constant 0 : i32
      %lt3A_443 = arith.cmpi slt, %rem3A_439, %lt3A_442 : i32
      %lt3A_444 = arith.constant 0 : i32
      %lt3A_445 = arith.cmpi slt, %select_n3A_438, %lt3A_444 : i32
      %ne3A_446 = arith.xori %lt3A_443, %lt3A_445 : i1
      %and3A_447 = arith.andi %ne3A_446, %ne3A_441 : i1
      %add3A_448 = arith.addi %rem3A_439, %select_n3A_438 : i32
      %select_n3A_449 = arith.select %and3A_447, %add3A_448, %rem3A_439 : i32
      %eq3A_450 = arith.constant 0 : i32
      %eq3A_451 = arith.cmpi eq, %select_n3A_449, %eq3A_450 : i32
      %and3A_452 = arith.andi %lt3A_431, %eq3A_451 : i1
      %convert_element_type3A_453 = arith.extui %and3A_452 : i1 to i32
      %cond3A_454 = arith.constant 0 : i32
      %cond3A_455 = arith.cmpi ne, %convert_element_type3A_453, %cond3A_454 : i32
      scf.if %cond3A_455 {
        %add3A_606 = arith.constant 1 : i32
        %add3A_607 = arith.addi %scan3A_226, %add3A_606 : i32
        %jit3A_608 = arith.constant 4 : i32
        %div3A_609 = arith.divsi %add3A_607, %jit3A_608 : i32
        %sign3A_610 = arith.constant 0 : i32
        %sign3A_611 = arith.cmpi sgt, %add3A_607, %sign3A_610 : i32
        %sign3A_612 = arith.extui %sign3A_611 : i1 to i32
        %sign3A_613 = arith.constant 0 : i32
        %sign3A_614 = arith.cmpi slt, %add3A_607, %sign3A_613 : i32
        %sign3A_615 = arith.extui %sign3A_614 : i1 to i32
        %sign3A_616 = arith.subi %sign3A_612, %sign3A_615 : i32
        %sign3A_617 = arith.constant 0 : i32
        %sign3A_618 = arith.cmpi sgt, %jit3A_608, %sign3A_617 : i32
        %sign3A_619 = arith.extui %sign3A_618 : i1 to i32
        %sign3A_620 = arith.constant 0 : i32
        %sign3A_621 = arith.cmpi slt, %jit3A_608, %sign3A_620 : i32
        %sign3A_622 = arith.extui %sign3A_621 : i1 to i32
        %sign3A_623 = arith.subi %sign3A_619, %sign3A_622 : i32
        %ne3A_624 = arith.cmpi ne, %sign3A_616, %sign3A_623 : i32
        %rem3A_625 = arith.remsi %add3A_607, %jit3A_608 : i32
        %ne3A_626 = arith.constant 0 : i32
        %ne3A_627 = arith.cmpi ne, %rem3A_625, %ne3A_626 : i32
        %and3A_628 = arith.andi %ne3A_624, %ne3A_627 : i1
        %sub3A_629 = arith.constant 1 : i32
        %sub3A_630 = arith.subi %div3A_609, %sub3A_629 : i32
        %select_n3A_631 = arith.select %and3A_628, %sub3A_630, %div3A_609 : i32
        %mul3A_632 = arith.constant 32768 : i32
        %mul3A_633 = arith.muli %add3A, %mul3A_632 : i32
        %mul3A_634 = arith.constant 4096 : i32
        %mul3A_635 = arith.muli %select_n3A_631, %mul3A_634 : i32
        %add3A_636 = arith.addi %mul3A_633, %mul3A_635 : i32
        "tpu.region"() ({
          %run_scoped3A = tpu.sem_alloc : memref<!tpu.dma_semaphore, #tpu.memory_space<semaphore_mem>>
          %dma_start3A_637 = tpu.memref_slice %arg2[%add3A_636] : memref<1048576xf32, #tpu.memory_space<hbm>> -> memref<4096xf32, #tpu.memory_space<hbm>>
          %dma_start3A_638 = tpu.memref_slice %arg2[%add3A_636] : memref<1048576xf32, #tpu.memory_space<hbm>> -> memref<4096xf32, #tpu.memory_space<hbm>>
          tpu.enqueue_dma source(%dma_start3A_638 : memref<4096xf32, #tpu.memory_space<hbm>>) target(%arg6 : memref<4096xf32, #tpu.memory_space<vmem>>) target_semaphore(%run_scoped3A : memref<!tpu.dma_semaphore, #tpu.memory_space<semaphore_mem>>)
          %dma_wait3A_639 = tpu.memref_slice %arg2[%add3A_636] : memref<1048576xf32, #tpu.memory_space<hbm>> -> memref<4096xf32, #tpu.memory_space<hbm>>
          %dma_wait3A_640 = tpu.memref_slice %arg2[%add3A_636] : memref<1048576xf32, #tpu.memory_space<hbm>> -> memref<4096xf32, #tpu.memory_space<hbm>>
          tpu.wait_dma2 semaphore(%run_scoped3A : memref<!tpu.dma_semaphore, #tpu.memory_space<semaphore_mem>>) src(%dma_wait3A_640 : memref<4096xf32, #tpu.memory_space<hbm>>) dst(%arg6 : memref<4096xf32, #tpu.memory_space<vmem>>)
          tpu.yield
        }) : () -> ()
        "tpu.region"() ({
          %run_scoped3A = tpu.sem_alloc : memref<!tpu.dma_semaphore, #tpu.memory_space<semaphore_mem>>
          %dma_start3A_637 = tpu.memref_slice %arg3[%add3A_636] : memref<1048576xf32, #tpu.memory_space<hbm>> -> memref<4096xf32, #tpu.memory_space<hbm>>
          %dma_start3A_638 = tpu.memref_slice %arg3[%add3A_636] : memref<1048576xf32, #tpu.memory_space<hbm>> -> memref<4096xf32, #tpu.memory_space<hbm>>
          tpu.enqueue_dma source(%dma_start3A_638 : memref<4096xf32, #tpu.memory_space<hbm>>) target(%arg7 : memref<4096xf32, #tpu.memory_space<vmem>>) target_semaphore(%run_scoped3A : memref<!tpu.dma_semaphore, #tpu.memory_space<semaphore_mem>>)
          %dma_wait3A_639 = tpu.memref_slice %arg3[%add3A_636] : memref<1048576xf32, #tpu.memory_space<hbm>> -> memref<4096xf32, #tpu.memory_space<hbm>>
          %dma_wait3A_640 = tpu.memref_slice %arg3[%add3A_636] : memref<1048576xf32, #tpu.memory_space<hbm>> -> memref<4096xf32, #tpu.memory_space<hbm>>
          tpu.wait_dma2 semaphore(%run_scoped3A : memref<!tpu.dma_semaphore, #tpu.memory_space<semaphore_mem>>) src(%dma_wait3A_640 : memref<4096xf32, #tpu.memory_space<hbm>>) dst(%arg7 : memref<4096xf32, #tpu.memory_space<vmem>>)
          tpu.yield
        }) : () -> ()
      } else {
      }
      %lt3A_456 = arith.constant 31 : i32
      %lt3A_457 = arith.cmpi slt, %scan3A_226, %lt3A_456 : i32
      %convert_element_type3A_458 = arith.extui %lt3A_457 : i1 to i32
      %cond3A_459 = arith.constant 0 : i32
      %cond3A_460 = arith.cmpi ne, %convert_element_type3A_458, %cond3A_459 : i32
      scf.if %cond3A_460 {
        %mul3A_606 = arith.constant 2 : i32
        %mul3A_607 = arith.muli %mul3A_606, %scan3A_226 : i32
        %add3A_608 = arith.constant 2 : i32
        %add3A_609 = arith.addi %mul3A_607, %add3A_608 : i32
        %jit3A_610 = arith.constant 8 : i32
        %eq3A_611 = arith.constant 0 : i32
        %eq3A_612 = arith.cmpi eq, %jit3A_610, %eq3A_611 : i32
        %jit3A_613 = arith.constant 1 : i32
        %select_n3A_614 = arith.select %eq3A_612, %jit3A_613, %jit3A_610 : i32
        %rem3A_615 = arith.remsi %add3A_609, %select_n3A_614 : i32
        %ne3A_616 = arith.constant 0 : i32
        %ne3A_617 = arith.cmpi ne, %rem3A_615, %ne3A_616 : i32
        %lt3A_618 = arith.constant 0 : i32
        %lt3A_619 = arith.cmpi slt, %rem3A_615, %lt3A_618 : i32
        %lt3A_620 = arith.constant 0 : i32
        %lt3A_621 = arith.cmpi slt, %select_n3A_614, %lt3A_620 : i32
        %ne3A_622 = arith.xori %lt3A_619, %lt3A_621 : i1
        %and3A_623 = arith.andi %ne3A_622, %ne3A_617 : i1
        %add3A_624 = arith.addi %rem3A_615, %select_n3A_614 : i32
        %select_n3A_625 = arith.select %and3A_623, %add3A_624, %rem3A_615 : i32
        %mul3A_626 = arith.constant 512 : i32
        %mul3A_627 = arith.muli %select_n3A_625, %mul3A_626 : i32
        %parallel_loop3A_628 = arith.constant 0 : i32
        %parallel_loop3A_629 = arith.constant 32 : i32
        %parallel_loop3A_630 = arith.constant 1 : i32
        scf.for %parallel_loop3A_671 = %parallel_loop3A_628 to %parallel_loop3A_629 step %parallel_loop3A_630  : i32 {
          %parallel_loop3A_672 = arith.constant 16 : i32
          %parallel_loop3A_673 = arith.muli %parallel_loop3A_671, %parallel_loop3A_672 : i32
          %parallel_loop3A_674 = arith.addi %mul3A_627, %parallel_loop3A_673 : i32
          %parallel_loop3A_675 = arith.index_cast %parallel_loop3A_674 : i32 to index
          %parallel_loop3A_676 = tpu.vector_load %arg6[%parallel_loop3A_675] {strides = array<i32>} : memref<4096xf32, #tpu.memory_space<vmem>>, vector<16xf32>,
          %parallel_loop3A_677 = arith.index_cast %parallel_loop3A_674 : i32 to index
          %parallel_loop3A_678 = tpu.vector_load %arg7[%parallel_loop3A_677] {strides = array<i32>} : memref<4096xf32, #tpu.memory_space<vmem>>, vector<16xf32>,
          %parallel_loop3A_679 = arith.constant 1.023000e+03 : f32
          %parallel_loop3A_680 = vector.broadcast %parallel_loop3A_679 : f32 to vector<16xf32>
          %parallel_loop3A_681 = arith.mulf %parallel_loop3A_676, %parallel_loop3A_680 : vector<16xf32>
          %parallel_loop3A_682 = arith.constant 1.023000e+03 : f32
          %parallel_loop3A_683 = vector.broadcast %parallel_loop3A_682 : f32 to vector<16xf32>
          %parallel_loop3A_684 = arith.mulf %parallel_loop3A_678, %parallel_loop3A_683 : vector<16xf32>
          %parallel_loop3A_685 = arith.constant 0.000000e+00 : f32
          %parallel_loop3A_686 = vector.broadcast %parallel_loop3A_685 : f32 to vector<16xf32>
          %parallel_loop3A_687 = arith.maximumf %parallel_loop3A_681, %parallel_loop3A_686 : vector<16xf32>
          %parallel_loop3A_688 = arith.constant 1.023000e+03 : f32
          %parallel_loop3A_689 = vector.broadcast %parallel_loop3A_688 : f32 to vector<16xf32>
          %parallel_loop3A_690 = arith.minimumf %parallel_loop3A_687, %parallel_loop3A_689 : vector<16xf32>
          %parallel_loop3A_691 = arith.constant 0.000000e+00 : f32
          %parallel_loop3A_692 = vector.broadcast %parallel_loop3A_691 : f32 to vector<16xf32>
          %parallel_loop3A_693 = arith.maximumf %parallel_loop3A_684, %parallel_loop3A_692 : vector<16xf32>
          %parallel_loop3A_694 = arith.constant 1.023000e+03 : f32
          %parallel_loop3A_695 = vector.broadcast %parallel_loop3A_694 : f32 to vector<16xf32>
          %parallel_loop3A_696 = arith.minimumf %parallel_loop3A_693, %parallel_loop3A_695 : vector<16xf32>
          %parallel_loop3A_697 = arith.fptosi %parallel_loop3A_690 : vector<16xf32> to vector<16xi32>
          %parallel_loop3A_698 = arith.constant 1022 : i32
          %parallel_loop3A_699 = vector.broadcast %parallel_loop3A_698 : i32 to vector<16xi32>
          %parallel_loop3A_700 = arith.minsi %parallel_loop3A_697, %parallel_loop3A_699 : vector<16xi32>
          %parallel_loop3A_701 = arith.fptosi %parallel_loop3A_696 : vector<16xf32> to vector<16xi32>
          %parallel_loop3A_702 = arith.constant 1022 : i32
          %parallel_loop3A_703 = vector.broadcast %parallel_loop3A_702 : i32 to vector<16xi32>
          %parallel_loop3A_704 = arith.minsi %parallel_loop3A_701, %parallel_loop3A_703 : vector<16xi32>
          %parallel_loop3A_705 = arith.sitofp %parallel_loop3A_700 : vector<16xi32> to vector<16xf32>
          %parallel_loop3A_706 = arith.subf %parallel_loop3A_690, %parallel_loop3A_705 : vector<16xf32>
          %parallel_loop3A_707 = arith.sitofp %parallel_loop3A_704 : vector<16xi32> to vector<16xf32>
          %parallel_loop3A_708 = arith.subf %parallel_loop3A_696, %parallel_loop3A_707 : vector<16xf32>
          %parallel_loop3A_709 = arith.constant 1.000000e+00 : f32
          %parallel_loop3A_710 = vector.broadcast %parallel_loop3A_709 : f32 to vector<16xf32>
          %parallel_loop3A_711 = arith.subf %parallel_loop3A_710, %parallel_loop3A_706 : vector<16xf32>
          %parallel_loop3A_712 = arith.constant 1.000000e+00 : f32
          %parallel_loop3A_713 = vector.broadcast %parallel_loop3A_712 : f32 to vector<16xf32>
          %parallel_loop3A_714 = arith.subf %parallel_loop3A_713, %parallel_loop3A_708 : vector<16xf32>
          %parallel_loop3A_715 = arith.constant 1024 : i32
          %parallel_loop3A_716 = vector.broadcast %parallel_loop3A_715 : i32 to vector<16xi32>
          %parallel_loop3A_717 = arith.muli %parallel_loop3A_704, %parallel_loop3A_716 : vector<16xi32>
          %parallel_loop3A_718 = arith.addi %parallel_loop3A_717, %parallel_loop3A_700 : vector<16xi32>
          %parallel_loop3A_719 = arith.constant 32 : i32
          %parallel_loop3A_720 = arith.divsi %parallel_loop3A_671, %parallel_loop3A_719 : i32
          %parallel_loop3A_721 = arith.constant 0 : i32
          %parallel_loop3A_722 = arith.cmpi sgt, %parallel_loop3A_671, %parallel_loop3A_721 : i32
          %parallel_loop3A_723 = arith.extui %parallel_loop3A_722 : i1 to i32
          %parallel_loop3A_724 = arith.constant 0 : i32
          %parallel_loop3A_725 = arith.cmpi slt, %parallel_loop3A_671, %parallel_loop3A_724 : i32
          %parallel_loop3A_726 = arith.extui %parallel_loop3A_725 : i1 to i32
          %parallel_loop3A_727 = arith.subi %parallel_loop3A_723, %parallel_loop3A_726 : i32
          %parallel_loop3A_728 = arith.constant 0 : i32
          %parallel_loop3A_729 = arith.cmpi sgt, %parallel_loop3A_719, %parallel_loop3A_728 : i32
          %parallel_loop3A_730 = arith.extui %parallel_loop3A_729 : i1 to i32
          %parallel_loop3A_731 = arith.constant 0 : i32
          %parallel_loop3A_732 = arith.cmpi slt, %parallel_loop3A_719, %parallel_loop3A_731 : i32
          %parallel_loop3A_733 = arith.extui %parallel_loop3A_732 : i1 to i32
          %parallel_loop3A_734 = arith.subi %parallel_loop3A_730, %parallel_loop3A_733 : i32
          %parallel_loop3A_735 = arith.cmpi ne, %parallel_loop3A_727, %parallel_loop3A_734 : i32
          %parallel_loop3A_736 = arith.remsi %parallel_loop3A_671, %parallel_loop3A_719 : i32
          %parallel_loop3A_737 = arith.constant 0 : i32
          %parallel_loop3A_738 = arith.cmpi ne, %parallel_loop3A_736, %parallel_loop3A_737 : i32
          %parallel_loop3A_739 = arith.andi %parallel_loop3A_735, %parallel_loop3A_738 : i1
          %parallel_loop3A_740 = arith.constant 1 : i32
          %parallel_loop3A_741 = arith.subi %parallel_loop3A_720, %parallel_loop3A_740 : i32
          %parallel_loop3A_742 = arith.select %parallel_loop3A_739, %parallel_loop3A_741, %parallel_loop3A_720 : i32
          %parallel_loop3A_743 = arith.constant 32 : i32
          %parallel_loop3A_744 = arith.constant 0 : i32
          %parallel_loop3A_745 = arith.cmpi eq, %parallel_loop3A_743, %parallel_loop3A_744 : i32
          %parallel_loop3A_746 = arith.constant 1 : i32
          %parallel_loop3A_747 = arith.select %parallel_loop3A_745, %parallel_loop3A_746, %parallel_loop3A_743 : i32
          %parallel_loop3A_748 = arith.remsi %parallel_loop3A_671, %parallel_loop3A_747 : i32
          %parallel_loop3A_749 = arith.constant 0 : i32
          %parallel_loop3A_750 = arith.cmpi ne, %parallel_loop3A_748, %parallel_loop3A_749 : i32
          %parallel_loop3A_751 = arith.constant 0 : i32
          %parallel_loop3A_752 = arith.cmpi slt, %parallel_loop3A_748, %parallel_loop3A_751 : i32
          %parallel_loop3A_753 = arith.constant 0 : i32
          %parallel_loop3A_754 = arith.cmpi slt, %parallel_loop3A_747, %parallel_loop3A_753 : i32
          %parallel_loop3A_755 = arith.xori %parallel_loop3A_752, %parallel_loop3A_754 : i1
          %parallel_loop3A_756 = arith.andi %parallel_loop3A_755, %parallel_loop3A_750 : i1
          %parallel_loop3A_757 = arith.addi %parallel_loop3A_748, %parallel_loop3A_747 : i32
          %parallel_loop3A_758 = arith.select %parallel_loop3A_756, %parallel_loop3A_757, %parallel_loop3A_748 : i32
          %parallel_loop3A_759 = arith.constant 16 : i32
          %parallel_loop3A_760 = arith.muli %parallel_loop3A_758, %parallel_loop3A_759 : i32
          %parallel_loop3A_761 = arith.index_cast %parallel_loop3A_742 : i32 to index
          %parallel_loop3A_762 = arith.index_cast %parallel_loop3A_760 : i32 to index
          %parallel_loop3A_763 = tpu.vector_load %arg8[%parallel_loop3A_761, %parallel_loop3A_762] {strides = array<i32>} : memref<1x512xi32, #tpu.memory_space<vmem>>, vector<16xi32>,
          tpu.vector_store %arg8[%parallel_loop3A_761, %parallel_loop3A_762], %parallel_loop3A_718 {strides = array<i32>} : memref<1x512xi32, #tpu.memory_space<vmem>>, vector<16xi32>,
          %parallel_loop3A_764 = arith.constant 1 : i32
          %parallel_loop3A_765 = vector.broadcast %parallel_loop3A_764 : i32 to vector<16xi32>
          %parallel_loop3A_766 = arith.addi %parallel_loop3A_718, %parallel_loop3A_765 : vector<16xi32>
          %parallel_loop3A_767 = arith.index_cast %parallel_loop3A_742 : i32 to index
          %parallel_loop3A_768 = arith.index_cast %parallel_loop3A_760 : i32 to index
          %parallel_loop3A_769 = tpu.vector_load %arg9[%parallel_loop3A_767, %parallel_loop3A_768] {strides = array<i32>} : memref<1x512xi32, #tpu.memory_space<vmem>>, vector<16xi32>,
          tpu.vector_store %arg9[%parallel_loop3A_767, %parallel_loop3A_768], %parallel_loop3A_766 {strides = array<i32>} : memref<1x512xi32, #tpu.memory_space<vmem>>, vector<16xi32>,
          %parallel_loop3A_770 = arith.constant 1024 : i32
          %parallel_loop3A_771 = vector.broadcast %parallel_loop3A_770 : i32 to vector<16xi32>
          %parallel_loop3A_772 = arith.addi %parallel_loop3A_718, %parallel_loop3A_771 : vector<16xi32>
          %parallel_loop3A_773 = arith.index_cast %parallel_loop3A_742 : i32 to index
          %parallel_loop3A_774 = arith.index_cast %parallel_loop3A_760 : i32 to index
          %parallel_loop3A_775 = tpu.vector_load %arg10[%parallel_loop3A_773, %parallel_loop3A_774] {strides = array<i32>} : memref<1x512xi32, #tpu.memory_space<vmem>>, vector<16xi32>,
          tpu.vector_store %arg10[%parallel_loop3A_773, %parallel_loop3A_774], %parallel_loop3A_772 {strides = array<i32>} : memref<1x512xi32, #tpu.memory_space<vmem>>, vector<16xi32>,
          %parallel_loop3A_776 = arith.constant 1025 : i32
          %parallel_loop3A_777 = vector.broadcast %parallel_loop3A_776 : i32 to vector<16xi32>
          %parallel_loop3A_778 = arith.addi %parallel_loop3A_718, %parallel_loop3A_777 : vector<16xi32>
          %parallel_loop3A_779 = arith.index_cast %parallel_loop3A_742 : i32 to index
          %parallel_loop3A_780 = arith.index_cast %parallel_loop3A_760 : i32 to index
          %parallel_loop3A_781 = tpu.vector_load %arg11[%parallel_loop3A_779, %parallel_loop3A_780] {strides = array<i32>} : memref<1x512xi32, #tpu.memory_space<vmem>>, vector<16xi32>,
          tpu.vector_store %arg11[%parallel_loop3A_779, %parallel_loop3A_780], %parallel_loop3A_778 {strides = array<i32>} : memref<1x512xi32, #tpu.memory_space<vmem>>, vector<16xi32>,
          %parallel_loop3A_782 = arith.constant 16 : i32
          %parallel_loop3A_783 = arith.muli %parallel_loop3A_671, %parallel_loop3A_782 : i32
          %parallel_loop3A_784 = arith.mulf %parallel_loop3A_714, %parallel_loop3A_711 : vector<16xf32>
          %parallel_loop3A_785 = arith.index_cast %parallel_loop3A_783 : i32 to index
          %parallel_loop3A_786 = tpu.vector_load %arg16[%parallel_loop3A_785] {strides = array<i32>} : memref<512xf32, #tpu.memory_space<vmem>>, vector<16xf32>,
          tpu.vector_store %arg16[%parallel_loop3A_785], %parallel_loop3A_784 {strides = array<i32>} : memref<512xf32, #tpu.memory_space<vmem>>, vector<16xf32>,
          %parallel_loop3A_787 = arith.mulf %parallel_loop3A_714, %parallel_loop3A_706 : vector<16xf32>
          %parallel_loop3A_788 = arith.index_cast %parallel_loop3A_783 : i32 to index
          %parallel_loop3A_789 = tpu.vector_load %arg17[%parallel_loop3A_788] {strides = array<i32>} : memref<512xf32, #tpu.memory_space<vmem>>, vector<16xf32>,
          tpu.vector_store %arg17[%parallel_loop3A_788], %parallel_loop3A_787 {strides = array<i32>} : memref<512xf32, #tpu.memory_space<vmem>>, vector<16xf32>,
          %parallel_loop3A_790 = arith.mulf %parallel_loop3A_708, %parallel_loop3A_711 : vector<16xf32>
          %parallel_loop3A_791 = arith.index_cast %parallel_loop3A_783 : i32 to index
          %parallel_loop3A_792 = tpu.vector_load %arg18[%parallel_loop3A_791] {strides = array<i32>} : memref<512xf32, #tpu.memory_space<vmem>>, vector<16xf32>,
          tpu.vector_store %arg18[%parallel_loop3A_791], %parallel_loop3A_790 {strides = array<i32>} : memref<512xf32, #tpu.memory_space<vmem>>, vector<16xf32>,
          %parallel_loop3A_793 = arith.mulf %parallel_loop3A_708, %parallel_loop3A_706 : vector<16xf32>
          %parallel_loop3A_794 = arith.index_cast %parallel_loop3A_783 : i32 to index
          %parallel_loop3A_795 = tpu.vector_load %arg19[%parallel_loop3A_794] {strides = array<i32>} : memref<512xf32, #tpu.memory_space<vmem>>, vector<16xf32>,
          tpu.vector_store %arg19[%parallel_loop3A_794], %parallel_loop3A_793 {strides = array<i32>} : memref<512xf32, #tpu.memory_space<vmem>>, vector<16xf32>,
        } {sc.loop_unroll_factor = 2 : i64, sc.parallel_access}
        %dma_start3A_631 = arith.constant 0 : i32
        %dma_start3A_632 = arith.constant 0 : i32
        %dma_start3A_633 = arith.constant 0 : i32
        %dma_start3A_634 = tpu.memref_slice %arg24[%dma_start3A_632, %dma_start3A_633] : memref<512x16xf32, #tpu.memory_space<vmem>> -> memref<512x16xf32, #tpu.memory_space<vmem>>
        %dma_start3A_635 = arith.constant 0 : i32
        %dma_start3A_636 = tpu.memref_slice %arg8[%dma_start3A_631, %dma_start3A_635] : memref<1x512xi32, #tpu.memory_space<vmem>> -> memref<1x512xi32, #tpu.memory_space<vmem>>
        %dma_start3A_637 = tpu.memref_squeeze %dma_start3A_636 : memref<1x512xi32, #tpu.memory_space<vmem>> -> memref<512xi32, #tpu.memory_space<vmem>>
        %dma_start3A_638 = arith.constant 0 : i32
        %dma_start3A_639 = arith.constant 0 : i32
        %dma_start3A_640 = tpu.memref_slice %arg4[%dma_start3A_638, %dma_start3A_639] : memref<1048576x16xf32, #tpu.memory_space<hbm>> -> memref<1048576x16xf32, #tpu.memory_space<hbm>>
        tpu.enqueue_indirect_dma source(%dma_start3A_640 : memref<1048576x16xf32, #tpu.memory_space<hbm>>) target(%dma_start3A_634 : memref<512x16xf32, #tpu.memory_space<vmem>>) offsets(%dma_start3A_637 : memref<512xi32, #tpu.memory_space<vmem>>) semaphore(%arg34 : memref<!tpu.dma_semaphore, #tpu.memory_space<semaphore_mem>>)
        %dma_start3A_641 = arith.constant 0 : i32
        %dma_start3A_642 = arith.constant 0 : i32
        %dma_start3A_643 = arith.constant 0 : i32
        %dma_start3A_644 = tpu.memref_slice %arg25[%dma_start3A_642, %dma_start3A_643] : memref<512x16xf32, #tpu.memory_space<vmem>> -> memref<512x16xf32, #tpu.memory_space<vmem>>
        %dma_start3A_645 = arith.constant 0 : i32
        %dma_start3A_646 = tpu.memref_slice %arg9[%dma_start3A_641, %dma_start3A_645] : memref<1x512xi32, #tpu.memory_space<vmem>> -> memref<1x512xi32, #tpu.memory_space<vmem>>
        %dma_start3A_647 = tpu.memref_squeeze %dma_start3A_646 : memref<1x512xi32, #tpu.memory_space<vmem>> -> memref<512xi32, #tpu.memory_space<vmem>>
        %dma_start3A_648 = arith.constant 0 : i32
        %dma_start3A_649 = arith.constant 0 : i32
        %dma_start3A_650 = tpu.memref_slice %arg4[%dma_start3A_648, %dma_start3A_649] : memref<1048576x16xf32, #tpu.memory_space<hbm>> -> memref<1048576x16xf32, #tpu.memory_space<hbm>>
        tpu.enqueue_indirect_dma source(%dma_start3A_650 : memref<1048576x16xf32, #tpu.memory_space<hbm>>) target(%dma_start3A_644 : memref<512x16xf32, #tpu.memory_space<vmem>>) offsets(%dma_start3A_647 : memref<512xi32, #tpu.memory_space<vmem>>) semaphore(%arg34 : memref<!tpu.dma_semaphore, #tpu.memory_space<semaphore_mem>>)
        %dma_start3A_651 = arith.constant 0 : i32
        %dma_start3A_652 = arith.constant 0 : i32
        %dma_start3A_653 = arith.constant 0 : i32
        %dma_start3A_654 = tpu.memref_slice %arg26[%dma_start3A_652, %dma_start3A_653] : memref<512x16xf32, #tpu.memory_space<vmem>> -> memref<512x16xf32, #tpu.memory_space<vmem>>
        %dma_start3A_655 = arith.constant 0 : i32
        %dma_start3A_656 = tpu.memref_slice %arg10[%dma_start3A_651, %dma_start3A_655] : memref<1x512xi32, #tpu.memory_space<vmem>> -> memref<1x512xi32, #tpu.memory_space<vmem>>
        %dma_start3A_657 = tpu.memref_squeeze %dma_start3A_656 : memref<1x512xi32, #tpu.memory_space<vmem>> -> memref<512xi32, #tpu.memory_space<vmem>>
        %dma_start3A_658 = arith.constant 0 : i32
        %dma_start3A_659 = arith.constant 0 : i32
        %dma_start3A_660 = tpu.memref_slice %arg4[%dma_start3A_658, %dma_start3A_659] : memref<1048576x16xf32, #tpu.memory_space<hbm>> -> memref<1048576x16xf32, #tpu.memory_space<hbm>>
        tpu.enqueue_indirect_dma source(%dma_start3A_660 : memref<1048576x16xf32, #tpu.memory_space<hbm>>) target(%dma_start3A_654 : memref<512x16xf32, #tpu.memory_space<vmem>>) offsets(%dma_start3A_657 : memref<512xi32, #tpu.memory_space<vmem>>) semaphore(%arg34 : memref<!tpu.dma_semaphore, #tpu.memory_space<semaphore_mem>>)
        %dma_start3A_661 = arith.constant 0 : i32
        %dma_start3A_662 = arith.constant 0 : i32
        %dma_start3A_663 = arith.constant 0 : i32
        %dma_start3A_664 = tpu.memref_slice %arg27[%dma_start3A_662, %dma_start3A_663] : memref<512x16xf32, #tpu.memory_space<vmem>> -> memref<512x16xf32, #tpu.memory_space<vmem>>
        %dma_start3A_665 = arith.constant 0 : i32
        %dma_start3A_666 = tpu.memref_slice %arg11[%dma_start3A_661, %dma_start3A_665] : memref<1x512xi32, #tpu.memory_space<vmem>> -> memref<1x512xi32, #tpu.memory_space<vmem>>
        %dma_start3A_667 = tpu.memref_squeeze %dma_start3A_666 : memref<1x512xi32, #tpu.memory_space<vmem>> -> memref<512xi32, #tpu.memory_space<vmem>>
        %dma_start3A_668 = arith.constant 0 : i32
        %dma_start3A_669 = arith.constant 0 : i32
        %dma_start3A_670 = tpu.memref_slice %arg4[%dma_start3A_668, %dma_start3A_669] : memref<1048576x16xf32, #tpu.memory_space<hbm>> -> memref<1048576x16xf32, #tpu.memory_space<hbm>>
        tpu.enqueue_indirect_dma source(%dma_start3A_670 : memref<1048576x16xf32, #tpu.memory_space<hbm>>) target(%dma_start3A_664 : memref<512x16xf32, #tpu.memory_space<vmem>>) offsets(%dma_start3A_667 : memref<512xi32, #tpu.memory_space<vmem>>) semaphore(%arg34 : memref<!tpu.dma_semaphore, #tpu.memory_space<semaphore_mem>>)
      } else {
      }
      %mul3A_461 = arith.constant 2 : i32
      %mul3A_462 = arith.muli %mul3A_461, %scan3A_226 : i32
      %add3A_463 = arith.constant 1 : i32
      %add3A_464 = arith.addi %mul3A_462, %add3A_463 : i32
      %ge3A_465 = arith.constant 1 : i32
      %ge3A_466 = arith.cmpi sge, %scan3A_226, %ge3A_465 : i32
      %dma_wait3A_467 = arith.constant 0 : i32
      %dma_wait3A_468 = arith.constant 0 : i32
      %dma_wait3A_469 = arith.constant 0 : i32
      %dma_wait3A_470 = tpu.memref_slice %arg28[%dma_wait3A_468, %dma_wait3A_469] : memref<512x16xf32, #tpu.memory_space<vmem>> -> memref<512x16xf32, #tpu.memory_space<vmem>>
      %dma_wait3A_471 = arith.constant 0 : i32
      %dma_wait3A_472 = tpu.memref_slice %arg12[%dma_wait3A_467, %dma_wait3A_471] : memref<1x512xi32, #tpu.memory_space<vmem>> -> memref<1x512xi32, #tpu.memory_space<vmem>>
      %dma_wait3A_473 = tpu.memref_squeeze %dma_wait3A_472 : memref<1x512xi32, #tpu.memory_space<vmem>> -> memref<512xi32, #tpu.memory_space<vmem>>
      %dma_wait3A_474 = arith.constant 0 : i32
      %dma_wait3A_475 = arith.constant 0 : i32
      %dma_wait3A_476 = tpu.memref_slice %arg4[%dma_wait3A_474, %dma_wait3A_475] : memref<1048576x16xf32, #tpu.memory_space<hbm>> -> memref<1048576x16xf32, #tpu.memory_space<hbm>>
      tpu.wait_indirect_dma semaphore(%arg35 : memref<!tpu.dma_semaphore, #tpu.memory_space<semaphore_mem>>) src(%dma_wait3A_476 : memref<1048576x16xf32, #tpu.memory_space<hbm>>) dst(%dma_wait3A_470 : memref<512x16xf32, #tpu.memory_space<vmem>>)
      %dma_wait3A_477 = arith.constant 0 : i32
      %dma_wait3A_478 = arith.constant 0 : i32
      %dma_wait3A_479 = arith.constant 0 : i32
      %dma_wait3A_480 = tpu.memref_slice %arg29[%dma_wait3A_478, %dma_wait3A_479] : memref<512x16xf32, #tpu.memory_space<vmem>> -> memref<512x16xf32, #tpu.memory_space<vmem>>
      %dma_wait3A_481 = arith.constant 0 : i32
      %dma_wait3A_482 = tpu.memref_slice %arg13[%dma_wait3A_477, %dma_wait3A_481] : memref<1x512xi32, #tpu.memory_space<vmem>> -> memref<1x512xi32, #tpu.memory_space<vmem>>
      %dma_wait3A_483 = tpu.memref_squeeze %dma_wait3A_482 : memref<1x512xi32, #tpu.memory_space<vmem>> -> memref<512xi32, #tpu.memory_space<vmem>>
      %dma_wait3A_484 = arith.constant 0 : i32
      %dma_wait3A_485 = arith.constant 0 : i32
      %dma_wait3A_486 = tpu.memref_slice %arg4[%dma_wait3A_484, %dma_wait3A_485] : memref<1048576x16xf32, #tpu.memory_space<hbm>> -> memref<1048576x16xf32, #tpu.memory_space<hbm>>
      tpu.wait_indirect_dma semaphore(%arg35 : memref<!tpu.dma_semaphore, #tpu.memory_space<semaphore_mem>>) src(%dma_wait3A_486 : memref<1048576x16xf32, #tpu.memory_space<hbm>>) dst(%dma_wait3A_480 : memref<512x16xf32, #tpu.memory_space<vmem>>)
      %dma_wait3A_487 = arith.constant 0 : i32
      %dma_wait3A_488 = arith.constant 0 : i32
      %dma_wait3A_489 = arith.constant 0 : i32
      %dma_wait3A_490 = tpu.memref_slice %arg30[%dma_wait3A_488, %dma_wait3A_489] : memref<512x16xf32, #tpu.memory_space<vmem>> -> memref<512x16xf32, #tpu.memory_space<vmem>>
      %dma_wait3A_491 = arith.constant 0 : i32
      %dma_wait3A_492 = tpu.memref_slice %arg14[%dma_wait3A_487, %dma_wait3A_491] : memref<1x512xi32, #tpu.memory_space<vmem>> -> memref<1x512xi32, #tpu.memory_space<vmem>>
      %dma_wait3A_493 = tpu.memref_squeeze %dma_wait3A_492 : memref<1x512xi32, #tpu.memory_space<vmem>> -> memref<512xi32, #tpu.memory_space<vmem>>
      %dma_wait3A_494 = arith.constant 0 : i32
      %dma_wait3A_495 = arith.constant 0 : i32
      %dma_wait3A_496 = tpu.memref_slice %arg4[%dma_wait3A_494, %dma_wait3A_495] : memref<1048576x16xf32, #tpu.memory_space<hbm>> -> memref<1048576x16xf32, #tpu.memory_space<hbm>>
      tpu.wait_indirect_dma semaphore(%arg35 : memref<!tpu.dma_semaphore, #tpu.memory_space<semaphore_mem>>) src(%dma_wait3A_496 : memref<1048576x16xf32, #tpu.memory_space<hbm>>) dst(%dma_wait3A_490 : memref<512x16xf32, #tpu.memory_space<vmem>>)
      %dma_wait3A_497 = arith.constant 0 : i32
      %dma_wait3A_498 = arith.constant 0 : i32
      %dma_wait3A_499 = arith.constant 0 : i32
      %dma_wait3A_500 = tpu.memref_slice %arg31[%dma_wait3A_498, %dma_wait3A_499] : memref<512x16xf32, #tpu.memory_space<vmem>> -> memref<512x16xf32, #tpu.memory_space<vmem>>
      %dma_wait3A_501 = arith.constant 0 : i32
      %dma_wait3A_502 = tpu.memref_slice %arg15[%dma_wait3A_497, %dma_wait3A_501] : memref<1x512xi32, #tpu.memory_space<vmem>> -> memref<1x512xi32, #tpu.memory_space<vmem>>
      %dma_wait3A_503 = tpu.memref_squeeze %dma_wait3A_502 : memref<1x512xi32, #tpu.memory_space<vmem>> -> memref<512xi32, #tpu.memory_space<vmem>>
      %dma_wait3A_504 = arith.constant 0 : i32
      %dma_wait3A_505 = arith.constant 0 : i32
      %dma_wait3A_506 = tpu.memref_slice %arg4[%dma_wait3A_504, %dma_wait3A_505] : memref<1048576x16xf32, #tpu.memory_space<hbm>> -> memref<1048576x16xf32, #tpu.memory_space<hbm>>
      tpu.wait_indirect_dma semaphore(%arg35 : memref<!tpu.dma_semaphore, #tpu.memory_space<semaphore_mem>>) src(%dma_wait3A_506 : memref<1048576x16xf32, #tpu.memory_space<hbm>>) dst(%dma_wait3A_500 : memref<512x16xf32, #tpu.memory_space<vmem>>)
      %convert_element_type3A_507 = arith.extui %ge3A_466 : i1 to i32
      %cond3A_508 = arith.constant 0 : i32
      %cond3A_509 = arith.cmpi ne, %convert_element_type3A_507, %cond3A_508 : i32
      scf.if %cond3A_509 {
        %sub3A_606 = arith.constant 2 : i32
        %sub3A_607 = arith.subi %add3A_464, %sub3A_606 : i32
        %mul3A_608 = arith.constant 32768 : i32
        %mul3A_609 = arith.muli %add3A, %mul3A_608 : i32
        %mul3A_610 = arith.constant 512 : i32
        %mul3A_611 = arith.muli %sub3A_607, %mul3A_610 : i32
        %add3A_612 = arith.addi %mul3A_609, %mul3A_611 : i32
        %jit3A_613 = arith.constant 128 : i32
        %div3A_614 = arith.divsi %add3A_612, %jit3A_613 : i32
        %sign3A_615 = arith.constant 0 : i32
        %sign3A_616 = arith.cmpi sgt, %add3A_612, %sign3A_615 : i32
        %sign3A_617 = arith.extui %sign3A_616 : i1 to i32
        %sign3A_618 = arith.constant 0 : i32
        %sign3A_619 = arith.cmpi slt, %add3A_612, %sign3A_618 : i32
        %sign3A_620 = arith.extui %sign3A_619 : i1 to i32
        %sign3A_621 = arith.subi %sign3A_617, %sign3A_620 : i32
        %sign3A_622 = arith.constant 0 : i32
        %sign3A_623 = arith.cmpi sgt, %jit3A_613, %sign3A_622 : i32
        %sign3A_624 = arith.extui %sign3A_623 : i1 to i32
        %sign3A_625 = arith.constant 0 : i32
        %sign3A_626 = arith.cmpi slt, %jit3A_613, %sign3A_625 : i32
        %sign3A_627 = arith.extui %sign3A_626 : i1 to i32
        %sign3A_628 = arith.subi %sign3A_624, %sign3A_627 : i32
        %ne3A_629 = arith.cmpi ne, %sign3A_621, %sign3A_628 : i32
        %rem3A_630 = arith.remsi %add3A_612, %jit3A_613 : i32
        %ne3A_631 = arith.constant 0 : i32
        %ne3A_632 = arith.cmpi ne, %rem3A_630, %ne3A_631 : i32
        %and3A_633 = arith.andi %ne3A_629, %ne3A_632 : i1
        %sub3A_634 = arith.constant 1 : i32
        %sub3A_635 = arith.subi %div3A_614, %sub3A_634 : i32
        %select_n3A_636 = arith.select %and3A_633, %sub3A_635, %div3A_614 : i32
        %dma_wait3A_637 = arith.constant 0 : i32
        %dma_wait3A_638 = arith.constant 0 : i32
        %dma_wait3A_639 = arith.constant 0 : i32
        %dma_wait3A_640 = arith.constant 0 : i32
        %dma_wait3A_641 = arith.constant 0 : i32
        %dma_wait3A_642 = tpu.memref_slice %arg33[%dma_wait3A_637, %dma_wait3A_639, %dma_wait3A_640, %dma_wait3A_641] : memref<2x4x8x128xf32, #tpu.memory_space<vmem>> -> memref<1x4x8x128xf32, #tpu.memory_space<vmem>>
        %dma_wait3A_643 = tpu.memref_squeeze %dma_wait3A_642 : memref<1x4x8x128xf32, #tpu.memory_space<vmem>> -> memref<4x8x128xf32, #tpu.memory_space<vmem>>
        %dma_wait3A_644 = arith.constant 0 : i32
        %dma_wait3A_645 = arith.constant 0 : i32
        %dma_wait3A_646 = tpu.memref_slice %arg5[%dma_wait3A_638, %select_n3A_636, %dma_wait3A_644, %dma_wait3A_645] : memref<2x8192x8x128xf32, #tpu.memory_space<hbm>> -> memref<1x4x8x128xf32, #tpu.memory_space<hbm>>
        %dma_wait3A_647 = tpu.memref_squeeze %dma_wait3A_646 : memref<1x4x8x128xf32, #tpu.memory_space<hbm>> -> memref<4x8x128xf32, #tpu.memory_space<hbm>>
        %dma_wait3A_648 = arith.constant 0 : i32
        %dma_wait3A_649 = arith.constant 0 : i32
        %dma_wait3A_650 = tpu.memref_slice %arg5[%dma_wait3A_638, %select_n3A_636, %dma_wait3A_648, %dma_wait3A_649] : memref<2x8192x8x128xf32, #tpu.memory_space<hbm>> -> memref<1x4x8x128xf32, #tpu.memory_space<hbm>>
        %dma_wait3A_651 = tpu.memref_squeeze %dma_wait3A_650 : memref<1x4x8x128xf32, #tpu.memory_space<hbm>> -> memref<4x8x128xf32, #tpu.memory_space<hbm>>
        %dma_wait3A_652 = arith.constant 0 : i32
        %dma_wait3A_653 = arith.constant 0 : i32
        %dma_wait3A_654 = arith.constant 0 : i32
        %dma_wait3A_655 = tpu.memref_slice %arg33[%dma_wait3A_637, %dma_wait3A_652, %dma_wait3A_653, %dma_wait3A_654] : memref<2x4x8x128xf32, #tpu.memory_space<vmem>> -> memref<1x4x8x128xf32, #tpu.memory_space<vmem>>
        %dma_wait3A_656 = tpu.memref_squeeze %dma_wait3A_655 : memref<1x4x8x128xf32, #tpu.memory_space<vmem>> -> memref<4x8x128xf32, #tpu.memory_space<vmem>>
        tpu.wait_dma2 semaphore(%arg36 : memref<!tpu.dma_semaphore, #tpu.memory_space<semaphore_mem>>) src(%dma_wait3A_656 : memref<4x8x128xf32, #tpu.memory_space<vmem>>) dst(%dma_wait3A_651 : memref<4x8x128xf32, #tpu.memory_space<hbm>>)
        %jit3A_657 = arith.constant 128 : i32
        %div3A_658 = arith.divsi %add3A_612, %jit3A_657 : i32
        %sign3A_659 = arith.constant 0 : i32
        %sign3A_660 = arith.cmpi sgt, %add3A_612, %sign3A_659 : i32
        %sign3A_661 = arith.extui %sign3A_660 : i1 to i32
        %sign3A_662 = arith.constant 0 : i32
        %sign3A_663 = arith.cmpi slt, %add3A_612, %sign3A_662 : i32
        %sign3A_664 = arith.extui %sign3A_663 : i1 to i32
        %sign3A_665 = arith.subi %sign3A_661, %sign3A_664 : i32
        %sign3A_666 = arith.constant 0 : i32
        %sign3A_667 = arith.cmpi sgt, %jit3A_657, %sign3A_666 : i32
        %sign3A_668 = arith.extui %sign3A_667 : i1 to i32
        %sign3A_669 = arith.constant 0 : i32
        %sign3A_670 = arith.cmpi slt, %jit3A_657, %sign3A_669 : i32
        %sign3A_671 = arith.extui %sign3A_670 : i1 to i32
        %sign3A_672 = arith.subi %sign3A_668, %sign3A_671 : i32
        %ne3A_673 = arith.cmpi ne, %sign3A_665, %sign3A_672 : i32
        %rem3A_674 = arith.remsi %add3A_612, %jit3A_657 : i32
        %ne3A_675 = arith.constant 0 : i32
        %ne3A_676 = arith.cmpi ne, %rem3A_674, %ne3A_675 : i32
        %and3A_677 = arith.andi %ne3A_673, %ne3A_676 : i1
        %sub3A_678 = arith.constant 1 : i32
        %sub3A_679 = arith.subi %div3A_658, %sub3A_678 : i32
        %select_n3A_680 = arith.select %and3A_677, %sub3A_679, %div3A_658 : i32
        %dma_wait3A_681 = arith.constant 1 : i32
        %dma_wait3A_682 = arith.constant 1 : i32
        %dma_wait3A_683 = arith.constant 0 : i32
        %dma_wait3A_684 = arith.constant 0 : i32
        %dma_wait3A_685 = arith.constant 0 : i32
        %dma_wait3A_686 = tpu.memref_slice %arg33[%dma_wait3A_681, %dma_wait3A_683, %dma_wait3A_684, %dma_wait3A_685] : memref<2x4x8x128xf32, #tpu.memory_space<vmem>> -> memref<1x4x8x128xf32, #tpu.memory_space<vmem>>
        %dma_wait3A_687 = tpu.memref_squeeze %dma_wait3A_686 : memref<1x4x8x128xf32, #tpu.memory_space<vmem>> -> memref<4x8x128xf32, #tpu.memory_space<vmem>>
        %dma_wait3A_688 = arith.constant 0 : i32
        %dma_wait3A_689 = arith.constant 0 : i32
        %dma_wait3A_690 = tpu.memref_slice %arg5[%dma_wait3A_682, %select_n3A_680, %dma_wait3A_688, %dma_wait3A_689] : memref<2x8192x8x128xf32, #tpu.memory_space<hbm>> -> memref<1x4x8x128xf32, #tpu.memory_space<hbm>>
        %dma_wait3A_691 = tpu.memref_squeeze %dma_wait3A_690 : memref<1x4x8x128xf32, #tpu.memory_space<hbm>> -> memref<4x8x128xf32, #tpu.memory_space<hbm>>
        %dma_wait3A_692 = arith.constant 0 : i32
        %dma_wait3A_693 = arith.constant 0 : i32
        %dma_wait3A_694 = tpu.memref_slice %arg5[%dma_wait3A_682, %select_n3A_680, %dma_wait3A_692, %dma_wait3A_693] : memref<2x8192x8x128xf32, #tpu.memory_space<hbm>> -> memref<1x4x8x128xf32, #tpu.memory_space<hbm>>
        %dma_wait3A_695 = tpu.memref_squeeze %dma_wait3A_694 : memref<1x4x8x128xf32, #tpu.memory_space<hbm>> -> memref<4x8x128xf32, #tpu.memory_space<hbm>>
        %dma_wait3A_696 = arith.constant 0 : i32
        %dma_wait3A_697 = arith.constant 0 : i32
        %dma_wait3A_698 = arith.constant 0 : i32
        %dma_wait3A_699 = tpu.memref_slice %arg33[%dma_wait3A_681, %dma_wait3A_696, %dma_wait3A_697, %dma_wait3A_698] : memref<2x4x8x128xf32, #tpu.memory_space<vmem>> -> memref<1x4x8x128xf32, #tpu.memory_space<vmem>>
        %dma_wait3A_700 = tpu.memref_squeeze %dma_wait3A_699 : memref<1x4x8x128xf32, #tpu.memory_space<vmem>> -> memref<4x8x128xf32, #tpu.memory_space<vmem>>
        tpu.wait_dma2 semaphore(%arg36 : memref<!tpu.dma_semaphore, #tpu.memory_space<semaphore_mem>>) src(%dma_wait3A_700 : memref<4x8x128xf32, #tpu.memory_space<vmem>>) dst(%dma_wait3A_695 : memref<4x8x128xf32, #tpu.memory_space<hbm>>)
      } else {
      }
      %parallel_loop3A_510 = arith.constant 0 : i32
      %parallel_loop3A_511 = arith.constant 32 : i32
      %parallel_loop3A_512 = arith.constant 1 : i32
      scf.for %parallel_loop3A_606 = %parallel_loop3A_510 to %parallel_loop3A_511 step %parallel_loop3A_512  : i32 {
        %parallel_loop3A_607 = arith.constant 16 : i32
        %parallel_loop3A_608 = arith.muli %parallel_loop3A_606, %parallel_loop3A_607 : i32
        %parallel_loop3A_609 = vector.broadcast %parallel_loop3A_608 : i32 to vector<16xi32>
        %parallel_loop3A_610 = arith.addi %parallel_loop3A_609, %iota3A : vector<16xi32>
        %parallel_loop3A_611 = arith.constant 16 : i32
        %parallel_loop3A_612 = arith.muli %parallel_loop3A_606, %parallel_loop3A_611 : i32
        %parallel_loop3A_613 = arith.index_cast %parallel_loop3A_612 : i32 to index
        %parallel_loop3A_614 = tpu.vector_load %arg20[%parallel_loop3A_613] {strides = array<i32>} : memref<512xf32, #tpu.memory_space<vmem>>, vector<16xf32>,
        %parallel_loop3A_615 = arith.index_cast %parallel_loop3A_612 : i32 to index
        %parallel_loop3A_616 = tpu.vector_load %arg21[%parallel_loop3A_615] {strides = array<i32>} : memref<512xf32, #tpu.memory_space<vmem>>, vector<16xf32>,
        %parallel_loop3A_617 = arith.index_cast %parallel_loop3A_612 : i32 to index
        %parallel_loop3A_618 = tpu.vector_load %arg22[%parallel_loop3A_617] {strides = array<i32>} : memref<512xf32, #tpu.memory_space<vmem>>, vector<16xf32>,
        %parallel_loop3A_619 = arith.index_cast %parallel_loop3A_612 : i32 to index
        %parallel_loop3A_620 = tpu.vector_load %arg23[%parallel_loop3A_619] {strides = array<i32>} : memref<512xf32, #tpu.memory_space<vmem>>, vector<16xf32>,
        %parallel_loop3A_621 = arith.constant 8 : i32
        %parallel_loop3A_622 = arith.divsi %parallel_loop3A_606, %parallel_loop3A_621 : i32
        %parallel_loop3A_623 = arith.constant 0 : i32
        %parallel_loop3A_624 = arith.cmpi sgt, %parallel_loop3A_606, %parallel_loop3A_623 : i32
        %parallel_loop3A_625 = arith.extui %parallel_loop3A_624 : i1 to i32
        %parallel_loop3A_626 = arith.constant 0 : i32
        %parallel_loop3A_627 = arith.cmpi slt, %parallel_loop3A_606, %parallel_loop3A_626 : i32
        %parallel_loop3A_628 = arith.extui %parallel_loop3A_627 : i1 to i32
        %parallel_loop3A_629 = arith.subi %parallel_loop3A_625, %parallel_loop3A_628 : i32
        %parallel_loop3A_630 = arith.constant 0 : i32
        %parallel_loop3A_631 = arith.cmpi sgt, %parallel_loop3A_621, %parallel_loop3A_630 : i32
        %parallel_loop3A_632 = arith.extui %parallel_loop3A_631 : i1 to i32
        %parallel_loop3A_633 = arith.constant 0 : i32
        %parallel_loop3A_634 = arith.cmpi slt, %parallel_loop3A_621, %parallel_loop3A_633 : i32
        %parallel_loop3A_635 = arith.extui %parallel_loop3A_634 : i1 to i32
        %parallel_loop3A_636 = arith.subi %parallel_loop3A_632, %parallel_loop3A_635 : i32
        %parallel_loop3A_637 = arith.cmpi ne, %parallel_loop3A_629, %parallel_loop3A_636 : i32
        %parallel_loop3A_638 = arith.remsi %parallel_loop3A_606, %parallel_loop3A_621 : i32
        %parallel_loop3A_639 = arith.constant 0 : i32
        %parallel_loop3A_640 = arith.cmpi ne, %parallel_loop3A_638, %parallel_loop3A_639 : i32
        %parallel_loop3A_641 = arith.andi %parallel_loop3A_637, %parallel_loop3A_640 : i1
        %parallel_loop3A_642 = arith.constant 1 : i32
        %parallel_loop3A_643 = arith.subi %parallel_loop3A_622, %parallel_loop3A_642 : i32
        %parallel_loop3A_644 = arith.select %parallel_loop3A_641, %parallel_loop3A_643, %parallel_loop3A_622 : i32
        %parallel_loop3A_645 = arith.constant 8 : i32
        %parallel_loop3A_646 = arith.constant 0 : i32
        %parallel_loop3A_647 = arith.cmpi eq, %parallel_loop3A_645, %parallel_loop3A_646 : i32
        %parallel_loop3A_648 = arith.constant 1 : i32
        %parallel_loop3A_649 = arith.select %parallel_loop3A_647, %parallel_loop3A_648, %parallel_loop3A_645 : i32
        %parallel_loop3A_650 = arith.remsi %parallel_loop3A_606, %parallel_loop3A_649 : i32
        %parallel_loop3A_651 = arith.constant 0 : i32
        %parallel_loop3A_652 = arith.cmpi ne, %parallel_loop3A_650, %parallel_loop3A_651 : i32
        %parallel_loop3A_653 = arith.constant 0 : i32
        %parallel_loop3A_654 = arith.cmpi slt, %parallel_loop3A_650, %parallel_loop3A_653 : i32
        %parallel_loop3A_655 = arith.constant 0 : i32
        %parallel_loop3A_656 = arith.cmpi slt, %parallel_loop3A_649, %parallel_loop3A_655 : i32
        %parallel_loop3A_657 = arith.xori %parallel_loop3A_654, %parallel_loop3A_656 : i1
        %parallel_loop3A_658 = arith.andi %parallel_loop3A_657, %parallel_loop3A_652 : i1
        %parallel_loop3A_659 = arith.addi %parallel_loop3A_650, %parallel_loop3A_649 : i32
        %parallel_loop3A_660 = arith.select %parallel_loop3A_658, %parallel_loop3A_659, %parallel_loop3A_650 : i32
        %parallel_loop3A_661 = arith.constant 16 : i32
        %parallel_loop3A_662 = arith.muli %parallel_loop3A_660, %parallel_loop3A_661 : i32
        %parallel_loop3A_663 = arith.constant 0 : i32
        %parallel_loop3A_664 = vector.broadcast %parallel_loop3A_663 : i32 to vector<16xi32>
        %parallel_loop3A_665 = tpu.vector_load_idx %arg28[%parallel_loop3A_610, %parallel_loop3A_664] : memref<512x16xf32, #tpu.memory_space<vmem>>[vector<16xi32>, vector<16xi32>], vector<16xf32>,
        %parallel_loop3A_666 = arith.mulf %parallel_loop3A_614, %parallel_loop3A_665 : vector<16xf32>
        %parallel_loop3A_667 = tpu.vector_load_idx %arg29[%parallel_loop3A_610, %parallel_loop3A_664] : memref<512x16xf32, #tpu.memory_space<vmem>>[vector<16xi32>, vector<16xi32>], vector<16xf32>,
        %parallel_loop3A_668 = arith.mulf %parallel_loop3A_616, %parallel_loop3A_667 : vector<16xf32>
        %parallel_loop3A_669 = arith.addf %parallel_loop3A_666, %parallel_loop3A_668 : vector<16xf32>
        %parallel_loop3A_670 = tpu.vector_load_idx %arg30[%parallel_loop3A_610, %parallel_loop3A_664] : memref<512x16xf32, #tpu.memory_space<vmem>>[vector<16xi32>, vector<16xi32>], vector<16xf32>,
        %parallel_loop3A_671 = arith.mulf %parallel_loop3A_618, %parallel_loop3A_670 : vector<16xf32>
        %parallel_loop3A_672 = arith.addf %parallel_loop3A_669, %parallel_loop3A_671 : vector<16xf32>
        %parallel_loop3A_673 = tpu.vector_load_idx %arg31[%parallel_loop3A_610, %parallel_loop3A_664] : memref<512x16xf32, #tpu.memory_space<vmem>>[vector<16xi32>, vector<16xi32>], vector<16xf32>,
        %parallel_loop3A_674 = arith.mulf %parallel_loop3A_620, %parallel_loop3A_673 : vector<16xf32>
        %parallel_loop3A_675 = arith.addf %parallel_loop3A_672, %parallel_loop3A_674 : vector<16xf32>
        %parallel_loop3A_676 = arith.constant 0 : i32
        %parallel_loop3A_677 = arith.constant 0 : i32
        %parallel_loop3A_678 = arith.index_cast %parallel_loop3A_676 : i32 to index
        %parallel_loop3A_679 = arith.index_cast %parallel_loop3A_644 : i32 to index
        %parallel_loop3A_680 = arith.index_cast %parallel_loop3A_677 : i32 to index
        %parallel_loop3A_681 = arith.index_cast %parallel_loop3A_662 : i32 to index
        %parallel_loop3A_682 = tpu.vector_load %arg33[%parallel_loop3A_678, %parallel_loop3A_679, %parallel_loop3A_680, %parallel_loop3A_681] {strides = array<i32>} : memref<2x4x8x128xf32, #tpu.memory_space<vmem>>, vector<16xf32>,
        tpu.vector_store %arg33[%parallel_loop3A_678, %parallel_loop3A_679, %parallel_loop3A_680, %parallel_loop3A_681], %parallel_loop3A_675 {strides = array<i32>} : memref<2x4x8x128xf32, #tpu.memory_space<vmem>>, vector<16xf32>,
        %parallel_loop3A_683 = arith.constant 1 : i32
        %parallel_loop3A_684 = vector.broadcast %parallel_loop3A_683 : i32 to vector<16xi32>
        %parallel_loop3A_685 = tpu.vector_load_idx %arg28[%parallel_loop3A_610, %parallel_loop3A_684] : memref<512x16xf32, #tpu.memory_space<vmem>>[vector<16xi32>, vector<16xi32>], vector<16xf32>,
        %parallel_loop3A_686 = arith.mulf %parallel_loop3A_614, %parallel_loop3A_685 : vector<16xf32>
        %parallel_loop3A_687 = tpu.vector_load_idx %arg29[%parallel_loop3A_610, %parallel_loop3A_684] : memref<512x16xf32, #tpu.memory_space<vmem>>[vector<16xi32>, vector<16xi32>], vector<16xf32>,
        %parallel_loop3A_688 = arith.mulf %parallel_loop3A_616, %parallel_loop3A_687 : vector<16xf32>
        %parallel_loop3A_689 = arith.addf %parallel_loop3A_686, %parallel_loop3A_688 : vector<16xf32>
        %parallel_loop3A_690 = tpu.vector_load_idx %arg30[%parallel_loop3A_610, %parallel_loop3A_684] : memref<512x16xf32, #tpu.memory_space<vmem>>[vector<16xi32>, vector<16xi32>], vector<16xf32>,
        %parallel_loop3A_691 = arith.mulf %parallel_loop3A_618, %parallel_loop3A_690 : vector<16xf32>
        %parallel_loop3A_692 = arith.addf %parallel_loop3A_689, %parallel_loop3A_691 : vector<16xf32>
        %parallel_loop3A_693 = tpu.vector_load_idx %arg31[%parallel_loop3A_610, %parallel_loop3A_684] : memref<512x16xf32, #tpu.memory_space<vmem>>[vector<16xi32>, vector<16xi32>], vector<16xf32>,
        %parallel_loop3A_694 = arith.mulf %parallel_loop3A_620, %parallel_loop3A_693 : vector<16xf32>
        %parallel_loop3A_695 = arith.addf %parallel_loop3A_692, %parallel_loop3A_694 : vector<16xf32>
        %parallel_loop3A_696 = arith.constant 0 : i32
        %parallel_loop3A_697 = arith.constant 1 : i32
        %parallel_loop3A_698 = arith.index_cast %parallel_loop3A_696 : i32 to index
        %parallel_loop3A_699 = arith.index_cast %parallel_loop3A_644 : i32 to index
        %parallel_loop3A_700 = arith.index_cast %parallel_loop3A_697 : i32 to index
        %parallel_loop3A_701 = arith.index_cast %parallel_loop3A_662 : i32 to index
        %parallel_loop3A_702 = tpu.vector_load %arg33[%parallel_loop3A_698, %parallel_loop3A_699, %parallel_loop3A_700, %parallel_loop3A_701] {strides = array<i32>} : memref<2x4x8x128xf32, #tpu.memory_space<vmem>>, vector<16xf32>,
        tpu.vector_store %arg33[%parallel_loop3A_698, %parallel_loop3A_699, %parallel_loop3A_700, %parallel_loop3A_701], %parallel_loop3A_695 {strides = array<i32>} : memref<2x4x8x128xf32, #tpu.memory_space<vmem>>, vector<16xf32>,
        %parallel_loop3A_703 = arith.constant 2 : i32
        %parallel_loop3A_704 = vector.broadcast %parallel_loop3A_703 : i32 to vector<16xi32>
        %parallel_loop3A_705 = tpu.vector_load_idx %arg28[%parallel_loop3A_610, %parallel_loop3A_704] : memref<512x16xf32, #tpu.memory_space<vmem>>[vector<16xi32>, vector<16xi32>], vector<16xf32>,
        %parallel_loop3A_706 = arith.mulf %parallel_loop3A_614, %parallel_loop3A_705 : vector<16xf32>
        %parallel_loop3A_707 = tpu.vector_load_idx %arg29[%parallel_loop3A_610, %parallel_loop3A_704] : memref<512x16xf32, #tpu.memory_space<vmem>>[vector<16xi32>, vector<16xi32>], vector<16xf32>,
        %parallel_loop3A_708 = arith.mulf %parallel_loop3A_616, %parallel_loop3A_707 : vector<16xf32>
        %parallel_loop3A_709 = arith.addf %parallel_loop3A_706, %parallel_loop3A_708 : vector<16xf32>
        %parallel_loop3A_710 = tpu.vector_load_idx %arg30[%parallel_loop3A_610, %parallel_loop3A_704] : memref<512x16xf32, #tpu.memory_space<vmem>>[vector<16xi32>, vector<16xi32>], vector<16xf32>,
        %parallel_loop3A_711 = arith.mulf %parallel_loop3A_618, %parallel_loop3A_710 : vector<16xf32>
        %parallel_loop3A_712 = arith.addf %parallel_loop3A_709, %parallel_loop3A_711 : vector<16xf32>
        %parallel_loop3A_713 = tpu.vector_load_idx %arg31[%parallel_loop3A_610, %parallel_loop3A_704] : memref<512x16xf32, #tpu.memory_space<vmem>>[vector<16xi32>, vector<16xi32>], vector<16xf32>,
        %parallel_loop3A_714 = arith.mulf %parallel_loop3A_620, %parallel_loop3A_713 : vector<16xf32>
        %parallel_loop3A_715 = arith.addf %parallel_loop3A_712, %parallel_loop3A_714 : vector<16xf32>
        %parallel_loop3A_716 = arith.constant 0 : i32
        %parallel_loop3A_717 = arith.constant 2 : i32
        %parallel_loop3A_718 = arith.index_cast %parallel_loop3A_716 : i32 to index
        %parallel_loop3A_719 = arith.index_cast %parallel_loop3A_644 : i32 to index
        %parallel_loop3A_720 = arith.index_cast %parallel_loop3A_717 : i32 to index
        %parallel_loop3A_721 = arith.index_cast %parallel_loop3A_662 : i32 to index
        %parallel_loop3A_722 = tpu.vector_load %arg33[%parallel_loop3A_718, %parallel_loop3A_719, %parallel_loop3A_720, %parallel_loop3A_721] {strides = array<i32>} : memref<2x4x8x128xf32, #tpu.memory_space<vmem>>, vector<16xf32>,
        tpu.vector_store %arg33[%parallel_loop3A_718, %parallel_loop3A_719, %parallel_loop3A_720, %parallel_loop3A_721], %parallel_loop3A_715 {strides = array<i32>} : memref<2x4x8x128xf32, #tpu.memory_space<vmem>>, vector<16xf32>,
        %parallel_loop3A_723 = arith.constant 3 : i32
        %parallel_loop3A_724 = vector.broadcast %parallel_loop3A_723 : i32 to vector<16xi32>
        %parallel_loop3A_725 = tpu.vector_load_idx %arg28[%parallel_loop3A_610, %parallel_loop3A_724] : memref<512x16xf32, #tpu.memory_space<vmem>>[vector<16xi32>, vector<16xi32>], vector<16xf32>,
        %parallel_loop3A_726 = arith.mulf %parallel_loop3A_614, %parallel_loop3A_725 : vector<16xf32>
        %parallel_loop3A_727 = tpu.vector_load_idx %arg29[%parallel_loop3A_610, %parallel_loop3A_724] : memref<512x16xf32, #tpu.memory_space<vmem>>[vector<16xi32>, vector<16xi32>], vector<16xf32>,
        %parallel_loop3A_728 = arith.mulf %parallel_loop3A_616, %parallel_loop3A_727 : vector<16xf32>
        %parallel_loop3A_729 = arith.addf %parallel_loop3A_726, %parallel_loop3A_728 : vector<16xf32>
        %parallel_loop3A_730 = tpu.vector_load_idx %arg30[%parallel_loop3A_610, %parallel_loop3A_724] : memref<512x16xf32, #tpu.memory_space<vmem>>[vector<16xi32>, vector<16xi32>], vector<16xf32>,
        %parallel_loop3A_731 = arith.mulf %parallel_loop3A_618, %parallel_loop3A_730 : vector<16xf32>
        %parallel_loop3A_732 = arith.addf %parallel_loop3A_729, %parallel_loop3A_731 : vector<16xf32>
        %parallel_loop3A_733 = tpu.vector_load_idx %arg31[%parallel_loop3A_610, %parallel_loop3A_724] : memref<512x16xf32, #tpu.memory_space<vmem>>[vector<16xi32>, vector<16xi32>], vector<16xf32>,
        %parallel_loop3A_734 = arith.mulf %parallel_loop3A_620, %parallel_loop3A_733 : vector<16xf32>
        %parallel_loop3A_735 = arith.addf %parallel_loop3A_732, %parallel_loop3A_734 : vector<16xf32>
        %parallel_loop3A_736 = arith.constant 0 : i32
        %parallel_loop3A_737 = arith.constant 3 : i32
        %parallel_loop3A_738 = arith.index_cast %parallel_loop3A_736 : i32 to index
        %parallel_loop3A_739 = arith.index_cast %parallel_loop3A_644 : i32 to index
        %parallel_loop3A_740 = arith.index_cast %parallel_loop3A_737 : i32 to index
        %parallel_loop3A_741 = arith.index_cast %parallel_loop3A_662 : i32 to index
        %parallel_loop3A_742 = tpu.vector_load %arg33[%parallel_loop3A_738, %parallel_loop3A_739, %parallel_loop3A_740, %parallel_loop3A_741] {strides = array<i32>} : memref<2x4x8x128xf32, #tpu.memory_space<vmem>>, vector<16xf32>,
        tpu.vector_store %arg33[%parallel_loop3A_738, %parallel_loop3A_739, %parallel_loop3A_740, %parallel_loop3A_741], %parallel_loop3A_735 {strides = array<i32>} : memref<2x4x8x128xf32, #tpu.memory_space<vmem>>, vector<16xf32>,
        %parallel_loop3A_743 = arith.constant 4 : i32
        %parallel_loop3A_744 = vector.broadcast %parallel_loop3A_743 : i32 to vector<16xi32>
        %parallel_loop3A_745 = tpu.vector_load_idx %arg28[%parallel_loop3A_610, %parallel_loop3A_744] : memref<512x16xf32, #tpu.memory_space<vmem>>[vector<16xi32>, vector<16xi32>], vector<16xf32>,
        %parallel_loop3A_746 = arith.mulf %parallel_loop3A_614, %parallel_loop3A_745 : vector<16xf32>
        %parallel_loop3A_747 = tpu.vector_load_idx %arg29[%parallel_loop3A_610, %parallel_loop3A_744] : memref<512x16xf32, #tpu.memory_space<vmem>>[vector<16xi32>, vector<16xi32>], vector<16xf32>,
        %parallel_loop3A_748 = arith.mulf %parallel_loop3A_616, %parallel_loop3A_747 : vector<16xf32>
        %parallel_loop3A_749 = arith.addf %parallel_loop3A_746, %parallel_loop3A_748 : vector<16xf32>
        %parallel_loop3A_750 = tpu.vector_load_idx %arg30[%parallel_loop3A_610, %parallel_loop3A_744] : memref<512x16xf32, #tpu.memory_space<vmem>>[vector<16xi32>, vector<16xi32>], vector<16xf32>,
        %parallel_loop3A_751 = arith.mulf %parallel_loop3A_618, %parallel_loop3A_750 : vector<16xf32>
        %parallel_loop3A_752 = arith.addf %parallel_loop3A_749, %parallel_loop3A_751 : vector<16xf32>
        %parallel_loop3A_753 = tpu.vector_load_idx %arg31[%parallel_loop3A_610, %parallel_loop3A_744] : memref<512x16xf32, #tpu.memory_space<vmem>>[vector<16xi32>, vector<16xi32>], vector<16xf32>,
        %parallel_loop3A_754 = arith.mulf %parallel_loop3A_620, %parallel_loop3A_753 : vector<16xf32>
        %parallel_loop3A_755 = arith.addf %parallel_loop3A_752, %parallel_loop3A_754 : vector<16xf32>
        %parallel_loop3A_756 = arith.constant 0 : i32
        %parallel_loop3A_757 = arith.constant 4 : i32
        %parallel_loop3A_758 = arith.index_cast %parallel_loop3A_756 : i32 to index
        %parallel_loop3A_759 = arith.index_cast %parallel_loop3A_644 : i32 to index
        %parallel_loop3A_760 = arith.index_cast %parallel_loop3A_757 : i32 to index
        %parallel_loop3A_761 = arith.index_cast %parallel_loop3A_662 : i32 to index
        %parallel_loop3A_762 = tpu.vector_load %arg33[%parallel_loop3A_758, %parallel_loop3A_759, %parallel_loop3A_760, %parallel_loop3A_761] {strides = array<i32>} : memref<2x4x8x128xf32, #tpu.memory_space<vmem>>, vector<16xf32>,
        tpu.vector_store %arg33[%parallel_loop3A_758, %parallel_loop3A_759, %parallel_loop3A_760, %parallel_loop3A_761], %parallel_loop3A_755 {strides = array<i32>} : memref<2x4x8x128xf32, #tpu.memory_space<vmem>>, vector<16xf32>,
        %parallel_loop3A_763 = arith.constant 5 : i32
        %parallel_loop3A_764 = vector.broadcast %parallel_loop3A_763 : i32 to vector<16xi32>
        %parallel_loop3A_765 = tpu.vector_load_idx %arg28[%parallel_loop3A_610, %parallel_loop3A_764] : memref<512x16xf32, #tpu.memory_space<vmem>>[vector<16xi32>, vector<16xi32>], vector<16xf32>,
        %parallel_loop3A_766 = arith.mulf %parallel_loop3A_614, %parallel_loop3A_765 : vector<16xf32>
        %parallel_loop3A_767 = tpu.vector_load_idx %arg29[%parallel_loop3A_610, %parallel_loop3A_764] : memref<512x16xf32, #tpu.memory_space<vmem>>[vector<16xi32>, vector<16xi32>], vector<16xf32>,
        %parallel_loop3A_768 = arith.mulf %parallel_loop3A_616, %parallel_loop3A_767 : vector<16xf32>
        %parallel_loop3A_769 = arith.addf %parallel_loop3A_766, %parallel_loop3A_768 : vector<16xf32>
        %parallel_loop3A_770 = tpu.vector_load_idx %arg30[%parallel_loop3A_610, %parallel_loop3A_764] : memref<512x16xf32, #tpu.memory_space<vmem>>[vector<16xi32>, vector<16xi32>], vector<16xf32>,
        %parallel_loop3A_771 = arith.mulf %parallel_loop3A_618, %parallel_loop3A_770 : vector<16xf32>
        %parallel_loop3A_772 = arith.addf %parallel_loop3A_769, %parallel_loop3A_771 : vector<16xf32>
        %parallel_loop3A_773 = tpu.vector_load_idx %arg31[%parallel_loop3A_610, %parallel_loop3A_764] : memref<512x16xf32, #tpu.memory_space<vmem>>[vector<16xi32>, vector<16xi32>], vector<16xf32>,
        %parallel_loop3A_774 = arith.mulf %parallel_loop3A_620, %parallel_loop3A_773 : vector<16xf32>
        %parallel_loop3A_775 = arith.addf %parallel_loop3A_772, %parallel_loop3A_774 : vector<16xf32>
        %parallel_loop3A_776 = arith.constant 0 : i32
        %parallel_loop3A_777 = arith.constant 5 : i32
        %parallel_loop3A_778 = arith.index_cast %parallel_loop3A_776 : i32 to index
        %parallel_loop3A_779 = arith.index_cast %parallel_loop3A_644 : i32 to index
        %parallel_loop3A_780 = arith.index_cast %parallel_loop3A_777 : i32 to index
        %parallel_loop3A_781 = arith.index_cast %parallel_loop3A_662 : i32 to index
        %parallel_loop3A_782 = tpu.vector_load %arg33[%parallel_loop3A_778, %parallel_loop3A_779, %parallel_loop3A_780, %parallel_loop3A_781] {strides = array<i32>} : memref<2x4x8x128xf32, #tpu.memory_space<vmem>>, vector<16xf32>,
        tpu.vector_store %arg33[%parallel_loop3A_778, %parallel_loop3A_779, %parallel_loop3A_780, %parallel_loop3A_781], %parallel_loop3A_775 {strides = array<i32>} : memref<2x4x8x128xf32, #tpu.memory_space<vmem>>, vector<16xf32>,
        %parallel_loop3A_783 = arith.constant 6 : i32
        %parallel_loop3A_784 = vector.broadcast %parallel_loop3A_783 : i32 to vector<16xi32>
        %parallel_loop3A_785 = tpu.vector_load_idx %arg28[%parallel_loop3A_610, %parallel_loop3A_784] : memref<512x16xf32, #tpu.memory_space<vmem>>[vector<16xi32>, vector<16xi32>], vector<16xf32>,
        %parallel_loop3A_786 = arith.mulf %parallel_loop3A_614, %parallel_loop3A_785 : vector<16xf32>
        %parallel_loop3A_787 = tpu.vector_load_idx %arg29[%parallel_loop3A_610, %parallel_loop3A_784] : memref<512x16xf32, #tpu.memory_space<vmem>>[vector<16xi32>, vector<16xi32>], vector<16xf32>,
        %parallel_loop3A_788 = arith.mulf %parallel_loop3A_616, %parallel_loop3A_787 : vector<16xf32>
        %parallel_loop3A_789 = arith.addf %parallel_loop3A_786, %parallel_loop3A_788 : vector<16xf32>
        %parallel_loop3A_790 = tpu.vector_load_idx %arg30[%parallel_loop3A_610, %parallel_loop3A_784] : memref<512x16xf32, #tpu.memory_space<vmem>>[vector<16xi32>, vector<16xi32>], vector<16xf32>,
        %parallel_loop3A_791 = arith.mulf %parallel_loop3A_618, %parallel_loop3A_790 : vector<16xf32>
        %parallel_loop3A_792 = arith.addf %parallel_loop3A_789, %parallel_loop3A_791 : vector<16xf32>
        %parallel_loop3A_793 = tpu.vector_load_idx %arg31[%parallel_loop3A_610, %parallel_loop3A_784] : memref<512x16xf32, #tpu.memory_space<vmem>>[vector<16xi32>, vector<16xi32>], vector<16xf32>,
        %parallel_loop3A_794 = arith.mulf %parallel_loop3A_620, %parallel_loop3A_793 : vector<16xf32>
        %parallel_loop3A_795 = arith.addf %parallel_loop3A_792, %parallel_loop3A_794 : vector<16xf32>
        %parallel_loop3A_796 = arith.constant 0 : i32
        %parallel_loop3A_797 = arith.constant 6 : i32
        %parallel_loop3A_798 = arith.index_cast %parallel_loop3A_796 : i32 to index
        %parallel_loop3A_799 = arith.index_cast %parallel_loop3A_644 : i32 to index
        %parallel_loop3A_800 = arith.index_cast %parallel_loop3A_797 : i32 to index
        %parallel_loop3A_801 = arith.index_cast %parallel_loop3A_662 : i32 to index
        %parallel_loop3A_802 = tpu.vector_load %arg33[%parallel_loop3A_798, %parallel_loop3A_799, %parallel_loop3A_800, %parallel_loop3A_801] {strides = array<i32>} : memref<2x4x8x128xf32, #tpu.memory_space<vmem>>, vector<16xf32>,
        tpu.vector_store %arg33[%parallel_loop3A_798, %parallel_loop3A_799, %parallel_loop3A_800, %parallel_loop3A_801], %parallel_loop3A_795 {strides = array<i32>} : memref<2x4x8x128xf32, #tpu.memory_space<vmem>>, vector<16xf32>,
        %parallel_loop3A_803 = arith.constant 7 : i32
        %parallel_loop3A_804 = vector.broadcast %parallel_loop3A_803 : i32 to vector<16xi32>
        %parallel_loop3A_805 = tpu.vector_load_idx %arg28[%parallel_loop3A_610, %parallel_loop3A_804] : memref<512x16xf32, #tpu.memory_space<vmem>>[vector<16xi32>, vector<16xi32>], vector<16xf32>,
        %parallel_loop3A_806 = arith.mulf %parallel_loop3A_614, %parallel_loop3A_805 : vector<16xf32>
        %parallel_loop3A_807 = tpu.vector_load_idx %arg29[%parallel_loop3A_610, %parallel_loop3A_804] : memref<512x16xf32, #tpu.memory_space<vmem>>[vector<16xi32>, vector<16xi32>], vector<16xf32>,
        %parallel_loop3A_808 = arith.mulf %parallel_loop3A_616, %parallel_loop3A_807 : vector<16xf32>
        %parallel_loop3A_809 = arith.addf %parallel_loop3A_806, %parallel_loop3A_808 : vector<16xf32>
        %parallel_loop3A_810 = tpu.vector_load_idx %arg30[%parallel_loop3A_610, %parallel_loop3A_804] : memref<512x16xf32, #tpu.memory_space<vmem>>[vector<16xi32>, vector<16xi32>], vector<16xf32>,
        %parallel_loop3A_811 = arith.mulf %parallel_loop3A_618, %parallel_loop3A_810 : vector<16xf32>
        %parallel_loop3A_812 = arith.addf %parallel_loop3A_809, %parallel_loop3A_811 : vector<16xf32>
        %parallel_loop3A_813 = tpu.vector_load_idx %arg31[%parallel_loop3A_610, %parallel_loop3A_804] : memref<512x16xf32, #tpu.memory_space<vmem>>[vector<16xi32>, vector<16xi32>], vector<16xf32>,
        %parallel_loop3A_814 = arith.mulf %parallel_loop3A_620, %parallel_loop3A_813 : vector<16xf32>
        %parallel_loop3A_815 = arith.addf %parallel_loop3A_812, %parallel_loop3A_814 : vector<16xf32>
        %parallel_loop3A_816 = arith.constant 0 : i32
        %parallel_loop3A_817 = arith.constant 7 : i32
        %parallel_loop3A_818 = arith.index_cast %parallel_loop3A_816 : i32 to index
        %parallel_loop3A_819 = arith.index_cast %parallel_loop3A_644 : i32 to index
        %parallel_loop3A_820 = arith.index_cast %parallel_loop3A_817 : i32 to index
        %parallel_loop3A_821 = arith.index_cast %parallel_loop3A_662 : i32 to index
        %parallel_loop3A_822 = tpu.vector_load %arg33[%parallel_loop3A_818, %parallel_loop3A_819, %parallel_loop3A_820, %parallel_loop3A_821] {strides = array<i32>} : memref<2x4x8x128xf32, #tpu.memory_space<vmem>>, vector<16xf32>,
        tpu.vector_store %arg33[%parallel_loop3A_818, %parallel_loop3A_819, %parallel_loop3A_820, %parallel_loop3A_821], %parallel_loop3A_815 {strides = array<i32>} : memref<2x4x8x128xf32, #tpu.memory_space<vmem>>, vector<16xf32>,
        %parallel_loop3A_823 = arith.constant 8 : i32
        %parallel_loop3A_824 = vector.broadcast %parallel_loop3A_823 : i32 to vector<16xi32>
        %parallel_loop3A_825 = tpu.vector_load_idx %arg28[%parallel_loop3A_610, %parallel_loop3A_824] : memref<512x16xf32, #tpu.memory_space<vmem>>[vector<16xi32>, vector<16xi32>], vector<16xf32>,
        %parallel_loop3A_826 = arith.mulf %parallel_loop3A_614, %parallel_loop3A_825 : vector<16xf32>
        %parallel_loop3A_827 = tpu.vector_load_idx %arg29[%parallel_loop3A_610, %parallel_loop3A_824] : memref<512x16xf32, #tpu.memory_space<vmem>>[vector<16xi32>, vector<16xi32>], vector<16xf32>,
        %parallel_loop3A_828 = arith.mulf %parallel_loop3A_616, %parallel_loop3A_827 : vector<16xf32>
        %parallel_loop3A_829 = arith.addf %parallel_loop3A_826, %parallel_loop3A_828 : vector<16xf32>
        %parallel_loop3A_830 = tpu.vector_load_idx %arg30[%parallel_loop3A_610, %parallel_loop3A_824] : memref<512x16xf32, #tpu.memory_space<vmem>>[vector<16xi32>, vector<16xi32>], vector<16xf32>,
        %parallel_loop3A_831 = arith.mulf %parallel_loop3A_618, %parallel_loop3A_830 : vector<16xf32>
        %parallel_loop3A_832 = arith.addf %parallel_loop3A_829, %parallel_loop3A_831 : vector<16xf32>
        %parallel_loop3A_833 = tpu.vector_load_idx %arg31[%parallel_loop3A_610, %parallel_loop3A_824] : memref<512x16xf32, #tpu.memory_space<vmem>>[vector<16xi32>, vector<16xi32>], vector<16xf32>,
        %parallel_loop3A_834 = arith.mulf %parallel_loop3A_620, %parallel_loop3A_833 : vector<16xf32>
        %parallel_loop3A_835 = arith.addf %parallel_loop3A_832, %parallel_loop3A_834 : vector<16xf32>
        %parallel_loop3A_836 = arith.constant 1 : i32
        %parallel_loop3A_837 = arith.constant 0 : i32
        %parallel_loop3A_838 = arith.index_cast %parallel_loop3A_836 : i32 to index
        %parallel_loop3A_839 = arith.index_cast %parallel_loop3A_644 : i32 to index
        %parallel_loop3A_840 = arith.index_cast %parallel_loop3A_837 : i32 to index
        %parallel_loop3A_841 = arith.index_cast %parallel_loop3A_662 : i32 to index
        %parallel_loop3A_842 = tpu.vector_load %arg33[%parallel_loop3A_838, %parallel_loop3A_839, %parallel_loop3A_840, %parallel_loop3A_841] {strides = array<i32>} : memref<2x4x8x128xf32, #tpu.memory_space<vmem>>, vector<16xf32>,
        tpu.vector_store %arg33[%parallel_loop3A_838, %parallel_loop3A_839, %parallel_loop3A_840, %parallel_loop3A_841], %parallel_loop3A_835 {strides = array<i32>} : memref<2x4x8x128xf32, #tpu.memory_space<vmem>>, vector<16xf32>,
        %parallel_loop3A_843 = arith.constant 9 : i32
        %parallel_loop3A_844 = vector.broadcast %parallel_loop3A_843 : i32 to vector<16xi32>
        %parallel_loop3A_845 = tpu.vector_load_idx %arg28[%parallel_loop3A_610, %parallel_loop3A_844] : memref<512x16xf32, #tpu.memory_space<vmem>>[vector<16xi32>, vector<16xi32>], vector<16xf32>,
        %parallel_loop3A_846 = arith.mulf %parallel_loop3A_614, %parallel_loop3A_845 : vector<16xf32>
        %parallel_loop3A_847 = tpu.vector_load_idx %arg29[%parallel_loop3A_610, %parallel_loop3A_844] : memref<512x16xf32, #tpu.memory_space<vmem>>[vector<16xi32>, vector<16xi32>], vector<16xf32>,
        %parallel_loop3A_848 = arith.mulf %parallel_loop3A_616, %parallel_loop3A_847 : vector<16xf32>
        %parallel_loop3A_849 = arith.addf %parallel_loop3A_846, %parallel_loop3A_848 : vector<16xf32>
        %parallel_loop3A_850 = tpu.vector_load_idx %arg30[%parallel_loop3A_610, %parallel_loop3A_844] : memref<512x16xf32, #tpu.memory_space<vmem>>[vector<16xi32>, vector<16xi32>], vector<16xf32>,
        %parallel_loop3A_851 = arith.mulf %parallel_loop3A_618, %parallel_loop3A_850 : vector<16xf32>
        %parallel_loop3A_852 = arith.addf %parallel_loop3A_849, %parallel_loop3A_851 : vector<16xf32>
        %parallel_loop3A_853 = tpu.vector_load_idx %arg31[%parallel_loop3A_610, %parallel_loop3A_844] : memref<512x16xf32, #tpu.memory_space<vmem>>[vector<16xi32>, vector<16xi32>], vector<16xf32>,
        %parallel_loop3A_854 = arith.mulf %parallel_loop3A_620, %parallel_loop3A_853 : vector<16xf32>
        %parallel_loop3A_855 = arith.addf %parallel_loop3A_852, %parallel_loop3A_854 : vector<16xf32>
        %parallel_loop3A_856 = arith.constant 1 : i32
        %parallel_loop3A_857 = arith.constant 1 : i32
        %parallel_loop3A_858 = arith.index_cast %parallel_loop3A_856 : i32 to index
        %parallel_loop3A_859 = arith.index_cast %parallel_loop3A_644 : i32 to index
        %parallel_loop3A_860 = arith.index_cast %parallel_loop3A_857 : i32 to index
        %parallel_loop3A_861 = arith.index_cast %parallel_loop3A_662 : i32 to index
        %parallel_loop3A_862 = tpu.vector_load %arg33[%parallel_loop3A_858, %parallel_loop3A_859, %parallel_loop3A_860, %parallel_loop3A_861] {strides = array<i32>} : memref<2x4x8x128xf32, #tpu.memory_space<vmem>>, vector<16xf32>,
        tpu.vector_store %arg33[%parallel_loop3A_858, %parallel_loop3A_859, %parallel_loop3A_860, %parallel_loop3A_861], %parallel_loop3A_855 {strides = array<i32>} : memref<2x4x8x128xf32, #tpu.memory_space<vmem>>, vector<16xf32>,
        %parallel_loop3A_863 = arith.constant 10 : i32
        %parallel_loop3A_864 = vector.broadcast %parallel_loop3A_863 : i32 to vector<16xi32>
        %parallel_loop3A_865 = tpu.vector_load_idx %arg28[%parallel_loop3A_610, %parallel_loop3A_864] : memref<512x16xf32, #tpu.memory_space<vmem>>[vector<16xi32>, vector<16xi32>], vector<16xf32>,
        %parallel_loop3A_866 = arith.mulf %parallel_loop3A_614, %parallel_loop3A_865 : vector<16xf32>
        %parallel_loop3A_867 = tpu.vector_load_idx %arg29[%parallel_loop3A_610, %parallel_loop3A_864] : memref<512x16xf32, #tpu.memory_space<vmem>>[vector<16xi32>, vector<16xi32>], vector<16xf32>,
        %parallel_loop3A_868 = arith.mulf %parallel_loop3A_616, %parallel_loop3A_867 : vector<16xf32>
        %parallel_loop3A_869 = arith.addf %parallel_loop3A_866, %parallel_loop3A_868 : vector<16xf32>
        %parallel_loop3A_870 = tpu.vector_load_idx %arg30[%parallel_loop3A_610, %parallel_loop3A_864] : memref<512x16xf32, #tpu.memory_space<vmem>>[vector<16xi32>, vector<16xi32>], vector<16xf32>,
        %parallel_loop3A_871 = arith.mulf %parallel_loop3A_618, %parallel_loop3A_870 : vector<16xf32>
        %parallel_loop3A_872 = arith.addf %parallel_loop3A_869, %parallel_loop3A_871 : vector<16xf32>
        %parallel_loop3A_873 = tpu.vector_load_idx %arg31[%parallel_loop3A_610, %parallel_loop3A_864] : memref<512x16xf32, #tpu.memory_space<vmem>>[vector<16xi32>, vector<16xi32>], vector<16xf32>,
        %parallel_loop3A_874 = arith.mulf %parallel_loop3A_620, %parallel_loop3A_873 : vector<16xf32>
        %parallel_loop3A_875 = arith.addf %parallel_loop3A_872, %parallel_loop3A_874 : vector<16xf32>
        %parallel_loop3A_876 = arith.constant 1 : i32
        %parallel_loop3A_877 = arith.constant 2 : i32
        %parallel_loop3A_878 = arith.index_cast %parallel_loop3A_876 : i32 to index
        %parallel_loop3A_879 = arith.index_cast %parallel_loop3A_644 : i32 to index
        %parallel_loop3A_880 = arith.index_cast %parallel_loop3A_877 : i32 to index
        %parallel_loop3A_881 = arith.index_cast %parallel_loop3A_662 : i32 to index
        %parallel_loop3A_882 = tpu.vector_load %arg33[%parallel_loop3A_878, %parallel_loop3A_879, %parallel_loop3A_880, %parallel_loop3A_881] {strides = array<i32>} : memref<2x4x8x128xf32, #tpu.memory_space<vmem>>, vector<16xf32>,
        tpu.vector_store %arg33[%parallel_loop3A_878, %parallel_loop3A_879, %parallel_loop3A_880, %parallel_loop3A_881], %parallel_loop3A_875 {strides = array<i32>} : memref<2x4x8x128xf32, #tpu.memory_space<vmem>>, vector<16xf32>,
        %parallel_loop3A_883 = arith.constant 11 : i32
        %parallel_loop3A_884 = vector.broadcast %parallel_loop3A_883 : i32 to vector<16xi32>
        %parallel_loop3A_885 = tpu.vector_load_idx %arg28[%parallel_loop3A_610, %parallel_loop3A_884] : memref<512x16xf32, #tpu.memory_space<vmem>>[vector<16xi32>, vector<16xi32>], vector<16xf32>,
        %parallel_loop3A_886 = arith.mulf %parallel_loop3A_614, %parallel_loop3A_885 : vector<16xf32>
        %parallel_loop3A_887 = tpu.vector_load_idx %arg29[%parallel_loop3A_610, %parallel_loop3A_884] : memref<512x16xf32, #tpu.memory_space<vmem>>[vector<16xi32>, vector<16xi32>], vector<16xf32>,
        %parallel_loop3A_888 = arith.mulf %parallel_loop3A_616, %parallel_loop3A_887 : vector<16xf32>
        %parallel_loop3A_889 = arith.addf %parallel_loop3A_886, %parallel_loop3A_888 : vector<16xf32>
        %parallel_loop3A_890 = tpu.vector_load_idx %arg30[%parallel_loop3A_610, %parallel_loop3A_884] : memref<512x16xf32, #tpu.memory_space<vmem>>[vector<16xi32>, vector<16xi32>], vector<16xf32>,
        %parallel_loop3A_891 = arith.mulf %parallel_loop3A_618, %parallel_loop3A_890 : vector<16xf32>
        %parallel_loop3A_892 = arith.addf %parallel_loop3A_889, %parallel_loop3A_891 : vector<16xf32>
        %parallel_loop3A_893 = tpu.vector_load_idx %arg31[%parallel_loop3A_610, %parallel_loop3A_884] : memref<512x16xf32, #tpu.memory_space<vmem>>[vector<16xi32>, vector<16xi32>], vector<16xf32>,
        %parallel_loop3A_894 = arith.mulf %parallel_loop3A_620, %parallel_loop3A_893 : vector<16xf32>
        %parallel_loop3A_895 = arith.addf %parallel_loop3A_892, %parallel_loop3A_894 : vector<16xf32>
        %parallel_loop3A_896 = arith.constant 1 : i32
        %parallel_loop3A_897 = arith.constant 3 : i32
        %parallel_loop3A_898 = arith.index_cast %parallel_loop3A_896 : i32 to index
        %parallel_loop3A_899 = arith.index_cast %parallel_loop3A_644 : i32 to index
        %parallel_loop3A_900 = arith.index_cast %parallel_loop3A_897 : i32 to index
        %parallel_loop3A_901 = arith.index_cast %parallel_loop3A_662 : i32 to index
        %parallel_loop3A_902 = tpu.vector_load %arg33[%parallel_loop3A_898, %parallel_loop3A_899, %parallel_loop3A_900, %parallel_loop3A_901] {strides = array<i32>} : memref<2x4x8x128xf32, #tpu.memory_space<vmem>>, vector<16xf32>,
        tpu.vector_store %arg33[%parallel_loop3A_898, %parallel_loop3A_899, %parallel_loop3A_900, %parallel_loop3A_901], %parallel_loop3A_895 {strides = array<i32>} : memref<2x4x8x128xf32, #tpu.memory_space<vmem>>, vector<16xf32>,
        %parallel_loop3A_903 = arith.constant 12 : i32
        %parallel_loop3A_904 = vector.broadcast %parallel_loop3A_903 : i32 to vector<16xi32>
        %parallel_loop3A_905 = tpu.vector_load_idx %arg28[%parallel_loop3A_610, %parallel_loop3A_904] : memref<512x16xf32, #tpu.memory_space<vmem>>[vector<16xi32>, vector<16xi32>], vector<16xf32>,
        %parallel_loop3A_906 = arith.mulf %parallel_loop3A_614, %parallel_loop3A_905 : vector<16xf32>
        %parallel_loop3A_907 = tpu.vector_load_idx %arg29[%parallel_loop3A_610, %parallel_loop3A_904] : memref<512x16xf32, #tpu.memory_space<vmem>>[vector<16xi32>, vector<16xi32>], vector<16xf32>,
        %parallel_loop3A_908 = arith.mulf %parallel_loop3A_616, %parallel_loop3A_907 : vector<16xf32>
        %parallel_loop3A_909 = arith.addf %parallel_loop3A_906, %parallel_loop3A_908 : vector<16xf32>
        %parallel_loop3A_910 = tpu.vector_load_idx %arg30[%parallel_loop3A_610, %parallel_loop3A_904] : memref<512x16xf32, #tpu.memory_space<vmem>>[vector<16xi32>, vector<16xi32>], vector<16xf32>,
        %parallel_loop3A_911 = arith.mulf %parallel_loop3A_618, %parallel_loop3A_910 : vector<16xf32>
        %parallel_loop3A_912 = arith.addf %parallel_loop3A_909, %parallel_loop3A_911 : vector<16xf32>
        %parallel_loop3A_913 = tpu.vector_load_idx %arg31[%parallel_loop3A_610, %parallel_loop3A_904] : memref<512x16xf32, #tpu.memory_space<vmem>>[vector<16xi32>, vector<16xi32>], vector<16xf32>,
        %parallel_loop3A_914 = arith.mulf %parallel_loop3A_620, %parallel_loop3A_913 : vector<16xf32>
        %parallel_loop3A_915 = arith.addf %parallel_loop3A_912, %parallel_loop3A_914 : vector<16xf32>
        %parallel_loop3A_916 = arith.constant 1 : i32
        %parallel_loop3A_917 = arith.constant 4 : i32
        %parallel_loop3A_918 = arith.index_cast %parallel_loop3A_916 : i32 to index
        %parallel_loop3A_919 = arith.index_cast %parallel_loop3A_644 : i32 to index
        %parallel_loop3A_920 = arith.index_cast %parallel_loop3A_917 : i32 to index
        %parallel_loop3A_921 = arith.index_cast %parallel_loop3A_662 : i32 to index
        %parallel_loop3A_922 = tpu.vector_load %arg33[%parallel_loop3A_918, %parallel_loop3A_919, %parallel_loop3A_920, %parallel_loop3A_921] {strides = array<i32>} : memref<2x4x8x128xf32, #tpu.memory_space<vmem>>, vector<16xf32>,
        tpu.vector_store %arg33[%parallel_loop3A_918, %parallel_loop3A_919, %parallel_loop3A_920, %parallel_loop3A_921], %parallel_loop3A_915 {strides = array<i32>} : memref<2x4x8x128xf32, #tpu.memory_space<vmem>>, vector<16xf32>,
        %parallel_loop3A_923 = arith.constant 13 : i32
        %parallel_loop3A_924 = vector.broadcast %parallel_loop3A_923 : i32 to vector<16xi32>
        %parallel_loop3A_925 = tpu.vector_load_idx %arg28[%parallel_loop3A_610, %parallel_loop3A_924] : memref<512x16xf32, #tpu.memory_space<vmem>>[vector<16xi32>, vector<16xi32>], vector<16xf32>,
        %parallel_loop3A_926 = arith.mulf %parallel_loop3A_614, %parallel_loop3A_925 : vector<16xf32>
        %parallel_loop3A_927 = tpu.vector_load_idx %arg29[%parallel_loop3A_610, %parallel_loop3A_924] : memref<512x16xf32, #tpu.memory_space<vmem>>[vector<16xi32>, vector<16xi32>], vector<16xf32>,
        %parallel_loop3A_928 = arith.mulf %parallel_loop3A_616, %parallel_loop3A_927 : vector<16xf32>
        %parallel_loop3A_929 = arith.addf %parallel_loop3A_926, %parallel_loop3A_928 : vector<16xf32>
        %parallel_loop3A_930 = tpu.vector_load_idx %arg30[%parallel_loop3A_610, %parallel_loop3A_924] : memref<512x16xf32, #tpu.memory_space<vmem>>[vector<16xi32>, vector<16xi32>], vector<16xf32>,
        %parallel_loop3A_931 = arith.mulf %parallel_loop3A_618, %parallel_loop3A_930 : vector<16xf32>
        %parallel_loop3A_932 = arith.addf %parallel_loop3A_929, %parallel_loop3A_931 : vector<16xf32>
        %parallel_loop3A_933 = tpu.vector_load_idx %arg31[%parallel_loop3A_610, %parallel_loop3A_924] : memref<512x16xf32, #tpu.memory_space<vmem>>[vector<16xi32>, vector<16xi32>], vector<16xf32>,
        %parallel_loop3A_934 = arith.mulf %parallel_loop3A_620, %parallel_loop3A_933 : vector<16xf32>
        %parallel_loop3A_935 = arith.addf %parallel_loop3A_932, %parallel_loop3A_934 : vector<16xf32>
        %parallel_loop3A_936 = arith.constant 1 : i32
        %parallel_loop3A_937 = arith.constant 5 : i32
        %parallel_loop3A_938 = arith.index_cast %parallel_loop3A_936 : i32 to index
        %parallel_loop3A_939 = arith.index_cast %parallel_loop3A_644 : i32 to index
        %parallel_loop3A_940 = arith.index_cast %parallel_loop3A_937 : i32 to index
        %parallel_loop3A_941 = arith.index_cast %parallel_loop3A_662 : i32 to index
        %parallel_loop3A_942 = tpu.vector_load %arg33[%parallel_loop3A_938, %parallel_loop3A_939, %parallel_loop3A_940, %parallel_loop3A_941] {strides = array<i32>} : memref<2x4x8x128xf32, #tpu.memory_space<vmem>>, vector<16xf32>,
        tpu.vector_store %arg33[%parallel_loop3A_938, %parallel_loop3A_939, %parallel_loop3A_940, %parallel_loop3A_941], %parallel_loop3A_935 {strides = array<i32>} : memref<2x4x8x128xf32, #tpu.memory_space<vmem>>, vector<16xf32>,
        %parallel_loop3A_943 = arith.constant 14 : i32
        %parallel_loop3A_944 = vector.broadcast %parallel_loop3A_943 : i32 to vector<16xi32>
        %parallel_loop3A_945 = tpu.vector_load_idx %arg28[%parallel_loop3A_610, %parallel_loop3A_944] : memref<512x16xf32, #tpu.memory_space<vmem>>[vector<16xi32>, vector<16xi32>], vector<16xf32>,
        %parallel_loop3A_946 = arith.mulf %parallel_loop3A_614, %parallel_loop3A_945 : vector<16xf32>
        %parallel_loop3A_947 = tpu.vector_load_idx %arg29[%parallel_loop3A_610, %parallel_loop3A_944] : memref<512x16xf32, #tpu.memory_space<vmem>>[vector<16xi32>, vector<16xi32>], vector<16xf32>,
        %parallel_loop3A_948 = arith.mulf %parallel_loop3A_616, %parallel_loop3A_947 : vector<16xf32>
        %parallel_loop3A_949 = arith.addf %parallel_loop3A_946, %parallel_loop3A_948 : vector<16xf32>
        %parallel_loop3A_950 = tpu.vector_load_idx %arg30[%parallel_loop3A_610, %parallel_loop3A_944] : memref<512x16xf32, #tpu.memory_space<vmem>>[vector<16xi32>, vector<16xi32>], vector<16xf32>,
        %parallel_loop3A_951 = arith.mulf %parallel_loop3A_618, %parallel_loop3A_950 : vector<16xf32>
        %parallel_loop3A_952 = arith.addf %parallel_loop3A_949, %parallel_loop3A_951 : vector<16xf32>
        %parallel_loop3A_953 = tpu.vector_load_idx %arg31[%parallel_loop3A_610, %parallel_loop3A_944] : memref<512x16xf32, #tpu.memory_space<vmem>>[vector<16xi32>, vector<16xi32>], vector<16xf32>,
        %parallel_loop3A_954 = arith.mulf %parallel_loop3A_620, %parallel_loop3A_953 : vector<16xf32>
        %parallel_loop3A_955 = arith.addf %parallel_loop3A_952, %parallel_loop3A_954 : vector<16xf32>
        %parallel_loop3A_956 = arith.constant 1 : i32
        %parallel_loop3A_957 = arith.constant 6 : i32
        %parallel_loop3A_958 = arith.index_cast %parallel_loop3A_956 : i32 to index
        %parallel_loop3A_959 = arith.index_cast %parallel_loop3A_644 : i32 to index
        %parallel_loop3A_960 = arith.index_cast %parallel_loop3A_957 : i32 to index
        %parallel_loop3A_961 = arith.index_cast %parallel_loop3A_662 : i32 to index
        %parallel_loop3A_962 = tpu.vector_load %arg33[%parallel_loop3A_958, %parallel_loop3A_959, %parallel_loop3A_960, %parallel_loop3A_961] {strides = array<i32>} : memref<2x4x8x128xf32, #tpu.memory_space<vmem>>, vector<16xf32>,
        tpu.vector_store %arg33[%parallel_loop3A_958, %parallel_loop3A_959, %parallel_loop3A_960, %parallel_loop3A_961], %parallel_loop3A_955 {strides = array<i32>} : memref<2x4x8x128xf32, #tpu.memory_space<vmem>>, vector<16xf32>,
        %parallel_loop3A_963 = arith.constant 15 : i32
        %parallel_loop3A_964 = vector.broadcast %parallel_loop3A_963 : i32 to vector<16xi32>
        %parallel_loop3A_965 = tpu.vector_load_idx %arg28[%parallel_loop3A_610, %parallel_loop3A_964] : memref<512x16xf32, #tpu.memory_space<vmem>>[vector<16xi32>, vector<16xi32>], vector<16xf32>,
        %parallel_loop3A_966 = arith.mulf %parallel_loop3A_614, %parallel_loop3A_965 : vector<16xf32>
        %parallel_loop3A_967 = tpu.vector_load_idx %arg29[%parallel_loop3A_610, %parallel_loop3A_964] : memref<512x16xf32, #tpu.memory_space<vmem>>[vector<16xi32>, vector<16xi32>], vector<16xf32>,
        %parallel_loop3A_968 = arith.mulf %parallel_loop3A_616, %parallel_loop3A_967 : vector<16xf32>
        %parallel_loop3A_969 = arith.addf %parallel_loop3A_966, %parallel_loop3A_968 : vector<16xf32>
        %parallel_loop3A_970 = tpu.vector_load_idx %arg30[%parallel_loop3A_610, %parallel_loop3A_964] : memref<512x16xf32, #tpu.memory_space<vmem>>[vector<16xi32>, vector<16xi32>], vector<16xf32>,
        %parallel_loop3A_971 = arith.mulf %parallel_loop3A_618, %parallel_loop3A_970 : vector<16xf32>
        %parallel_loop3A_972 = arith.addf %parallel_loop3A_969, %parallel_loop3A_971 : vector<16xf32>
        %parallel_loop3A_973 = tpu.vector_load_idx %arg31[%parallel_loop3A_610, %parallel_loop3A_964] : memref<512x16xf32, #tpu.memory_space<vmem>>[vector<16xi32>, vector<16xi32>], vector<16xf32>,
        %parallel_loop3A_974 = arith.mulf %parallel_loop3A_620, %parallel_loop3A_973 : vector<16xf32>
        %parallel_loop3A_975 = arith.addf %parallel_loop3A_972, %parallel_loop3A_974 : vector<16xf32>
        %parallel_loop3A_976 = arith.constant 1 : i32
        %parallel_loop3A_977 = arith.constant 7 : i32
        %parallel_loop3A_978 = arith.index_cast %parallel_loop3A_976 : i32 to index
        %parallel_loop3A_979 = arith.index_cast %parallel_loop3A_644 : i32 to index
        %parallel_loop3A_980 = arith.index_cast %parallel_loop3A_977 : i32 to index
        %parallel_loop3A_981 = arith.index_cast %parallel_loop3A_662 : i32 to index
        %parallel_loop3A_982 = tpu.vector_load %arg33[%parallel_loop3A_978, %parallel_loop3A_979, %parallel_loop3A_980, %parallel_loop3A_981] {strides = array<i32>} : memref<2x4x8x128xf32, #tpu.memory_space<vmem>>, vector<16xf32>,
        tpu.vector_store %arg33[%parallel_loop3A_978, %parallel_loop3A_979, %parallel_loop3A_980, %parallel_loop3A_981], %parallel_loop3A_975 {strides = array<i32>} : memref<2x4x8x128xf32, #tpu.memory_space<vmem>>, vector<16xf32>,
      } {sc.loop_unroll_factor = 2 : i64, sc.parallel_access}
      %mul3A_513 = arith.constant 32768 : i32
      %mul3A_514 = arith.muli %add3A, %mul3A_513 : i32
      %mul3A_515 = arith.constant 512 : i32
      %mul3A_516 = arith.muli %add3A_464, %mul3A_515 : i32
      %add3A_517 = arith.addi %mul3A_514, %mul3A_516 : i32
      %jit3A_518 = arith.constant 128 : i32
      %div3A_519 = arith.divsi %add3A_517, %jit3A_518 : i32
      %sign3A_520 = arith.constant 0 : i32
      %sign3A_521 = arith.cmpi sgt, %add3A_517, %sign3A_520 : i32
      %sign3A_522 = arith.extui %sign3A_521 : i1 to i32
      %sign3A_523 = arith.constant 0 : i32
      %sign3A_524 = arith.cmpi slt, %add3A_517, %sign3A_523 : i32
      %sign3A_525 = arith.extui %sign3A_524 : i1 to i32
      %sign3A_526 = arith.subi %sign3A_522, %sign3A_525 : i32
      %sign3A_527 = arith.constant 0 : i32
      %sign3A_528 = arith.cmpi sgt, %jit3A_518, %sign3A_527 : i32
      %sign3A_529 = arith.extui %sign3A_528 : i1 to i32
      %sign3A_530 = arith.constant 0 : i32
      %sign3A_531 = arith.cmpi slt, %jit3A_518, %sign3A_530 : i32
      %sign3A_532 = arith.extui %sign3A_531 : i1 to i32
      %sign3A_533 = arith.subi %sign3A_529, %sign3A_532 : i32
      %ne3A_534 = arith.cmpi ne, %sign3A_526, %sign3A_533 : i32
      %rem3A_535 = arith.remsi %add3A_517, %jit3A_518 : i32
      %ne3A_536 = arith.constant 0 : i32
      %ne3A_537 = arith.cmpi ne, %rem3A_535, %ne3A_536 : i32
      %and3A_538 = arith.andi %ne3A_534, %ne3A_537 : i1
      %sub3A_539 = arith.constant 1 : i32
      %sub3A_540 = arith.subi %div3A_519, %sub3A_539 : i32
      %select_n3A_541 = arith.select %and3A_538, %sub3A_540, %div3A_519 : i32
      %dma_start3A_542 = arith.constant 0 : i32
      %dma_start3A_543 = arith.constant 0 : i32
      %dma_start3A_544 = arith.constant 0 : i32
      %dma_start3A_545 = arith.constant 0 : i32
      %dma_start3A_546 = arith.constant 0 : i32
      %dma_start3A_547 = tpu.memref_slice %arg33[%dma_start3A_542, %dma_start3A_544, %dma_start3A_545, %dma_start3A_546] : memref<2x4x8x128xf32, #tpu.memory_space<vmem>> -> memref<1x4x8x128xf32, #tpu.memory_space<vmem>>
      %dma_start3A_548 = tpu.memref_squeeze %dma_start3A_547 : memref<1x4x8x128xf32, #tpu.memory_space<vmem>> -> memref<4x8x128xf32, #tpu.memory_space<vmem>>
      %dma_start3A_549 = arith.constant 0 : i32
      %dma_start3A_550 = arith.constant 0 : i32
      %dma_start3A_551 = tpu.memref_slice %arg5[%dma_start3A_543, %select_n3A_541, %dma_start3A_549, %dma_start3A_550] : memref<2x8192x8x128xf32, #tpu.memory_space<hbm>> -> memref<1x4x8x128xf32, #tpu.memory_space<hbm>>
      %dma_start3A_552 = tpu.memref_squeeze %dma_start3A_551 : memref<1x4x8x128xf32, #tpu.memory_space<hbm>> -> memref<4x8x128xf32, #tpu.memory_space<hbm>>
      %dma_start3A_553 = arith.constant 0 : i32
      %dma_start3A_554 = arith.constant 0 : i32
      %dma_start3A_555 = tpu.memref_slice %arg5[%dma_start3A_543, %select_n3A_541, %dma_start3A_553, %dma_start3A_554] : memref<2x8192x8x128xf32, #tpu.memory_space<hbm>> -> memref<1x4x8x128xf32, #tpu.memory_space<hbm>>
      %dma_start3A_556 = tpu.memref_squeeze %dma_start3A_555 : memref<1x4x8x128xf32, #tpu.memory_space<hbm>> -> memref<4x8x128xf32, #tpu.memory_space<hbm>>
      %dma_start3A_557 = arith.constant 0 : i32
      %dma_start3A_558 = arith.constant 0 : i32
      %dma_start3A_559 = arith.constant 0 : i32
      %dma_start3A_560 = tpu.memref_slice %arg33[%dma_start3A_542, %dma_start3A_557, %dma_start3A_558, %dma_start3A_559] : memref<2x4x8x128xf32, #tpu.memory_space<vmem>> -> memref<1x4x8x128xf32, #tpu.memory_space<vmem>>
      %dma_start3A_561 = tpu.memref_squeeze %dma_start3A_560 : memref<1x4x8x128xf32, #tpu.memory_space<vmem>> -> memref<4x8x128xf32, #tpu.memory_space<vmem>>
      tpu.enqueue_dma source(%dma_start3A_561 : memref<4x8x128xf32, #tpu.memory_space<vmem>>) target(%dma_start3A_556 : memref<4x8x128xf32, #tpu.memory_space<hbm>>) target_semaphore(%arg36 : memref<!tpu.dma_semaphore, #tpu.memory_space<semaphore_mem>>)
      %jit3A_562 = arith.constant 128 : i32
      %div3A_563 = arith.divsi %add3A_517, %jit3A_562 : i32
      %sign3A_564 = arith.constant 0 : i32
      %sign3A_565 = arith.cmpi sgt, %add3A_517, %sign3A_564 : i32
      %sign3A_566 = arith.extui %sign3A_565 : i1 to i32
      %sign3A_567 = arith.constant 0 : i32
      %sign3A_568 = arith.cmpi slt, %add3A_517, %sign3A_567 : i32
      %sign3A_569 = arith.extui %sign3A_568 : i1 to i32
      %sign3A_570 = arith.subi %sign3A_566, %sign3A_569 : i32
      %sign3A_571 = arith.constant 0 : i32
      %sign3A_572 = arith.cmpi sgt, %jit3A_562, %sign3A_571 : i32
      %sign3A_573 = arith.extui %sign3A_572 : i1 to i32
      %sign3A_574 = arith.constant 0 : i32
      %sign3A_575 = arith.cmpi slt, %jit3A_562, %sign3A_574 : i32
      %sign3A_576 = arith.extui %sign3A_575 : i1 to i32
      %sign3A_577 = arith.subi %sign3A_573, %sign3A_576 : i32
      %ne3A_578 = arith.cmpi ne, %sign3A_570, %sign3A_577 : i32
      %rem3A_579 = arith.remsi %add3A_517, %jit3A_562 : i32
      %ne3A_580 = arith.constant 0 : i32
      %ne3A_581 = arith.cmpi ne, %rem3A_579, %ne3A_580 : i32
      %and3A_582 = arith.andi %ne3A_578, %ne3A_581 : i1
      %sub3A_583 = arith.constant 1 : i32
      %sub3A_584 = arith.subi %div3A_563, %sub3A_583 : i32
      %select_n3A_585 = arith.select %and3A_582, %sub3A_584, %div3A_563 : i32
      %dma_start3A_586 = arith.constant 1 : i32
      %dma_start3A_587 = arith.constant 1 : i32
      %dma_start3A_588 = arith.constant 0 : i32
      %dma_start3A_589 = arith.constant 0 : i32
      %dma_start3A_590 = arith.constant 0 : i32
      %dma_start3A_591 = tpu.memref_slice %arg33[%dma_start3A_586, %dma_start3A_588, %dma_start3A_589, %dma_start3A_590] : memref<2x4x8x128xf32, #tpu.memory_space<vmem>> -> memref<1x4x8x128xf32, #tpu.memory_space<vmem>>
      %dma_start3A_592 = tpu.memref_squeeze %dma_start3A_591 : memref<1x4x8x128xf32, #tpu.memory_space<vmem>> -> memref<4x8x128xf32, #tpu.memory_space<vmem>>
      %dma_start3A_593 = arith.constant 0 : i32
      %dma_start3A_594 = arith.constant 0 : i32
      %dma_start3A_595 = tpu.memref_slice %arg5[%dma_start3A_587, %select_n3A_585, %dma_start3A_593, %dma_start3A_594] : memref<2x8192x8x128xf32, #tpu.memory_space<hbm>> -> memref<1x4x8x128xf32, #tpu.memory_space<hbm>>
      %dma_start3A_596 = tpu.memref_squeeze %dma_start3A_595 : memref<1x4x8x128xf32, #tpu.memory_space<hbm>> -> memref<4x8x128xf32, #tpu.memory_space<hbm>>
      %dma_start3A_597 = arith.constant 0 : i32
      %dma_start3A_598 = arith.constant 0 : i32
      %dma_start3A_599 = tpu.memref_slice %arg5[%dma_start3A_587, %select_n3A_585, %dma_start3A_597, %dma_start3A_598] : memref<2x8192x8x128xf32, #tpu.memory_space<hbm>> -> memref<1x4x8x128xf32, #tpu.memory_space<hbm>>
      %dma_start3A_600 = tpu.memref_squeeze %dma_start3A_599 : memref<1x4x8x128xf32, #tpu.memory_space<hbm>> -> memref<4x8x128xf32, #tpu.memory_space<hbm>>
      %dma_start3A_601 = arith.constant 0 : i32
      %dma_start3A_602 = arith.constant 0 : i32
      %dma_start3A_603 = arith.constant 0 : i32
      %dma_start3A_604 = tpu.memref_slice %arg33[%dma_start3A_586, %dma_start3A_601, %dma_start3A_602, %dma_start3A_603] : memref<2x4x8x128xf32, #tpu.memory_space<vmem>> -> memref<1x4x8x128xf32, #tpu.memory_space<vmem>>
      %dma_start3A_605 = tpu.memref_squeeze %dma_start3A_604 : memref<1x4x8x128xf32, #tpu.memory_space<vmem>> -> memref<4x8x128xf32, #tpu.memory_space<vmem>>
      tpu.enqueue_dma source(%dma_start3A_605 : memref<4x8x128xf32, #tpu.memory_space<vmem>>) target(%dma_start3A_600 : memref<4x8x128xf32, #tpu.memory_space<hbm>>) target_semaphore(%arg36 : memref<!tpu.dma_semaphore, #tpu.memory_space<semaphore_mem>>)
    }
    %scan3A_50 = arith.constant 32 : i32
    %mul3A_51 = arith.constant 32768 : i32
    %mul3A_52 = arith.muli %add3A, %mul3A_51 : i32
    %add3A_53 = arith.constant 31744 : i32
    %add3A_54 = arith.addi %mul3A_52, %add3A_53 : i32
    %jit3A = arith.constant 128 : i32
    %div3A = arith.divsi %add3A_54, %jit3A : i32
    %sign3A = arith.constant 0 : i32
    %sign3A_55 = arith.cmpi sgt, %add3A_54, %sign3A : i32
    %sign3A_56 = arith.extui %sign3A_55 : i1 to i32
    %sign3A_57 = arith.constant 0 : i32
    %sign3A_58 = arith.cmpi slt, %add3A_54, %sign3A_57 : i32
    %sign3A_59 = arith.extui %sign3A_58 : i1 to i32
    %sign3A_60 = arith.subi %sign3A_56, %sign3A_59 : i32
    %sign3A_61 = arith.constant 0 : i32
    %sign3A_62 = arith.cmpi sgt, %jit3A, %sign3A_61 : i32
    %sign3A_63 = arith.extui %sign3A_62 : i1 to i32
    %sign3A_64 = arith.constant 0 : i32
    %sign3A_65 = arith.cmpi slt, %jit3A, %sign3A_64 : i32
    %sign3A_66 = arith.extui %sign3A_65 : i1 to i32
    %sign3A_67 = arith.subi %sign3A_63, %sign3A_66 : i32
    %ne3A = arith.cmpi ne, %sign3A_60, %sign3A_67 : i32
    %rem3A = arith.remsi %add3A_54, %jit3A : i32
    %ne3A_68 = arith.constant 0 : i32
    %ne3A_69 = arith.cmpi ne, %rem3A, %ne3A_68 : i32
    %and3A = arith.andi %ne3A, %ne3A_69 : i1
    %sub3A = arith.constant 1 : i32
    %sub3A_70 = arith.subi %div3A, %sub3A : i32
    %select_n3A = arith.select %and3A, %sub3A_70, %div3A : i32
    %dma_wait3A = arith.constant 0 : i32
    %dma_wait3A_71 = arith.constant 0 : i32
    %dma_wait3A_72 = arith.constant 0 : i32
    %dma_wait3A_73 = arith.constant 0 : i32
    %dma_wait3A_74 = arith.constant 0 : i32
    %dma_wait3A_75 = tpu.memref_slice %arg32[%dma_wait3A, %dma_wait3A_72, %dma_wait3A_73, %dma_wait3A_74] : memref<2x4x8x128xf32, #tpu.memory_space<vmem>> -> memref<1x4x8x128xf32, #tpu.memory_space<vmem>>
    %dma_wait3A_76 = tpu.memref_squeeze %dma_wait3A_75 : memref<1x4x8x128xf32, #tpu.memory_space<vmem>> -> memref<4x8x128xf32, #tpu.memory_space<vmem>>
    %dma_wait3A_77 = arith.constant 0 : i32
    %dma_wait3A_78 = arith.constant 0 : i32
    %dma_wait3A_79 = tpu.memref_slice %arg5[%dma_wait3A_71, %select_n3A, %dma_wait3A_77, %dma_wait3A_78] : memref<2x8192x8x128xf32, #tpu.memory_space<hbm>> -> memref<1x4x8x128xf32, #tpu.memory_space<hbm>>
    %dma_wait3A_80 = tpu.memref_squeeze %dma_wait3A_79 : memref<1x4x8x128xf32, #tpu.memory_space<hbm>> -> memref<4x8x128xf32, #tpu.memory_space<hbm>>
    %dma_wait3A_81 = arith.constant 0 : i32
    %dma_wait3A_82 = arith.constant 0 : i32
    %dma_wait3A_83 = tpu.memref_slice %arg5[%dma_wait3A_71, %select_n3A, %dma_wait3A_81, %dma_wait3A_82] : memref<2x8192x8x128xf32, #tpu.memory_space<hbm>> -> memref<1x4x8x128xf32, #tpu.memory_space<hbm>>
    %dma_wait3A_84 = tpu.memref_squeeze %dma_wait3A_83 : memref<1x4x8x128xf32, #tpu.memory_space<hbm>> -> memref<4x8x128xf32, #tpu.memory_space<hbm>>
    %dma_wait3A_85 = arith.constant 0 : i32
    %dma_wait3A_86 = arith.constant 0 : i32
    %dma_wait3A_87 = arith.constant 0 : i32
    %dma_wait3A_88 = tpu.memref_slice %arg32[%dma_wait3A, %dma_wait3A_85, %dma_wait3A_86, %dma_wait3A_87] : memref<2x4x8x128xf32, #tpu.memory_space<vmem>> -> memref<1x4x8x128xf32, #tpu.memory_space<vmem>>
    %dma_wait3A_89 = tpu.memref_squeeze %dma_wait3A_88 : memref<1x4x8x128xf32, #tpu.memory_space<vmem>> -> memref<4x8x128xf32, #tpu.memory_space<vmem>>
    tpu.wait_dma2 semaphore(%arg36 : memref<!tpu.dma_semaphore, #tpu.memory_space<semaphore_mem>>) src(%dma_wait3A_89 : memref<4x8x128xf32, #tpu.memory_space<vmem>>) dst(%dma_wait3A_84 : memref<4x8x128xf32, #tpu.memory_space<hbm>>)
    %jit3A_90 = arith.constant 128 : i32
    %div3A_91 = arith.divsi %add3A_54, %jit3A_90 : i32
    %sign3A_92 = arith.constant 0 : i32
    %sign3A_93 = arith.cmpi sgt, %add3A_54, %sign3A_92 : i32
    %sign3A_94 = arith.extui %sign3A_93 : i1 to i32
    %sign3A_95 = arith.constant 0 : i32
    %sign3A_96 = arith.cmpi slt, %add3A_54, %sign3A_95 : i32
    %sign3A_97 = arith.extui %sign3A_96 : i1 to i32
    %sign3A_98 = arith.subi %sign3A_94, %sign3A_97 : i32
    %sign3A_99 = arith.constant 0 : i32
    %sign3A_100 = arith.cmpi sgt, %jit3A_90, %sign3A_99 : i32
    %sign3A_101 = arith.extui %sign3A_100 : i1 to i32
    %sign3A_102 = arith.constant 0 : i32
    %sign3A_103 = arith.cmpi slt, %jit3A_90, %sign3A_102 : i32
    %sign3A_104 = arith.extui %sign3A_103 : i1 to i32
    %sign3A_105 = arith.subi %sign3A_101, %sign3A_104 : i32
    %ne3A_106 = arith.cmpi ne, %sign3A_98, %sign3A_105 : i32
    %rem3A_107 = arith.remsi %add3A_54, %jit3A_90 : i32
    %ne3A_108 = arith.constant 0 : i32
    %ne3A_109 = arith.cmpi ne, %rem3A_107, %ne3A_108 : i32
    %and3A_110 = arith.andi %ne3A_106, %ne3A_109 : i1
    %sub3A_111 = arith.constant 1 : i32
    %sub3A_112 = arith.subi %div3A_91, %sub3A_111 : i32
    %select_n3A_113 = arith.select %and3A_110, %sub3A_112, %div3A_91 : i32
    %dma_wait3A_114 = arith.constant 1 : i32
    %dma_wait3A_115 = arith.constant 1 : i32
    %dma_wait3A_116 = arith.constant 0 : i32
    %dma_wait3A_117 = arith.constant 0 : i32
    %dma_wait3A_118 = arith.constant 0 : i32
    %dma_wait3A_119 = tpu.memref_slice %arg32[%dma_wait3A_114, %dma_wait3A_116, %dma_wait3A_117, %dma_wait3A_118] : memref<2x4x8x128xf32, #tpu.memory_space<vmem>> -> memref<1x4x8x128xf32, #tpu.memory_space<vmem>>
    %dma_wait3A_120 = tpu.memref_squeeze %dma_wait3A_119 : memref<1x4x8x128xf32, #tpu.memory_space<vmem>> -> memref<4x8x128xf32, #tpu.memory_space<vmem>>
    %dma_wait3A_121 = arith.constant 0 : i32
    %dma_wait3A_122 = arith.constant 0 : i32
    %dma_wait3A_123 = tpu.memref_slice %arg5[%dma_wait3A_115, %select_n3A_113, %dma_wait3A_121, %dma_wait3A_122] : memref<2x8192x8x128xf32, #tpu.memory_space<hbm>> -> memref<1x4x8x128xf32, #tpu.memory_space<hbm>>
    %dma_wait3A_124 = tpu.memref_squeeze %dma_wait3A_123 : memref<1x4x8x128xf32, #tpu.memory_space<hbm>> -> memref<4x8x128xf32, #tpu.memory_space<hbm>>
    %dma_wait3A_125 = arith.constant 0 : i32
    %dma_wait3A_126 = arith.constant 0 : i32
    %dma_wait3A_127 = tpu.memref_slice %arg5[%dma_wait3A_115, %select_n3A_113, %dma_wait3A_125, %dma_wait3A_126] : memref<2x8192x8x128xf32, #tpu.memory_space<hbm>> -> memref<1x4x8x128xf32, #tpu.memory_space<hbm>>
    %dma_wait3A_128 = tpu.memref_squeeze %dma_wait3A_127 : memref<1x4x8x128xf32, #tpu.memory_space<hbm>> -> memref<4x8x128xf32, #tpu.memory_space<hbm>>
    %dma_wait3A_129 = arith.constant 0 : i32
    %dma_wait3A_130 = arith.constant 0 : i32
    %dma_wait3A_131 = arith.constant 0 : i32
    %dma_wait3A_132 = tpu.memref_slice %arg32[%dma_wait3A_114, %dma_wait3A_129, %dma_wait3A_130, %dma_wait3A_131] : memref<2x4x8x128xf32, #tpu.memory_space<vmem>> -> memref<1x4x8x128xf32, #tpu.memory_space<vmem>>
    %dma_wait3A_133 = tpu.memref_squeeze %dma_wait3A_132 : memref<1x4x8x128xf32, #tpu.memory_space<vmem>> -> memref<4x8x128xf32, #tpu.memory_space<vmem>>
    tpu.wait_dma2 semaphore(%arg36 : memref<!tpu.dma_semaphore, #tpu.memory_space<semaphore_mem>>) src(%dma_wait3A_133 : memref<4x8x128xf32, #tpu.memory_space<vmem>>) dst(%dma_wait3A_128 : memref<4x8x128xf32, #tpu.memory_space<hbm>>)
    %mul3A_134 = arith.constant 32768 : i32
    %mul3A_135 = arith.muli %add3A, %mul3A_134 : i32
    %add3A_136 = arith.constant 32256 : i32
    %add3A_137 = arith.addi %mul3A_135, %add3A_136 : i32
    %jit3A_138 = arith.constant 128 : i32
    %div3A_139 = arith.divsi %add3A_137, %jit3A_138 : i32
    %sign3A_140 = arith.constant 0 : i32
    %sign3A_141 = arith.cmpi sgt, %add3A_137, %sign3A_140 : i32
    %sign3A_142 = arith.extui %sign3A_141 : i1 to i32
    %sign3A_143 = arith.constant 0 : i32
    %sign3A_144 = arith.cmpi slt, %add3A_137, %sign3A_143 : i32
    %sign3A_145 = arith.extui %sign3A_144 : i1 to i32
    %sign3A_146 = arith.subi %sign3A_142, %sign3A_145 : i32
    %sign3A_147 = arith.constant 0 : i32
    %sign3A_148 = arith.cmpi sgt, %jit3A_138, %sign3A_147 : i32
    %sign3A_149 = arith.extui %sign3A_148 : i1 to i32
    %sign3A_150 = arith.constant 0 : i32
    %sign3A_151 = arith.cmpi slt, %jit3A_138, %sign3A_150 : i32
    %sign3A_152 = arith.extui %sign3A_151 : i1 to i32
    %sign3A_153 = arith.subi %sign3A_149, %sign3A_152 : i32
    %ne3A_154 = arith.cmpi ne, %sign3A_146, %sign3A_153 : i32
    %rem3A_155 = arith.remsi %add3A_137, %jit3A_138 : i32
    %ne3A_156 = arith.constant 0 : i32
    %ne3A_157 = arith.cmpi ne, %rem3A_155, %ne3A_156 : i32
    %and3A_158 = arith.andi %ne3A_154, %ne3A_157 : i1
    %sub3A_159 = arith.constant 1 : i32
    %sub3A_160 = arith.subi %div3A_139, %sub3A_159 : i32
    %select_n3A_161 = arith.select %and3A_158, %sub3A_160, %div3A_139 : i32
    %dma_wait3A_162 = arith.constant 0 : i32
    %dma_wait3A_163 = arith.constant 0 : i32
    %dma_wait3A_164 = arith.constant 0 : i32
    %dma_wait3A_165 = arith.constant 0 : i32
    %dma_wait3A_166 = arith.constant 0 : i32
    %dma_wait3A_167 = tpu.memref_slice %arg33[%dma_wait3A_162, %dma_wait3A_164, %dma_wait3A_165, %dma_wait3A_166] : memref<2x4x8x128xf32, #tpu.memory_space<vmem>> -> memref<1x4x8x128xf32, #tpu.memory_space<vmem>>
    %dma_wait3A_168 = tpu.memref_squeeze %dma_wait3A_167 : memref<1x4x8x128xf32, #tpu.memory_space<vmem>> -> memref<4x8x128xf32, #tpu.memory_space<vmem>>
    %dma_wait3A_169 = arith.constant 0 : i32
    %dma_wait3A_170 = arith.constant 0 : i32
    %dma_wait3A_171 = tpu.memref_slice %arg5[%dma_wait3A_163, %select_n3A_161, %dma_wait3A_169, %dma_wait3A_170] : memref<2x8192x8x128xf32, #tpu.memory_space<hbm>> -> memref<1x4x8x128xf32, #tpu.memory_space<hbm>>
    %dma_wait3A_172 = tpu.memref_squeeze %dma_wait3A_171 : memref<1x4x8x128xf32, #tpu.memory_space<hbm>> -> memref<4x8x128xf32, #tpu.memory_space<hbm>>
    %dma_wait3A_173 = arith.constant 0 : i32
    %dma_wait3A_174 = arith.constant 0 : i32
    %dma_wait3A_175 = tpu.memref_slice %arg5[%dma_wait3A_163, %select_n3A_161, %dma_wait3A_173, %dma_wait3A_174] : memref<2x8192x8x128xf32, #tpu.memory_space<hbm>> -> memref<1x4x8x128xf32, #tpu.memory_space<hbm>>
    %dma_wait3A_176 = tpu.memref_squeeze %dma_wait3A_175 : memref<1x4x8x128xf32, #tpu.memory_space<hbm>> -> memref<4x8x128xf32, #tpu.memory_space<hbm>>
    %dma_wait3A_177 = arith.constant 0 : i32
    %dma_wait3A_178 = arith.constant 0 : i32
    %dma_wait3A_179 = arith.constant 0 : i32
    %dma_wait3A_180 = tpu.memref_slice %arg33[%dma_wait3A_162, %dma_wait3A_177, %dma_wait3A_178, %dma_wait3A_179] : memref<2x4x8x128xf32, #tpu.memory_space<vmem>> -> memref<1x4x8x128xf32, #tpu.memory_space<vmem>>
    %dma_wait3A_181 = tpu.memref_squeeze %dma_wait3A_180 : memref<1x4x8x128xf32, #tpu.memory_space<vmem>> -> memref<4x8x128xf32, #tpu.memory_space<vmem>>
    tpu.wait_dma2 semaphore(%arg36 : memref<!tpu.dma_semaphore, #tpu.memory_space<semaphore_mem>>) src(%dma_wait3A_181 : memref<4x8x128xf32, #tpu.memory_space<vmem>>) dst(%dma_wait3A_176 : memref<4x8x128xf32, #tpu.memory_space<hbm>>)
    %jit3A_182 = arith.constant 128 : i32
    %div3A_183 = arith.divsi %add3A_137, %jit3A_182 : i32
    %sign3A_184 = arith.constant 0 : i32
    %sign3A_185 = arith.cmpi sgt, %add3A_137, %sign3A_184 : i32
    %sign3A_186 = arith.extui %sign3A_185 : i1 to i32
    %sign3A_187 = arith.constant 0 : i32
    %sign3A_188 = arith.cmpi slt, %add3A_137, %sign3A_187 : i32
    %sign3A_189 = arith.extui %sign3A_188 : i1 to i32
    %sign3A_190 = arith.subi %sign3A_186, %sign3A_189 : i32
    %sign3A_191 = arith.constant 0 : i32
    %sign3A_192 = arith.cmpi sgt, %jit3A_182, %sign3A_191 : i32
    %sign3A_193 = arith.extui %sign3A_192 : i1 to i32
    %sign3A_194 = arith.constant 0 : i32
    %sign3A_195 = arith.cmpi slt, %jit3A_182, %sign3A_194 : i32
    %sign3A_196 = arith.extui %sign3A_195 : i1 to i32
    %sign3A_197 = arith.subi %sign3A_193, %sign3A_196 : i32
    %ne3A_198 = arith.cmpi ne, %sign3A_190, %sign3A_197 : i32
    %rem3A_199 = arith.remsi %add3A_137, %jit3A_182 : i32
    %ne3A_200 = arith.constant 0 : i32
    %ne3A_201 = arith.cmpi ne, %rem3A_199, %ne3A_200 : i32
    %and3A_202 = arith.andi %ne3A_198, %ne3A_201 : i1
    %sub3A_203 = arith.constant 1 : i32
    %sub3A_204 = arith.subi %div3A_183, %sub3A_203 : i32
    %select_n3A_205 = arith.select %and3A_202, %sub3A_204, %div3A_183 : i32
    %dma_wait3A_206 = arith.constant 1 : i32
    %dma_wait3A_207 = arith.constant 1 : i32
    %dma_wait3A_208 = arith.constant 0 : i32
    %dma_wait3A_209 = arith.constant 0 : i32
    %dma_wait3A_210 = arith.constant 0 : i32
    %dma_wait3A_211 = tpu.memref_slice %arg33[%dma_wait3A_206, %dma_wait3A_208, %dma_wait3A_209, %dma_wait3A_210] : memref<2x4x8x128xf32, #tpu.memory_space<vmem>> -> memref<1x4x8x128xf32, #tpu.memory_space<vmem>>
    %dma_wait3A_212 = tpu.memref_squeeze %dma_wait3A_211 : memref<1x4x8x128xf32, #tpu.memory_space<vmem>> -> memref<4x8x128xf32, #tpu.memory_space<vmem>>
    %dma_wait3A_213 = arith.constant 0 : i32
    %dma_wait3A_214 = arith.constant 0 : i32
    %dma_wait3A_215 = tpu.memref_slice %arg5[%dma_wait3A_207, %select_n3A_205, %dma_wait3A_213, %dma_wait3A_214] : memref<2x8192x8x128xf32, #tpu.memory_space<hbm>> -> memref<1x4x8x128xf32, #tpu.memory_space<hbm>>
    %dma_wait3A_216 = tpu.memref_squeeze %dma_wait3A_215 : memref<1x4x8x128xf32, #tpu.memory_space<hbm>> -> memref<4x8x128xf32, #tpu.memory_space<hbm>>
    %dma_wait3A_217 = arith.constant 0 : i32
    %dma_wait3A_218 = arith.constant 0 : i32
    %dma_wait3A_219 = tpu.memref_slice %arg5[%dma_wait3A_207, %select_n3A_205, %dma_wait3A_217, %dma_wait3A_218] : memref<2x8192x8x128xf32, #tpu.memory_space<hbm>> -> memref<1x4x8x128xf32, #tpu.memory_space<hbm>>
    %dma_wait3A_220 = tpu.memref_squeeze %dma_wait3A_219 : memref<1x4x8x128xf32, #tpu.memory_space<hbm>> -> memref<4x8x128xf32, #tpu.memory_space<hbm>>
    %dma_wait3A_221 = arith.constant 0 : i32
    %dma_wait3A_222 = arith.constant 0 : i32
    %dma_wait3A_223 = arith.constant 0 : i32
    %dma_wait3A_224 = tpu.memref_slice %arg33[%dma_wait3A_206, %dma_wait3A_221, %dma_wait3A_222, %dma_wait3A_223] : memref<2x4x8x128xf32, #tpu.memory_space<vmem>> -> memref<1x4x8x128xf32, #tpu.memory_space<vmem>>
    %dma_wait3A_225 = tpu.memref_squeeze %dma_wait3A_224 : memref<1x4x8x128xf32, #tpu.memory_space<vmem>> -> memref<4x8x128xf32, #tpu.memory_space<vmem>>
    tpu.wait_dma2 semaphore(%arg36 : memref<!tpu.dma_semaphore, #tpu.memory_space<semaphore_mem>>) src(%dma_wait3A_225 : memref<4x8x128xf32, #tpu.memory_space<vmem>>) dst(%dma_wait3A_220 : memref<4x8x128xf32, #tpu.memory_space<hbm>>)
    return
  }
}

</mosaic_0001>

<sc_bundles>
// kernel: _sc_sample.3.cloned.1.call-start
scs
__scs_entry_jumppad:
0x0: {  	(pc) =	sbr.rel $0x88, $3  }
0x1: {  	(tag) =	ssettag $0x0;
	lr =	simm.s32 $0x1  }
0x2: {  	[smem:$0x3F9E] =	sst lr;
	_ =	strace $0xD0000000  }
0x3: {  	_ = 	snop  }
0x4: {  	_ = 	snop  }
0x5: {  	_ = 	snop  }
0x6: {  	_ = 	snop  }
0x7: {  	_ = 	snop  }
__scs_overlays_trampoline_lowered:
0x8: {  	[smem:$0x3FAD] =	sst s0  }
0x9: {  	[smem:$0x3FAE] =	sst s1  }
0xa: {  	[smem:$0x3FAF] =	sst s2  }
0xb: {  	[smem:$0x3FB0] =	sst s3  }
0xc: {  	[smem:$0x3FB1] =	sst s4  }
0xd: {  	[smem:$0x3FB2] =	sst s5  }
0xe: {  	[smem:$0x3FB3] =	sst s6  }
0xf: {  	[smem:$0x3FB4] =	sst s7  }
0x10: {  	[smem:$0x3FB5] =	sst s8  }
0x11: {  	[smem:$0x3FB6] =	sst s9;
	s0 =	simm.s32 @!p0 $0x0  }
0x12: {  	s1 =	sld [smem:$0x3F9C];
	s0 =	simm.s32 @p0 $0x1  }
0x13: {  	[smem:$0x3FB7] =	sst s0;
	s0 =	simm.s32 @!p1 $0x0  }
0x14: {  	s2 =	sld [smem:$0x3F9B];
	s0 =	simm.s32 @p1 $0x1  }
0x15: {  	[smem:$0x3FB8] =	sst s0;
	s0 =	simm.s32 @!p2 $0x0  }
0x16: {  	s3 =	sld [smem:$0x3FDB];
	s0 =	simm.s32 @p2 $0x1  }
0x17: {  	s4 =	simm.s32 $0x1BF5;
	[smem:$0x3FBA] =	sst s0  }
0x18: {  	s0 =	sld [smem:$0x3F9D];
	_ =	swait.ge [sflag:s4], $0x0  }
0x19: {  	s7 =	sld [smem:$0x3F9E]  }
0x1a: {  	s8 =	sadd.s32 $0xFFFFE003, lr  }
0x1b: {  	s9 =	sadd.s32 $0xFFFFFEF7, lr;
	s5 =	simm.s32 $0xFFFFFFFF;
	p2 =	slt.u32 s8, $0xFFFFF086  }
0x1c: {  	p1 =	slt.u32 s9, $0xF7A;
	s5 =	simm.s32 @!p2 $0x0  }
0x1d: {  	s5 =	simm.s32 @p1 $0x1;
	p0 =	seq.s32 s7, s2  }
0x1e: {  	s7 =	smul.u32 @!p0 $0xF7A, s2;
	p2 =	seq.s32 @!p0 s5, $0x0  }
0x1f: {  	s9 =	smul.u32 $0xF7A, s1;
	s8 =	simm.s32 @!p0 $0x1BF5;
	p2 =	por !p2, p0  }
0x20: {  	[sflag:s8] =	ssyncset.s32 @!p0 $0xFFFFF086;
	s6 =	sadd.s32 @!p0 s3, s7;
	s7 =	simm.s32 @!p0 $0x108  }
0x21: {  	s3 =	sadd.s32 s3, s9;
	s6 =	sadd.s32 @!p0 $0x88, s6;
	s7 =	simm.s32 @p2 $0x1082  }
0x22: {  	[simem:s7], [sflag:s8] =	dma.local @!p0 [hbm:s6], $0xF7A  }
0x23: {  	s9 =	sor.u32 $0xD0000000, s2;
	s6 =	simm.s32 $0x108;
	_ =	swait.ge @!p0 [sflag:s8], $0x0  }
0x24: {  	s3 =	sadd.s32 $0x88, s3;
	s6 =	simm.s32 @!p1 $0x1082;
	[sflag:s4] =	ssyncset.s32 $0xFFFFF086  }
0x25: {  	[simem:s6], [sflag:s4] =	dma.local [hbm:s3], $0xF7A  }
0x26: {  	[smem:$0x3F9E] =	sst s1;
	(tag) =	ssettag s2;
	_ =	strace s9  }
0x27: {  	s1 =	sld [smem:$0x3FAE]  }
0x28: {  	s2 =	sld [smem:$0x3FAF]  }
0x29: {  	s4 =	sld [smem:$0x3FB1]  }
0x2a: {  	p0 =	seq.s32 s5, $0x0;
	s5 =	sld [smem:$0x3FB2]  }
0x2b: {  	s6 =	sld [smem:$0x3FB3]  }
0x2c: {  	s7 =	sld [smem:$0x3FB4]  }
0x2d: {  	s3 =	simm.s32 $0x108;
	s8 =	sld [smem:$0x3FB5]  }
0x2e: {  	s3 =	simm.s32 @!p0 $0x1082;
	s9 =	sld [smem:$0x3FB6]  }
0x2f: {  	lr =	sadd.s32 s0, s3;
	s0 =	sld [smem:$0x3FAD]  }
0x30: {  	s3 =	sld [smem:$0x3FB0]  }
0x31: {  	[smem:$0x3FB9] =	sst s10  }
0x32: {  	s10 =	sld [smem:$0x3FB7];
	_ =	sdelay $0x3  }
0x33: {  	p0 =	seq.s32 s10, $0x1;
	s10 =	sld [smem:$0x3FB9];
	_ =	sdelay $0x3  }
0x34: {  	[smem:$0x3FB9] =	sst s10  }
0x35: {  	s10 =	sld [smem:$0x3FB8];
	_ =	sdelay $0x3  }
0x36: {  	p1 =	seq.s32 s10, $0x1;
	s10 =	sld [smem:$0x3FB9];
	_ =	sdelay $0x3  }
0x37: {  	[smem:$0x3FB9] =	sst s10  }
0x38: {  	s10 =	sld [smem:$0x3FBA]  }
0x39: {  	_ = 	snop;
	(pc) =	sbr.ind lr, $3  }
0x3a: {  	_ = 	snop  }
0x3b: {  	_ = 	snop  }
0x3c: {  	p2 =	seq.s32 s10, $0x1;
	s10 =	sld [smem:$0x3FB9]  }
0x3d: {  	_ =	shalt  }
0x3e: {  	_ =	shalt  }
0x3f: {  	_ =	shalt  }
0x40: {  	_ =	shalt  }
0x41: {  	_ =	shalt  }
0x42: {  	_ =	shalt  }
0x43: {  	_ =	shalt  }
0x44: {  	_ =	shalt  }
0x45: {  	_ =	shalt  }
0x46: {  	_ =	shalt  }
0x47: {  	_ =	shalt  }
0x48: {  	_ =	shalt  }
0x49: {  	_ =	shalt  }
0x4a: {  	_ =	shalt  }
0x4b: {  	_ =	shalt  }
0x4c: {  	_ =	shalt  }
0x4d: {  	_ =	shalt  }
0x4e: {  	_ =	shalt  }
0x4f: {  	_ =	shalt  }
0x50: {  	_ =	shalt  }
0x51: {  	_ =	shalt  }
0x52: {  	_ =	shalt  }
0x53: {  	_ =	shalt  }
0x54: {  	_ =	shalt  }
0x55: {  	_ =	shalt  }
0x56: {  	_ =	shalt  }
0x57: {  	_ =	shalt  }
0x58: {  	_ =	shalt  }
0x59: {  	_ =	shalt  }
0x5a: {  	_ =	shalt  }
0x5b: {  	_ =	shalt  }
0x5c: {  	_ =	shalt  }
0x5d: {  	_ =	shalt  }
0x5e: {  	_ =	shalt  }
0x5f: {  	_ =	shalt  }
0x60: {  	_ =	shalt  }
0x61: {  	_ =	shalt  }
0x62: {  	_ =	shalt  }
0x63: {  	_ =	shalt  }
0x64: {  	_ =	shalt  }
0x65: {  	_ =	shalt  }
0x66: {  	_ =	shalt  }
0x67: {  	_ =	shalt  }
0x68: {  	_ =	shalt  }
0x69: {  	_ =	shalt  }
0x6a: {  	_ =	shalt  }
0x6b: {  	_ =	shalt  }
0x6c: {  	_ =	shalt  }
0x6d: {  	_ =	shalt  }
0x6e: {  	_ =	shalt  }
0x6f: {  	_ =	shalt  }
0x70: {  	_ =	shalt  }
0x71: {  	_ =	shalt  }
0x72: {  	_ =	shalt  }
0x73: {  	_ =	shalt  }
0x74: {  	_ =	shalt  }
0x75: {  	_ =	shalt  }
0x76: {  	_ =	shalt  }
0x77: {  	_ =	shalt  }
0x78: {  	_ =	shalt  }
0x79: {  	_ =	shalt  }
0x7a: {  	_ =	shalt  }
0x7b: {  	_ =	shalt  }
0x7c: {  	_ =	shalt  }
0x7d: {  	_ =	shalt  }
0x7e: {  	_ =	shalt  }
0x7f: {  	_ =	shalt  }
0x80: {  	_ =	shalt  }
0x81: {  	_ =	shalt  }
0x82: {  	_ =	shalt  }
0x83: {  	_ =	shalt  }
0x84: {  	_ =	shalt  }
0x85: {  	_ =	shalt  }
0x86: {  	_ =	shalt  }
0x87: {  	_ =	shalt  }
.Lfunc_end0:
.L_simem_size_0:
called_computation_lowered:
.L_overlay_start_0:
0x88: {  	s2 =	sld [smem:$0x3FD9]  }
0x89: {  	s3 =	sld [smem:$0x3FFE];
	_ =	sdelay $0x1  }
0x8a: {  	s1 =	srdreg.scid  }
0x8b: {  	s0 =	sand.u32 $0x1, s1  }
0x8c: {  	s17 =	sshll.u32 s0, $0xA;
	s2 =	sadd.s32 s3, s2  }
0x8d: {  	s2 =	sadd.s32 s2, s17  }
0x8e: {  	[smem:$0x3FC5] =	sst s2  }
0x8f: {  	_ = 	snop  }
0x90: {  	s2 =	sld [smem:$0x3FC9]  }
0x91: {  	s18 =	sld [smem:$0x3FC8]  }
0x92: {  	s4 =	sld [smem:$0x3FD0];
	(tm) =	ssettm $0x1  }
0x93: {  	s5 =	sld [smem:$0x3FFB];
	_ =	sdelay $0x3  }
0x94: {  	_ =	strace s5  }
0x95: {  	s5 =	sld [smem:$0x3FFC];
	_ =	sdelay $0x3  }
0x96: {  	_ =	strace s5  }
0x97: {  	s5 =	sld [smem:$0x3FFD];
	_ =	sdelay $0x3  }
0x98: {  	_ =	strace s5  }
0x99: {  	_ =	strace $0x8FFFFFFF  }
0x9a: {  	s19 =	sld [smem:$0x3FDB];
	_ =	sdelay $0x1  }
0x9b: {  	s6 =	simm.s32 $_scs_section_size  }
0x9c: {  	s7 =	simm.s32 $_size__tile_overlayer_lowered;
	s8 =	simm.s32 $_tile_overlayer_lowered  }
0x9d: {  	s22 =	simm.s32 $0x1BFF;
	s21 =	sshll.u32 s8, $0x1;
	s5 =	sadd.s32 s6, s19  }
0x9e: {  	s9 =	simm.s32 $0x0;
	s20 =	sshll.u32 s7, $0x1;
	s7 =	sadd.s32 s21, s5  }
0x9f: {  	[timem:s9], [sflag:s22] =	dma.local [hbm:s7], s20  }
0xa0: {  	_ =	swait.ge [sflag:s22], s20  }
0xa1: {  	s6 =	ssub.s32 $0x0, s20;
	[sflag:s22] =	ssyncset.done $0x0  }
0xa2: {  	[sflag:s22] =	ssyncadd.s32 s6;
	_ =	sdelay $0x1  }
0xa3: {  	s23 =	simm.s32 $0x1B8B  }
0xa4: {  	_ =	swait.ge [sflag:s23], $0x1  }
0xa5: {  	[sflag:s23] =	ssyncset.done $0x0  }
0xa6: {  	s25 =	simm.s32 $0x1B8E;
	s24 =	sld [smem:$0x3FFE];
	[sflag:s23] =	ssyncadd.s32 $0xFFFFFFFF  }
0xa7: {  	s26 =	simm.s32 $execute0_lowered;
	[smem:$0x3FD2] =	sst s25  }
0xa8: {  	s7 =	sshll.u32 s26, $0x1;
	_ =	strace $0x80000046;
	[dreg:$0x1] =	wrdreg $0xFFFFFFFF  }
0xa9: {  	s28 =	simm.s32 $_size_execute0_lowered;
	s5 =	sadd.s32 s5, s7;
	[dreg:$0x0] =	wrdreg $0x0  }
0xaa: {  	s7 =	sshll.u32 s28, $0x1;
	[dreg:$0x2] =	wrdreg s5  }
0xab: {  	[dreg:$0x3] =	wrdreg s7  }
0xac: {  	[dreg:$0x4] =	wrdreg $0xC0  }
0xad: {  	_ =	task [dreg:s9], $0x5FFFF  }
0xae: {  	[dreg:$0x1] =	wrdreg $0xFFFFFFFF  }
0xaf: {  	[dreg:$0x0] =	wrdreg $0x60  }
0xb0: {  	[dreg:$0x2] =	wrdreg s2  }
0xb1: {  	[dreg:$0x3] =	wrdreg s18  }
0xb2: {  	[dreg:$0x4] =	wrdreg s24  }
0xb3: {  	[dreg:$0x5] =	wrdreg s4  }
0xb4: {  	[dreg:$0x6] =	wrdreg $0x9  }
0xb5: {  	_ =	task.clear_ibuf [dreg:s9], $0x7FFFF;
	_ =	strace $0x90000046  }
0xb6: {  	s29 =	simm.s32 $0x9;
	_ =	strace $0x80000048  }
0xb7: {  	_ =	swait.ge [sflag:s29], $0x1  }
0xb8: {  	[sflag:s29] =	ssyncadd.s32 $0xFFFFFFFF  }
0xb9: {  	_ =	strace $0x90000048  }
0xba: {  	_ =	sfence  }
0xbb: {  	s30 =	sld [smem:$0x0];
	_ =	sdelay $0x2  }
0xbc: {  	s31 =	sshll.u32 s1, $0xD;
	s1 =	sshrl.u32 s1, $0x2  }
0xbd: {  	s3 =	sand.u32 $0x4000, s31;
	s1 =	sadd.s32 s1, s30  }
0xbe: {  	s0 =	sor.u32 s3, s0;
	s1 =	sshll.u32 s1, $0x11  }
0xbf: {  	s0 =	sor.u32 s1, s0  }
0xc0: {  	s0 =	sadd.s32 $0x8F2B, s0  }
0xc1: {  	[sflag:s0] =	ssyncadd.remote.s32 $0x1  }
0xc2: {  	_ =	sfence.sel $0xFFFF  }
0xc3: {  	[dreg:$0x0] =	wrdreg $0xFFFFFFFF;
	(pc) =	sbr.abs _section_cstart, $3  }
0xc4: {  	[dreg:$0x1] =	wrdreg $0xFFFFFFFF  }
0xc5: {  	_ =	task.clear_ibuf [dreg:s9], $0x2FFFF;
	_ =	strace $0x9FFFFFFF  }
0xc6: {  	(tm) =	ssettm $0x7FFFFFFF  }
0xc7: {  	_ =	shalt  }
tec
execute0_lowered:
.L_overlay_start_1:
0x0: {  	(tag) =	ssettag $0x1  }
0x1: {  	s4 =	rddreg [dreg:$0x0]  }
0x2: {  	s5 =	rddreg [dreg:$0x1]  }
0x3: {  	s0 =	rddreg [dreg:$0x2]  }
0x4: {  	s6 =	rddreg [dreg:$0x3];
	s1 =	srdreg.scid  }
0x5: {  	s2 =	stileid.u32;
	s7 =	simm.s32 $0x0;
	s16 =	simm.s32 $0x4000  }
0x6: {  	s18 =	simm.s32 $0x6000;
	s20 =	simm.s32 $0x8000;
	s22 =	simm.s32 $0xA000  }
0x7: {  	s29 =	simm.s32 $0x10000;
	s31 =	simm.s32 $0x12000;
	s1 =	sand.u32 $0x1, s1  }
0x8: {  	s2 =	sshll.u32 s2, $0x10;
	[smem:$0x7FF] =	sst s7;
	s0 =	sadd.s32 $0x1000400, s0  }
0x9: {  	s30 =	sadd.s32 $0x100000, s6;
	s3 =	sshll.u32 s1, $0xF;
	s1 =	ssub.s32 $0x2, s1  }
0xa: {  	_ =	strace $0x80000047;
	[dreg:$0x6] =	wrdreg s0;
	s12 =	sor.u32 s3, s2  }
.Ltmp0:
0xb: {  	[dreg:$0x9] =	wrdreg s30;
	s3 =	sshrl.u32 s12, $0x3;
	(pc) =	sbr.rel .LBB2_1-.Ltmp0, $4  }
0xc: {  	s24 =	sshrl.u32 s1, $0x1;
	[dreg:$0x5] =	wrdreg s12;
	s26 =	sadd.s32 s4, s3  }
0xd: {  	s25 =	ssub.s32 s1, s24;
	s28 =	sadd.s32 s5, s3;
	[dreg:$0x7] =	wrdreg s26  }
0xe: {  	v0 =	vlaneseq.u32;
	s2 =	simm.s32 $0x0;
	s0 =	smax.u32 s25, $0x1;
	[dreg:$0x8] =	wrdreg s28  }
0xf: {  	v0 =	vmul.u32 $0x10, v0;
	s24 =	simm.s32 $0xC000;
	[dreg:$0xa] =	wrdreg s0;
	s26 =	simm.s32 $0xE000  }
.LBB2_17:
0x10: {  	s1 =	simm.s32 $0x3  }
0x11: {  	_ =	swait.ge [sflag:s1], $0x1000  }
0x12: {  	[sflag:s1] =	ssyncset.done $0x0  }
0x13: {  	[sflag:s1] =	ssyncadd.s32 $0xFFFFF000  }
0x14: {  	_ =	swait.ge [sflag:s1], $0x1000  }
0x15: {  	[sflag:s1] =	ssyncset.done $0x0  }
0x16: {  	[sflag:s1] =	ssyncadd.s32 $0xFFFFF000  }
0x17: {  	_ =	swait.ge [sflag:s1], $0x1000  }
0x18: {  	[sflag:s1] =	ssyncset.done $0x0  }
0x19: {  	[sflag:s1] =	ssyncadd.s32 $0xFFFFF000  }
0x1a: {  	_ =	swait.ge [sflag:s1], $0x1000  }
0x1b: {  	s2 =	rddreg [dreg:$0xb]  }
0x1c: {  	s0 =	rddreg [dreg:$0xa];
	s2 =	sadd.s32 $0x1, s2  }
0x1d: {  	p0 =	sne.s32 s2, s0  }
.Ltmp1:
0x1e: {  	_ = 	snop;
	(pc) =	sbr.rel @!p0 .LBB2_18-.Ltmp1, $3  }
0x1f: {  	_ =	sdelay $0x1  }
0x20: {  	[sflag:s1] =	ssyncset.done $0x0  }
0x21: {  	[sflag:s1] =	ssyncadd.s32 $0xFFFFF000  }
.LBB2_1:
0x22: {  	[dreg:$0xb] =	wrdreg s2  }
0x23: {  	s0 =	rddreg [dreg:$0x7];
	s1 =	simm.s32 $0x4  }
0x24: {  	[tilespmem:s7], [sflag:$0x4] =	stream.linear.gather [hbm4b:s0+s7], $0x1000, $0x38;
	[tilespmem:$0x18000] =	vst v63  }
0x25: {  	_ =	swait.ge [sflag:s1], $0x1000  }
0x26: {  	[sflag:s1] =	ssyncset.done $0x0  }
0x27: {  	s21 =	simm.s32 $0x1000;
	s19 =	rddreg [dreg:$0x8];
	[sflag:s1] =	ssyncadd.s32 $0xFFFFF000  }
0x28: {  	[tilespmem:s21], [sflag:$0x4] =	stream.linear.gather [hbm4b:s19+s7], $0x1000, $0x38;
	[tilespmem:$0x18000] =	vst v63  }
0x29: {  	_ =	swait.ge [sflag:s1], $0x1000  }
0x2a: {  	[sflag:s1] =	ssyncset.done $0x0  }
0x2b: {  	s23 =	simm.s32 $0x10;
	[sflag:s1] =	ssyncadd.s32 $0xFFFFF000  }
0x2c: {  	s25 =	simm.s32 $0x1010;
	v1 =	vld [tilespmem:s23+$0x0]  }
0x2d: {  	v2 =	vld [tilespmem:s25+$0x0]  }
0x2e: {  	v3 =	vld [tilespmem:s25+$0xFFFFFFF0]  }
0x2f: {  	s28 =	simm.s32 $0x30;
	v4 =	vld [tilespmem:s23+$0xFFFFFFF0]  }
0x30: {  	s0 =	simm.s32 $0x1030;
	v11 =	vld [tilespmem:s28+$0x0]  }
0x31: {  	v14 =	vld [tilespmem:s0+$0x0];
	_ =	sdelay $0x1  }
0x32: {  	v1 =	vmul.f32 $1.023000000e+03, v1  }
0x33: {  	v2 =	vmul.f32 $1.023000000e+03, v2;
	v3 =	vmul.f32 $1.023000000e+03, v3  }
0x34: {  	v4 =	vmul.f32 $1.023000000e+03, v4;
	v11 =	vmul.f32 $1.023000000e+03, v11  }
0x35: {  	v14 =	vmul.f32 $1.023000000e+03, v14;
	v1 =	vmax.f32 v1, $0.0e+00;
	v2 =	vmax.f32 v2, $0.0e+00  }
0x36: {  	v3 =	vmax.f32 v3, $0.0e+00;
	v4 =	vmax.f32 v4, $0.0e+00;
	v11 =	vmax.f32 v11, $0.0e+00  }
0x37: {  	v1 =	vmin.f32 v1, $1.023000000e+03;
	v2 =	vmin.f32 v2, $1.023000000e+03;
	v4 =	vmin.f32 v4, $1.023000000e+03  }
0x38: {  	v3 =	vmin.f32 v3, $1.023000000e+03;
	v5 =	vtrunc.f32 v1;
	v6 =	vtrunc.f32 v2  }
0x39: {  	v14 =	vmax.f32 v14, $0.0e+00;
	v7 =	vtrunc.f32 v4;
	v8 =	vtrunc.f32 v3  }
0x3a: {  	v11 =	vmin.f32 v11, $1.023000000e+03;
	v5 =	vcvt.f32.s32 v5;
	v6 =	vcvt.f32.s32 v6  }
0x3b: {  	v14 =	vmin.f32 v14, $1.023000000e+03;
	v61 =	vtrunc.f32 v11;
	v7 =	vcvt.f32.s32 v7  }
0x3c: {  	v8 =	vcvt.f32.s32 v8;
	vm0 =	vlt.s32 v5, $0x3FE;
	vm1 =	vlt.s32 v6, $0x3FE  }
0x3d: {  	v5 =	vnsel vm0, $0x3FE, v5;
	v6 =	vnsel vm1, $0x3FE, v6;
	vm0 =	vlt.s32 v7, $0x3FE  }
0x3e: {  	v9 =	vcvt.s32.f32 v5;
	v10 =	vcvt.s32.f32 v6;
	v6 =	vshll.u32 v6, $0xA  }
0x3f: {  	v58 =	vld [tilespmem:s0+$0xFFFFFFF0];
	v7 =	vnsel vm0, $0x3FE, v7;
	vm0 =	vlt.s32 v8, $0x3FE;
	v5 =	vadd.s32 v5, v6  }
0x40: {  	v8 =	vnsel vm0, $0x3FE, v8;
	v12 =	vcvt.s32.f32 v7;
	v1 =	vsub.f32 v1, v9  }
0x41: {  	v2 =	vsub.f32 v2, v10;
	v10 =	vadd.s32 $0x1, v5;
	v15 =	vcvt.s32.f32 v8  }
0x42: {  	s30 =	simm.s32 $0x2010;
	v13 =	vadd.s32 $0x400, v5;
	v16 =	vadd.s32 $0x401, v5;
	v6 =	vsub.f32 $1.000000000e+00, v1  }
0x43: {  	s8 =	simm.s32 $0x2210;
	v8 =	vshll.u32 v8, $0xA;
	[tilespmem:s30+$0x0] =	vst v5;
	v9 =	vsub.f32 $1.000000000e+00, v2;
	v15 =	vsub.f32 v3, v15;
	v3 =	vld [tilespmem:s28+$0xFFFFFFF0]  }
0x44: {  	s1 =	simm.s32 $0x2410;
	v4 =	vsub.f32 v4, v12;
	v7 =	vadd.s32 v7, v8;
	[tilespmem:s8+$0x0] =	vst v10;
	v12 =	vmul.f32 $1.023000000e+03, v58  }
0x45: {  	s2 =	simm.s32 $0x2610;
	v8 =	vadd.s32 $0x1, v7;
	[tilespmem:s1+$0x0] =	vst v13;
	v17 =	vmul.f32 v9, v6;
	v9 =	vmul.f32 v9, v1  }
0x46: {  	s3 =	simm.s32 $0x3010;
	[tilespmem:s2+$0x0] =	vst v16;
	v5 =	vmul.f32 v6, v2;
	v2 =	vmul.f32 v2, v1;
	v10 =	vsub.f32 $1.000000000e+00, v15  }
0x47: {  	s4 =	simm.s32 $0x3210;
	v6 =	vsub.f32 $1.000000000e+00, v4;
	v1 =	vmul.f32 v15, v4;
	[tilespmem:s3+$0x0] =	vst v17;
	v17 =	vcvt.f32.s32 v61  }
0x48: {  	s5 =	simm.s32 $0x3410;
	v59 =	vadd.s32 $0x400, v7;
	v4 =	vmul.f32 v10, v4;
	v3 =	vmul.f32 $1.023000000e+03, v3;
	[tilespmem:s4+$0x0] =	vst v9  }
0x49: {  	v60 =	vadd.s32 $0x401, v7;
	v9 =	vmul.f32 v10, v6;
	[tilespmem:s5+$0x0] =	vst v5;
	v5 =	vtrunc.f32 v14  }
0x4a: {  	s6 =	simm.s32 $0x3610;
	[tilespmem:s30+$0xFFFFFFF0] =	vst v7;
	vm0 =	vlt.s32 v17, $0x3FE;
	v3 =	vmax.f32 v3, $0.0e+00;
	v5 =	vcvt.f32.s32 v5  }
0x4b: {  	[tilespmem:s6+$0x0] =	vst v2;
	v2 =	vmax.f32 v12, $0.0e+00;
	v10 =	vnsel vm0, $0x3FE, v17;
	v3 =	vmin.f32 v3, $1.023000000e+03  }
0x4c: {  	[tilespmem:s8+$0xFFFFFFF0] =	vst v8;
	v2 =	vmin.f32 v2, $1.023000000e+03;
	v7 =	vtrunc.f32 v3;
	vm0 =	vlt.s32 v5, $0x3FE  }
0x4d: {  	[tilespmem:s1+$0xFFFFFFF0] =	vst v59;
	v8 =	vtrunc.f32 v2;
	v7 =	vcvt.f32.s32 v7;
	v62 =	vnsel vm0, $0x3FE, v5  }
0x4e: {  	[tilespmem:s2+$0xFFFFFFF0] =	vst v60;
	v5 =	vcvt.s32.f32 v10;
	v63 =	vcvt.s32.f32 v62  }
0x4f: {  	[tilespmem:s3+$0xFFFFFFF0] =	vst v9;
	v9 =	vmul.f32 v6, v15;
	v8 =	vcvt.f32.s32 v8;
	vm0 =	vlt.s32 v7, $0x3FE  }
0x50: {  	[tilespmem:s4+$0xFFFFFFF0] =	vst v4;
	v4 =	vsub.f32 v11, v5;
	v11 =	vshll.u32 v62, $0xA;
	v5 =	vsub.f32 v14, v63  }
0x51: {  	s10 =	simm.s32 $0x2;
	s8 =	simm.s32 $0x2030;
	[tilespmem:s5+$0xFFFFFFF0] =	vst v9;
	v6 =	vnsel vm0, $0x3FE, v7;
	vm0 =	vlt.s32 v8, $0x3FE;
	v10 =	vadd.s32 v10, v11  }
0x52: {  	s11 =	simm.s32 $0x50;
	s9 =	simm.s32 $0x2230;
	s7 =	simm.s32 $0x3610;
	v7 =	vsub.f32 $1.000000000e+00, v4;
	[tilespmem:s8+$0x0] =	vst v10;
	v11 =	vadd.s32 $0x1, v10;
	v9 =	vsub.f32 $1.000000000e+00, v5  }
.LBB2_2:
0x53: {  	v12 =	vld [tilespmem:s11+$0x0];
	v8 =	vnsel vm0, $0x3FE, v8;
	v13 =	vcvt.s32.f32 v6;
	[tilespmem:s9+$0x0] =	vst v11;
	v11 =	vadd.s32 $0x400, v10;
	s0 =	sadd.s32 $0x20, s0;
	s1 =	sadd.s32 $0x20, s1  }
0x54: {  	v10 =	vadd.s32 $0x401, v10;
	s2 =	sadd.s32 $0x20, s2;
	v14 =	vld [tilespmem:s0+$0x0];
	v15 =	vcvt.s32.f32 v8;
	[tilespmem:s1+$0x0] =	vst v11;
	v11 =	vmul.f32 v9, v7  }
0x55: {  	s3 =	sadd.s32 $0x20, s3;
	v16 =	vld [tilespmem:s0+$0xFFFFFFF0];
	v13 =	vsub.f32 v3, v13;
	v3 =	vshll.u32 v8, $0xA;
	[tilespmem:s2+$0x0] =	vst v10;
	v8 =	vmul.f32 v9, v4  }
0x56: {  	s4 =	sadd.s32 $0x20, s4;
	v9 =	vld [tilespmem:s11+$0xFFFFFFF0];
	v10 =	vsub.f32 v2, v15;
	v2 =	vadd.s32 v6, v3;
	[tilespmem:s3+$0x0] =	vst v11;
	v3 =	vmul.f32 v7, v5  }
0x57: {  	s10 =	sadd.s32 $0x2, s10;
	s5 =	sadd.s32 $0x20, s5;
	v4 =	vmul.f32 v5, v4;
	v6 =	vsub.f32 $1.000000000e+00, v13;
	v7 =	vadd.s32 $0x1, v2;
	[tilespmem:s4+$0x0] =	vst v8  }
0x58: {  	s6 =	sadd.s32 $0x20, s6;
	p0 =	slt.u32 s10, $0x1E;
	v8 =	vadd.s32 $0x400, v2;
	v5 =	vsub.f32 $1.000000000e+00, v10;
	v11 =	vmul.f32 v10, v13;
	[tilespmem:s5+$0x0] =	vst v3  }
0x59: {  	v3 =	vmul.f32 $1.023000000e+03, v12;
	v12 =	vmul.f32 $1.023000000e+03, v14;
	v14 =	vadd.s32 $0x401, v2;
	[tilespmem:s6+$0x0] =	vst v4  }
0x5a: {  	v4 =	vmul.f32 $1.023000000e+03, v16;
	[tilespmem:s8+$0xFFFFFFF0] =	vst v2;
	v2 =	vmul.f32 v5, v6  }
0x5b: {  	v3 =	vmax.f32 v3, $0.0e+00;
	v9 =	vmul.f32 $1.023000000e+03, v9;
	v12 =	vmax.f32 v12, $0.0e+00;
	[tilespmem:s9+$0xFFFFFFF0] =	vst v7  }
0x5c: {  	v7 =	vmin.f32 v3, $1.023000000e+03;
	v4 =	vmax.f32 v4, $0.0e+00;
	v12 =	vmin.f32 v12, $1.023000000e+03;
	[tilespmem:s1+$0xFFFFFFF0] =	vst v8  }
0x5d: {  	v8 =	vtrunc.f32 v7;
	v3 =	vmax.f32 v9, $0.0e+00;
	v9 =	vtrunc.f32 v12;
	[tilespmem:s2+$0xFFFFFFF0] =	vst v14  }
0x5e: {  	v8 =	vcvt.f32.s32 v8;
	v3 =	vmin.f32 v3, $1.023000000e+03;
	v9 =	vcvt.f32.s32 v9;
	[tilespmem:s3+$0xFFFFFFF0] =	vst v2  }
0x5f: {  	v5 =	vmul.f32 v5, v13;
	v2 =	vmin.f32 v4, $1.023000000e+03;
	v4 =	vtrunc.f32 v3;
	[tilespmem:s7+$0xFFFFFFF0] =	vst v1;
	v1 =	vmovc v11;
	s7 =	smov.u32 s6  }
0x60: {  	v11 =	vtrunc.f32 v2;
	vm0 =	vlt.s32 v8, $0x3FE;
	vm1 =	vlt.s32 v9, $0x3FE  }
0x61: {  	v13 =	vcvt.f32.s32 v4;
	v14 =	vnsel vm0, $0x3FE, v8;
	v9 =	vnsel vm1, $0x3FE, v9;
	[tilespmem:s4+$0xFFFFFFF0] =	vst v5  }
.Ltmp2:
0x62: {  	v4 =	vcvt.s32.f32 v14;
	v5 =	vcvt.s32.f32 v9;
	(pc) =	sbr.rel @p0 .LBB2_2-.Ltmp2, $4  }
0x63: {  	v8 =	vcvt.f32.s32 v11;
	v11 =	vmul.f32 v6, v10;
	vm0 =	vlt.s32 v13, $0x3FE  }
0x64: {  	v4 =	vsub.f32 v7, v4;
	v7 =	vshll.u32 v9, $0xA;
	v5 =	vsub.f32 v12, v5  }
0x65: {  	s8 =	sadd.s32 $0x20, s8;
	v6 =	vnsel vm0, $0x3FE, v13;
	vm0 =	vlt.s32 v8, $0x3FE;
	v10 =	vadd.s32 v14, v7;
	[tilespmem:s5+$0xFFFFFFF0] =	vst v11  }
0x66: {  	s11 =	sadd.s32 $0x20, s11;
	s9 =	sadd.s32 $0x20, s9;
	v7 =	vsub.f32 $1.000000000e+00, v4;
	v11 =	vadd.s32 $0x1, v10;
	v9 =	vsub.f32 $1.000000000e+00, v5;
	[tilespmem:s8+$0x0] =	vst v10  }
0x67: {  	[tilespmem:s9+$0x0] =	vst v11  }
0x68: {  	v51 =	vadd.s32 $0x400, v10;
	s0 =	sadd.s32 $0x20, s1;
	v52 =	vadd.s32 $0x401, v10;
	[tilespmem:s7+$0xFFFFFFF0] =	vst v1  }
0x69: {  	s13 =	sadd.s32 $0x20, s2;
	v8 =	vnsel vm0, $0x3FE, v8;
	v12 =	vcvt.s32.f32 v6;
	[tilespmem:s0+$0x0] =	vst v51;
	v53 =	vmul.f32 v9, v7  }
0x6a: {  	s14 =	sadd.s32 $0x20, s3;
	v57 =	vmul.f32 v5, v4;
	v54 =	vmul.f32 v9, v4;
	v58 =	vshll.u32 v8, $0xA;
	[tilespmem:s13+$0x0] =	vst v52  }
0x6b: {  	v55 =	vcvt.s32.f32 v8;
	v56 =	vmul.f32 v7, v5;
	v5 =	vadd.s32 v6, v58;
	[tilespmem:s14+$0x0] =	vst v53  }
0x6c: {  	s15 =	sadd.s32 $0x20, s4;
	[tilespmem:s8+$0xFFFFFFF0] =	vst v5  }
0x6d: {  	v3 =	vsub.f32 v3, v12;
	v2 =	vsub.f32 v2, v55;
	v6 =	vadd.s32 $0x1, v5;
	[tilespmem:s15+$0x0] =	vst v54  }
0x6e: {  	s17 =	sadd.s32 $0x20, s5;
	[tilespmem:s9+$0xFFFFFFF0] =	vst v6  }
0x6f: {  	v61 =	vadd.s32 $0x400, v5;
	v59 =	vsub.f32 $1.000000000e+00, v3;
	[tilespmem:s17+$0x0] =	vst v56;
	v60 =	vsub.f32 $1.000000000e+00, v2  }
0x70: {  	s19 =	sadd.s32 $0x20, s6;
	[tilespmem:s0+$0xFFFFFFF0] =	vst v61  }
0x71: {  	v5 =	vadd.s32 $0x401, v5;
	[tilespmem:s19+$0x0] =	vst v57;
	v62 =	vmul.f32 v60, v59  }
0x72: {  	[tilespmem:s13+$0xFFFFFFF0] =	vst v5;
	v63 =	vmul.f32 v60, v3  }
0x73: {  	v1 =	vmul.f32 v59, v2;
	[tilespmem:s14+$0xFFFFFFF0] =	vst v62  }
0x74: {  	v2 =	vmul.f32 v2, v3;
	[tilespmem:s15+$0xFFFFFFF0] =	vst v63  }
0x75: {  	[tilespmem:s17+$0xFFFFFFF0] =	vst v1  }
0x76: {  	[tilespmem:s19+$0xFFFFFFF0] =	vst v2  }
0x77: {  	s21 =	simm.s32 $0x200;
	s23 =	simm.s32 $0x2000;
	s0 =	rddreg [dreg:$0x6]  }
0x78: {  	[tilespmem:s16], [sflag:$0x1] =	stream.indirect.gather [hbm4b:s0+s21], $0x10, s23, s21, $0xb8;
	[tilespmem:$0x18000] =	vst v63  }
0x79: {  	s25 =	simm.s32 $0x2200  }
0x7a: {  	[tilespmem:s18], [sflag:$0x1] =	stream.indirect.gather [hbm4b:s0+s21], $0x10, s25, s21, $0xb8;
	[tilespmem:$0x18000] =	vst v63  }
0x7b: {  	s28 =	simm.s32 $0x2400  }
0x7c: {  	[tilespmem:s20], [sflag:$0x1] =	stream.indirect.gather [hbm4b:s0+s21], $0x10, s28, s21, $0xb8;
	[tilespmem:$0x18000] =	vst v63  }
0x7d: {  	s30 =	simm.s32 $0x2600  }
0x7e: {  	[tilespmem:s22], [sflag:$0x1] =	stream.indirect.gather [hbm4b:s0+s21], $0x10, s30, s21, $0xb8;
	[tilespmem:$0x18000] =	vst v63  }
0x7f: {  	s2 =	simm.s32 $0x1;
	s4 =	simm.s32 $0x0;
	s0 =	simm.s32 $0x0  }
.LBB2_4:
0x80: {  	s23 =	sshll.u32 s0, $0x9  }
0x81: {  	[dreg:$0xc] =	wrdreg s0;
	s0 =	sand.u32 $0xE00, s23  }
0x82: {  	s1 =	sadd.s32 $0x210, s0  }
0x83: {  	v1 =	vmov s1  }
0x84: {  	s0 =	sadd.s32 $0x1200, s0  }
0x85: {  	v2 =	vmov s0;
	_ =	sdelay $0x1  }
0x86: {  	s0 =	simm.s32 $0x0  }
0x87: {  	v3 =	vld.idx.msk [tilespmem:v1+s0+$0x0 ss:$0x1], $0xffff  }
0x88: {  	v4 =	vld.idx.msk [tilespmem:v1+s0+$0xFFFFFFF0 ss:$0x1], $0xffff  }
0x89: {  	v5 =	vld.idx.msk [tilespmem:v2+s0+$0x10 ss:$0x1], $0xffff  }
0x8a: {  	v6 =	vld.idx.msk [tilespmem:v2+s0+$0x0 ss:$0x1], $0xffff;
	_ =	sdelay $0x1  }
0x8b: {  	v3 =	vmul.f32 $1.023000000e+03, v3  }
0x8c: {  	v4 =	vmul.f32 $1.023000000e+03, v4  }
0x8d: {  	v5 =	vmul.f32 $1.023000000e+03, v5;
	v3 =	vmax.f32 v3, $0.0e+00  }
0x8e: {  	v6 =	vmul.f32 $1.023000000e+03, v6;
	v4 =	vmax.f32 v4, $0.0e+00;
	v7 =	vmin.f32 v3, $1.023000000e+03  }
0x8f: {  	v3 =	vmin.f32 v4, $1.023000000e+03;
	v4 =	vmax.f32 v5, $0.0e+00;
	v8 =	vtrunc.f32 v7  }
0x90: {  	v6 =	vmax.f32 v6, $0.0e+00;
	v5 =	vmin.f32 v4, $1.023000000e+03;
	v8 =	vcvt.f32.s32 v8  }
0x91: {  	s25 =	sshll.u32 s2, $0xA;
	v4 =	vmin.f32 v6, $1.023000000e+03;
	v6 =	vtrunc.f32 v3;
	v9 =	vtrunc.f32 v5  }
0x92: {  	s1 =	sand.u32 $0xC00, s25;
	v10 =	vtrunc.f32 v4;
	v9 =	vcvt.f32.s32 v9;
	vm0 =	vlt.s32 v8, $0x3FE  }
0x93: {  	s28 =	sor.u32 $0x1010, s1;
	[dreg:$0xd] =	wrdreg s2;
	v6 =	vcvt.f32.s32 v6;
	v11 =	vcvt.f32.s32 v10;
	v8 =	vnsel vm0, $0x3FE, v8  }
0x94: {  	s1 =	sor.u32 $0x10, s1;
	[dreg:$0x10] =	wrdreg s28;
	vm15 =	vlt.s32 v9, $0x3FE;
	v10 =	vcvt.s32.f32 v8  }
0x95: {  	s30 =	sshll.u32 s4, $0xA;
	[dreg:$0x11] =	wrdreg s1;
	vm1 =	vlt.s32 v6, $0x3FE;
	vm2 =	vlt.s32 v11, $0x3FE;
	v13 =	vnsel vm15, $0x3FE, v9  }
0x96: {  	[dreg:$0x12] =	wrdreg s30;
	s1 =	sor.u32 $0x200, s30;
	v6 =	vnsel vm1, $0x3FE, v6;
	v7 =	vsub.f32 v7, v10;
	v10 =	vcvt.s32.f32 v13  }
0x97: {  	s2 =	simm.s32 $0x80;
	[dreg:$0xf] =	wrdreg s1;
	s1 =	simm.s32 $0x0;
	v9 =	vnsel vm2, $0x3FE, v11;
	v12 =	vcvt.s32.f32 v6;
	v11 =	vshll.u32 v13, $0xA  }
.LBB2_5:
0x98: {  	s3 =	sshra.s32 s2, $0x2;
	s1 =	sadd.s32 $0x2, s1;
	v13 =	vcvt.s32.f32 v9;
	v5 =	vsub.f32 v5, v10;
	v10 =	vsub.f32 $1.000000000e+00, v7  }
0x99: {  	v9 =	vshll.u32 v9, $0xA;
	v8 =	vadd.s32 v8, v11;
	v14 =	vld.idx.msk [tilespmem:v1+s3+$0x0 ss:$0x1], $0xffff;
	p0 =	slt.u32 s1, $0x1E;
	v3 =	vsub.f32 v3, v12  }
0x9a: {  	v11 =	vld.idx.msk [tilespmem:v1+s3+$0xFFFFFFF0 ss:$0x1], $0xffff;
	v4 =	vsub.f32 v4, v13;
	v12 =	vsub.f32 $1.000000000e+00, v5;
	[tilespmem:s0+$0x2810] =	vst v8;
	v13 =	vmul.f32 v10, v5  }
0x9b: {  	v9 =	vadd.s32 v6, v9;
	v5 =	vmul.f32 v5, v7;
	v15 =	vld.idx.msk [tilespmem:v2+s3+$0x10 ss:$0x1], $0xffff;
	v16 =	vsub.f32 $1.000000000e+00, v3  }
0x9c: {  	v6 =	vld.idx.msk [tilespmem:v2+s3+$0x0 ss:$0x1], $0xffff;
	v17 =	vsub.f32 $1.000000000e+00, v4;
	v10 =	vmul.f32 v12, v10;
	v7 =	vmul.f32 v12, v7;
	[tilespmem:s0+$0x3C10] =	vst v13  }
0x9d: {  	v12 =	vadd.s32 $0x1, v9;
	v13 =	vmul.f32 v16, v4;
	v4 =	vmul.f32 v4, v3;
	[tilespmem:s0+$0x3E10] =	vst v5  }
0x9e: {  	v18 =	vadd.s32 $0x400, v9;
	v5 =	vmul.f32 v17, v16;
	v3 =	vmul.f32 v17, v3;
	[tilespmem:s0+$0x3810] =	vst v10  }
0x9f: {  	v10 =	vmul.f32 $1.023000000e+03, v14;
	v14 =	vadd.s32 $0x401, v9;
	[tilespmem:s0+$0x3C00] =	vst v13;
	v13 =	vadd.s32 $0x1, v8  }
0xa0: {  	v16 =	vadd.s32 $0x400, v8;
	v17 =	vadd.s32 $0x401, v8;
	v11 =	vmul.f32 $1.023000000e+03, v11;
	[tilespmem:s0+$0x3800] =	vst v5  }
0xa1: {  	v5 =	vmul.f32 $1.023000000e+03, v15;
	v8 =	vmax.f32 v10, $0.0e+00;
	[tilespmem:s0+$0x3A00] =	vst v3  }
0xa2: {  	v6 =	vmul.f32 $1.023000000e+03, v6;
	v3 =	vmax.f32 v11, $0.0e+00;
	v10 =	vmin.f32 v8, $1.023000000e+03;
	[tilespmem:s0+$0x3A10] =	vst v7  }
0xa3: {  	v3 =	vmin.f32 v3, $1.023000000e+03;
	v5 =	vmax.f32 v5, $0.0e+00;
	v7 =	vtrunc.f32 v10;
	[tilespmem:s0+$0x3E00] =	vst v4  }
0xa4: {  	v4 =	vmax.f32 v6, $0.0e+00;
	v5 =	vmin.f32 v5, $1.023000000e+03;
	v6 =	vcvt.f32.s32 v7;
	[tilespmem:s0+$0x2A00] =	vst v12  }
0xa5: {  	v7 =	vtrunc.f32 v3;
	v4 =	vmin.f32 v4, $1.023000000e+03;
	v8 =	vtrunc.f32 v5;
	[tilespmem:s0+$0x2C00] =	vst v18  }
0xa6: {  	v11 =	vtrunc.f32 v4;
	vm0 =	vlt.s32 v6, $0x3FE;
	v12 =	vcvt.f32.s32 v8;
	[tilespmem:s0+$0x2E00] =	vst v14  }
.Ltmp3:
0xa7: {  	v7 =	vcvt.f32.s32 v7;
	v11 =	vcvt.f32.s32 v11;
	v8 =	vnsel vm0, $0x3FE, v6;
	[tilespmem:s0+$0x2A10] =	vst v13;
	(pc) =	sbr.rel @p0 .LBB2_5-.Ltmp3, $4  }
0xa8: {  	vm0 =	vlt.s32 v12, $0x3FE;
	v13 =	vcvt.s32.f32 v8;
	[tilespmem:s0+$0x2C10] =	vst v16  }
0xa9: {  	vm1 =	vlt.s32 v7, $0x3FE;
	vm2 =	vlt.s32 v11, $0x3FE;
	v14 =	vnsel vm0, $0x3FE, v12;
	[tilespmem:s0+$0x2E10] =	vst v17  }
0xaa: {  	v6 =	vnsel vm1, $0x3FE, v7;
	v7 =	vsub.f32 v10, v13;
	v10 =	vcvt.s32.f32 v14;
	[tilespmem:s0+$0x2800] =	vst v9;
	s0 =	smov.u32 s3  }
0xab: {  	s2 =	sadd.s32 $0x80, s2;
	v12 =	vcvt.s32.f32 v6;
	v9 =	vnsel vm2, $0x3FE, v11;
	v11 =	vshll.u32 v14, $0xA  }
0xac: {  	v1 =	vcvt.s32.f32 v9;
	v2 =	vsub.f32 v5, v10;
	v5 =	vsub.f32 $1.000000000e+00, v7  }
0xad: {  	v8 =	vadd.s32 v8, v11;
	v3 =	vsub.f32 v3, v12  }
0xae: {  	v1 =	vsub.f32 v4, v1;
	v4 =	vsub.f32 $1.000000000e+00, v2;
	v10 =	vmul.f32 v5, v2  }
0xaf: {  	[tilespmem:s0+$0x2810] =	vst v8;
	v2 =	vmul.f32 v2, v7  }
0xb0: {  	v11 =	vsub.f32 $1.000000000e+00, v3;
	v5 =	vmul.f32 v4, v5;
	[tilespmem:s0+$0x3C10] =	vst v10  }
0xb1: {  	[tilespmem:s0+$0x3E10] =	vst v2;
	v4 =	vmul.f32 v4, v7  }
0xb2: {  	v12 =	vsub.f32 $1.000000000e+00, v1;
	v10 =	vmul.f32 v11, v1;
	[tilespmem:s0+$0x3810] =	vst v5  }
0xb3: {  	v1 =	vmul.f32 v1, v3;
	[tilespmem:s0+$0x3A10] =	vst v4  }
0xb4: {  	v2 =	vmul.f32 v12, v11;
	[tilespmem:s0+$0x3C00] =	vst v10  }
0xb5: {  	v5 =	vmul.f32 v12, v3;
	[tilespmem:s0+$0x3E00] =	vst v1  }
0xb6: {  	[tilespmem:s0+$0x3800] =	vst v2;
	v2 =	vshll.u32 v9, $0xA  }
0xb7: {  	[tilespmem:s0+$0x3A00] =	vst v5;
	v2 =	vadd.s32 v6, v2  }
0xb8: {  	v3 =	vadd.s32 $0x1, v2;
	[tilespmem:s0+$0x2800] =	vst v2  }
0xb9: {  	v1 =	vadd.s32 $0x400, v2;
	[tilespmem:s0+$0x2A00] =	vst v3  }
0xba: {  	v3 =	vadd.s32 $0x401, v2;
	[tilespmem:s0+$0x2C00] =	vst v1  }
0xbb: {  	v1 =	vadd.s32 $0x1, v8;
	[tilespmem:s0+$0x2E00] =	vst v3  }
0xbc: {  	v3 =	vadd.s32 $0x400, v8;
	[tilespmem:s0+$0x2A10] =	vst v1  }
0xbd: {  	v1 =	vadd.s32 $0x401, v8;
	[tilespmem:s0+$0x2C10] =	vst v3  }
0xbe: {  	[tilespmem:s0+$0x2E10] =	vst v1  }
0xbf: {  	s1 =	simm.s32 $0x200;
	s2 =	simm.s32 $0x2800;
	s0 =	rddreg [dreg:$0x6]  }
0xc0: {  	[tilespmem:s24], [sflag:$0x2] =	stream.indirect.gather [hbm4b:s0+s1], $0x10, s2, s1, $0xb8;
	[tilespmem:$0x18000] =	vst v63  }
0xc1: {  	s12 =	simm.s32 $0x2A00  }
0xc2: {  	[tilespmem:s26], [sflag:$0x2] =	stream.indirect.gather [hbm4b:s0+s1], $0x10, s12, s1, $0xb8;
	[tilespmem:$0x18000] =	vst v63  }
0xc3: {  	s13 =	simm.s32 $0x2C00  }
0xc4: {  	[tilespmem:s29], [sflag:$0x2] =	stream.indirect.gather [hbm4b:s0+s1], $0x10, s13, s1, $0xb8;
	[tilespmem:$0x18000] =	vst v63  }
0xc5: {  	s14 =	simm.s32 $0x2E00;
	s15 =	simm.s32 $0x1  }
0xc6: {  	[tilespmem:s31], [sflag:$0x2] =	stream.indirect.gather [hbm4b:s0+s1], $0x10, s14, s1, $0xb8;
	[tilespmem:$0x18000] =	vst v63  }
0xc7: {  	_ =	swait.ge [sflag:s15], $0x2000  }
0xc8: {  	[sflag:s15] =	ssyncset.done $0x0  }
0xc9: {  	[sflag:s15] =	ssyncadd.s32 $0xFFFFE000  }
0xca: {  	_ =	swait.ge [sflag:s15], $0x2000  }
0xcb: {  	[sflag:s15] =	ssyncset.done $0x0  }
0xcc: {  	[sflag:s15] =	ssyncadd.s32 $0xFFFFE000  }
0xcd: {  	_ =	swait.ge [sflag:s15], $0x2000  }
0xce: {  	[sflag:s15] =	ssyncset.done $0x0  }
0xcf: {  	[sflag:s15] =	ssyncadd.s32 $0xFFFFE000  }
0xd0: {  	_ =	swait.ge [sflag:s15], $0x2000  }
0xd1: {  	p0 =	seq.s32 s4, $0x0;
	s17 =	simm.s32 $0x0;
	[sflag:s15] =	ssyncset.done $0x0  }
0xd2: {  	s0 =	simm.s32 @!p0 $0x3;
	[dreg:$0xe] =	wrdreg s4;
	[sflag:s15] =	ssyncadd.s32 $0xFFFFE000  }
0xd3: {  	v1 =	vmov s17;
	_ =	swait.ge @!p0 [sflag:s0], $0x1000  }
0xd4: {  	v1 =	vshll.u32 v1, $0x4;
	[sflag:s0] =	ssyncset.done @!p0 $0x0  }
0xd5: {  	v6 =	vor.u32 v0, v1;
	[sflag:s0] =	ssyncadd.s32 @!p0 $0xFFFFF000  }
0xd6: {  	_ =	swait.ge @!p0 [sflag:s0], $0x1000  }
0xd7: {  	[sflag:s0] =	ssyncset.done @!p0 $0x0  }
0xd8: {  	s19 =	simm.s32 $0x3010;
	[sflag:s0] =	ssyncadd.s32 @!p0 $0xFFFFF000  }
0xd9: {  	v22 =	vld [tilespmem:s19+$0xFFFFFFF0]  }
0xda: {  	v1 =	vld.idx.msk [tilespmem:v6+s16+$0x0], $0xffff  }
0xdb: {  	s3 =	simm.s32 $0x3210;
	v2 =	vld.idx.msk [tilespmem:v6+s18+$0x0], $0xffff  }
0xdc: {  	v20 =	vld [tilespmem:s3+$0xFFFFFFF0]  }
0xdd: {  	s21 =	simm.s32 $0x3410;
	v3 =	vld.idx.msk [tilespmem:v6+s20+$0x0], $0xffff  }
0xde: {  	v19 =	vld [tilespmem:s21+$0xFFFFFFF0]  }
0xdf: {  	s5 =	simm.s32 $0x3610;
	v4 =	vld.idx.msk [tilespmem:v6+s22+$0x0], $0xffff  }
0xe0: {  	v18 =	vld [tilespmem:s5+$0xFFFFFFF0]  }
0xe1: {  	v1 =	vmul.f32 v1, v22;
	v2 =	vmul.f32 v2, v20;
	_ =	sdelay $0x1  }
0xe2: {  	v1 =	vadd.f32 v2, v1;
	v2 =	vmul.f32 v3, v19;
	_ =	sdelay $0x1  }
0xe3: {  	s23 =	simm.s32 $0x0;
	v3 =	vor.u32 $0x1, v6;
	v1 =	vadd.f32 v2, v1;
	v2 =	vmul.f32 v4, v18  }
0xe4: {  	s12 =	sand.u32 $0xC00, s23  }
0xe5: {  	s10 =	sand.u32 $0x60, s17;
	s24 =	sor.u32 $0x14000, s12;
	v1 =	vadd.f32 v2, v1  }
0xe6: {  	s25 =	sor.u32 s10, s24  }
0xe7: {  	[tilespmem:s25+$0x0] =	vst v1  }
0xe8: {  	s6 =	simm.s32 $0x10;
	v1 =	vld.idx.msk [tilespmem:v3+s16+$0x0], $0xffff  }
0xe9: {  	v2 =	vmov s6;
	v4 =	vld.idx.msk [tilespmem:v3+s18+$0x0], $0xffff  }
0xea: {  	v2 =	vshll.u32 v2, $0x4  }
0xeb: {  	v21 =	vor.u32 v0, v2;
	v2 =	vld.idx.msk [tilespmem:v3+s20+$0x0], $0xffff;
	_ =	sdelay $0x1  }
0xec: {  	v3 =	vld.idx.msk [tilespmem:v3+s22+$0x0], $0xffff  }
0xed: {  	v1 =	vmul.f32 v1, v22;
	v4 =	vmul.f32 v4, v20;
	_ =	sdelay $0x1  }
0xee: {  	v16 =	vld [tilespmem:s19+$0x0];
	v2 =	vmul.f32 v2, v19;
	v1 =	vadd.f32 v4, v1  }
0xef: {  	v17 =	vld [tilespmem:s3+$0x0]  }
0xf0: {  	v15 =	vld [tilespmem:s21+$0x0];
	v1 =	vadd.f32 v2, v1;
	v2 =	vmul.f32 v3, v18;
	v3 =	vor.u32 $0x2, v6  }
0xf1: {  	v5 =	vld.idx.msk [tilespmem:v21+s16+$0x0], $0xffff  }
0xf2: {  	v7 =	vld.idx.msk [tilespmem:v21+s20+$0x0], $0xffff;
	v1 =	vadd.f32 v2, v1  }
0xf3: {  	v4 =	vld.idx.msk [tilespmem:v21+s18+$0x0], $0xffff  }
0xf4: {  	v2 =	vld.idx.msk [tilespmem:v21+s22+$0x0], $0xffff;
	[tilespmem:s25+$0x80] =	vst v1  }
0xf5: {  	v8 =	vld.idx.msk [tilespmem:v3+s16+$0x0], $0xffff  }
0xf6: {  	v9 =	vld.idx.msk [tilespmem:v3+s18+$0x0], $0xffff  }
0xf7: {  	v1 =	vld [tilespmem:s5+$0x0]  }
0xf8: {  	v5 =	vmul.f32 v5, v16;
	v4 =	vmul.f32 v4, v17;
	v10 =	vld.idx.msk [tilespmem:v3+s20+$0x0], $0xffff;
	_ =	sdelay $0x1  }
0xf9: {  	v4 =	vadd.f32 v4, v5;
	v5 =	vmul.f32 v7, v15;
	v3 =	vld.idx.msk [tilespmem:v3+s22+$0x0], $0xffff  }
0xfa: {  	v7 =	vmul.f32 v8, v22;
	v8 =	vmul.f32 v9, v20  }
0xfb: {  	v4 =	vadd.f32 v5, v4;
	v2 =	vmul.f32 v2, v1;
	v9 =	vor.u32 $0x1, v21  }
0xfc: {  	v5 =	vadd.f32 v8, v7;
	v7 =	vmul.f32 v10, v19  }
0xfd: {  	s6 =	sand.u32 $0x70, s6;
	v2 =	vadd.f32 v2, v4  }
0xfe: {  	s4 =	sor.u32 s6, s24;
	v3 =	vmul.f32 v3, v18;
	v4 =	vadd.f32 v7, v5;
	v5 =	vor.u32 $0x3, v6  }
0xff: {  	[tilespmem:s4+$0x0] =	vst v2  }
0x100: {  	v2 =	vld.idx.msk [tilespmem:v9+s16+$0x0], $0xffff;
	v3 =	vadd.f32 v3, v4  }
0x101: {  	v4 =	vld.idx.msk [tilespmem:v9+s18+$0x0], $0xffff  }
0x102: {  	v7 =	vld.idx.msk [tilespmem:v9+s20+$0x0], $0xffff;
	[tilespmem:s25+$0x100] =	vst v3  }
0x103: {  	v3 =	vld.idx.msk [tilespmem:v5+s16+$0x0], $0xffff  }
0x104: {  	v8 =	vld.idx.msk [tilespmem:v5+s18+$0x0], $0xffff  }
0x105: {  	v9 =	vld.idx.msk [tilespmem:v9+s22+$0x0], $0xffff  }
0x106: {  	v10 =	vld.idx.msk [tilespmem:v5+s20+$0x0], $0xffff;
	v2 =	vmul.f32 v2, v16;
	v4 =	vmul.f32 v4, v17;
	_ =	sdelay $0x1  }
0x107: {  	v5 =	vld.idx.msk [tilespmem:v5+s22+$0x0], $0xffff;
	v2 =	vadd.f32 v4, v2;
	v4 =	vmul.f32 v7, v15  }
0x108: {  	v3 =	vmul.f32 v3, v22;
	v7 =	vmul.f32 v8, v20  }
0x109: {  	v8 =	vor.u32 $0x2, v21;
	v2 =	vadd.f32 v4, v2;
	v4 =	vmul.f32 v9, v1  }
0x10a: {  	v3 =	vadd.f32 v7, v3;
	v7 =	vmul.f32 v10, v19  }
0x10b: {  	v2 =	vadd.f32 v4, v2  }
0x10c: {  	v4 =	vmul.f32 v5, v18;
	v5 =	vor.u32 $0x4, v6;
	v3 =	vadd.f32 v7, v3  }
0x10d: {  	[tilespmem:s4+$0x80] =	vst v2  }
0x10e: {  	v2 =	vld.idx.msk [tilespmem:v8+s16+$0x0], $0xffff;
	v3 =	vadd.f32 v4, v3  }
0x10f: {  	v4 =	vld.idx.msk [tilespmem:v8+s18+$0x0], $0xffff  }
0x110: {  	v7 =	vld.idx.msk [tilespmem:v8+s20+$0x0], $0xffff;
	[tilespmem:s25+$0x180] =	vst v3  }
0x111: {  	v3 =	vld.idx.msk [tilespmem:v5+s16+$0x0], $0xffff  }
0x112: {  	v9 =	vld.idx.msk [tilespmem:v5+s18+$0x0], $0xffff  }
0x113: {  	v8 =	vld.idx.msk [tilespmem:v8+s22+$0x0], $0xffff  }
0x114: {  	v10 =	vld.idx.msk [tilespmem:v5+s20+$0x0], $0xffff;
	v2 =	vmul.f32 v2, v16;
	v4 =	vmul.f32 v4, v17;
	_ =	sdelay $0x1  }
0x115: {  	v5 =	vld.idx.msk [tilespmem:v5+s22+$0x0], $0xffff;
	v2 =	vadd.f32 v4, v2;
	v4 =	vmul.f32 v7, v15  }
0x116: {  	v3 =	vmul.f32 v3, v22;
	v7 =	vmul.f32 v9, v20  }
0x117: {  	v9 =	vor.u32 $0x3, v21;
	v2 =	vadd.f32 v4, v2;
	v4 =	vmul.f32 v8, v1  }
0x118: {  	v3 =	vadd.f32 v7, v3;
	v7 =	vmul.f32 v10, v19  }
0x119: {  	v2 =	vadd.f32 v4, v2  }
0x11a: {  	v4 =	vmul.f32 v5, v18;
	v5 =	vor.u32 $0x5, v6;
	v3 =	vadd.f32 v7, v3  }
0x11b: {  	[tilespmem:s4+$0x100] =	vst v2  }
0x11c: {  	v2 =	vld.idx.msk [tilespmem:v9+s16+$0x0], $0xffff;
	v3 =	vadd.f32 v4, v3  }
0x11d: {  	v4 =	vld.idx.msk [tilespmem:v9+s18+$0x0], $0xffff  }
0x11e: {  	v7 =	vld.idx.msk [tilespmem:v9+s20+$0x0], $0xffff;
	[tilespmem:s25+$0x200] =	vst v3  }
0x11f: {  	v3 =	vld.idx.msk [tilespmem:v5+s16+$0x0], $0xffff  }
0x120: {  	v8 =	vld.idx.msk [tilespmem:v5+s18+$0x0], $0xffff  }
0x121: {  	v9 =	vld.idx.msk [tilespmem:v9+s22+$0x0], $0xffff  }
0x122: {  	v10 =	vld.idx.msk [tilespmem:v5+s20+$0x0], $0xffff;
	v2 =	vmul.f32 v2, v16;
	v4 =	vmul.f32 v4, v17;
	_ =	sdelay $0x1  }
0x123: {  	v5 =	vld.idx.msk [tilespmem:v5+s22+$0x0], $0xffff;
	v2 =	vadd.f32 v4, v2;
	v4 =	vmul.f32 v7, v15  }
0x124: {  	v3 =	vmul.f32 v3, v22;
	v7 =	vmul.f32 v8, v20  }
0x125: {  	v8 =	vor.u32 $0x4, v21;
	v2 =	vadd.f32 v4, v2;
	v4 =	vmul.f32 v9, v1  }
0x126: {  	v3 =	vadd.f32 v7, v3;
	v7 =	vmul.f32 v10, v19  }
0x127: {  	v2 =	vadd.f32 v4, v2  }
0x128: {  	v4 =	vmul.f32 v5, v18;
	v5 =	vor.u32 $0x6, v6;
	v3 =	vadd.f32 v7, v3  }
0x129: {  	[tilespmem:s4+$0x180] =	vst v2  }
0x12a: {  	v2 =	vld.idx.msk [tilespmem:v8+s16+$0x0], $0xffff;
	v3 =	vadd.f32 v4, v3  }
0x12b: {  	v4 =	vld.idx.msk [tilespmem:v8+s18+$0x0], $0xffff  }
0x12c: {  	v7 =	vld.idx.msk [tilespmem:v8+s20+$0x0], $0xffff;
	[tilespmem:s25+$0x280] =	vst v3  }
0x12d: {  	v3 =	vld.idx.msk [tilespmem:v5+s16+$0x0], $0xffff  }
0x12e: {  	v9 =	vld.idx.msk [tilespmem:v5+s18+$0x0], $0xffff  }
0x12f: {  	v8 =	vld.idx.msk [tilespmem:v8+s22+$0x0], $0xffff  }
0x130: {  	v10 =	vld.idx.msk [tilespmem:v5+s20+$0x0], $0xffff;
	v2 =	vmul.f32 v2, v16;
	v4 =	vmul.f32 v4, v17  }
0x131: {  	v5 =	vld.idx.msk [tilespmem:v5+s22+$0x0], $0xffff  }
0x132: {  	v2 =	vadd.f32 v4, v2;
	v4 =	vmul.f32 v7, v15  }
0x133: {  	v3 =	vmul.f32 v3, v22;
	v7 =	vmul.f32 v9, v20  }
0x134: {  	v8 =	vmul.f32 v8, v1;
	v2 =	vadd.f32 v4, v2  }
0x135: {  	v4 =	vor.u32 $0x5, v21;
	v3 =	vadd.f32 v7, v3;
	v7 =	vmul.f32 v10, v19  }
0x136: {  	v5 =	vmul.f32 v5, v18  }
0x137: {  	v2 =	vadd.f32 v8, v2;
	v3 =	vadd.f32 v7, v3;
	v7 =	vor.u32 $0x7, v6;
	_ =	sdelay $0x1  }
0x138: {  	[tilespmem:s4+$0x200] =	vst v2;
	v2 =	vadd.f32 v5, v3  }
0x139: {  	v3 =	vld.idx.msk [tilespmem:v4+s16+$0x0], $0xffff  }
0x13a: {  	v5 =	vld.idx.msk [tilespmem:v4+s18+$0x0], $0xffff;
	[tilespmem:s25+$0x300] =	vst v2  }
0x13b: {  	v2 =	vld.idx.msk [tilespmem:v7+s16+$0x0], $0xffff  }
0x13c: {  	v8 =	vld.idx.msk [tilespmem:v7+s18+$0x0], $0xffff;
	_ =	sdelay $0x1  }
0x13d: {  	v10 =	vld.idx.msk [tilespmem:v7+s20+$0x0], $0xffff  }
0x13e: {  	v9 =	vld.idx.msk [tilespmem:v4+s20+$0x0], $0xffff  }
0x13f: {  	v7 =	vld.idx.msk [tilespmem:v7+s22+$0x0], $0xffff;
	v3 =	vmul.f32 v3, v16;
	v5 =	vmul.f32 v5, v17  }
0x140: {  	v2 =	vmul.f32 v2, v22;
	v8 =	vmul.f32 v8, v20  }
0x141: {  	v4 =	vld.idx.msk [tilespmem:v4+s22+$0x0], $0xffff  }
0x142: {  	v3 =	vadd.f32 v5, v3;
	v5 =	vmul.f32 v10, v19;
	v2 =	vadd.f32 v8, v2  }
0x143: {  	v9 =	vmul.f32 v9, v15  }
0x144: {  	v2 =	vadd.f32 v5, v2;
	v5 =	vmul.f32 v7, v18;
	v7 =	vor.u32 $0x8, v6;
	_ =	sdelay $0x1  }
0x145: {  	s7 =	simm.s32 $0x3230;
	v4 =	vmul.f32 v4, v1;
	v3 =	vadd.f32 v9, v3;
	v2 =	vadd.f32 v5, v2  }
0x146: {  	s8 =	simm.s32 $0x3430;
	v24 =	vld [tilespmem:s7+$0xFFFFFFF0]  }
0x147: {  	v25 =	vld [tilespmem:s8+$0xFFFFFFF0];
	v8 =	vor.u32 $0x6, v21;
	v3 =	vadd.f32 v4, v3;
	[tilespmem:s25+$0x380] =	vst v2  }
0x148: {  	s17 =	simm.s32 $0x20;
	v2 =	vld.idx.msk [tilespmem:v7+s16+$0x0], $0xffff  }
0x149: {  	s19 =	simm.s32 $0x3030;
	[tilespmem:s4+$0x280] =	vst v3;
	v5 =	vmov s17;
	v3 =	vld.idx.msk [tilespmem:v7+s18+$0x0], $0xffff  }
0x14a: {  	v23 =	vld [tilespmem:s19+$0xFFFFFFF0];
	v5 =	vshll.u32 v5, $0x4  }
0x14b: {  	v28 =	vor.u32 v0, v5;
	v10 =	vld.idx.msk [tilespmem:v7+s20+$0x0], $0xffff  }
0x14c: {  	v4 =	vld.idx.msk [tilespmem:v8+s16+$0x0], $0xffff  }
0x14d: {  	v7 =	vld.idx.msk [tilespmem:v7+s22+$0x0], $0xffff  }
0x14e: {  	v9 =	vld.idx.msk [tilespmem:v8+s18+$0x0], $0xffff;
	v2 =	vmul.f32 v2, v22;
	v3 =	vmul.f32 v3, v20  }
0x14f: {  	v5 =	vld.idx.msk [tilespmem:v8+s20+$0x0], $0xffff  }
0x150: {  	v11 =	vld.idx.msk [tilespmem:v28+s16+$0x0], $0xffff;
	v2 =	vadd.f32 v3, v2;
	v3 =	vmul.f32 v10, v19  }
0x151: {  	v12 =	vld.idx.msk [tilespmem:v28+s18+$0x0], $0xffff  }
0x152: {  	v8 =	vld.idx.msk [tilespmem:v8+s22+$0x0], $0xffff;
	v2 =	vadd.f32 v3, v2;
	v3 =	vmul.f32 v7, v18;
	v7 =	vor.u32 $0x9, v6  }
0x153: {  	s9 =	simm.s32 $0x3630;
	s21 =	simm.s32 $0x30;
	v4 =	vmul.f32 v4, v16;
	v9 =	vmul.f32 v9, v17;
	v13 =	vld.idx.msk [tilespmem:v28+s20+$0x0], $0xffff  }
0x154: {  	s23 =	sor.u32 $0x15000, s12;
	v26 =	vld [tilespmem:s9+$0xFFFFFFF0];
	v10 =	vmov s21;
	v2 =	vadd.f32 v3, v2  }
0x155: {  	s25 =	sor.u32 s10, s23;
	v5 =	vmul.f32 v5, v15;
	v9 =	vadd.f32 v9, v4;
	v10 =	vshll.u32 v10, $0x4;
	v3 =	vld.idx.msk [tilespmem:v28+s22+$0x0], $0xffff  }
0x156: {  	v4 =	vld [tilespmem:s8+$0x0];
	v27 =	vor.u32 v0, v10;
	v10 =	vmul.f32 v12, v24;
	[tilespmem:s25+$0x0] =	vst v2;
	v2 =	vmul.f32 v11, v23  }
0x157: {  	v8 =	vmul.f32 v8, v1;
	v5 =	vadd.f32 v5, v9;
	v11 =	vld.idx.msk [tilespmem:v7+s16+$0x0], $0xffff  }
0x158: {  	v12 =	vld.idx.msk [tilespmem:v7+s18+$0x0], $0xffff;
	v2 =	vadd.f32 v10, v2;
	v10 =	vmul.f32 v13, v25  }
0x159: {  	v8 =	vadd.f32 v8, v5;
	v5 =	vld [tilespmem:s9+$0x0]  }
0x15a: {  	s11 =	simm.s32 $0x100;
	v14 =	vld.idx.msk [tilespmem:v7+s20+$0x0], $0xffff;
	v3 =	vmul.f32 v3, v26;
	v2 =	vadd.f32 v10, v2;
	v10 =	vor.u32 $0x1, v28  }
0x15b: {  	s14 =	sand.u32 $0xC00, s11;
	v29 =	vld.idx.msk [tilespmem:v27+s18+$0x0], $0xffff  }
0x15c: {  	s11 =	sor.u32 $0x14000, s14;
	s5 =	sand.u32 $0x60, s17;
	v7 =	vld.idx.msk [tilespmem:v7+s22+$0x0], $0xffff;
	v30 =	vadd.f32 v3, v2  }
0x15d: {  	s1 =	sor.u32 s5, s11;
	v13 =	vld.idx.msk [tilespmem:v27+s16+$0x0], $0xffff;
	v11 =	vmul.f32 v11, v22;
	v12 =	vmul.f32 v12, v20  }
0x15e: {  	v2 =	vld [tilespmem:s19+$0x0];
	[tilespmem:s1+$0x0] =	vst v30  }
0x15f: {  	v11 =	vadd.f32 v12, v11;
	v12 =	vmul.f32 v14, v19;
	v31 =	vld.idx.msk [tilespmem:v10+s16+$0x0], $0xffff  }
0x160: {  	v32 =	vor.u32 $0x7, v21;
	v14 =	vld.idx.msk [tilespmem:v10+s18+$0x0], $0xffff  }
0x161: {  	v3 =	vld [tilespmem:s7+$0x0];
	v7 =	vmul.f32 v7, v18;
	v11 =	vadd.f32 v12, v11  }
0x162: {  	v33 =	vld.idx.msk [tilespmem:v10+s20+$0x0], $0xffff;
	v12 =	vor.u32 $0xA, v6  }
0x163: {  	s13 =	sor.u32 $0x15080, s12;
	v10 =	vld.idx.msk [tilespmem:v10+s22+$0x0], $0xffff;
	v7 =	vadd.f32 v7, v11  }
0x164: {  	s15 =	sor.u32 s10, s13;
	[tilespmem:s4+$0x300] =	vst v8;
	v30 =	vld.idx.msk [tilespmem:v27+s20+$0x0], $0xffff  }
0x165: {  	v34 =	vld.idx.msk [tilespmem:v32+s18+$0x0], $0xffff;
	[tilespmem:s15+$0x0] =	vst v7;
	v7 =	vmul.f32 v31, v23;
	v11 =	vmul.f32 v14, v24  }
0x166: {  	v9 =	vld.idx.msk [tilespmem:v27+s22+$0x0], $0xffff;
	v13 =	vmul.f32 v13, v2;
	v14 =	vmul.f32 v29, v3  }
0x167: {  	v29 =	vld.idx.msk [tilespmem:v12+s16+$0x0], $0xffff;
	v7 =	vadd.f32 v11, v7;
	v11 =	vmul.f32 v33, v25  }
0x168: {  	v10 =	vmul.f32 v10, v26;
	v8 =	vld.idx.msk [tilespmem:v12+s18+$0x0], $0xffff;
	v13 =	vadd.f32 v14, v13  }
0x169: {  	v31 =	vld.idx.msk [tilespmem:v12+s20+$0x0], $0xffff;
	v14 =	vmul.f32 v30, v4;
	v7 =	vadd.f32 v11, v7;
	v11 =	vor.u32 $0x2, v28  }
0x16a: {  	v58 =	vor.u32 $0x1, v27;
	v12 =	vld.idx.msk [tilespmem:v12+s22+$0x0], $0xffff  }
0x16b: {  	v9 =	vmul.f32 v9, v5;
	v30 =	vld.idx.msk [tilespmem:v32+s16+$0x0], $0xffff;
	v13 =	vadd.f32 v14, v13;
	v7 =	vadd.f32 v10, v7  }
0x16c: {  	v10 =	vld.idx.msk [tilespmem:v32+s20+$0x0], $0xffff;
	v14 =	vmul.f32 v29, v22  }
0x16d: {  	s0 =	sand.u32 $0x70, s21;
	v8 =	vmul.f32 v8, v20;
	v9 =	vadd.f32 v9, v13;
	v13 =	vld.idx.msk [tilespmem:v32+s22+$0x0], $0xffff;
	[tilespmem:s1+$0x80] =	vst v7  }
0x16e: {  	s7 =	sor.u32 s0, s11;
	v7 =	vld.idx.msk [tilespmem:v11+s16+$0x0], $0xffff  }
0x16f: {  	v8 =	vadd.f32 v8, v14;
	v14 =	vmul.f32 v31, v19;
	[tilespmem:s7+$0x0] =	vst v9;
	v9 =	vld.idx.msk [tilespmem:v11+s18+$0x0], $0xffff  }
0x170: {  	v29 =	vmul.f32 v30, v16;
	v30 =	vmul.f32 v34, v17;
	v31 =	vld.idx.msk [tilespmem:v58+s16+$0x0], $0xffff  }
0x171: {  	v12 =	vmul.f32 v12, v18;
	v59 =	vld.idx.msk [tilespmem:v11+s20+$0x0], $0xffff;
	v8 =	vadd.f32 v14, v8;
	v14 =	vor.u32 $0xB, v6  }
0x172: {  	v29 =	vadd.f32 v30, v29;
	v30 =	vld.idx.msk [tilespmem:v58+s18+$0x0], $0xffff;
	v10 =	vmul.f32 v10, v15  }
0x173: {  	s17 =	sor.u32 $0x15100, s12;
	v11 =	vld.idx.msk [tilespmem:v11+s22+$0x0], $0xffff;
	v8 =	vadd.f32 v12, v8  }
0x174: {  	s19 =	sor.u32 s10, s17;
	v60 =	vld.idx.msk [tilespmem:v58+s22+$0x0], $0xffff;
	v13 =	vmul.f32 v13, v1;
	v10 =	vadd.f32 v10, v29  }
0x175: {  	v12 =	vor.u32 $0x8, v21;
	v29 =	vld.idx.msk [tilespmem:v58+s20+$0x0], $0xffff;
	[tilespmem:s19+$0x0] =	vst v8;
	v7 =	vmul.f32 v7, v23;
	v8 =	vmul.f32 v9, v24  }
0x176: {  	v9 =	vld.idx.msk [tilespmem:v14+s16+$0x0], $0xffff;
	v10 =	vadd.f32 v13, v10  }
0x177: {  	v13 =	vld.idx.msk [tilespmem:v14+s18+$0x0], $0xffff;
	v7 =	vadd.f32 v8, v7;
	v8 =	vmul.f32 v59, v25  }
0x178: {  	v31 =	vmul.f32 v31, v2;
	[tilespmem:s4+$0x380] =	vst v10;
	v10 =	vmul.f32 v30, v3;
	v30 =	vld.idx.msk [tilespmem:v14+s20+$0x0], $0xffff  }
0x179: {  	v14 =	vld.idx.msk [tilespmem:v14+s22+$0x0], $0xffff;
	v7 =	vadd.f32 v8, v7;
	v8 =	vmul.f32 v11, v26;
	v11 =	vor.u32 $0x3, v28  }
0x17a: {  	v61 =	vld.idx.msk [tilespmem:v12+s16+$0x0], $0xffff;
	v29 =	vmul.f32 v29, v4;
	v10 =	vadd.f32 v10, v31  }
0x17b: {  	v7 =	vadd.f32 v8, v7;
	v8 =	vld.idx.msk [tilespmem:v12+s18+$0x0], $0xffff  }
0x17c: {  	v9 =	vmul.f32 v9, v22;
	v13 =	vmul.f32 v13, v20;
	v10 =	vadd.f32 v29, v10;
	v29 =	vld.idx.msk [tilespmem:v12+s20+$0x0], $0xffff  }
0x17d: {  	v32 =	vmul.f32 v60, v5;
	[tilespmem:s1+$0x100] =	vst v7;
	v7 =	vld.idx.msk [tilespmem:v12+s22+$0x0], $0xffff  }
0x17e: {  	v31 =	vor.u32 $0x2, v27;
	v9 =	vadd.f32 v13, v9;
	v12 =	vmul.f32 v30, v19;
	v13 =	vld.idx.msk [tilespmem:v11+s16+$0x0], $0xffff  }
0x17f: {  	v10 =	vadd.f32 v32, v10;
	v30 =	vld.idx.msk [tilespmem:v11+s18+$0x0], $0xffff  }
0x180: {  	v62 =	vld.idx.msk [tilespmem:v11+s20+$0x0], $0xffff;
	v9 =	vadd.f32 v12, v9;
	v12 =	vmul.f32 v14, v18;
	v14 =	vor.u32 $0xC, v6  }
0x181: {  	v11 =	vld.idx.msk [tilespmem:v11+s22+$0x0], $0xffff  }
0x182: {  	s21 =	sor.u32 $0x15180, s12;
	[tilespmem:s7+$0x80] =	vst v10;
	v10 =	vmul.f32 v61, v16;
	v8 =	vmul.f32 v8, v17;
	v9 =	vadd.f32 v12, v9  }
0x183: {  	s24 =	sor.u32 s10, s21;
	v63 =	vld.idx.msk [tilespmem:v31+s16+$0x0], $0xffff  }
0x184: {  	v12 =	vmul.f32 v29, v15;
	v8 =	vadd.f32 v8, v10;
	v10 =	vld.idx.msk [tilespmem:v31+s18+$0x0], $0xffff;
	[tilespmem:s24+$0x0] =	vst v9  }
0x185: {  	v9 =	vmul.f32 v13, v23;
	v13 =	vmul.f32 v30, v24;
	v29 =	vld.idx.msk [tilespmem:v14+s16+$0x0], $0xffff  }
0x186: {  	v7 =	vmul.f32 v7, v1;
	v30 =	vor.u32 $0x9, v21;
	v8 =	vadd.f32 v12, v8;
	v12 =	vld.idx.msk [tilespmem:v14+s18+$0x0], $0xffff  }
0x187: {  	v36 =	vld.idx.msk [tilespmem:v31+s20+$0x0], $0xffff;
	v9 =	vadd.f32 v13, v9;
	v13 =	vmul.f32 v62, v25  }
0x188: {  	v7 =	vadd.f32 v7, v8;
	v8 =	vld.idx.msk [tilespmem:v14+s20+$0x0], $0xffff  }
0x189: {  	s4 =	sor.u32 s6, s23;
	v31 =	vld.idx.msk [tilespmem:v31+s22+$0x0], $0xffff;
	v11 =	vmul.f32 v11, v26;
	v9 =	vadd.f32 v13, v9;
	v13 =	vor.u32 $0x4, v28  }
0x18a: {  	v33 =	vmul.f32 v63, v2;
	[tilespmem:s4+$0x0] =	vst v7;
	v7 =	vmul.f32 v10, v3;
	v10 =	vld.idx.msk [tilespmem:v14+s22+$0x0], $0xffff  }
0x18b: {  	v9 =	vadd.f32 v11, v9;
	v11 =	vld.idx.msk [tilespmem:v30+s16+$0x0], $0xffff;
	v14 =	vmul.f32 v29, v22;
	v12 =	vmul.f32 v12, v20  }
0x18c: {  	v32 =	vmul.f32 v36, v4;
	v29 =	vld.idx.msk [tilespmem:v30+s18+$0x0], $0xffff;
	v7 =	vadd.f32 v7, v33  }
0x18d: {  	[tilespmem:s1+$0x180] =	vst v9;
	v9 =	vld.idx.msk [tilespmem:v30+s20+$0x0], $0xffff;
	v12 =	vadd.f32 v12, v14;
	v8 =	vmul.f32 v8, v19  }
0x18e: {  	v31 =	vmul.f32 v31, v5;
	v14 =	vor.u32 $0x3, v27;
	v37 =	vld.idx.msk [tilespmem:v13+s16+$0x0], $0xffff;
	v7 =	vadd.f32 v32, v7  }
0x18f: {  	v38 =	vld.idx.msk [tilespmem:v13+s18+$0x0], $0xffff;
	v8 =	vadd.f32 v8, v12;
	v10 =	vmul.f32 v10, v18;
	v12 =	vor.u32 $0xD, v6  }
0x190: {  	v30 =	vld.idx.msk [tilespmem:v30+s22+$0x0], $0xffff;
	v7 =	vadd.f32 v31, v7  }
0x191: {  	s25 =	sor.u32 $0x15200, s12;
	v31 =	vld.idx.msk [tilespmem:v13+s20+$0x0], $0xffff;
	v11 =	vmul.f32 v11, v16;
	v8 =	vadd.f32 v10, v8;
	v10 =	vmul.f32 v29, v17  }
0x192: {  	s11 =	sor.u32 s10, s25;
	v13 =	vld.idx.msk [tilespmem:v13+s22+$0x0], $0xffff;
	[tilespmem:s7+$0x100] =	vst v7  }
0x193: {  	v7 =	vmul.f32 v9, v15;
	v9 =	vld.idx.msk [tilespmem:v14+s16+$0x0], $0xffff;
	[tilespmem:s11+$0x0] =	vst v8;
	v8 =	vadd.f32 v10, v11  }
0x194: {  	v10 =	vmul.f32 v37, v23;
	v11 =	vmul.f32 v38, v24;
	v29 =	vld.idx.msk [tilespmem:v12+s16+$0x0], $0xffff  }
0x195: {  	v39 =	vld.idx.msk [tilespmem:v12+s18+$0x0], $0xffff;
	v7 =	vadd.f32 v7, v8;
	v8 =	vmul.f32 v30, v1  }
0x196: {  	v40 =	vld.idx.msk [tilespmem:v12+s20+$0x0], $0xffff;
	v30 =	vor.u32 $0xA, v21;
	v10 =	vadd.f32 v11, v10;
	v11 =	vmul.f32 v31, v25  }
0x197: {  	v31 =	vld.idx.msk [tilespmem:v14+s18+$0x0], $0xffff  }
0x198: {  	v12 =	vld.idx.msk [tilespmem:v12+s22+$0x0], $0xffff;
	v7 =	vadd.f32 v8, v7;
	v8 =	vadd.f32 v11, v10;
	v10 =	vmul.f32 v13, v26  }
0x199: {  	s8 =	sor.u32 s6, s13;
	v11 =	vor.u32 $0x5, v28;
	v13 =	vld.idx.msk [tilespmem:v14+s20+$0x0], $0xffff  }
0x19a: {  	[tilespmem:s8+$0x0] =	vst v7;
	v7 =	vadd.f32 v10, v8;
	v8 =	vld.idx.msk [tilespmem:v14+s22+$0x0], $0xffff  }
0x19b: {  	v10 =	vmul.f32 v29, v22;
	v14 =	vmul.f32 v39, v20;
	v29 =	vld.idx.msk [tilespmem:v30+s16+$0x0], $0xffff  }
0x19c: {  	v9 =	vmul.f32 v9, v2;
	v31 =	vmul.f32 v31, v3;
	v43 =	vld.idx.msk [tilespmem:v30+s20+$0x0], $0xffff  }
0x19d: {  	[tilespmem:s1+$0x200] =	vst v7;
	v7 =	vld.idx.msk [tilespmem:v30+s18+$0x0], $0xffff;
	v10 =	vadd.f32 v14, v10;
	v14 =	vmul.f32 v40, v19  }
0x19e: {  	v12 =	vmul.f32 v12, v18;
	v41 =	vld.idx.msk [tilespmem:v11+s16+$0x0], $0xffff;
	v9 =	vadd.f32 v31, v9  }
0x19f: {  	v13 =	vmul.f32 v13, v4;
	v31 =	vld.idx.msk [tilespmem:v11+s18+$0x0], $0xffff;
	v10 =	vadd.f32 v14, v10;
	v14 =	vor.u32 $0xE, v6  }
0x1a0: {  	v35 =	vld.idx.msk [tilespmem:v11+s20+$0x0], $0xffff  }
0x1a1: {  	s23 =	sor.u32 $0x15280, s12;
	v11 =	vld.idx.msk [tilespmem:v11+s22+$0x0], $0xffff;
	v9 =	vadd.f32 v13, v9;
	v8 =	vmul.f32 v8, v5;
	v10 =	vadd.f32 v12, v10  }
0x1a2: {  	v42 =	vor.u32 $0x4, v27;
	s13 =	sor.u32 s10, s23;
	v13 =	vld.idx.msk [tilespmem:v30+s22+$0x0], $0xffff  }
0x1a3: {  	v12 =	vmul.f32 v29, v16;
	v8 =	vadd.f32 v8, v9;
	v7 =	vmul.f32 v7, v17;
	[tilespmem:s13+$0x0] =	vst v10  }
0x1a4: {  	v9 =	vmul.f32 v41, v23;
	v10 =	vmul.f32 v31, v24;
	v29 =	vld.idx.msk [tilespmem:v14+s16+$0x0], $0xffff  }
0x1a5: {  	[tilespmem:s7+$0x180] =	vst v8;
	v8 =	vld.idx.msk [tilespmem:v14+s18+$0x0], $0xffff;
	v7 =	vadd.f32 v7, v12;
	v12 =	vmul.f32 v43, v15  }
0x1a6: {  	v44 =	vld.idx.msk [tilespmem:v14+s20+$0x0], $0xffff;
	v9 =	vadd.f32 v10, v9;
	v10 =	vmul.f32 v35, v25  }
0x1a7: {  	v31 =	vor.u32 $0xB, v21;
	v14 =	vld.idx.msk [tilespmem:v14+s22+$0x0], $0xffff;
	v7 =	vadd.f32 v12, v7;
	v12 =	vmul.f32 v13, v1  }
0x1a8: {  	v30 =	vld.idx.msk [tilespmem:v42+s16+$0x0], $0xffff;
	v9 =	vadd.f32 v10, v9;
	v10 =	vmul.f32 v11, v26;
	v11 =	vor.u32 $0x6, v28  }
0x1a9: {  	v13 =	vld.idx.msk [tilespmem:v42+s18+$0x0], $0xffff;
	v7 =	vadd.f32 v12, v7  }
0x1aa: {  	s3 =	sor.u32 s6, s17;
	v12 =	vld.idx.msk [tilespmem:v42+s22+$0x0], $0xffff;
	v9 =	vadd.f32 v10, v9  }
0x1ab: {  	v10 =	vld.idx.msk [tilespmem:v42+s20+$0x0], $0xffff;
	[tilespmem:s3+$0x0] =	vst v7  }
0x1ac: {  	[tilespmem:s1+$0x280] =	vst v9;
	v7 =	vld.idx.msk [tilespmem:v31+s16+$0x0], $0xffff  }
0x1ad: {  	v8 =	vmul.f32 v8, v20;
	v9 =	vmul.f32 v29, v22;
	v29 =	vld.idx.msk [tilespmem:v11+s16+$0x0], $0xffff  }
0x1ae: {  	v30 =	vmul.f32 v30, v2;
	v45 =	vld.idx.msk [tilespmem:v11+s18+$0x0], $0xffff  }
0x1af: {  	v13 =	vmul.f32 v13, v3;
	v46 =	vld.idx.msk [tilespmem:v31+s18+$0x0], $0xffff;
	v8 =	vadd.f32 v8, v9;
	v9 =	vmul.f32 v44, v19  }
0x1b0: {  	v47 =	vor.u32 $0x5, v27;
	v48 =	vld.idx.msk [tilespmem:v11+s20+$0x0], $0xffff  }
0x1b1: {  	v10 =	vmul.f32 v10, v4;
	v8 =	vadd.f32 v9, v8;
	v9 =	vadd.f32 v13, v30;
	v13 =	vld.idx.msk [tilespmem:v31+s20+$0x0], $0xffff  }
0x1b2: {  	v6 =	vor.u32 $0xF, v6;
	v14 =	vmul.f32 v14, v18;
	v11 =	vld.idx.msk [tilespmem:v11+s22+$0x0], $0xffff;
	v12 =	vmul.f32 v12, v5  }
0x1b3: {  	v9 =	vadd.f32 v10, v9;
	v10 =	vmul.f32 v29, v23;
	v29 =	vmul.f32 v45, v24  }
0x1b4: {  	s9 =	sor.u32 $0x15300, s12;
	v7 =	vmul.f32 v7, v16;
	v30 =	vmul.f32 v46, v17;
	v8 =	vadd.f32 v14, v8;
	v14 =	vld.idx.msk [tilespmem:v31+s22+$0x0], $0xffff  }
0x1b5: {  	s15 =	sor.u32 s10, s9;
	v9 =	vadd.f32 v12, v9;
	v10 =	vadd.f32 v29, v10;
	v12 =	vmul.f32 v48, v25  }
0x1b6: {  	v7 =	vadd.f32 v30, v7;
	[tilespmem:s15+$0x0] =	vst v8;
	v8 =	vmul.f32 v13, v15  }
0x1b7: {  	v29 =	vld.idx.msk [tilespmem:v6+s16+$0x0], $0xffff;
	[tilespmem:s7+$0x200] =	vst v9;
	v9 =	vadd.f32 v12, v10;
	v10 =	vmul.f32 v11, v26;
	v11 =	vor.u32 $0x7, v28  }
0x1b8: {  	v13 =	vld.idx.msk [tilespmem:v47+s16+$0x0], $0xffff  }
0x1b9: {  	v7 =	vadd.f32 v8, v7;
	v8 =	vmul.f32 v14, v1;
	v9 =	vadd.f32 v10, v9;
	v10 =	vld.idx.msk [tilespmem:v47+s18+$0x0], $0xffff  }
0x1ba: {  	v12 =	vor.u32 $0xC, v21;
	v14 =	vld.idx.msk [tilespmem:v47+s20+$0x0], $0xffff  }
0x1bb: {  	v7 =	vadd.f32 v8, v7;
	v8 =	vld.idx.msk [tilespmem:v47+s22+$0x0], $0xffff;
	[tilespmem:s1+$0x300] =	vst v9  }
0x1bc: {  	s2 =	sor.u32 s6, s21;
	v9 =	vld.idx.msk [tilespmem:v11+s16+$0x0], $0xffff  }
0x1bd: {  	[tilespmem:s2+$0x0] =	vst v7;
	v7 =	vld.idx.msk [tilespmem:v11+s18+$0x0], $0xffff  }
0x1be: {  	v31 =	vld.idx.msk [tilespmem:v11+s20+$0x0], $0xffff;
	v13 =	vmul.f32 v13, v2;
	v10 =	vmul.f32 v10, v3  }
0x1bf: {  	v30 =	vld.idx.msk [tilespmem:v12+s16+$0x0], $0xffff  }
0x1c0: {  	v14 =	vmul.f32 v14, v4;
	v49 =	vld.idx.msk [tilespmem:v12+s18+$0x0], $0xffff;
	v10 =	vadd.f32 v10, v13  }
0x1c1: {  	v11 =	vld.idx.msk [tilespmem:v11+s22+$0x0], $0xffff;
	v8 =	vmul.f32 v8, v5;
	v13 =	vor.u32 $0x6, v27  }
0x1c2: {  	v50 =	vld.idx.msk [tilespmem:v12+s20+$0x0], $0xffff;
	v9 =	vmul.f32 v9, v23;
	v7 =	vmul.f32 v7, v24;
	v10 =	vadd.f32 v14, v10  }
0x1c3: {  	v33 =	vld.idx.msk [tilespmem:v6+s18+$0x0], $0xffff  }
0x1c4: {  	v12 =	vld.idx.msk [tilespmem:v12+s22+$0x0], $0xffff;
	v7 =	vadd.f32 v7, v9;
	v9 =	vmul.f32 v31, v25;
	v8 =	vadd.f32 v8, v10  }
0x1c5: {  	v32 =	vld.idx.msk [tilespmem:v6+s20+$0x0], $0xffff;
	v14 =	vmul.f32 v49, v17;
	v10 =	vmul.f32 v30, v16  }
0x1c6: {  	v30 =	vld.idx.msk [tilespmem:v6+s22+$0x0], $0xffff;
	v6 =	vadd.f32 v9, v7;
	v7 =	vmul.f32 v11, v26;
	v9 =	vor.u32 $0x8, v28;
	[tilespmem:s7+$0x280] =	vst v8  }
0x1c7: {  	v8 =	vadd.f32 v14, v10;
	v10 =	vmul.f32 v50, v15;
	v37 =	vld.idx.msk [tilespmem:v13+s16+$0x0], $0xffff  }
0x1c8: {  	v6 =	vadd.f32 v7, v6;
	v14 =	vld.idx.msk [tilespmem:v13+s18+$0x0], $0xffff  }
0x1c9: {  	v38 =	vor.u32 $0xD, v21;
	v7 =	vmul.f32 v12, v1;
	v39 =	vld.idx.msk [tilespmem:v13+s20+$0x0], $0xffff;
	v8 =	vadd.f32 v10, v8  }
0x1ca: {  	v40 =	vld.idx.msk [tilespmem:v13+s22+$0x0], $0xffff;
	[tilespmem:s1+$0x380] =	vst v6  }
0x1cb: {  	v6 =	vld.idx.msk [tilespmem:v9+s16+$0x0], $0xffff;
	v7 =	vadd.f32 v7, v8  }
0x1cc: {  	s17 =	simm.s32 $0x40;
	s19 =	sor.u32 s6, s25;
	v8 =	vld.idx.msk [tilespmem:v9+s18+$0x0], $0xffff  }
0x1cd: {  	v10 =	vmov s17;
	v11 =	vld.idx.msk [tilespmem:v9+s20+$0x0], $0xffff;
	[tilespmem:s19+$0x0] =	vst v7  }
0x1ce: {  	v7 =	vshll.u32 v10, $0x4;
	v35 =	vld.idx.msk [tilespmem:v38+s16+$0x0], $0xffff  }
0x1cf: {  	v10 =	vor.u32 v0, v7;
	v7 =	vld.idx.msk [tilespmem:v9+s22+$0x0], $0xffff  }
0x1d0: {  	v36 =	vld.idx.msk [tilespmem:v38+s18+$0x0], $0xffff  }
0x1d1: {  	v37 =	vmul.f32 v37, v2;
	v14 =	vmul.f32 v14, v3;
	v34 =	vld.idx.msk [tilespmem:v38+s20+$0x0], $0xffff  }
0x1d2: {  	s3 =	simm.s32 $0x3050;
	v38 =	vld.idx.msk [tilespmem:v38+s22+$0x0], $0xffff;
	v9 =	vmul.f32 v6, v23;
	v8 =	vmul.f32 v8, v24  }
0x1d3: {  	s8 =	simm.s32 $0x3250;
	v6 =	vld [tilespmem:s3+$0xFFFFFFF0]  }
0x1d4: {  	v56 =	vmul.f32 v39, v4;
	v14 =	vadd.f32 v14, v37;
	v8 =	vadd.f32 v8, v9;
	v9 =	vld [tilespmem:s8+$0xFFFFFFF0]  }
0x1d5: {  	v11 =	vmul.f32 v11, v25;
	v12 =	vld.idx.msk [tilespmem:v10+s16+$0x0], $0xffff  }
0x1d6: {  	s13 =	simm.s32 $0x50;
	v42 =	vor.u32 $0x9, v28;
	v58 =	vmul.f32 v40, v5;
	v14 =	vadd.f32 v56, v14;
	v41 =	vld.idx.msk [tilespmem:v10+s18+$0x0], $0xffff  }
0x1d7: {  	v13 =	vmov s13;
	s1 =	simm.s32 $0x3650;
	v7 =	vmul.f32 v7, v26;
	v43 =	vld.idx.msk [tilespmem:v10+s22+$0x0], $0xffff;
	v11 =	vadd.f32 v11, v8  }
0x1d8: {  	v37 =	vadd.f32 v58, v14;
	v14 =	vld [tilespmem:s1+$0x0];
	v8 =	vshll.u32 v13, $0x4  }
0x1d9: {  	s11 =	simm.s32 $0x3450;
	s15 =	sor.u32 $0x15000, s14;
	v13 =	vld.idx.msk [tilespmem:v10+s20+$0x0], $0xffff;
	v31 =	vor.u32 v0, v8;
	v11 =	vadd.f32 v7, v11  }
0x1da: {  	s21 =	sor.u32 s5, s15;
	v8 =	vld [tilespmem:s11+$0xFFFFFFF0]  }
0x1db: {  	v7 =	vld [tilespmem:s1+$0xFFFFFFF0];
	[tilespmem:s21+$0x0] =	vst v11  }
0x1dc: {  	v51 =	vld.idx.msk [tilespmem:v42+s16+$0x0], $0xffff  }
0x1dd: {  	v11 =	vmul.f32 v12, v6;
	v12 =	vmul.f32 v41, v9;
	v44 =	vld.idx.msk [tilespmem:v42+s18+$0x0], $0xffff  }
0x1de: {  	v45 =	vld.idx.msk [tilespmem:v31+s16+$0x0], $0xffff  }
0x1df: {  	v11 =	vadd.f32 v12, v11;
	v12 =	vmul.f32 v13, v8;
	v13 =	vld.idx.msk [tilespmem:v42+s20+$0x0], $0xffff  }
0x1e0: {  	v46 =	vld.idx.msk [tilespmem:v31+s18+$0x0], $0xffff  }
0x1e1: {  	v42 =	vld.idx.msk [tilespmem:v42+s22+$0x0], $0xffff  }
0x1e2: {  	s4 =	simm.s32 $0x200;
	v52 =	vor.u32 $0x1, v10;
	v53 =	vld.idx.msk [tilespmem:v31+s20+$0x0], $0xffff;
	v11 =	vadd.f32 v12, v11;
	v12 =	vmul.f32 v43, v7  }
0x1e3: {  	s25 =	sand.u32 $0xC00, s4;
	v40 =	vld.idx.msk [tilespmem:v31+s22+$0x0], $0xffff  }
0x1e4: {  	s28 =	sand.u32 $0x60, s17;
	s17 =	sor.u32 $0x14000, s25;
	v47 =	vadd.f32 v12, v11;
	v11 =	vld [tilespmem:s3+$0x0];
	v41 =	vmul.f32 v51, v23;
	v44 =	vmul.f32 v44, v24  }
0x1e5: {  	s2 =	sor.u32 s28, s17;
	v12 =	vld [tilespmem:s8+$0x0]  }
0x1e6: {  	v49 =	vor.u32 $0x7, v27;
	v55 =	vmul.f32 v13, v25;
	v13 =	vld [tilespmem:s11+$0x0];
	[tilespmem:s2+$0x0] =	vst v47;
	v41 =	vadd.f32 v44, v41  }
0x1e7: {  	v48 =	vld.idx.msk [tilespmem:v52+s16+$0x0], $0xffff  }
0x1e8: {  	v42 =	vmul.f32 v42, v26;
	v44 =	vor.u32 $0xA, v28;
	v57 =	vld.idx.msk [tilespmem:v52+s18+$0x0], $0xffff;
	v41 =	vadd.f32 v55, v41  }
0x1e9: {  	[tilespmem:s7+$0x300] =	vst v37;
	v50 =	vld.idx.msk [tilespmem:v52+s20+$0x0], $0xffff  }
0x1ea: {  	s21 =	sor.u32 $0x15080, s14;
	v59 =	vld.idx.msk [tilespmem:v52+s22+$0x0], $0xffff;
	v61 =	vmul.f32 v45, v11;
	v62 =	vmul.f32 v46, v12;
	v41 =	vadd.f32 v42, v41  }
0x1eb: {  	s19 =	sor.u32 s5, s21;
	v55 =	vld.idx.msk [tilespmem:v49+s16+$0x0], $0xffff  }
0x1ec: {  	v56 =	vmul.f32 v53, v13;
	v37 =	vadd.f32 v62, v61;
	v62 =	vld.idx.msk [tilespmem:v49+s22+$0x0], $0xffff;
	[tilespmem:s19+$0x0] =	vst v41  }
0x1ed: {  	v60 =	vmul.f32 v48, v6;
	v39 =	vmul.f32 v57, v9;
	v43 =	vld.idx.msk [tilespmem:v44+s16+$0x0], $0xffff  }
0x1ee: {  	v51 =	vor.u32 $0x1, v31;
	v40 =	vmul.f32 v40, v14;
	v63 =	vld.idx.msk [tilespmem:v44+s18+$0x0], $0xffff  }
0x1ef: {  	v54 =	vmul.f32 v50, v8;
	v57 =	vld.idx.msk [tilespmem:v44+s20+$0x0], $0xffff;
	v37 =	vadd.f32 v56, v37;
	v39 =	vadd.f32 v39, v60  }
0x1f0: {  	v42 =	vor.u32 $0x2, v10;
	v60 =	vld.idx.msk [tilespmem:v49+s20+$0x0], $0xffff  }
0x1f1: {  	s30 =	sand.u32 $0x70, s13;
	v58 =	vmul.f32 v59, v7;
	v59 =	vld.idx.msk [tilespmem:v49+s18+$0x0], $0xffff;
	v37 =	vadd.f32 v40, v37;
	v39 =	vadd.f32 v54, v39  }
0x1f2: {  	s17 =	sor.u32 s30, s17;
	v35 =	vmul.f32 v35, v16;
	v44 =	vld.idx.msk [tilespmem:v44+s22+$0x0], $0xffff  }
0x1f3: {  	[tilespmem:s17+$0x0] =	vst v37;
	v39 =	vadd.f32 v58, v39;
	v43 =	vmul.f32 v43, v23;
	v61 =	vmul.f32 v63, v24  }
0x1f4: {  	v36 =	vmul.f32 v36, v17;
	v49 =	vmul.f32 v57, v25;
	v57 =	vld.idx.msk [tilespmem:v51+s16+$0x0], $0xffff  }
0x1f5: {  	v41 =	vmul.f32 v60, v4;
	v60 =	vld.idx.msk [tilespmem:v51+s18+$0x0], $0xffff;
	[tilespmem:s2+$0x80] =	vst v39;
	v63 =	vadd.f32 v61, v43  }
0x1f6: {  	v55 =	vmul.f32 v55, v2;
	v56 =	vmul.f32 v59, v3;
	v52 =	vld.idx.msk [tilespmem:v42+s16+$0x0], $0xffff  }
0x1f7: {  	v48 =	vor.u32 $0xB, v28;
	v54 =	vmul.f32 v44, v26;
	v53 =	vld.idx.msk [tilespmem:v42+s18+$0x0], $0xffff;
	v39 =	vadd.f32 v49, v63  }
0x1f8: {  	v59 =	vadd.f32 v56, v55;
	v56 =	vld.idx.msk [tilespmem:v51+s22+$0x0], $0xffff  }
0x1f9: {  	v35 =	vadd.f32 v36, v35;
	s19 =	sor.u32 $0x15100, s14;
	v58 =	vld.idx.msk [tilespmem:v42+s20+$0x0], $0xffff;
	v63 =	vmul.f32 v34, v15;
	v39 =	vadd.f32 v54, v39  }
0x1fa: {  	v38 =	vmul.f32 v38, v1;
	s24 =	sor.u32 s5, s19;
	v40 =	vmul.f32 v62, v5;
	v61 =	vld.idx.msk [tilespmem:v51+s20+$0x0], $0xffff  }
0x1fb: {  	v42 =	vld.idx.msk [tilespmem:v42+s22+$0x0], $0xffff;
	v41 =	vadd.f32 v41, v59;
	v34 =	vor.u32 $0xE, v21;
	v35 =	vadd.f32 v63, v35;
	[tilespmem:s24+$0x0] =	vst v39  }
0x1fc: {  	v39 =	vor.u32 $0x8, v27;
	v45 =	vmul.f32 v52, v6;
	v37 =	vmul.f32 v53, v9;
	v62 =	vld.idx.msk [tilespmem:v48+s16+$0x0], $0xffff  }
0x1fd: {  	v35 =	vadd.f32 v38, v35;
	v53 =	vld.idx.msk [tilespmem:v48+s18+$0x0], $0xffff  }
0x1fe: {  	s23 =	sor.u32 s6, s23;
	v52 =	vadd.f32 v40, v41;
	v55 =	vmul.f32 v58, v8;
	v58 =	vld.idx.msk [tilespmem:v48+s20+$0x0], $0xffff;
	v54 =	vadd.f32 v37, v45  }
0x1ff: {  	v57 =	vmul.f32 v57, v11;
	v44 =	vmul.f32 v60, v12;
	v48 =	vld.idx.msk [tilespmem:v48+s22+$0x0], $0xffff;
	[tilespmem:s23+$0x0] =	vst v35  }
0x200: {  	v59 =	vmul.f32 v42, v7;
	v42 =	vor.u32 $0x3, v10;
	[tilespmem:s7+$0x380] =	vst v52;
	v35 =	vld.idx.msk [tilespmem:v34+s16+$0x0], $0xffff;
	v36 =	vadd.f32 v55, v54  }
0x201: {  	v43 =	vmul.f32 v61, v13;
	v44 =	vadd.f32 v44, v57;
	v60 =	vld.idx.msk [tilespmem:v39+s16+$0x0], $0xffff  }
0x202: {  	v61 =	vld.idx.msk [tilespmem:v39+s18+$0x0], $0xffff;
	v36 =	vadd.f32 v59, v36  }
0x203: {  	v51 =	vmul.f32 v56, v14;
	v43 =	vadd.f32 v43, v44;
	v63 =	vld.idx.msk [tilespmem:v39+s20+$0x0], $0xffff  }
0x204: {  	v46 =	vor.u32 $0x2, v31;
	v39 =	vld.idx.msk [tilespmem:v39+s22+$0x0], $0xffff;
	v62 =	vmul.f32 v62, v23;
	v40 =	vmul.f32 v53, v24;
	[tilespmem:s2+$0x100] =	vst v36  }
0x205: {  	v52 =	vld.idx.msk [tilespmem:v42+s16+$0x0], $0xffff  }
0x206: {  	v53 =	vmul.f32 v58, v25;
	v38 =	vadd.f32 v40, v62;
	v36 =	vadd.f32 v51, v43;
	v54 =	vld.idx.msk [tilespmem:v42+s18+$0x0], $0xffff  }
0x207: {  	v55 =	vmul.f32 v48, v26;
	v57 =	vld.idx.msk [tilespmem:v42+s20+$0x0], $0xffff  }
0x208: {  	v56 =	vor.u32 $0xC, v28;
	v38 =	vadd.f32 v53, v38;
	[tilespmem:s17+$0x80] =	vst v36;
	v58 =	vmul.f32 v60, v2;
	v60 =	vld.idx.msk [tilespmem:v42+s22+$0x0], $0xffff  }
0x209: {  	v37 =	vmul.f32 v61, v3;
	v59 =	vld.idx.msk [tilespmem:v46+s16+$0x0], $0xffff  }
0x20a: {  	s13 =	sor.u32 $0x15180, s14;
	v62 =	vld.idx.msk [tilespmem:v46+s18+$0x0], $0xffff;
	v38 =	vadd.f32 v55, v38  }
0x20b: {  	s24 =	sor.u32 s5, s13;
	v61 =	vmul.f32 v63, v4;
	v53 =	vld.idx.msk [tilespmem:v46+s20+$0x0], $0xffff;
	v36 =	vadd.f32 v37, v58  }
0x20c: {  	v45 =	vor.u32 $0x9, v27;
	v39 =	vmul.f32 v39, v5;
	v46 =	vld.idx.msk [tilespmem:v46+s22+$0x0], $0xffff;
	[tilespmem:s24+$0x0] =	vst v38  }
0x20d: {  	v63 =	vmul.f32 v52, v6;
	v49 =	vmul.f32 v54, v9;
	v36 =	vadd.f32 v61, v36;
	v50 =	vld.idx.msk [tilespmem:v56+s16+$0x0], $0xffff  }
0x20e: {  	v51 =	vld.idx.msk [tilespmem:v56+s18+$0x0], $0xffff  }
0x20f: {  	v52 =	vmul.f32 v57, v8;
	v54 =	vld.idx.msk [tilespmem:v56+s20+$0x0], $0xffff;
	v38 =	vadd.f32 v49, v63;
	v36 =	vadd.f32 v39, v36  }
0x210: {  	s23 =	sor.u32 s0, s15;
	v55 =	vor.u32 $0x4, v10;
	v40 =	vmul.f32 v60, v7;
	v56 =	vld.idx.msk [tilespmem:v56+s22+$0x0], $0xffff  }
0x211: {  	v57 =	vmul.f32 v59, v11;
	v37 =	vmul.f32 v62, v12;
	v38 =	vadd.f32 v52, v38;
	[tilespmem:s23+$0x0] =	vst v36  }
0x212: {  	v58 =	vld.idx.msk [tilespmem:v45+s16+$0x0], $0xffff  }
0x213: {  	v60 =	vmul.f32 v53, v13;
	v37 =	vadd.f32 v37, v57;
	v59 =	vld.idx.msk [tilespmem:v45+s18+$0x0], $0xffff;
	v38 =	vadd.f32 v40, v38  }
0x214: {  	v61 =	vld.idx.msk [tilespmem:v45+s20+$0x0], $0xffff;
	v44 =	vmul.f32 v50, v23;
	v42 =	vmul.f32 v51, v24  }
0x215: {  	v45 =	vld.idx.msk [tilespmem:v45+s22+$0x0], $0xffff;
	v39 =	vmul.f32 v54, v25;
	v37 =	vadd.f32 v60, v37;
	[tilespmem:s2+$0x180] =	vst v38  }
0x216: {  	v51 =	vmul.f32 v46, v14;
	v42 =	vadd.f32 v42, v44;
	v44 =	vor.u32 $0x3, v31;
	v62 =	vld.idx.msk [tilespmem:v55+s16+$0x0], $0xffff  }
0x217: {  	v63 =	vld.idx.msk [tilespmem:v55+s18+$0x0], $0xffff  }
0x218: {  	v36 =	vmul.f32 v56, v26;
	v37 =	vadd.f32 v51, v37;
	v52 =	vld.idx.msk [tilespmem:v55+s20+$0x0], $0xffff;
	v39 =	vadd.f32 v39, v42  }
0x219: {  	v41 =	vld.idx.msk [tilespmem:v55+s22+$0x0], $0xffff;
	v42 =	vor.u32 $0xD, v28  }
0x21a: {  	[tilespmem:s17+$0x100] =	vst v37;
	v39 =	vadd.f32 v36, v39;
	v36 =	vld.idx.msk [tilespmem:v34+s18+$0x0], $0xffff  }
0x21b: {  	s7 =	sor.u32 $0x15200, s14;
	v53 =	vmul.f32 v58, v2;
	v54 =	vmul.f32 v59, v3;
	v43 =	vld.idx.msk [tilespmem:v44+s16+$0x0], $0xffff  }
0x21c: {  	s24 =	sor.u32 s5, s7;
	v55 =	vmul.f32 v61, v4;
	v56 =	vmul.f32 v62, v6;
	v62 =	vld.idx.msk [tilespmem:v44+s18+$0x0], $0xffff  }
0x21d: {  	v38 =	vadd.f32 v54, v53;
	[tilespmem:s24+$0x0] =	vst v39;
	v61 =	vmul.f32 v52, v8;
	v52 =	vld.idx.msk [tilespmem:v44+s20+$0x0], $0xffff  }
0x21e: {  	v60 =	vmul.f32 v45, v5;
	v58 =	vld.idx.msk [tilespmem:v42+s16+$0x0], $0xffff  }
0x21f: {  	v45 =	vor.u32 $0xA, v27;
	v57 =	vmul.f32 v63, v9;
	v37 =	vadd.f32 v55, v38;
	v59 =	vld.idx.msk [tilespmem:v42+s18+$0x0], $0xffff  }
0x220: {  	v38 =	vld.idx.msk [tilespmem:v44+s22+$0x0], $0xffff  }
0x221: {  	v63 =	vld.idx.msk [tilespmem:v42+s20+$0x0], $0xffff;
	v39 =	vadd.f32 v57, v56;
	v37 =	vadd.f32 v60, v37  }
0x222: {  	s21 =	sor.u32 s0, s21;
	v40 =	vor.u32 $0x5, v10;
	v51 =	vmul.f32 v41, v7;
	v42 =	vld.idx.msk [tilespmem:v42+s22+$0x0], $0xffff  }
0x223: {  	v50 =	vadd.f32 v61, v39;
	[tilespmem:s21+$0x0] =	vst v37;
	v43 =	vmul.f32 v43, v11;
	v57 =	vmul.f32 v62, v12  }
0x224: {  	v56 =	vld.idx.msk [tilespmem:v45+s16+$0x0], $0xffff;
	v54 =	vmul.f32 v58, v23;
	v55 =	vmul.f32 v59, v24  }
0x225: {  	v41 =	vmul.f32 v52, v13;
	v62 =	vld.idx.msk [tilespmem:v45+s20+$0x0], $0xffff;
	v53 =	vadd.f32 v51, v50;
	v37 =	vadd.f32 v57, v43  }
0x226: {  	v58 =	vld.idx.msk [tilespmem:v45+s18+$0x0], $0xffff;
	v60 =	vmul.f32 v63, v25;
	v39 =	vadd.f32 v55, v54  }
0x227: {  	v38 =	vmul.f32 v38, v14;
	[tilespmem:s2+$0x200] =	vst v53;
	v53 =	vld.idx.msk [tilespmem:v45+s22+$0x0], $0xffff;
	v37 =	vadd.f32 v41, v37  }
0x228: {  	v42 =	vmul.f32 v42, v26;
	v50 =	vor.u32 $0x4, v31;
	v63 =	vld.idx.msk [tilespmem:v40+s20+$0x0], $0xffff;
	v39 =	vadd.f32 v60, v39  }
0x229: {  	v59 =	vld.idx.msk [tilespmem:v40+s16+$0x0], $0xffff;
	v37 =	vadd.f32 v38, v37  }
0x22a: {  	s15 =	sor.u32 $0x15280, s14;
	v61 =	vld.idx.msk [tilespmem:v40+s18+$0x0], $0xffff;
	v39 =	vadd.f32 v42, v39  }
0x22b: {  	s23 =	sor.u32 s5, s15;
	v43 =	vor.u32 $0xE, v28;
	v40 =	vld.idx.msk [tilespmem:v40+s22+$0x0], $0xffff;
	[tilespmem:s17+$0x180] =	vst v37  }
0x22c: {  	v54 =	vmul.f32 v56, v2;
	v55 =	vmul.f32 v58, v3;
	[tilespmem:s23+$0x0] =	vst v39;
	v39 =	vld.idx.msk [tilespmem:v34+s20+$0x0], $0xffff  }
0x22d: {  	v60 =	vmul.f32 v62, v4;
	v62 =	vmul.f32 v63, v8;
	v63 =	vld.idx.msk [tilespmem:v50+s16+$0x0], $0xffff  }
0x22e: {  	v38 =	vadd.f32 v55, v54;
	v55 =	vld.idx.msk [tilespmem:v50+s18+$0x0], $0xffff  }
0x22f: {  	v34 =	vld.idx.msk [tilespmem:v34+s22+$0x0], $0xffff  }
0x230: {  	v56 =	vmul.f32 v59, v6;
	v57 =	vmul.f32 v61, v9;
	v58 =	vld.idx.msk [tilespmem:v43+s16+$0x0], $0xffff  }
0x231: {  	v48 =	vor.u32 $0xB, v27;
	v59 =	vld.idx.msk [tilespmem:v43+s18+$0x0], $0xffff  }
0x232: {  	v41 =	vmul.f32 v53, v5;
	v52 =	vld.idx.msk [tilespmem:v43+s20+$0x0], $0xffff;
	v38 =	vadd.f32 v60, v38;
	v61 =	vadd.f32 v57, v56  }
0x233: {  	v54 =	vor.u32 $0x6, v10;
	v43 =	vld.idx.msk [tilespmem:v43+s22+$0x0], $0xffff  }
0x234: {  	v40 =	vmul.f32 v40, v7;
	v56 =	vld.idx.msk [tilespmem:v50+s20+$0x0], $0xffff;
	v38 =	vadd.f32 v41, v38;
	v53 =	vadd.f32 v62, v61  }
0x235: {  	v22 =	vmul.f32 v29, v22;
	s19 =	sor.u32 s0, s19;
	v57 =	vld.idx.msk [tilespmem:v50+s22+$0x0], $0xffff  }
0x236: {  	[tilespmem:s19+$0x0] =	vst v38;
	v40 =	vadd.f32 v40, v53;
	v47 =	vmul.f32 v58, v23;
	v37 =	vmul.f32 v59, v24  }
0x237: {  	v20 =	vmul.f32 v33, v20;
	v19 =	vmul.f32 v32, v19;
	v38 =	vld.idx.msk [tilespmem:v48+s16+$0x0], $0xffff  }
0x238: {  	v58 =	vmul.f32 v52, v25;
	v60 =	vld.idx.msk [tilespmem:v48+s18+$0x0], $0xffff;
	[tilespmem:s2+$0x280] =	vst v40;
	v37 =	vadd.f32 v37, v47  }
0x239: {  	v46 =	vmul.f32 v63, v11;
	v45 =	vmul.f32 v55, v12;
	v40 =	vld.idx.msk [tilespmem:v54+s16+$0x0], $0xffff  }
0x23a: {  	v28 =	vor.u32 $0xF, v28;
	v43 =	vmul.f32 v43, v26;
	v59 =	vld.idx.msk [tilespmem:v54+s18+$0x0], $0xffff;
	v37 =	vadd.f32 v58, v37  }
0x23b: {  	v20 =	vadd.f32 v20, v22;
	v62 =	vld.idx.msk [tilespmem:v48+s20+$0x0], $0xffff;
	v45 =	vadd.f32 v45, v46;
	v41 =	vmul.f32 v56, v13  }
0x23c: {  	s19 =	sor.u32 $0x15300, s14;
	v61 =	vld.idx.msk [tilespmem:v54+s20+$0x0], $0xffff;
	v37 =	vadd.f32 v43, v37  }
0x23d: {  	v20 =	vadd.f32 v19, v20;
	s24 =	sor.u32 s5, s19;
	v51 =	vld.idx.msk [tilespmem:v48+s22+$0x0], $0xffff;
	v42 =	vmul.f32 v57, v14;
	v41 =	vadd.f32 v41, v45  }
0x23e: {  	v63 =	vor.u32 $0x5, v31;
	v29 =	vld.idx.msk [tilespmem:v54+s22+$0x0], $0xffff;
	v38 =	vmul.f32 v38, v2;
	v47 =	vmul.f32 v60, v3;
	[tilespmem:s24+$0x0] =	vst v37  }
0x23f: {  	v41 =	vadd.f32 v42, v41;
	v40 =	vmul.f32 v40, v6;
	v52 =	vmul.f32 v59, v9;
	v46 =	vld.idx.msk [tilespmem:v28+s16+$0x0], $0xffff  }
0x240: {  	v30 =	vmul.f32 v30, v18;
	v43 =	vmul.f32 v62, v4;
	v38 =	vadd.f32 v47, v38;
	v42 =	vld.idx.msk [tilespmem:v28+s18+$0x0], $0xffff  }
0x241: {  	[tilespmem:s17+$0x200] =	vst v41;
	v54 =	vmul.f32 v61, v8;
	v41 =	vld.idx.msk [tilespmem:v28+s20+$0x0], $0xffff;
	v53 =	vadd.f32 v52, v40  }
0x242: {  	v57 =	vor.u32 $0xC, v27;
	v58 =	vmul.f32 v51, v5;
	v22 =	vld.idx.msk [tilespmem:v28+s22+$0x0], $0xffff;
	v28 =	vadd.f32 v43, v38  }
0x243: {  	v55 =	vor.u32 $0x7, v10;
	v29 =	vmul.f32 v29, v7;
	v56 =	vld.idx.msk [tilespmem:v63+s16+$0x0], $0xffff;
	v33 =	vadd.f32 v54, v53  }
0x244: {  	v59 =	vld.idx.msk [tilespmem:v63+s18+$0x0], $0xffff;
	v18 =	vadd.f32 v58, v28  }
0x245: {  	v20 =	vadd.f32 v30, v20;
	s13 =	sor.u32 s0, s13;
	v61 =	vld.idx.msk [tilespmem:v63+s20+$0x0], $0xffff;
	v29 =	vadd.f32 v29, v33  }
0x246: {  	v19 =	vmul.f32 v35, v16;
	v60 =	vmul.f32 v36, v17;
	v63 =	vld.idx.msk [tilespmem:v63+s22+$0x0], $0xffff;
	[tilespmem:s13+$0x0] =	vst v18  }
0x247: {  	v30 =	vor.u32 $0x7, v31;
	v34 =	vmul.f32 v34, v1;
	v62 =	vor.u32 $0xF, v21;
	v51 =	vld.idx.msk [tilespmem:v57+s16+$0x0], $0xffff;
	[tilespmem:s2+$0x300] =	vst v29  }
0x248: {  	v21 =	vor.u32 $0xD, v27;
	v28 =	vadd.f32 v60, v19;
	v29 =	vmul.f32 v39, v15;
	v48 =	vld.idx.msk [tilespmem:v55+s16+$0x0], $0xffff  }
0x249: {  	v19 =	vor.u32 $0xE, v27;
	v52 =	vmul.f32 v56, v11;
	v33 =	vmul.f32 v59, v12;
	v49 =	vld.idx.msk [tilespmem:v55+s18+$0x0], $0xffff  }
0x24a: {  	s23 =	sor.u32 $0x15380, s12;
	v18 =	vor.u32 $0xF, v27;
	v36 =	vmul.f32 v61, v13;
	v54 =	vld.idx.msk [tilespmem:v57+s18+$0x0], $0xffff;
	v27 =	vadd.f32 v29, v28  }
0x24b: {  	s10 =	sor.u32 s10, s23;
	v23 =	vmul.f32 v46, v23;
	v24 =	vmul.f32 v42, v24;
	v33 =	vadd.f32 v33, v52;
	v53 =	vld.idx.msk [tilespmem:v55+s20+$0x0], $0xffff  }
0x24c: {  	v50 =	vor.u32 $0x6, v31;
	[tilespmem:s10+$0x0] =	vst v20;
	v32 =	vmul.f32 v63, v14;
	v56 =	vld.idx.msk [tilespmem:v57+s22+$0x0], $0xffff;
	v27 =	vadd.f32 v34, v27  }
0x24d: {  	s9 =	sor.u32 s6, s9;
	v23 =	vadd.f32 v24, v23;
	v24 =	vmul.f32 v41, v25;
	v40 =	vld.idx.msk [tilespmem:v55+s22+$0x0], $0xffff;
	v33 =	vadd.f32 v36, v33  }
0x24e: {  	v20 =	vor.u32 $0xF, v31;
	v55 =	vld.idx.msk [tilespmem:v57+s20+$0x0], $0xffff;
	[tilespmem:s9+$0x0] =	vst v27;
	v35 =	vmul.f32 v48, v6;
	v37 =	vmul.f32 v49, v9  }
0x24f: {  	v22 =	vmul.f32 v22, v26;
	v29 =	vor.u32 $0x8, v31;
	v32 =	vadd.f32 v32, v33;
	v57 =	vld.idx.msk [tilespmem:v62+s16+$0x0], $0xffff  }
0x250: {  	v23 =	vadd.f32 v24, v23;
	v26 =	vmul.f32 v53, v8;
	v58 =	vld.idx.msk [tilespmem:v62+s18+$0x0], $0xffff;
	v25 =	vadd.f32 v37, v35  }
0x251: {  	v28 =	vor.u32 $0x9, v31;
	v24 =	vmul.f32 v51, v2;
	v34 =	vmul.f32 v54, v3;
	[tilespmem:s17+$0x280] =	vst v32;
	v59 =	vld.idx.msk [tilespmem:v62+s20+$0x0], $0xffff  }
0x252: {  	v33 =	vor.u32 $0x8, v10;
	v40 =	vmul.f32 v40, v7;
	v38 =	vld.idx.msk [tilespmem:v50+s18+$0x0], $0xffff;
	v60 =	vadd.f32 v26, v25  }
0x253: {  	s24 =	sor.u32 $0x15380, s14;
	v22 =	vadd.f32 v22, v23;
	v61 =	vadd.f32 v34, v24;
	v26 =	vld.idx.msk [tilespmem:v62+s22+$0x0], $0xffff;
	v62 =	vmul.f32 v55, v4  }
0x254: {  	s5 =	sor.u32 s5, s24;
	v63 =	vmul.f32 v56, v5;
	v23 =	vor.u32 $0xD, v31;
	v35 =	vld.idx.msk [tilespmem:v50+s16+$0x0], $0xffff;
	v40 =	vadd.f32 v40, v60  }
0x255: {  	s12 =	simm.s32 $0x4;
	v27 =	vor.u32 $0xA, v31;
	v24 =	vor.u32 $0xC, v31;
	[tilespmem:s5+$0x0] =	vst v22;
	v36 =	vld.idx.msk [tilespmem:v50+s20+$0x0], $0xffff;
	v32 =	vadd.f32 v62, v61  }
0x256: {  	s6 =	sor.u32 s6, s23;
	s10 =	sor.u32 s0, s19;
	v22 =	vor.u32 $0xE, v31;
	s5 =	sor.u32 s0, s15;
	v39 =	vld.idx.msk [tilespmem:v50+s22+$0x0], $0xffff;
	v16 =	vmul.f32 v57, v16;
	v17 =	vmul.f32 v58, v17;
	[tilespmem:s2+$0x380] =	vst v40  }
0x257: {  	v25 =	vor.u32 $0xB, v31;
	v31 =	vmul.f32 v59, v15;
	s2 =	sor.u32 s0, s7;
	s7 =	sor.u32 s0, s24;
	s0 =	simm.s32 $0x70;
	v32 =	vadd.f32 v63, v32;
	v37 =	vld.idx.msk [tilespmem:v33+s16+$0x0], $0xffff  }
.LBB2_7:
0x258: {  	s9 =	sadd.s32 $0xFFFFFFF0, s0;
	v15 =	vmov s0;
	s14 =	sand.u32 $0x70, s0;
	v34 =	vld.idx.msk [tilespmem:v33+s18+$0x0], $0xffff;
	v49 =	vadd.f32 v17, v16;
	v50 =	vmul.f32 v26, v1;
	v1 =	vmovc v5;
	v5 =	vmovc v14  }
0x259: {  	v16 =	vmul.f32 v35, v11;
	v14 =	vmov s9;
	v15 =	vshll.u32 v15, $0x4;
	[tilespmem:s2+$0x0] =	vst v32  }
0x25a: {  	v32 =	vmul.f32 v38, v12;
	v14 =	vshll.u32 v14, $0x4;
	v51 =	vor.u32 v0, v15;
	v17 =	vld.idx.msk [tilespmem:v33+s20+$0x0], $0xffff  }
0x25b: {  	v38 =	vor.u32 v0, v14;
	v47 =	vor.u32 $0x1, v51;
	v45 =	vor.u32 $0x2, v51;
	v14 =	vld.idx.msk [tilespmem:v21+s16+$0x0], $0xffff  }
0x25c: {  	v43 =	vor.u32 $0x3, v51;
	v41 =	vor.u32 $0x4, v51;
	v26 =	vor.u32 $0x5, v51;
	v40 =	vld.idx.msk [tilespmem:v33+s22+$0x0], $0xffff  }
0x25d: {  	v15 =	vor.u32 $0x6, v51;
	v16 =	vadd.f32 v32, v16;
	v32 =	vmul.f32 v36, v13;
	v52 =	vld.idx.msk [tilespmem:v21+s18+$0x0], $0xffff  }
0x25e: {  	s3 =	sadd.s32 $0x20, s3;
	v48 =	vor.u32 $0x7, v51;
	v35 =	vmul.f32 v37, v6;
	v34 =	vmul.f32 v34, v9;
	v37 =	vld.idx.msk [tilespmem:v21+s20+$0x0], $0xffff  }
0x25f: {  	v46 =	vor.u32 $0x8, v51;
	v16 =	vadd.f32 v32, v16;
	v32 =	vmul.f32 v39, v5;
	v33 =	vld [tilespmem:s3+$0xFFFFFFF0]  }
0x260: {  	v44 =	vor.u32 $0x9, v51;
	v34 =	vadd.f32 v34, v35;
	v17 =	vmul.f32 v17, v8;
	v53 =	vld.idx.msk [tilespmem:v38+s16+$0x0], $0xffff  }
0x261: {  	s8 =	sadd.s32 $0x20, s8;
	v42 =	vor.u32 $0xA, v51;
	v39 =	vor.u32 $0xB, v51;
	v16 =	vadd.f32 v32, v16;
	v54 =	vld.idx.msk [tilespmem:v38+s18+$0x0], $0xffff  }
0x262: {  	v55 =	vor.u32 $0x9, v10;
	v32 =	vadd.f32 v17, v34;
	v34 =	vmul.f32 v40, v7;
	v35 =	vld [tilespmem:s8+$0xFFFFFFF0]  }
0x263: {  	s11 =	sadd.s32 $0x20, s11;
	v57 =	vor.u32 $0xD, v51;
	v14 =	vmul.f32 v14, v2;
	v17 =	vor.u32 $0xC, v51;
	v56 =	vld.idx.msk [tilespmem:v38+s20+$0x0], $0xffff;
	[tilespmem:s17+$0x300] =	vst v16  }
0x264: {  	s2 =	sor.u32 $0x15000, s25;
	v32 =	vadd.f32 v34, v32;
	v34 =	vmul.f32 v52, v3;
	v52 =	vmul.f32 v37, v4;
	v36 =	vld [tilespmem:s11+$0xFFFFFFF0]  }
0x265: {  	s1 =	sadd.s32 $0x20, s1;
	s13 =	sor.u32 s28, s2;
	s2 =	sor.u32 s30, s2;
	v31 =	vadd.f32 v31, v49;
	v40 =	vor.u32 $0xE, v51;
	v16 =	vor.u32 $0xF, v51;
	v58 =	vld.idx.msk [tilespmem:v38+s22+$0x0], $0xffff  }
0x266: {  	v14 =	vadd.f32 v34, v14;
	v37 =	vld [tilespmem:s1+$0xFFFFFFF0];
	[tilespmem:s13+$0x0] =	vst v32  }
0x267: {  	v31 =	vadd.f32 v50, v31;
	v32 =	vmul.f32 v53, v33;
	v34 =	vmul.f32 v54, v35;
	v53 =	vld.idx.msk [tilespmem:v55+s16+$0x0], $0xffff  }
0x268: {  	s12 =	sadd.s32 $0x2, s12;
	v49 =	vadd.f32 v52, v14;
	v50 =	vld.idx.msk [tilespmem:v55+s18+$0x0], $0xffff  }
0x269: {  	p1 =	slt.u32 s12, $0x1E;
	v14 =	vadd.f32 v34, v32;
	v32 =	vmul.f32 v56, v36;
	v52 =	vld.idx.msk [tilespmem:v51+s16+$0x0], $0xffff;
	[tilespmem:s6+$0x0] =	vst v31;
	s6 =	smov.u32 s7  }
0x26a: {  	v34 =	vld.idx.msk [tilespmem:v55+s20+$0x0], $0xffff  }
0x26b: {  	s4 =	sadd.s32 $0x100, s4;
	v54 =	vor.u32 $0x1, v38;
	v14 =	vadd.f32 v32, v14;
	v31 =	vmul.f32 v58, v37;
	v56 =	vld.idx.msk [tilespmem:v51+s18+$0x0], $0xffff  }
0x26c: {  	s7 =	sand.u32 $0xC00, s4;
	v55 =	vld.idx.msk [tilespmem:v55+s22+$0x0], $0xffff  }
0x26d: {  	s23 =	sand.u32 $0x60, s9;
	s13 =	sor.u32 $0x14000, s7;
	v14 =	vadd.f32 v31, v14;
	v32 =	vld [tilespmem:s3+$0x0]  }
0x26e: {  	s9 =	sor.u32 s23, s13;
	s13 =	sor.u32 s14, s13;
	v53 =	vmul.f32 v53, v6;
	v50 =	vmul.f32 v50, v9;
	v31 =	vld [tilespmem:s8+$0x0]  }
0x26f: {  	[tilespmem:s9+$0x0] =	vst v14;
	v58 =	vld.idx.msk [tilespmem:v51+s20+$0x0], $0xffff  }
0x270: {  	v14 =	vadd.f32 v50, v53;
	v50 =	vmul.f32 v34, v8;
	v59 =	vld.idx.msk [tilespmem:v54+s16+$0x0], $0xffff  }
0x271: {  	v53 =	vld.idx.msk [tilespmem:v54+s18+$0x0], $0xffff  }
0x272: {  	v14 =	vadd.f32 v50, v14;
	v50 =	vmul.f32 v55, v7;
	v55 =	vor.u32 $0xA, v10;
	v34 =	vld [tilespmem:s11+$0x0]  }
0x273: {  	v52 =	vmul.f32 v52, v32;
	v60 =	vld.idx.msk [tilespmem:v54+s20+$0x0], $0xffff;
	v56 =	vmul.f32 v56, v31  }
0x274: {  	s15 =	sor.u32 $0x15080, s25;
	v50 =	vadd.f32 v50, v14;
	v51 =	vld.idx.msk [tilespmem:v51+s22+$0x0], $0xffff  }
0x275: {  	s19 =	sor.u32 s28, s15;
	s21 =	sor.u32 s30, s15;
	v54 =	vld.idx.msk [tilespmem:v54+s22+$0x0], $0xffff;
	v52 =	vadd.f32 v56, v52  }
0x276: {  	v14 =	vld [tilespmem:s1+$0x0];
	[tilespmem:s19+$0x0] =	vst v50  }
0x277: {  	v50 =	vmul.f32 v59, v33;
	v53 =	vmul.f32 v53, v35;
	v56 =	vld.idx.msk [tilespmem:v55+s16+$0x0], $0xffff  }
0x278: {  	v58 =	vmul.f32 v58, v34;
	v59 =	vld.idx.msk [tilespmem:v55+s18+$0x0], $0xffff  }
0x279: {  	v50 =	vadd.f32 v53, v50;
	v53 =	vmul.f32 v60, v36;
	v60 =	vld.idx.msk [tilespmem:v30+s16+$0x0], $0xffff  }
0x27a: {  	v52 =	vadd.f32 v58, v52;
	v58 =	vld.idx.msk [tilespmem:v55+s20+$0x0], $0xffff  }
0x27b: {  	v50 =	vadd.f32 v53, v50;
	v53 =	vmul.f32 v54, v37;
	v54 =	vor.u32 $0x2, v38;
	v61 =	vld.idx.msk [tilespmem:v30+s18+$0x0], $0xffff  }
0x27c: {  	v51 =	vmul.f32 v51, v14;
	v55 =	vld.idx.msk [tilespmem:v55+s22+$0x0], $0xffff  }
0x27d: {  	v50 =	vadd.f32 v53, v50;
	v53 =	vld.idx.msk [tilespmem:v30+s20+$0x0], $0xffff  }
0x27e: {  	v51 =	vadd.f32 v51, v52;
	v52 =	vmul.f32 v56, v6;
	v56 =	vmul.f32 v59, v9;
	v59 =	vld.idx.msk [tilespmem:v30+s22+$0x0], $0xffff  }
0x27f: {  	v30 =	vmovc v48;
	[tilespmem:s9+$0x80] =	vst v50;
	v50 =	vmul.f32 v60, v11;
	v60 =	vld.idx.msk [tilespmem:v21+s22+$0x0], $0xffff;
	v21 =	vmov v23;
	v23 =	vmov v57  }
0x280: {  	v48 =	vld.idx.msk [tilespmem:v54+s16+$0x0], $0xffff;
	[tilespmem:s13+$0x0] =	vst v51;
	v51 =	vadd.f32 v56, v52;
	v52 =	vmul.f32 v58, v8  }
0x281: {  	v57 =	vmul.f32 v61, v12;
	v56 =	vld.idx.msk [tilespmem:v54+s18+$0x0], $0xffff  }
0x282: {  	v58 =	vld.idx.msk [tilespmem:v47+s16+$0x0], $0xffff;
	v51 =	vadd.f32 v52, v51;
	v52 =	vmul.f32 v55, v7;
	v55 =	vor.u32 $0xB, v10  }
0x283: {  	s15 =	sor.u32 $0x15100, s25;
	v50 =	vadd.f32 v57, v50;
	v53 =	vmul.f32 v53, v13;
	v61 =	vld.idx.msk [tilespmem:v54+s20+$0x0], $0xffff  }
0x284: {  	s24 =	simm.s32 $0xA000;
	s19 =	sor.u32 s30, s15;
	s16 =	sor.u32 s28, s15;
	v57 =	vld.idx.msk [tilespmem:v47+s18+$0x0], $0xffff;
	v51 =	vadd.f32 v52, v51;
	v52 =	vmul.f32 v59, v5  }
0x285: {  	s20 =	simm.s32 $0x6000;
	s18 =	simm.s32 $0x4000;
	v50 =	vadd.f32 v53, v50;
	v53 =	vmul.f32 v60, v1;
	v54 =	vld.idx.msk [tilespmem:v54+s22+$0x0], $0xffff;
	s22 =	simm.s32 $0x8000  }
0x286: {  	v59 =	vld.idx.msk [tilespmem:v47+s22+$0x0], $0xffff;
	[tilespmem:s16+$0x0] =	vst v51  }
0x287: {  	v48 =	vmul.f32 v48, v33;
	v51 =	vmul.f32 v56, v35;
	v50 =	vadd.f32 v52, v50;
	v56 =	vld.idx.msk [tilespmem:v55+s18+$0x0], $0xffff  }
0x288: {  	v49 =	vadd.f32 v53, v49;
	v52 =	vmul.f32 v58, v32;
	v58 =	vld.idx.msk [tilespmem:v55+s20+$0x0], $0xffff  }
0x289: {  	v48 =	vadd.f32 v51, v48;
	v51 =	vmul.f32 v61, v36;
	v47 =	vld.idx.msk [tilespmem:v47+s24+$0x0], $0xffff;
	[tilespmem:s17+$0x380] =	vst v50;
	s17 =	smov.u32 s13  }
0x28a: {  	v50 =	vmul.f32 v57, v31;
	v53 =	vld.idx.msk [tilespmem:v55+s22+$0x0], $0xffff;
	[tilespmem:s5+$0x0] =	vst v49  }
0x28b: {  	v48 =	vadd.f32 v51, v48;
	v49 =	vmul.f32 v54, v37;
	v51 =	vor.u32 $0x3, v38;
	v54 =	vld.idx.msk [tilespmem:v29+s18+$0x0], $0xffff  }
0x28c: {  	v50 =	vadd.f32 v50, v52;
	v52 =	vmul.f32 v59, v34;
	v55 =	vld.idx.msk [tilespmem:v55+s24+$0x0], $0xffff  }
0x28d: {  	v48 =	vadd.f32 v49, v48;
	v49 =	vld.idx.msk [tilespmem:v29+s20+$0x0], $0xffff  }
0x28e: {  	v50 =	vadd.f32 v52, v50;
	v52 =	vmul.f32 v56, v6;
	v56 =	vmul.f32 v58, v9;
	v57 =	vld.idx.msk [tilespmem:v29+s22+$0x0], $0xffff  }
0x28f: {  	v47 =	vmul.f32 v47, v14;
	[tilespmem:s9+$0x100] =	vst v48;
	v48 =	vld.idx.msk [tilespmem:v29+s24+$0x0], $0xffff;
	v29 =	vmov v46  }
0x290: {  	v52 =	vadd.f32 v56, v52;
	v53 =	vmul.f32 v53, v8;
	v46 =	vld.idx.msk [tilespmem:v51+s18+$0x0], $0xffff  }
0x291: {  	v47 =	vadd.f32 v47, v50;
	v50 =	vmul.f32 v54, v11;
	v56 =	vld.idx.msk [tilespmem:v51+s20+$0x0], $0xffff  }
0x292: {  	v54 =	vor.u32 $0xC, v10;
	v52 =	vadd.f32 v53, v52;
	v53 =	vmul.f32 v55, v7;
	v55 =	vld.idx.msk [tilespmem:v19+s18+$0x0], $0xffff  }
0x293: {  	v58 =	vld.idx.msk [tilespmem:v51+s22+$0x0], $0xffff;
	[tilespmem:s17+$0x80] =	vst v47;
	v47 =	vmul.f32 v49, v12  }
0x294: {  	s5 =	sor.u32 $0x15180, s25;
	v52 =	vadd.f32 v53, v52;
	v53 =	vmul.f32 v57, v13;
	v49 =	vld.idx.msk [tilespmem:v45+s18+$0x0], $0xffff  }
0x295: {  	s15 =	sor.u32 s28, s5;
	s13 =	sor.u32 s30, s5;
	v48 =	vmul.f32 v48, v5;
	v51 =	vld.idx.msk [tilespmem:v51+s24+$0x0], $0xffff;
	v47 =	vadd.f32 v47, v50  }
0x296: {  	v50 =	vld.idx.msk [tilespmem:v45+s20+$0x0], $0xffff;
	[tilespmem:s15+$0x0] =	vst v52  }
0x297: {  	v46 =	vmul.f32 v46, v33;
	v52 =	vmul.f32 v56, v35;
	v56 =	vld.idx.msk [tilespmem:v54+s18+$0x0], $0xffff;
	v47 =	vadd.f32 v53, v47  }
0x298: {  	v55 =	vmul.f32 v55, v2;
	v53 =	vld.idx.msk [tilespmem:v54+s20+$0x0], $0xffff  }
0x299: {  	v46 =	vadd.f32 v52, v46;
	v52 =	vmul.f32 v58, v36;
	v57 =	vld.idx.msk [tilespmem:v45+s22+$0x0], $0xffff;
	v47 =	vadd.f32 v48, v47  }
0x29a: {  	v48 =	vmul.f32 v49, v32;
	v49 =	vld.idx.msk [tilespmem:v54+s22+$0x0], $0xffff  }
0x29b: {  	v46 =	vadd.f32 v52, v46;
	v51 =	vmul.f32 v51, v37;
	v52 =	vor.u32 $0x4, v38;
	v45 =	vld.idx.msk [tilespmem:v45+s24+$0x0], $0xffff;
	[tilespmem:s2+$0x0] =	vst v47  }
0x29c: {  	v47 =	vmul.f32 v50, v31;
	v50 =	vld.idx.msk [tilespmem:v54+s24+$0x0], $0xffff  }
0x29d: {  	v46 =	vadd.f32 v51, v46;
	v51 =	vld.idx.msk [tilespmem:v28+s18+$0x0], $0xffff  }
0x29e: {  	v47 =	vadd.f32 v47, v48;
	v48 =	vmul.f32 v56, v6;
	v53 =	vmul.f32 v53, v9;
	v54 =	vld.idx.msk [tilespmem:v28+s20+$0x0], $0xffff  }
0x29f: {  	[tilespmem:s9+$0x180] =	vst v46;
	v46 =	vmul.f32 v57, v34;
	v56 =	vld.idx.msk [tilespmem:v28+s22+$0x0], $0xffff  }
0x2a0: {  	v48 =	vadd.f32 v53, v48;
	v49 =	vmul.f32 v49, v8;
	v57 =	vld.idx.msk [tilespmem:v52+s18+$0x0], $0xffff  }
0x2a1: {  	v45 =	vmul.f32 v45, v14;
	v53 =	vld.idx.msk [tilespmem:v52+s20+$0x0], $0xffff;
	v46 =	vadd.f32 v46, v47  }
0x2a2: {  	v47 =	vadd.f32 v49, v48;
	v48 =	vmul.f32 v50, v7;
	v49 =	vor.u32 $0xD, v10;
	v50 =	vld.idx.msk [tilespmem:v28+s24+$0x0], $0xffff;
	v28 =	vmovc v44  }
0x2a3: {  	v44 =	vld.idx.msk [tilespmem:v52+s22+$0x0], $0xffff;
	v45 =	vadd.f32 v45, v46;
	v46 =	vmul.f32 v51, v11  }
0x2a4: {  	s2 =	sor.u32 $0x15200, s25;
	v47 =	vadd.f32 v48, v47;
	v48 =	vmul.f32 v54, v12;
	v51 =	vld.idx.msk [tilespmem:v19+s20+$0x0], $0xffff  }
0x2a5: {  	s5 =	sor.u32 s28, s2;
	s2 =	sor.u32 s30, s2;
	v52 =	vld.idx.msk [tilespmem:v52+s24+$0x0], $0xffff;
	[tilespmem:s17+$0x100] =	vst v45;
	v45 =	vmul.f32 v56, v13  }
0x2a6: {  	v46 =	vadd.f32 v48, v46;
	v54 =	vld.idx.msk [tilespmem:v43+s18+$0x0], $0xffff;
	[tilespmem:s5+$0x0] =	vst v47  }
0x2a7: {  	v47 =	vmul.f32 v57, v33;
	v48 =	vmul.f32 v53, v35;
	v53 =	vld.idx.msk [tilespmem:v49+s18+$0x0], $0xffff  }
0x2a8: {  	v45 =	vadd.f32 v45, v46;
	v46 =	vmul.f32 v50, v5;
	v56 =	vld.idx.msk [tilespmem:v49+s20+$0x0], $0xffff  }
0x2a9: {  	v47 =	vadd.f32 v48, v47;
	v44 =	vmul.f32 v44, v36;
	v48 =	vld.idx.msk [tilespmem:v43+s20+$0x0], $0xffff  }
0x2aa: {  	v45 =	vadd.f32 v46, v45;
	v46 =	vmul.f32 v51, v3;
	v50 =	vld.idx.msk [tilespmem:v49+s22+$0x0], $0xffff  }
0x2ab: {  	v51 =	vor.u32 $0x5, v38;
	v44 =	vadd.f32 v44, v47;
	v47 =	vmul.f32 v52, v37;
	v52 =	vld.idx.msk [tilespmem:v43+s22+$0x0], $0xffff  }
0x2ac: {  	v54 =	vmul.f32 v54, v32;
	v49 =	vld.idx.msk [tilespmem:v49+s24+$0x0], $0xffff;
	[tilespmem:s21+$0x0] =	vst v45;
	v45 =	vadd.f32 v46, v55  }
0x2ad: {  	v44 =	vadd.f32 v47, v44;
	v43 =	vld.idx.msk [tilespmem:v43+s24+$0x0], $0xffff  }
0x2ae: {  	v46 =	vmul.f32 v53, v6;
	v47 =	vmul.f32 v56, v9;
	v53 =	vld.idx.msk [tilespmem:v27+s18+$0x0], $0xffff  }
0x2af: {  	[tilespmem:s9+$0x200] =	vst v44;
	v44 =	vmul.f32 v48, v31;
	v48 =	vld.idx.msk [tilespmem:v27+s20+$0x0], $0xffff  }
0x2b0: {  	v46 =	vadd.f32 v47, v46;
	v47 =	vmul.f32 v50, v8;
	v55 =	vld.idx.msk [tilespmem:v51+s18+$0x0], $0xffff  }
0x2b1: {  	v52 =	vmul.f32 v52, v34;
	v50 =	vld.idx.msk [tilespmem:v51+s20+$0x0], $0xffff;
	v44 =	vadd.f32 v44, v54  }
0x2b2: {  	v46 =	vadd.f32 v47, v46;
	v47 =	vmul.f32 v49, v7;
	v49 =	vor.u32 $0xE, v10;
	v54 =	vld.idx.msk [tilespmem:v27+s22+$0x0], $0xffff  }
0x2b3: {  	v43 =	vmul.f32 v43, v14;
	v56 =	vld.idx.msk [tilespmem:v51+s22+$0x0], $0xffff;
	v44 =	vadd.f32 v52, v44  }
0x2b4: {  	s5 =	sor.u32 $0x15280, s25;
	v46 =	vadd.f32 v47, v46;
	v47 =	vmul.f32 v53, v11;
	v52 =	vld.idx.msk [tilespmem:v27+s24+$0x0], $0xffff;
	v27 =	vmov v42  }
0x2b5: {  	s15 =	sor.u32 s28, s5;
	s5 =	sor.u32 s30, s5;
	v42 =	vld.idx.msk [tilespmem:v51+s24+$0x0], $0xffff;
	v43 =	vadd.f32 v43, v44;
	v44 =	vmul.f32 v48, v12  }
0x2b6: {  	[tilespmem:s15+$0x0] =	vst v46;
	v46 =	vld.idx.msk [tilespmem:v19+s22+$0x0], $0xffff  }
0x2b7: {  	v48 =	vmul.f32 v55, v33;
	v50 =	vmul.f32 v50, v35;
	[tilespmem:s17+$0x180] =	vst v43;
	v43 =	vld.idx.msk [tilespmem:v49+s18+$0x0], $0xffff  }
0x2b8: {  	v44 =	vadd.f32 v44, v47;
	v47 =	vmul.f32 v54, v13;
	v51 =	vld.idx.msk [tilespmem:v49+s20+$0x0], $0xffff  }
0x2b9: {  	v48 =	vadd.f32 v50, v48;
	v50 =	vmul.f32 v56, v36;
	v53 =	vld.idx.msk [tilespmem:v41+s18+$0x0], $0xffff  }
0x2ba: {  	v44 =	vadd.f32 v47, v44;
	v47 =	vmul.f32 v52, v5;
	v54 =	vld.idx.msk [tilespmem:v49+s22+$0x0], $0xffff;
	s22 =	simm.s32 $0xA000  }
0x2bb: {  	v48 =	vadd.f32 v50, v48;
	v42 =	vmul.f32 v42, v37;
	v50 =	vor.u32 $0x6, v38;
	v52 =	vld.idx.msk [tilespmem:v41+s20+$0x0], $0xffff;
	s20 =	simm.s32 $0x8000  }
0x2bc: {  	v44 =	vadd.f32 v47, v44;
	v46 =	vmul.f32 v46, v4;
	v49 =	vld.idx.msk [tilespmem:v49+s22+$0x0], $0xffff  }
0x2bd: {  	v42 =	vadd.f32 v42, v48;
	v47 =	vld.idx.msk [tilespmem:v41+s20+$0x0], $0xffff  }
0x2be: {  	v43 =	vmul.f32 v43, v6;
	v48 =	vmul.f32 v51, v9;
	v41 =	vld.idx.msk [tilespmem:v41+s22+$0x0], $0xffff;
	[tilespmem:s19+$0x0] =	vst v44  }
0x2bf: {  	v45 =	vadd.f32 v46, v45;
	[tilespmem:s9+$0x280] =	vst v42;
	v42 =	vmul.f32 v53, v32;
	v44 =	vld.idx.msk [tilespmem:v25+s18+$0x0], $0xffff  }
0x2c0: {  	v43 =	vadd.f32 v48, v43;
	v48 =	vmul.f32 v54, v8;
	v46 =	vld.idx.msk [tilespmem:v50+s18+$0x0], $0xffff;
	s18 =	simm.s32 $0x6000  }
0x2c1: {  	v52 =	vmul.f32 v52, v31;
	v51 =	vld.idx.msk [tilespmem:v50+s18+$0x0], $0xffff  }
0x2c2: {  	v43 =	vadd.f32 v48, v43;
	v48 =	vmul.f32 v49, v7;
	v49 =	vor.u32 $0xF, v10;
	v10 =	vmovc v38;
	v53 =	vld.idx.msk [tilespmem:v25+s18+$0x0], $0xffff  }
0x2c3: {  	v42 =	vadd.f32 v52, v42;
	v47 =	vmul.f32 v47, v34;
	v38 =	vld.idx.msk [tilespmem:v50+s20+$0x0], $0xffff  }
0x2c4: {  	s15 =	sor.u32 $0x15300, s25;
	v41 =	vmul.f32 v41, v14;
	v43 =	vadd.f32 v48, v43;
	v48 =	vld.idx.msk [tilespmem:v25+s20+$0x0], $0xffff  }
0x2c5: {  	s16 =	sor.u32 s28, s15;
	s15 =	sor.u32 s30, s15;
	v42 =	vadd.f32 v47, v42;
	v44 =	vmul.f32 v44, v11;
	v50 =	vld.idx.msk [tilespmem:v50+s22+$0x0], $0xffff  }
0x2c6: {  	[tilespmem:s16+$0x0] =	vst v43;
	s16 =	simm.s32 $0x4000;
	v43 =	vld.idx.msk [tilespmem:v25+s22+$0x0], $0xffff;
	v25 =	vmov v39  }
0x2c7: {  	v39 =	vmul.f32 v46, v33;
	v46 =	vmul.f32 v51, v35;
	v41 =	vadd.f32 v41, v42;
	v42 =	vld.idx.msk [tilespmem:v49+s16+$0x0], $0xffff  }
0x2c8: {  	v51 =	vmul.f32 v53, v12;
	v47 =	vld.idx.msk [tilespmem:v49+s18+$0x0], $0xffff  }
0x2c9: {  	v39 =	vadd.f32 v46, v39;
	v38 =	vmul.f32 v38, v36;
	[tilespmem:s17+$0x200] =	vst v41;
	v41 =	vld.idx.msk [tilespmem:v19+s22+$0x0], $0xffff;
	v19 =	vmov v22  }
0x2ca: {  	v44 =	vadd.f32 v51, v44;
	v48 =	vmul.f32 v48, v13;
	v22 =	vmov v40;
	v46 =	vld.idx.msk [tilespmem:v49+s20+$0x0], $0xffff  }
0x2cb: {  	v40 =	vor.u32 $0x7, v10;
	v38 =	vadd.f32 v38, v39;
	v39 =	vmul.f32 v50, v37;
	v50 =	vld.idx.msk [tilespmem:v26+s16+$0x0], $0xffff  }
0x2cc: {  	v44 =	vadd.f32 v48, v44;
	v43 =	vmul.f32 v43, v5;
	v49 =	vld.idx.msk [tilespmem:v49+s22+$0x0], $0xffff  }
0x2cd: {  	v38 =	vadd.f32 v39, v38;
	v39 =	vld.idx.msk [tilespmem:v26+s18+$0x0], $0xffff  }
0x2ce: {  	v42 =	vmul.f32 v42, v6;
	v47 =	vmul.f32 v47, v9;
	v43 =	vadd.f32 v43, v44;
	v48 =	vld.idx.msk [tilespmem:v26+s20+$0x0], $0xffff  }
0x2cf: {  	v6 =	vmov v33;
	v9 =	vmov v35;
	[tilespmem:s9+$0x300] =	vst v38;
	v26 =	vld.idx.msk [tilespmem:v26+s22+$0x0], $0xffff;
	v38 =	vmul.f32 v41, v1  }
0x2d0: {  	v35 =	vadd.f32 v47, v42;
	v41 =	vmul.f32 v46, v8;
	v8 =	vmov v36;
	v33 =	vld.idx.msk [tilespmem:v40+s16+$0x0], $0xffff;
	[tilespmem:s13+$0x0] =	vst v43  }
0x2d1: {  	v42 =	vmul.f32 v50, v32;
	v36 =	vld.idx.msk [tilespmem:v40+s18+$0x0], $0xffff;
	v38 =	vadd.f32 v38, v45  }
0x2d2: {  	v35 =	vadd.f32 v41, v35;
	v41 =	vmul.f32 v49, v7;
	v7 =	vmov v37;
	v43 =	vld.idx.msk [tilespmem:v24+s16+$0x0], $0xffff  }
0x2d3: {  	v39 =	vmul.f32 v39, v31;
	v37 =	vld.idx.msk [tilespmem:v40+s20+$0x0], $0xffff;
	[tilespmem:s10+$0x0] =	vst v38;
	s10 =	smov.u32 s15  }
0x2d4: {  	s13 =	sor.u32 $0x15380, s25;
	s25 =	smov.u32 s7;
	v38 =	vmul.f32 v48, v34;
	v35 =	vadd.f32 v41, v35;
	v41 =	vld.idx.msk [tilespmem:v24+s18+$0x0], $0xffff  }
0x2d5: {  	s7 =	sor.u32 s30, s13;
	s30 =	smov.u32 s14;
	s15 =	sor.u32 s28, s13;
	v39 =	vadd.f32 v39, v42;
	v26 =	vmul.f32 v26, v14;
	v40 =	vld.idx.msk [tilespmem:v40+s22+$0x0], $0xffff  }
0x2d6: {  	s28 =	smov.u32 s23;
	[tilespmem:s15+$0x0] =	vst v35;
	v42 =	vld.idx.msk [tilespmem:v24+s20+$0x0], $0xffff  }
0x2d7: {  	v33 =	vmul.f32 v33, v6;
	v35 =	vmul.f32 v36, v9;
	v36 =	vadd.f32 v38, v39;
	v39 =	vld.idx.msk [tilespmem:v24+s22+$0x0], $0xffff  }
0x2d8: {  	v38 =	vmul.f32 v43, v11;
	v24 =	vmov v17;
	v43 =	vld.idx.msk [tilespmem:v18+s16+$0x0], $0xffff  }
0x2d9: {  	v17 =	vadd.f32 v35, v33;
	v33 =	vmul.f32 v37, v8;
	v26 =	vadd.f32 v26, v36;
	v37 =	vld.idx.msk [tilespmem:v18+s18+$0x0], $0xffff  }
0x2da: {  	v36 =	vmul.f32 v41, v12;
	v41 =	vld.idx.msk [tilespmem:v18+s20+$0x0], $0xffff  }
0x2db: {  	v17 =	vadd.f32 v33, v17;
	v40 =	vmul.f32 v40, v7;
	v33 =	vor.u32 $0x8, v10;
	[tilespmem:s17+$0x280] =	vst v26;
	v26 =	vld.idx.msk [tilespmem:v18+s22+$0x0], $0xffff  }
.Ltmp4:
0x2dc: {  	v44 =	vadd.f32 v36, v38;
	v42 =	vmul.f32 v42, v13;
	v18 =	vmovc v20;
	v20 =	vmov v16;
	v35 =	vld.idx.msk [tilespmem:v15+s16+$0x0], $0xffff;
	(pc) =	sbr.rel @p1 .LBB2_7-.Ltmp4, $4  }
0x2dd: {  	v17 =	vadd.f32 v40, v17;
	v40 =	vmul.f32 v39, v5;
	v38 =	vld.idx.msk [tilespmem:v15+s18+$0x0], $0xffff  }
0x2de: {  	v42 =	vadd.f32 v42, v44;
	v16 =	vmul.f32 v43, v2;
	v2 =	vmovc v11;
	v11 =	vmov v32;
	v36 =	vld.idx.msk [tilespmem:v15+s20+$0x0], $0xffff  }
0x2df: {  	[tilespmem:s9+$0x380] =	vst v17;
	v39 =	vld.idx.msk [tilespmem:v15+s22+$0x0], $0xffff;
	v17 =	vmul.f32 v37, v3;
	v3 =	vmov v12;
	v12 =	vmov v31  }
0x2e0: {  	s0 =	sadd.s32 $0x20, s0;
	v32 =	vadd.f32 v40, v42;
	v31 =	vmul.f32 v41, v4;
	v4 =	vmovc v13;
	v13 =	vmov v34;
	v37 =	vld.idx.msk [tilespmem:v33+s16+$0x0], $0xffff  }
0x2e1: {  	_ = 	snop  }
0x2e2: {  	v15 =	vmul.f32 v35, v11;
	v34 =	vmul.f32 v38, v12;
	_ =	sdelay $0x1  }
0x2e3: {  	v38 =	vmul.f32 v36, v13;
	v15 =	vadd.f32 v34, v15;
	_ =	sdelay $0x1  }
0x2e4: {  	v40 =	vmul.f32 v39, v14;
	v15 =	vadd.f32 v38, v15;
	_ =	sdelay $0x1  }
0x2e5: {  	v15 =	vadd.f32 v40, v15;
	_ =	sdelay $0x1  }
0x2e6: {  	[tilespmem:s17+$0x300] =	vst v15  }
0x2e7: {  	v15 =	vld.idx.msk [tilespmem:v30+s16+$0x0], $0xffff  }
0x2e8: {  	v41 =	vld.idx.msk [tilespmem:v30+s18+$0x0], $0xffff;
	_ =	sdelay $0x1  }
0x2e9: {  	v42 =	vld.idx.msk [tilespmem:v30+s20+$0x0], $0xffff;
	_ =	sdelay $0x1  }
0x2ea: {  	v43 =	vld.idx.msk [tilespmem:v30+s22+$0x0], $0xffff  }
0x2eb: {  	v15 =	vmul.f32 v15, v11;
	v34 =	vmul.f32 v41, v12;
	_ =	sdelay $0x1  }
0x2ec: {  	v45 =	vld.idx.msk [tilespmem:v33+s18+$0x0], $0xffff;
	v44 =	vmul.f32 v42, v13;
	v15 =	vadd.f32 v34, v15;
	_ =	sdelay $0x1  }
0x2ed: {  	v46 =	vld.idx.msk [tilespmem:v33+s20+$0x0], $0xffff;
	v30 =	vmul.f32 v43, v14;
	v15 =	vadd.f32 v44, v15;
	_ =	sdelay $0x1  }
0x2ee: {  	v47 =	vld.idx.msk [tilespmem:v33+s22+$0x0], $0xffff;
	v15 =	vadd.f32 v30, v15  }
0x2ef: {  	v48 =	vmul.f32 v37, v6;
	v49 =	vmul.f32 v45, v9  }
0x2f0: {  	[tilespmem:s17+$0x380] =	vst v15  }
0x2f1: {  	v52 =	vmul.f32 v46, v8;
	v15 =	vadd.f32 v49, v48;
	v50 =	vld.idx.msk [tilespmem:v29+s16+$0x0], $0xffff  }
0x2f2: {  	v51 =	vld.idx.msk [tilespmem:v29+s18+$0x0], $0xffff  }
0x2f3: {  	v54 =	vor.u32 $0x9, v10;
	v30 =	vmul.f32 v47, v7;
	v15 =	vadd.f32 v52, v15  }
0x2f4: {  	v53 =	vld.idx.msk [tilespmem:v29+s20+$0x0], $0xffff  }
0x2f5: {  	s0 =	sor.u32 $0x15000, s25;
	v15 =	vadd.f32 v30, v15  }
0x2f6: {  	s1 =	sor.u32 s28, s0;
	v55 =	vld.idx.msk [tilespmem:v29+s22+$0x0], $0xffff  }
0x2f7: {  	v56 =	vmul.f32 v50, v11;
	v57 =	vmul.f32 v51, v12;
	[tilespmem:s1+$0x0] =	vst v15  }
0x2f8: {  	v59 =	vld.idx.msk [tilespmem:v54+s16+$0x0], $0xffff  }
0x2f9: {  	v58 =	vmul.f32 v53, v13;
	v60 =	vld.idx.msk [tilespmem:v54+s18+$0x0], $0xffff;
	v30 =	vadd.f32 v57, v56;
	_ =	sdelay $0x1  }
0x2fa: {  	v29 =	vmul.f32 v55, v14;
	v61 =	vld.idx.msk [tilespmem:v54+s20+$0x0], $0xffff;
	v15 =	vadd.f32 v58, v30;
	_ =	sdelay $0x1  }
0x2fb: {  	v62 =	vld.idx.msk [tilespmem:v54+s22+$0x0], $0xffff;
	v15 =	vadd.f32 v29, v15  }
0x2fc: {  	s0 =	sor.u32 s30, s0;
	v63 =	vmul.f32 v59, v6;
	v36 =	vmul.f32 v60, v9  }
0x2fd: {  	[tilespmem:s0+$0x0] =	vst v15  }
0x2fe: {  	v30 =	vmul.f32 v61, v8;
	v15 =	vadd.f32 v36, v63;
	v37 =	vld.idx.msk [tilespmem:v28+s16+$0x0], $0xffff  }
0x2ff: {  	v38 =	vld.idx.msk [tilespmem:v28+s18+$0x0], $0xffff  }
0x300: {  	v40 =	vor.u32 $0xA, v10;
	v29 =	vmul.f32 v62, v7;
	v15 =	vadd.f32 v30, v15  }
0x301: {  	v39 =	vld.idx.msk [tilespmem:v28+s20+$0x0], $0xffff  }
0x302: {  	s24 =	sor.u32 $0x15080, s25;
	v15 =	vadd.f32 v29, v15  }
0x303: {  	s3 =	sor.u32 s28, s24;
	v41 =	vld.idx.msk [tilespmem:v28+s22+$0x0], $0xffff  }
0x304: {  	v42 =	vmul.f32 v37, v11;
	v43 =	vmul.f32 v38, v12;
	[tilespmem:s3+$0x0] =	vst v15  }
0x305: {  	v45 =	vld.idx.msk [tilespmem:v40+s16+$0x0], $0xffff  }
0x306: {  	v44 =	vmul.f32 v39, v13;
	v46 =	vld.idx.msk [tilespmem:v40+s18+$0x0], $0xffff;
	v29 =	vadd.f32 v43, v42;
	_ =	sdelay $0x1  }
0x307: {  	v28 =	vmul.f32 v41, v14;
	v47 =	vld.idx.msk [tilespmem:v40+s20+$0x0], $0xffff;
	v15 =	vadd.f32 v44, v29;
	_ =	sdelay $0x1  }
0x308: {  	v48 =	vld.idx.msk [tilespmem:v40+s22+$0x0], $0xffff;
	v15 =	vadd.f32 v28, v15  }
0x309: {  	s0 =	sor.u32 s30, s24;
	v49 =	vmul.f32 v45, v6;
	v50 =	vmul.f32 v46, v9  }
0x30a: {  	[tilespmem:s0+$0x0] =	vst v15  }
0x30b: {  	v29 =	vmul.f32 v47, v8;
	v15 =	vadd.f32 v50, v49;
	v51 =	vld.idx.msk [tilespmem:v27+s16+$0x0], $0xffff  }
0x30c: {  	v52 =	vld.idx.msk [tilespmem:v27+s18+$0x0], $0xffff  }
0x30d: {  	v54 =	vor.u32 $0xB, v10;
	v28 =	vmul.f32 v48, v7;
	v15 =	vadd.f32 v29, v15  }
0x30e: {  	v53 =	vld.idx.msk [tilespmem:v27+s20+$0x0], $0xffff  }
0x30f: {  	s4 =	sor.u32 $0x15100, s25;
	v15 =	vadd.f32 v28, v15  }
0x310: {  	s8 =	sor.u32 s28, s4;
	v55 =	vld.idx.msk [tilespmem:v27+s22+$0x0], $0xffff  }
0x311: {  	v56 =	vmul.f32 v51, v11;
	v57 =	vmul.f32 v52, v12;
	[tilespmem:s8+$0x0] =	vst v15  }
0x312: {  	v60 =	vld.idx.msk [tilespmem:v54+s16+$0x0], $0xffff  }
0x313: {  	v59 =	vmul.f32 v53, v13;
	v61 =	vld.idx.msk [tilespmem:v54+s18+$0x0], $0xffff;
	v58 =	vadd.f32 v57, v56;
	_ =	sdelay $0x1  }
0x314: {  	v27 =	vmul.f32 v55, v14;
	v62 =	vld.idx.msk [tilespmem:v54+s20+$0x0], $0xffff;
	v15 =	vadd.f32 v59, v58;
	_ =	sdelay $0x1  }
0x315: {  	v63 =	vld.idx.msk [tilespmem:v54+s22+$0x0], $0xffff;
	v15 =	vadd.f32 v27, v15  }
0x316: {  	s0 =	sor.u32 s30, s4;
	v36 =	vmul.f32 v60, v6;
	v37 =	vmul.f32 v61, v9  }
0x317: {  	[tilespmem:s0+$0x0] =	vst v15  }
0x318: {  	v28 =	vmul.f32 v62, v8;
	v15 =	vadd.f32 v37, v36;
	v38 =	vld.idx.msk [tilespmem:v25+s16+$0x0], $0xffff  }
0x319: {  	v39 =	vld.idx.msk [tilespmem:v25+s18+$0x0], $0xffff  }
0x31a: {  	v41 =	vor.u32 $0xC, v10;
	v27 =	vmul.f32 v63, v7;
	v15 =	vadd.f32 v28, v15  }
0x31b: {  	v40 =	vld.idx.msk [tilespmem:v25+s20+$0x0], $0xffff  }
0x31c: {  	s9 =	sor.u32 $0x15180, s25;
	v15 =	vadd.f32 v27, v15  }
0x31d: {  	s11 =	sor.u32 s28, s9;
	v42 =	vld.idx.msk [tilespmem:v25+s22+$0x0], $0xffff  }
0x31e: {  	v43 =	vmul.f32 v38, v11;
	v44 =	vmul.f32 v39, v12;
	[tilespmem:s11+$0x0] =	vst v15  }
0x31f: {  	v47 =	vld.idx.msk [tilespmem:v41+s16+$0x0], $0xffff  }
0x320: {  	v46 =	vmul.f32 v40, v13;
	v48 =	vld.idx.msk [tilespmem:v41+s18+$0x0], $0xffff;
	v45 =	vadd.f32 v44, v43;
	_ =	sdelay $0x1  }
0x321: {  	v25 =	vmul.f32 v42, v14;
	v49 =	vld.idx.msk [tilespmem:v41+s20+$0x0], $0xffff;
	v15 =	vadd.f32 v46, v45;
	_ =	sdelay $0x1  }
0x322: {  	v50 =	vld.idx.msk [tilespmem:v41+s22+$0x0], $0xffff;
	v15 =	vadd.f32 v25, v15  }
0x323: {  	s0 =	sor.u32 s30, s9;
	v51 =	vmul.f32 v47, v6;
	v52 =	vmul.f32 v48, v9  }
0x324: {  	[tilespmem:s0+$0x0] =	vst v15  }
0x325: {  	v27 =	vmul.f32 v49, v8;
	v15 =	vadd.f32 v52, v51;
	v53 =	vld.idx.msk [tilespmem:v24+s16+$0x0], $0xffff  }
0x326: {  	v54 =	vld.idx.msk [tilespmem:v24+s18+$0x0], $0xffff  }
0x327: {  	v56 =	vor.u32 $0xD, v10;
	v25 =	vmul.f32 v50, v7;
	v15 =	vadd.f32 v27, v15  }
0x328: {  	v55 =	vld.idx.msk [tilespmem:v24+s20+$0x0], $0xffff  }
0x329: {  	s12 =	sor.u32 $0x15200, s25;
	v15 =	vadd.f32 v25, v15  }
0x32a: {  	[tilespmem:s2+$0x0] =	vst v32;
	s13 =	sor.u32 s28, s12;
	v57 =	vld.idx.msk [tilespmem:v24+s22+$0x0], $0xffff  }
0x32b: {  	v32 =	vld.idx.msk [tilespmem:v21+s18+$0x0], $0xffff;
	v58 =	vmul.f32 v53, v11;
	v59 =	vmul.f32 v54, v12;
	[tilespmem:s13+$0x0] =	vst v15  }
0x32c: {  	v63 =	vld.idx.msk [tilespmem:v56+s16+$0x0], $0xffff  }
0x32d: {  	v62 =	vmul.f32 v55, v13;
	v36 =	vld.idx.msk [tilespmem:v56+s18+$0x0], $0xffff;
	v61 =	vadd.f32 v59, v58  }
0x32e: {  	v60 =	vld.idx.msk [tilespmem:v21+s16+$0x0], $0xffff  }
0x32f: {  	v24 =	vmul.f32 v57, v14;
	v38 =	vld.idx.msk [tilespmem:v56+s20+$0x0], $0xffff;
	v15 =	vadd.f32 v62, v61  }
0x330: {  	v37 =	vld.idx.msk [tilespmem:v21+s20+$0x0], $0xffff  }
0x331: {  	v27 =	vld.idx.msk [tilespmem:v56+s22+$0x0], $0xffff;
	v15 =	vadd.f32 v24, v15  }
0x332: {  	s0 =	sor.u32 s30, s12;
	v42 =	vmul.f32 v63, v6;
	v43 =	vmul.f32 v36, v9  }
0x333: {  	v39 =	vld.idx.msk [tilespmem:v21+s22+$0x0], $0xffff;
	v40 =	vmul.f32 v60, v2;
	[tilespmem:s0+$0x0] =	vst v15  }
0x334: {  	v41 =	vmul.f32 v32, v3;
	v46 =	vmul.f32 v38, v8;
	v15 =	vadd.f32 v43, v42;
	v44 =	vld.idx.msk [tilespmem:v23+s16+$0x0], $0xffff  }
0x335: {  	v48 =	vor.u32 $0xE, v10;
	v25 =	vmul.f32 v37, v4;
	v45 =	vld.idx.msk [tilespmem:v23+s18+$0x0], $0xffff  }
0x336: {  	v24 =	vadd.f32 v41, v40;
	v27 =	vmul.f32 v27, v7;
	v15 =	vadd.f32 v46, v15  }
0x337: {  	v47 =	vld.idx.msk [tilespmem:v23+s20+$0x0], $0xffff  }
0x338: {  	s14 =	sor.u32 $0x15280, s25;
	v21 =	vmul.f32 v39, v5;
	v24 =	vadd.f32 v25, v24;
	v15 =	vadd.f32 v27, v15  }
0x339: {  	s15 =	sor.u32 s28, s14;
	v49 =	vld.idx.msk [tilespmem:v23+s22+$0x0], $0xffff  }
0x33a: {  	v21 =	vadd.f32 v21, v24;
	v50 =	vmul.f32 v44, v11;
	v51 =	vmul.f32 v45, v12;
	[tilespmem:s15+$0x0] =	vst v15  }
0x33b: {  	v53 =	vld.idx.msk [tilespmem:v48+s16+$0x0], $0xffff  }
0x33c: {  	[tilespmem:s5+$0x0] =	vst v21;
	v52 =	vmul.f32 v47, v13;
	v54 =	vld.idx.msk [tilespmem:v48+s18+$0x0], $0xffff;
	v24 =	vadd.f32 v51, v50  }
0x33d: {  	v21 =	vld.idx.msk [tilespmem:v19+s16+$0x0], $0xffff  }
0x33e: {  	v23 =	vmul.f32 v49, v14;
	v56 =	vld.idx.msk [tilespmem:v48+s20+$0x0], $0xffff;
	v15 =	vadd.f32 v52, v24  }
0x33f: {  	v55 =	vld.idx.msk [tilespmem:v19+s18+$0x0], $0xffff  }
0x340: {  	v28 =	vld.idx.msk [tilespmem:v48+s22+$0x0], $0xffff;
	v15 =	vadd.f32 v23, v15  }
0x341: {  	s0 =	sor.u32 s30, s14;
	v57 =	vld.idx.msk [tilespmem:v19+s20+$0x0], $0xffff;
	v58 =	vmul.f32 v53, v6;
	v59 =	vmul.f32 v54, v9  }
0x342: {  	v63 =	vld.idx.msk [tilespmem:v19+s22+$0x0], $0xffff;
	[tilespmem:s0+$0x0] =	vst v15  }
0x343: {  	v62 =	vmul.f32 v56, v8;
	v15 =	vadd.f32 v59, v58;
	v60 =	vld.idx.msk [tilespmem:v22+s16+$0x0], $0xffff  }
0x344: {  	v34 =	vor.u32 $0xF, v10;
	v21 =	vmul.f32 v21, v2;
	v61 =	vld.idx.msk [tilespmem:v22+s18+$0x0], $0xffff  }
0x345: {  	v24 =	vmul.f32 v55, v3;
	v33 =	vmul.f32 v28, v7;
	v15 =	vadd.f32 v62, v15  }
0x346: {  	v32 =	vld.idx.msk [tilespmem:v22+s20+$0x0], $0xffff  }
0x347: {  	s17 =	sor.u32 $0x15300, s25;
	v21 =	vadd.f32 v24, v21;
	v23 =	vmul.f32 v57, v4;
	v15 =	vadd.f32 v33, v15  }
0x348: {  	s19 =	sor.u32 s28, s17;
	v38 =	vmul.f32 v63, v5;
	v35 =	vld.idx.msk [tilespmem:v22+s22+$0x0], $0xffff  }
0x349: {  	v21 =	vadd.f32 v23, v21;
	v36 =	vmul.f32 v60, v11;
	v37 =	vmul.f32 v61, v12;
	[tilespmem:s19+$0x0] =	vst v15  }
0x34a: {  	v41 =	vld.idx.msk [tilespmem:v34+s16+$0x0], $0xffff  }
0x34b: {  	v40 =	vmul.f32 v32, v13;
	v15 =	vadd.f32 v38, v21;
	v42 =	vld.idx.msk [tilespmem:v34+s18+$0x0], $0xffff;
	v39 =	vadd.f32 v37, v36  }
0x34c: {  	v44 =	vld.idx.msk [tilespmem:v34+s20+$0x0], $0xffff  }
0x34d: {  	v43 =	vmul.f32 v35, v14;
	v10 =	vld.idx.msk [tilespmem:v34+s22+$0x0], $0xffff;
	[tilespmem:s10+$0x0] =	vst v15;
	v19 =	vadd.f32 v40, v39  }
0x34e: {  	v46 =	vld.idx.msk [tilespmem:v18+s16+$0x0], $0xffff  }
0x34f: {  	v47 =	vld.idx.msk [tilespmem:v18+s18+$0x0], $0xffff;
	v45 =	vadd.f32 v43, v19  }
0x350: {  	s0 =	sor.u32 s30, s17;
	v49 =	vld.idx.msk [tilespmem:v18+s20+$0x0], $0xffff  }
0x351: {  	v54 =	vld.idx.msk [tilespmem:v18+s22+$0x0], $0xffff;
	[tilespmem:s0+$0x0] =	vst v45  }
0x352: {  	v16 =	vadd.f32 v17, v16;
	v1 =	vmul.f32 v26, v1;
	v15 =	vld.idx.msk [tilespmem:v20+s16+$0x0], $0xffff  }
0x353: {  	v50 =	vmul.f32 v41, v6;
	v51 =	vmul.f32 v42, v9;
	v48 =	vld.idx.msk [tilespmem:v20+s18+$0x0], $0xffff  }
0x354: {  	v16 =	vadd.f32 v31, v16;
	v2 =	vmul.f32 v46, v2;
	v3 =	vmul.f32 v47, v3  }
0x355: {  	v53 =	vmul.f32 v44, v8;
	v6 =	vadd.f32 v51, v50;
	v52 =	vld.idx.msk [tilespmem:v20+s20+$0x0], $0xffff  }
0x356: {  	v1 =	vadd.f32 v1, v16;
	v58 =	vmul.f32 v49, v4;
	v2 =	vadd.f32 v3, v2  }
0x357: {  	v61 =	vmul.f32 v54, v5;
	v55 =	vld.idx.msk [tilespmem:v20+s22+$0x0], $0xffff;
	v6 =	vadd.f32 v53, v6;
	v3 =	vmul.f32 v10, v7  }
0x358: {  	v2 =	vadd.f32 v58, v2;
	v56 =	vmul.f32 v15, v11;
	v57 =	vmul.f32 v48, v12  }
0x359: {  	s21 =	sor.u32 $0x15380, s25;
	v3 =	vadd.f32 v3, v6  }
0x35a: {  	s23 =	sor.u32 s28, s21;
	[tilespmem:s6+$0x0] =	vst v1;
	v59 =	vmul.f32 v52, v13;
	v1 =	vadd.f32 v61, v2;
	v60 =	vadd.f32 v57, v56  }
0x35b: {  	[tilespmem:s23+$0x0] =	vst v3  }
0x35c: {  	v62 =	vmul.f32 v55, v14;
	[tilespmem:s7+$0x0] =	vst v1;
	v63 =	vadd.f32 v59, v60  }
0x35d: {  	s3 =	rddreg [dreg:$0x5]  }
0x35e: {  	s1 =	rddreg [dreg:$0x12];
	v2 =	vadd.f32 v62, v63  }
0x35f: {  	s24 =	rddreg [dreg:$0x3];
	s0 =	sor.u32 s30, s21;
	s1 =	sadd.s32 s3, s1  }
0x360: {  	s2 =	simm.s32 $0x0;
	s4 =	simm.s32 $0x14000;
	[tilespmem:s0+$0x0] =	vst v2;
	s0 =	sadd.s32 s24, s1  }
0x361: {  	[hbm4b:s0+s2] =	stream.linear.scatter [tilespmem:s4], [sflag:$0x3], $0x1000, $0x38;
	[tilespmem:$0x18000] =	vst v63  }
0x362: {  	s25 =	rddreg [dreg:$0x9]  }
0x363: {  	s30 =	rddreg [dreg:$0xe]  }
0x364: {  	s28 =	simm.s32 $0x15000;
	s0 =	sadd.s32 s1, s25;
	s1 =	sadd.s32 $0x1, s30  }
0x365: {  	[hbm4b:s0+s2] =	stream.linear.scatter [tilespmem:s28], [sflag:$0x3], $0x1000, $0x38;
	[tilespmem:$0x18000] =	vst v63  }
0x366: {  	p1 =	seq.s32 s30, $0x1F;
	s0 =	sand.u32 $0x3, s1  }
0x367: {  	p2 =	sne.s32 @!p1 s0, $0x0  }
0x368: {  	p2 =	por p1, p2  }
.Ltmp5:
0x369: {  	_ = 	snop;
	(pc) =	sbr.rel @p2 .LBB2_10-.Ltmp5, $2  }
0x36a: {  	_ =	sdelay $0x2  }
0x36b: {  	[dreg:$0xe] =	wrdreg s1  }
0x36c: {  	s0 =	sshll.u32 s1, $0xA  }
0x36d: {  	s0 =	sadd.s32 s3, s0  }
0x36e: {  	s24 =	rddreg [dreg:$0x0];
	s0 =	sshrl.u32 s0, $0x3  }
0x36f: {  	s25 =	simm.s32 $0x4;
	s1 =	sadd.s32 s24, s0  }
0x370: {  	[tilespmem:s2], [sflag:$0x4] =	stream.linear.gather [hbm4b:s1+s2], $0x1000, $0x38;
	[tilespmem:$0x18000] =	vst v63  }
0x371: {  	_ =	swait.ge [sflag:s25], $0x1000  }
0x372: {  	[sflag:s25] =	ssyncset.done $0x0  }
0x373: {  	[sflag:s25] =	ssyncadd.s32 $0xFFFFF000  }
0x374: {  	s28 =	rddreg [dreg:$0x1]  }
0x375: {  	s30 =	simm.s32 $0x1000;
	s0 =	sadd.s32 s28, s0  }
0x376: {  	[tilespmem:s30], [sflag:$0x4] =	stream.linear.gather [hbm4b:s0+s2], $0x1000, $0x38;
	[tilespmem:$0x18000] =	vst v63  }
0x377: {  	_ =	swait.ge [sflag:s25], $0x1000  }
0x378: {  	[sflag:s25] =	ssyncset.done $0x0  }
0x379: {  	s24 =	simm.s32 $0xC000;
	[sflag:s25] =	ssyncadd.s32 $0xFFFFF000  }
.LBB2_11:
0x37a: {  	s1 =	rddreg [dreg:$0x11]  }
0x37b: {  	s0 =	rddreg [dreg:$0x10];
	v1 =	vld [tilespmem:s1+$0x0]  }
0x37c: {  	v2 =	vld [tilespmem:s0+$0x0]  }
0x37d: {  	v3 =	vld [tilespmem:s0+$0xFFFFFFF0]  }
0x37e: {  	v4 =	vld [tilespmem:s1+$0xFFFFFFF0];
	s7 =	sadd.s32 $0x20, s1  }
0x37f: {  	s0 =	sadd.s32 $0x20, s0;
	v11 =	vld [tilespmem:s7+$0x0]  }
0x380: {  	v14 =	vld [tilespmem:s0+$0x0];
	_ =	sdelay $0x1  }
0x381: {  	v1 =	vmul.f32 $1.023000000e+03, v1  }
0x382: {  	v2 =	vmul.f32 $1.023000000e+03, v2;
	v3 =	vmul.f32 $1.023000000e+03, v3  }
0x383: {  	v4 =	vmul.f32 $1.023000000e+03, v4;
	v11 =	vmul.f32 $1.023000000e+03, v11  }
0x384: {  	v14 =	vmul.f32 $1.023000000e+03, v14;
	v1 =	vmax.f32 v1, $0.0e+00;
	v2 =	vmax.f32 v2, $0.0e+00  }
0x385: {  	v3 =	vmax.f32 v3, $0.0e+00;
	v4 =	vmax.f32 v4, $0.0e+00;
	v1 =	vmin.f32 v1, $1.023000000e+03  }
0x386: {  	v2 =	vmin.f32 v2, $1.023000000e+03;
	v4 =	vmin.f32 v4, $1.023000000e+03;
	v3 =	vmin.f32 v3, $1.023000000e+03  }
0x387: {  	v11 =	vmax.f32 v11, $0.0e+00;
	v5 =	vtrunc.f32 v1;
	v6 =	vtrunc.f32 v2  }
0x388: {  	v14 =	vmax.f32 v14, $0.0e+00;
	v7 =	vtrunc.f32 v4;
	v8 =	vtrunc.f32 v3  }
0x389: {  	v11 =	vmin.f32 v11, $1.023000000e+03;
	v5 =	vcvt.f32.s32 v5;
	v6 =	vcvt.f32.s32 v6  }
0x38a: {  	v14 =	vmin.f32 v14, $1.023000000e+03;
	v7 =	vcvt.f32.s32 v7;
	v8 =	vcvt.f32.s32 v8  }
0x38b: {  	v61 =	vtrunc.f32 v11;
	vm0 =	vlt.s32 v5, $0x3FE;
	vm1 =	vlt.s32 v6, $0x3FE  }
0x38c: {  	v5 =	vnsel vm0, $0x3FE, v5;
	v6 =	vnsel vm1, $0x3FE, v6;
	vm0 =	vlt.s32 v7, $0x3FE  }
0x38d: {  	v9 =	vcvt.s32.f32 v5;
	v10 =	vcvt.s32.f32 v6;
	v6 =	vshll.u32 v6, $0xA  }
0x38e: {  	v58 =	vld [tilespmem:s0+$0xFFFFFFF0];
	v7 =	vnsel vm0, $0x3FE, v7;
	vm0 =	vlt.s32 v8, $0x3FE;
	v5 =	vadd.s32 v5, v6  }
0x38f: {  	v8 =	vnsel vm0, $0x3FE, v8;
	v12 =	vcvt.s32.f32 v7;
	v1 =	vsub.f32 v1, v9  }
0x390: {  	v2 =	vsub.f32 v2, v10;
	v10 =	vadd.s32 $0x1, v5;
	v15 =	vcvt.s32.f32 v8  }
0x391: {  	s8 =	simm.s32 $0x2010;
	v13 =	vadd.s32 $0x400, v5;
	v16 =	vadd.s32 $0x401, v5;
	v6 =	vsub.f32 $1.000000000e+00, v1  }
0x392: {  	s9 =	simm.s32 $0x2210;
	v8 =	vshll.u32 v8, $0xA;
	[tilespmem:s8+$0x0] =	vst v5;
	v9 =	vsub.f32 $1.000000000e+00, v2;
	v15 =	vsub.f32 v3, v15;
	v3 =	vld [tilespmem:s7+$0xFFFFFFF0]  }
0x393: {  	s1 =	simm.s32 $0x2410;
	v4 =	vsub.f32 v4, v12;
	v7 =	vadd.s32 v7, v8;
	[tilespmem:s9+$0x0] =	vst v10;
	v12 =	vmul.f32 $1.023000000e+03, v58  }
0x394: {  	s2 =	simm.s32 $0x2610;
	v8 =	vadd.s32 $0x1, v7;
	[tilespmem:s1+$0x0] =	vst v13;
	v17 =	vmul.f32 v9, v6;
	v9 =	vmul.f32 v9, v1  }
0x395: {  	s3 =	simm.s32 $0x3010;
	[tilespmem:s2+$0x0] =	vst v16;
	v5 =	vmul.f32 v6, v2;
	v2 =	vmul.f32 v2, v1;
	v10 =	vsub.f32 $1.000000000e+00, v15  }
0x396: {  	s4 =	simm.s32 $0x3210;
	v6 =	vsub.f32 $1.000000000e+00, v4;
	v1 =	vmul.f32 v15, v4;
	[tilespmem:s3+$0x0] =	vst v17;
	v17 =	vcvt.f32.s32 v61  }
0x397: {  	s5 =	simm.s32 $0x3410;
	v59 =	vadd.s32 $0x400, v7;
	v4 =	vmul.f32 v10, v4;
	v3 =	vmul.f32 $1.023000000e+03, v3;
	[tilespmem:s4+$0x0] =	vst v9  }
0x398: {  	v60 =	vadd.s32 $0x401, v7;
	v9 =	vmul.f32 v10, v6;
	[tilespmem:s5+$0x0] =	vst v5;
	v5 =	vtrunc.f32 v14  }
0x399: {  	s6 =	simm.s32 $0x3610;
	[tilespmem:s8+$0xFFFFFFF0] =	vst v7;
	vm0 =	vlt.s32 v17, $0x3FE;
	v3 =	vmax.f32 v3, $0.0e+00;
	v5 =	vcvt.f32.s32 v5  }
0x39a: {  	[tilespmem:s6+$0x0] =	vst v2;
	v2 =	vmax.f32 v12, $0.0e+00;
	v10 =	vnsel vm0, $0x3FE, v17;
	v3 =	vmin.f32 v3, $1.023000000e+03  }
0x39b: {  	[tilespmem:s9+$0xFFFFFFF0] =	vst v8;
	v2 =	vmin.f32 v2, $1.023000000e+03;
	v7 =	vtrunc.f32 v3;
	vm0 =	vlt.s32 v5, $0x3FE  }
0x39c: {  	[tilespmem:s1+$0xFFFFFFF0] =	vst v59;
	v8 =	vtrunc.f32 v2;
	v7 =	vcvt.f32.s32 v7;
	v62 =	vnsel vm0, $0x3FE, v5  }
0x39d: {  	[tilespmem:s2+$0xFFFFFFF0] =	vst v60;
	v5 =	vcvt.s32.f32 v10;
	v63 =	vcvt.s32.f32 v62  }
0x39e: {  	[tilespmem:s3+$0xFFFFFFF0] =	vst v9;
	v9 =	vmul.f32 v6, v15;
	v8 =	vcvt.f32.s32 v8;
	vm0 =	vlt.s32 v7, $0x3FE  }
0x39f: {  	[tilespmem:s4+$0xFFFFFFF0] =	vst v4;
	v4 =	vsub.f32 v11, v5;
	v11 =	vshll.u32 v62, $0xA;
	v5 =	vsub.f32 v14, v63  }
0x3a0: {  	s10 =	simm.s32 $0x2;
	s8 =	simm.s32 $0x2030;
	[tilespmem:s5+$0xFFFFFFF0] =	vst v9;
	v6 =	vnsel vm0, $0x3FE, v7;
	vm0 =	vlt.s32 v8, $0x3FE;
	v10 =	vadd.s32 v10, v11  }
0x3a1: {  	s11 =	sadd.s32 $0x20, s7;
	s7 =	simm.s32 $0x3610;
	s9 =	simm.s32 $0x2230;
	v7 =	vsub.f32 $1.000000000e+00, v4;
	[tilespmem:s8+$0x0] =	vst v10;
	v11 =	vadd.s32 $0x1, v10;
	v9 =	vsub.f32 $1.000000000e+00, v5  }
.LBB2_12:
0x3a2: {  	v12 =	vld [tilespmem:s11+$0x0];
	v8 =	vnsel vm0, $0x3FE, v8;
	v13 =	vcvt.s32.f32 v6;
	[tilespmem:s9+$0x0] =	vst v11;
	v11 =	vadd.s32 $0x400, v10;
	s0 =	sadd.s32 $0x20, s0;
	s1 =	sadd.s32 $0x20, s1  }
0x3a3: {  	v10 =	vadd.s32 $0x401, v10;
	s2 =	sadd.s32 $0x20, s2;
	v14 =	vld [tilespmem:s0+$0x0];
	v15 =	vcvt.s32.f32 v8;
	[tilespmem:s1+$0x0] =	vst v11;
	v11 =	vmul.f32 v9, v7  }
0x3a4: {  	s3 =	sadd.s32 $0x20, s3;
	v16 =	vld [tilespmem:s0+$0xFFFFFFF0];
	v13 =	vsub.f32 v3, v13;
	v3 =	vshll.u32 v8, $0xA;
	[tilespmem:s2+$0x0] =	vst v10;
	v8 =	vmul.f32 v9, v4  }
0x3a5: {  	s4 =	sadd.s32 $0x20, s4;
	v9 =	vld [tilespmem:s11+$0xFFFFFFF0];
	v10 =	vsub.f32 v2, v15;
	v2 =	vadd.s32 v6, v3;
	[tilespmem:s3+$0x0] =	vst v11;
	v3 =	vmul.f32 v7, v5  }
0x3a6: {  	s10 =	sadd.s32 $0x2, s10;
	s5 =	sadd.s32 $0x20, s5;
	v4 =	vmul.f32 v5, v4;
	v6 =	vsub.f32 $1.000000000e+00, v13;
	v7 =	vadd.s32 $0x1, v2;
	[tilespmem:s4+$0x0] =	vst v8  }
0x3a7: {  	s6 =	sadd.s32 $0x20, s6;
	p1 =	slt.u32 s10, $0x1E;
	v8 =	vadd.s32 $0x400, v2;
	v5 =	vsub.f32 $1.000000000e+00, v10;
	v11 =	vmul.f32 v10, v13;
	[tilespmem:s5+$0x0] =	vst v3  }
0x3a8: {  	v3 =	vmul.f32 $1.023000000e+03, v12;
	v12 =	vmul.f32 $1.023000000e+03, v14;
	v14 =	vadd.s32 $0x401, v2;
	[tilespmem:s6+$0x0] =	vst v4  }
0x3a9: {  	v4 =	vmul.f32 $1.023000000e+03, v16;
	[tilespmem:s8+$0xFFFFFFF0] =	vst v2;
	v2 =	vmul.f32 v5, v6  }
0x3aa: {  	v3 =	vmax.f32 v3, $0.0e+00;
	v9 =	vmul.f32 $1.023000000e+03, v9;
	v12 =	vmax.f32 v12, $0.0e+00;
	[tilespmem:s9+$0xFFFFFFF0] =	vst v7  }
0x3ab: {  	v7 =	vmin.f32 v3, $1.023000000e+03;
	v4 =	vmax.f32 v4, $0.0e+00;
	v12 =	vmin.f32 v12, $1.023000000e+03;
	[tilespmem:s1+$0xFFFFFFF0] =	vst v8  }
0x3ac: {  	v8 =	vtrunc.f32 v7;
	v3 =	vmax.f32 v9, $0.0e+00;
	v9 =	vtrunc.f32 v12;
	[tilespmem:s2+$0xFFFFFFF0] =	vst v14  }
0x3ad: {  	v8 =	vcvt.f32.s32 v8;
	v3 =	vmin.f32 v3, $1.023000000e+03;
	v9 =	vcvt.f32.s32 v9;
	[tilespmem:s3+$0xFFFFFFF0] =	vst v2  }
0x3ae: {  	v5 =	vmul.f32 v5, v13;
	v2 =	vmin.f32 v4, $1.023000000e+03;
	v4 =	vtrunc.f32 v3;
	[tilespmem:s7+$0xFFFFFFF0] =	vst v1;
	v1 =	vmovc v11;
	s7 =	smov.u32 s6  }
0x3af: {  	v11 =	vtrunc.f32 v2;
	vm0 =	vlt.s32 v8, $0x3FE;
	vm1 =	vlt.s32 v9, $0x3FE  }
0x3b0: {  	v13 =	vcvt.f32.s32 v4;
	v14 =	vnsel vm0, $0x3FE, v8;
	v9 =	vnsel vm1, $0x3FE, v9;
	[tilespmem:s4+$0xFFFFFFF0] =	vst v5  }
.Ltmp6:
0x3b1: {  	v4 =	vcvt.s32.f32 v14;
	v5 =	vcvt.s32.f32 v9;
	(pc) =	sbr.rel @p1 .LBB2_12-.Ltmp6, $4  }
0x3b2: {  	v8 =	vcvt.f32.s32 v11;
	v11 =	vmul.f32 v6, v10;
	vm0 =	vlt.s32 v13, $0x3FE  }
0x3b3: {  	v4 =	vsub.f32 v7, v4;
	v7 =	vshll.u32 v9, $0xA;
	v5 =	vsub.f32 v12, v5  }
0x3b4: {  	s8 =	sadd.s32 $0x20, s8;
	v6 =	vnsel vm0, $0x3FE, v13;
	vm0 =	vlt.s32 v8, $0x3FE;
	v10 =	vadd.s32 v14, v7;
	[tilespmem:s5+$0xFFFFFFF0] =	vst v11  }
0x3b5: {  	s11 =	sadd.s32 $0x20, s11;
	s9 =	sadd.s32 $0x20, s9;
	v7 =	vsub.f32 $1.000000000e+00, v4;
	v11 =	vadd.s32 $0x1, v10;
	v9 =	vsub.f32 $1.000000000e+00, v5;
	[tilespmem:s8+$0x0] =	vst v10  }
0x3b6: {  	[tilespmem:s9+$0x0] =	vst v11  }
0x3b7: {  	v51 =	vadd.s32 $0x400, v10;
	s0 =	sadd.s32 $0x20, s1;
	v52 =	vadd.s32 $0x401, v10;
	[tilespmem:s7+$0xFFFFFFF0] =	vst v1  }
0x3b8: {  	s13 =	sadd.s32 $0x20, s2;
	v8 =	vnsel vm0, $0x3FE, v8;
	v12 =	vcvt.s32.f32 v6;
	[tilespmem:s0+$0x0] =	vst v51;
	v53 =	vmul.f32 v9, v7  }
0x3b9: {  	s14 =	sadd.s32 $0x20, s3;
	v57 =	vmul.f32 v5, v4;
	v54 =	vmul.f32 v9, v4;
	v58 =	vshll.u32 v8, $0xA;
	[tilespmem:s13+$0x0] =	vst v52  }
0x3ba: {  	v55 =	vcvt.s32.f32 v8;
	v56 =	vmul.f32 v7, v5;
	v5 =	vadd.s32 v6, v58;
	[tilespmem:s14+$0x0] =	vst v53  }
0x3bb: {  	s15 =	sadd.s32 $0x20, s4;
	[tilespmem:s8+$0xFFFFFFF0] =	vst v5  }
0x3bc: {  	v3 =	vsub.f32 v3, v12;
	v2 =	vsub.f32 v2, v55;
	v6 =	vadd.s32 $0x1, v5;
	[tilespmem:s15+$0x0] =	vst v54  }
0x3bd: {  	s17 =	sadd.s32 $0x20, s5;
	[tilespmem:s9+$0xFFFFFFF0] =	vst v6  }
0x3be: {  	v61 =	vadd.s32 $0x400, v5;
	v59 =	vsub.f32 $1.000000000e+00, v3;
	[tilespmem:s17+$0x0] =	vst v56;
	v60 =	vsub.f32 $1.000000000e+00, v2  }
0x3bf: {  	s19 =	sadd.s32 $0x20, s6;
	[tilespmem:s0+$0xFFFFFFF0] =	vst v61  }
0x3c0: {  	v5 =	vadd.s32 $0x401, v5;
	[tilespmem:s19+$0x0] =	vst v57;
	v62 =	vmul.f32 v60, v59  }
0x3c1: {  	[tilespmem:s13+$0xFFFFFFF0] =	vst v5;
	v63 =	vmul.f32 v60, v3  }
0x3c2: {  	v1 =	vmul.f32 v59, v2;
	[tilespmem:s14+$0xFFFFFFF0] =	vst v62  }
0x3c3: {  	v2 =	vmul.f32 v2, v3;
	[tilespmem:s15+$0xFFFFFFF0] =	vst v63  }
0x3c4: {  	[tilespmem:s17+$0xFFFFFFF0] =	vst v1  }
0x3c5: {  	[tilespmem:s19+$0xFFFFFFF0] =	vst v2  }
0x3c6: {  	s21 =	simm.s32 $0x200;
	s23 =	simm.s32 $0x2000;
	s0 =	rddreg [dreg:$0x6]  }
0x3c7: {  	[tilespmem:s16], [sflag:$0x1] =	stream.indirect.gather [hbm4b:s0+s21], $0x10, s23, s21, $0xb8;
	[tilespmem:$0x18000] =	vst v63  }
0x3c8: {  	s25 =	simm.s32 $0x2200  }
0x3c9: {  	[tilespmem:s18], [sflag:$0x1] =	stream.indirect.gather [hbm4b:s0+s21], $0x10, s25, s21, $0xb8;
	[tilespmem:$0x18000] =	vst v63  }
0x3ca: {  	s28 =	simm.s32 $0x2400  }
0x3cb: {  	[tilespmem:s20], [sflag:$0x1] =	stream.indirect.gather [hbm4b:s0+s21], $0x10, s28, s21, $0xb8;
	[tilespmem:$0x18000] =	vst v63  }
0x3cc: {  	s30 =	simm.s32 $0x2600  }
0x3cd: {  	[tilespmem:s22], [sflag:$0x1] =	stream.indirect.gather [hbm4b:s0+s21], $0x10, s30, s21, $0xb8;
	[tilespmem:$0x18000] =	vst v63  }
.LBB2_14:
0x3ce: {  	s0 =	simm.s32 $0x2  }
0x3cf: {  	_ =	swait.ge [sflag:s0], $0x2000  }
0x3d0: {  	[sflag:s0] =	ssyncset.done $0x0  }
0x3d1: {  	[sflag:s0] =	ssyncadd.s32 $0xFFFFE000  }
0x3d2: {  	_ =	swait.ge [sflag:s0], $0x2000  }
0x3d3: {  	[sflag:s0] =	ssyncset.done $0x0  }
0x3d4: {  	[sflag:s0] =	ssyncadd.s32 $0xFFFFE000  }
0x3d5: {  	_ =	swait.ge [sflag:s0], $0x2000  }
0x3d6: {  	[sflag:s0] =	ssyncset.done $0x0  }
0x3d7: {  	[sflag:s0] =	ssyncadd.s32 $0xFFFFE000  }
0x3d8: {  	_ =	swait.ge [sflag:s0], $0x2000  }
0x3d9: {  	[sflag:s0] =	ssyncset.done $0x0  }
0x3da: {  	s1 =	simm.s32 $0x0;
	[sflag:s0] =	ssyncadd.s32 $0xFFFFE000;
	s0 =	simm.s32 @!p0 $0x3  }
0x3db: {  	v1 =	vmov s1;
	_ =	swait.ge @!p0 [sflag:s0], $0x1000  }
0x3dc: {  	v1 =	vshll.u32 v1, $0x4;
	[sflag:s0] =	ssyncset.done @!p0 $0x0  }
0x3dd: {  	v6 =	vor.u32 v0, v1;
	[sflag:s0] =	ssyncadd.s32 @!p0 $0xFFFFF000  }
0x3de: {  	_ =	swait.ge @!p0 [sflag:s0], $0x1000  }
0x3df: {  	[sflag:s0] =	ssyncset.done @!p0 $0x0  }
0x3e0: {  	s2 =	simm.s32 $0x3810;
	[sflag:s0] =	ssyncadd.s32 @!p0 $0xFFFFF000  }
0x3e1: {  	v22 =	vld [tilespmem:s2+$0xFFFFFFF0]  }
0x3e2: {  	v1 =	vld.idx.msk [tilespmem:v6+s24+$0x0], $0xffff  }
0x3e3: {  	s3 =	simm.s32 $0x3A10;
	v2 =	vld.idx.msk [tilespmem:v6+s26+$0x0], $0xffff  }
0x3e4: {  	v20 =	vld [tilespmem:s3+$0xFFFFFFF0]  }
0x3e5: {  	s4 =	simm.s32 $0x3C10;
	v3 =	vld.idx.msk [tilespmem:v6+s29+$0x0], $0xffff  }
0x3e6: {  	v19 =	vld [tilespmem:s4+$0xFFFFFFF0]  }
0x3e7: {  	s5 =	simm.s32 $0x3E10;
	v4 =	vld.idx.msk [tilespmem:v6+s31+$0x0], $0xffff  }
0x3e8: {  	v18 =	vld [tilespmem:s5+$0xFFFFFFF0]  }
0x3e9: {  	v1 =	vmul.f32 v1, v22;
	v2 =	vmul.f32 v2, v20;
	_ =	sdelay $0x1  }
0x3ea: {  	v1 =	vadd.f32 v2, v1;
	v2 =	vmul.f32 v3, v19;
	_ =	sdelay $0x1  }
0x3eb: {  	s8 =	simm.s32 $0x0;
	v3 =	vor.u32 $0x1, v6;
	v1 =	vadd.f32 v2, v1;
	v2 =	vmul.f32 v4, v18  }
0x3ec: {  	s12 =	sand.u32 $0xC00, s8  }
0x3ed: {  	s10 =	sand.u32 $0x60, s1;
	s9 =	sor.u32 $0x16000, s12;
	v1 =	vadd.f32 v2, v1  }
0x3ee: {  	s11 =	sor.u32 s10, s9  }
0x3ef: {  	[tilespmem:s11+$0x0] =	vst v1  }
0x3f0: {  	s6 =	simm.s32 $0x10;
	v1 =	vld.idx.msk [tilespmem:v3+s24+$0x0], $0xffff  }
0x3f1: {  	v2 =	vmov s6;
	v4 =	vld.idx.msk [tilespmem:v3+s26+$0x0], $0xffff  }
0x3f2: {  	v2 =	vshll.u32 v2, $0x4  }
0x3f3: {  	v21 =	vor.u32 v0, v2;
	v2 =	vld.idx.msk [tilespmem:v3+s29+$0x0], $0xffff;
	_ =	sdelay $0x1  }
0x3f4: {  	v3 =	vld.idx.msk [tilespmem:v3+s31+$0x0], $0xffff  }
0x3f5: {  	v1 =	vmul.f32 v1, v22;
	v4 =	vmul.f32 v4, v20;
	_ =	sdelay $0x1  }
0x3f6: {  	v16 =	vld [tilespmem:s2+$0x0];
	v2 =	vmul.f32 v2, v19;
	v1 =	vadd.f32 v4, v1  }
0x3f7: {  	v17 =	vld [tilespmem:s3+$0x0]  }
0x3f8: {  	v15 =	vld [tilespmem:s4+$0x0];
	v1 =	vadd.f32 v2, v1;
	v2 =	vmul.f32 v3, v18;
	v3 =	vor.u32 $0x2, v6  }
0x3f9: {  	v5 =	vld.idx.msk [tilespmem:v21+s24+$0x0], $0xffff  }
0x3fa: {  	v7 =	vld.idx.msk [tilespmem:v21+s29+$0x0], $0xffff;
	v1 =	vadd.f32 v2, v1  }
0x3fb: {  	v4 =	vld.idx.msk [tilespmem:v21+s26+$0x0], $0xffff  }
0x3fc: {  	v2 =	vld.idx.msk [tilespmem:v21+s31+$0x0], $0xffff;
	[tilespmem:s11+$0x80] =	vst v1  }
0x3fd: {  	v8 =	vld.idx.msk [tilespmem:v3+s24+$0x0], $0xffff  }
0x3fe: {  	v9 =	vld.idx.msk [tilespmem:v3+s26+$0x0], $0xffff  }
0x3ff: {  	v1 =	vld [tilespmem:s5+$0x0]  }
0x400: {  	v5 =	vmul.f32 v5, v16;
	v4 =	vmul.f32 v4, v17;
	v10 =	vld.idx.msk [tilespmem:v3+s29+$0x0], $0xffff;
	_ =	sdelay $0x1  }
0x401: {  	v4 =	vadd.f32 v4, v5;
	v5 =	vmul.f32 v7, v15;
	v3 =	vld.idx.msk [tilespmem:v3+s31+$0x0], $0xffff  }
0x402: {  	v7 =	vmul.f32 v8, v22;
	v8 =	vmul.f32 v9, v20  }
0x403: {  	v4 =	vadd.f32 v5, v4;
	v2 =	vmul.f32 v2, v1;
	v9 =	vor.u32 $0x1, v21  }
0x404: {  	v5 =	vadd.f32 v8, v7;
	v7 =	vmul.f32 v10, v19  }
0x405: {  	s6 =	sand.u32 $0x70, s6;
	v2 =	vadd.f32 v2, v4  }
0x406: {  	s13 =	sor.u32 s6, s9;
	v3 =	vmul.f32 v3, v18;
	v4 =	vadd.f32 v7, v5;
	v5 =	vor.u32 $0x3, v6  }
0x407: {  	[tilespmem:s13+$0x0] =	vst v2  }
0x408: {  	v2 =	vld.idx.msk [tilespmem:v9+s24+$0x0], $0xffff;
	v3 =	vadd.f32 v3, v4  }
0x409: {  	v4 =	vld.idx.msk [tilespmem:v9+s26+$0x0], $0xffff  }
0x40a: {  	v7 =	vld.idx.msk [tilespmem:v9+s29+$0x0], $0xffff;
	[tilespmem:s11+$0x100] =	vst v3  }
0x40b: {  	v3 =	vld.idx.msk [tilespmem:v5+s24+$0x0], $0xffff  }
0x40c: {  	v8 =	vld.idx.msk [tilespmem:v5+s26+$0x0], $0xffff  }
0x40d: {  	v9 =	vld.idx.msk [tilespmem:v9+s31+$0x0], $0xffff  }
0x40e: {  	v10 =	vld.idx.msk [tilespmem:v5+s29+$0x0], $0xffff;
	v2 =	vmul.f32 v2, v16;
	v4 =	vmul.f32 v4, v17;
	_ =	sdelay $0x1  }
0x40f: {  	v5 =	vld.idx.msk [tilespmem:v5+s31+$0x0], $0xffff;
	v2 =	vadd.f32 v4, v2;
	v4 =	vmul.f32 v7, v15  }
0x410: {  	v3 =	vmul.f32 v3, v22;
	v7 =	vmul.f32 v8, v20  }
0x411: {  	v8 =	vor.u32 $0x2, v21;
	v2 =	vadd.f32 v4, v2;
	v4 =	vmul.f32 v9, v1  }
0x412: {  	v3 =	vadd.f32 v7, v3;
	v7 =	vmul.f32 v10, v19  }
0x413: {  	v2 =	vadd.f32 v4, v2  }
0x414: {  	v4 =	vmul.f32 v5, v18;
	v5 =	vor.u32 $0x4, v6;
	v3 =	vadd.f32 v7, v3  }
0x415: {  	[tilespmem:s13+$0x80] =	vst v2  }
0x416: {  	v2 =	vld.idx.msk [tilespmem:v8+s24+$0x0], $0xffff;
	v3 =	vadd.f32 v4, v3  }
0x417: {  	v4 =	vld.idx.msk [tilespmem:v8+s26+$0x0], $0xffff  }
0x418: {  	v7 =	vld.idx.msk [tilespmem:v8+s29+$0x0], $0xffff;
	[tilespmem:s11+$0x180] =	vst v3  }
0x419: {  	v3 =	vld.idx.msk [tilespmem:v5+s24+$0x0], $0xffff  }
0x41a: {  	v9 =	vld.idx.msk [tilespmem:v5+s26+$0x0], $0xffff  }
0x41b: {  	v8 =	vld.idx.msk [tilespmem:v8+s31+$0x0], $0xffff  }
0x41c: {  	v10 =	vld.idx.msk [tilespmem:v5+s29+$0x0], $0xffff;
	v2 =	vmul.f32 v2, v16;
	v4 =	vmul.f32 v4, v17;
	_ =	sdelay $0x1  }
0x41d: {  	v5 =	vld.idx.msk [tilespmem:v5+s31+$0x0], $0xffff;
	v2 =	vadd.f32 v4, v2;
	v4 =	vmul.f32 v7, v15  }
0x41e: {  	v3 =	vmul.f32 v3, v22;
	v7 =	vmul.f32 v9, v20  }
0x41f: {  	v9 =	vor.u32 $0x3, v21;
	v2 =	vadd.f32 v4, v2;
	v4 =	vmul.f32 v8, v1  }
0x420: {  	v3 =	vadd.f32 v7, v3;
	v7 =	vmul.f32 v10, v19  }
0x421: {  	v2 =	vadd.f32 v4, v2  }
0x422: {  	v4 =	vmul.f32 v5, v18;
	v5 =	vor.u32 $0x5, v6;
	v3 =	vadd.f32 v7, v3  }
0x423: {  	[tilespmem:s13+$0x100] =	vst v2  }
0x424: {  	v2 =	vld.idx.msk [tilespmem:v9+s24+$0x0], $0xffff;
	v3 =	vadd.f32 v4, v3  }
0x425: {  	v4 =	vld.idx.msk [tilespmem:v9+s26+$0x0], $0xffff  }
0x426: {  	v7 =	vld.idx.msk [tilespmem:v9+s29+$0x0], $0xffff;
	[tilespmem:s11+$0x200] =	vst v3  }
0x427: {  	v3 =	vld.idx.msk [tilespmem:v5+s24+$0x0], $0xffff  }
0x428: {  	v8 =	vld.idx.msk [tilespmem:v5+s26+$0x0], $0xffff  }
0x429: {  	v9 =	vld.idx.msk [tilespmem:v9+s31+$0x0], $0xffff  }
0x42a: {  	v10 =	vld.idx.msk [tilespmem:v5+s29+$0x0], $0xffff;
	v2 =	vmul.f32 v2, v16;
	v4 =	vmul.f32 v4, v17;
	_ =	sdelay $0x1  }
0x42b: {  	v5 =	vld.idx.msk [tilespmem:v5+s31+$0x0], $0xffff;
	v2 =	vadd.f32 v4, v2;
	v4 =	vmul.f32 v7, v15  }
0x42c: {  	v3 =	vmul.f32 v3, v22;
	v7 =	vmul.f32 v8, v20  }
0x42d: {  	v8 =	vor.u32 $0x4, v21;
	v2 =	vadd.f32 v4, v2;
	v4 =	vmul.f32 v9, v1  }
0x42e: {  	v3 =	vadd.f32 v7, v3;
	v7 =	vmul.f32 v10, v19  }
0x42f: {  	v2 =	vadd.f32 v4, v2  }
0x430: {  	v4 =	vmul.f32 v5, v18;
	v5 =	vor.u32 $0x6, v6;
	v3 =	vadd.f32 v7, v3  }
0x431: {  	[tilespmem:s13+$0x180] =	vst v2  }
0x432: {  	v2 =	vld.idx.msk [tilespmem:v8+s24+$0x0], $0xffff;
	v3 =	vadd.f32 v4, v3  }
0x433: {  	v4 =	vld.idx.msk [tilespmem:v8+s26+$0x0], $0xffff  }
0x434: {  	v7 =	vld.idx.msk [tilespmem:v8+s29+$0x0], $0xffff;
	[tilespmem:s11+$0x280] =	vst v3  }
0x435: {  	v3 =	vld.idx.msk [tilespmem:v5+s24+$0x0], $0xffff  }
0x436: {  	v9 =	vld.idx.msk [tilespmem:v5+s26+$0x0], $0xffff  }
0x437: {  	v8 =	vld.idx.msk [tilespmem:v8+s31+$0x0], $0xffff  }
0x438: {  	v10 =	vld.idx.msk [tilespmem:v5+s29+$0x0], $0xffff;
	v2 =	vmul.f32 v2, v16;
	v4 =	vmul.f32 v4, v17  }
0x439: {  	v5 =	vld.idx.msk [tilespmem:v5+s31+$0x0], $0xffff  }
0x43a: {  	v2 =	vadd.f32 v4, v2;
	v4 =	vmul.f32 v7, v15  }
0x43b: {  	v3 =	vmul.f32 v3, v22;
	v7 =	vmul.f32 v9, v20  }
0x43c: {  	v8 =	vmul.f32 v8, v1;
	v2 =	vadd.f32 v4, v2  }
0x43d: {  	v4 =	vor.u32 $0x5, v21;
	v3 =	vadd.f32 v7, v3;
	v7 =	vmul.f32 v10, v19  }
0x43e: {  	v5 =	vmul.f32 v5, v18  }
0x43f: {  	v2 =	vadd.f32 v8, v2;
	v3 =	vadd.f32 v7, v3;
	v7 =	vor.u32 $0x7, v6;
	_ =	sdelay $0x1  }
0x440: {  	[tilespmem:s13+$0x200] =	vst v2;
	v2 =	vadd.f32 v5, v3  }
0x441: {  	v3 =	vld.idx.msk [tilespmem:v4+s24+$0x0], $0xffff  }
0x442: {  	v5 =	vld.idx.msk [tilespmem:v4+s26+$0x0], $0xffff;
	[tilespmem:s11+$0x300] =	vst v2  }
0x443: {  	v2 =	vld.idx.msk [tilespmem:v7+s24+$0x0], $0xffff  }
0x444: {  	v8 =	vld.idx.msk [tilespmem:v7+s26+$0x0], $0xffff;
	_ =	sdelay $0x1  }
0x445: {  	v10 =	vld.idx.msk [tilespmem:v7+s29+$0x0], $0xffff  }
0x446: {  	v9 =	vld.idx.msk [tilespmem:v4+s29+$0x0], $0xffff  }
0x447: {  	v7 =	vld.idx.msk [tilespmem:v7+s31+$0x0], $0xffff;
	v3 =	vmul.f32 v3, v16;
	v5 =	vmul.f32 v5, v17  }
0x448: {  	v2 =	vmul.f32 v2, v22;
	v8 =	vmul.f32 v8, v20  }
0x449: {  	v4 =	vld.idx.msk [tilespmem:v4+s31+$0x0], $0xffff  }
0x44a: {  	v3 =	vadd.f32 v5, v3;
	v5 =	vmul.f32 v10, v19;
	v2 =	vadd.f32 v8, v2  }
0x44b: {  	v9 =	vmul.f32 v9, v15  }
0x44c: {  	v2 =	vadd.f32 v5, v2;
	v5 =	vmul.f32 v7, v18;
	v7 =	vor.u32 $0x8, v6;
	_ =	sdelay $0x1  }
0x44d: {  	s16 =	simm.s32 $0x3830;
	v4 =	vmul.f32 v4, v1;
	v3 =	vadd.f32 v9, v3;
	v2 =	vadd.f32 v5, v2  }
0x44e: {  	s7 =	simm.s32 $0x3A30;
	v23 =	vld [tilespmem:s16+$0xFFFFFFF0]  }
0x44f: {  	v24 =	vld [tilespmem:s7+$0xFFFFFFF0];
	v8 =	vor.u32 $0x6, v21;
	v3 =	vadd.f32 v4, v3;
	[tilespmem:s11+$0x380] =	vst v2  }
0x450: {  	s15 =	simm.s32 $0x20;
	v2 =	vld.idx.msk [tilespmem:v7+s24+$0x0], $0xffff  }
0x451: {  	s8 =	simm.s32 $0x3C30;
	[tilespmem:s13+$0x280] =	vst v3;
	v5 =	vmov s15;
	v3 =	vld.idx.msk [tilespmem:v7+s26+$0x0], $0xffff  }
0x452: {  	v25 =	vld [tilespmem:s8+$0xFFFFFFF0];
	v5 =	vshll.u32 v5, $0x4  }
0x453: {  	v28 =	vor.u32 v0, v5;
	v10 =	vld.idx.msk [tilespmem:v7+s29+$0x0], $0xffff  }
0x454: {  	v4 =	vld.idx.msk [tilespmem:v8+s24+$0x0], $0xffff  }
0x455: {  	v7 =	vld.idx.msk [tilespmem:v7+s31+$0x0], $0xffff  }
0x456: {  	v9 =	vld.idx.msk [tilespmem:v8+s26+$0x0], $0xffff;
	v2 =	vmul.f32 v2, v22;
	v3 =	vmul.f32 v3, v20  }
0x457: {  	v5 =	vld.idx.msk [tilespmem:v8+s29+$0x0], $0xffff  }
0x458: {  	v11 =	vld.idx.msk [tilespmem:v28+s24+$0x0], $0xffff;
	v2 =	vadd.f32 v3, v2;
	v3 =	vmul.f32 v10, v19  }
0x459: {  	v12 =	vld.idx.msk [tilespmem:v28+s26+$0x0], $0xffff  }
0x45a: {  	v8 =	vld.idx.msk [tilespmem:v8+s31+$0x0], $0xffff;
	v2 =	vadd.f32 v3, v2;
	v3 =	vmul.f32 v7, v18;
	v7 =	vor.u32 $0x9, v6  }
0x45b: {  	s17 =	simm.s32 $0x30;
	s9 =	simm.s32 $0x3E30;
	v4 =	vmul.f32 v4, v16;
	v9 =	vmul.f32 v9, v17;
	v13 =	vld.idx.msk [tilespmem:v28+s29+$0x0], $0xffff  }
0x45c: {  	s19 =	sor.u32 $0x17000, s12;
	v26 =	vld [tilespmem:s9+$0xFFFFFFF0];
	v10 =	vmov s17;
	v2 =	vadd.f32 v3, v2  }
0x45d: {  	s21 =	sor.u32 s10, s19;
	v5 =	vmul.f32 v5, v15;
	v9 =	vadd.f32 v9, v4;
	v10 =	vshll.u32 v10, $0x4;
	v3 =	vld.idx.msk [tilespmem:v28+s31+$0x0], $0xffff  }
0x45e: {  	v4 =	vld [tilespmem:s8+$0x0];
	v27 =	vor.u32 v0, v10;
	v10 =	vmul.f32 v12, v24;
	[tilespmem:s21+$0x0] =	vst v2;
	v2 =	vmul.f32 v11, v23  }
0x45f: {  	v8 =	vmul.f32 v8, v1;
	v5 =	vadd.f32 v5, v9;
	v11 =	vld.idx.msk [tilespmem:v7+s24+$0x0], $0xffff  }
0x460: {  	v12 =	vld.idx.msk [tilespmem:v7+s26+$0x0], $0xffff;
	v2 =	vadd.f32 v10, v2;
	v10 =	vmul.f32 v13, v25  }
0x461: {  	v8 =	vadd.f32 v8, v5;
	v5 =	vld [tilespmem:s9+$0x0]  }
0x462: {  	s23 =	simm.s32 $0x100;
	v14 =	vld.idx.msk [tilespmem:v7+s29+$0x0], $0xffff;
	v3 =	vmul.f32 v3, v26;
	v2 =	vadd.f32 v10, v2;
	v10 =	vor.u32 $0x1, v28  }
0x463: {  	s14 =	sand.u32 $0xC00, s23;
	v29 =	vld.idx.msk [tilespmem:v27+s26+$0x0], $0xffff  }
0x464: {  	s5 =	sand.u32 $0x60, s15;
	s11 =	sor.u32 $0x16000, s14;
	v7 =	vld.idx.msk [tilespmem:v7+s31+$0x0], $0xffff;
	v30 =	vadd.f32 v3, v2  }
0x465: {  	s1 =	sor.u32 s5, s11;
	v13 =	vld.idx.msk [tilespmem:v27+s24+$0x0], $0xffff;
	v11 =	vmul.f32 v11, v22;
	v12 =	vmul.f32 v12, v20  }
0x466: {  	v2 =	vld [tilespmem:s16+$0x0];
	[tilespmem:s1+$0x0] =	vst v30  }
0x467: {  	v11 =	vadd.f32 v12, v11;
	v12 =	vmul.f32 v14, v19;
	v31 =	vld.idx.msk [tilespmem:v10+s24+$0x0], $0xffff  }
0x468: {  	v32 =	vor.u32 $0x7, v21;
	v14 =	vld.idx.msk [tilespmem:v10+s26+$0x0], $0xffff  }
0x469: {  	v3 =	vld [tilespmem:s7+$0x0];
	v7 =	vmul.f32 v7, v18;
	v11 =	vadd.f32 v12, v11  }
0x46a: {  	v33 =	vld.idx.msk [tilespmem:v10+s29+$0x0], $0xffff;
	v12 =	vor.u32 $0xA, v6  }
0x46b: {  	s25 =	sor.u32 $0x17080, s12;
	v10 =	vld.idx.msk [tilespmem:v10+s31+$0x0], $0xffff;
	v7 =	vadd.f32 v7, v11  }
0x46c: {  	s28 =	sor.u32 s10, s25;
	[tilespmem:s13+$0x300] =	vst v8;
	v30 =	vld.idx.msk [tilespmem:v27+s29+$0x0], $0xffff  }
0x46d: {  	v34 =	vld.idx.msk [tilespmem:v32+s26+$0x0], $0xffff;
	[tilespmem:s28+$0x0] =	vst v7;
	v7 =	vmul.f32 v31, v23;
	v11 =	vmul.f32 v14, v24  }
0x46e: {  	v9 =	vld.idx.msk [tilespmem:v27+s31+$0x0], $0xffff;
	v13 =	vmul.f32 v13, v2;
	v14 =	vmul.f32 v29, v3  }
0x46f: {  	v29 =	vld.idx.msk [tilespmem:v12+s24+$0x0], $0xffff;
	v7 =	vadd.f32 v11, v7;
	v11 =	vmul.f32 v33, v25  }
0x470: {  	v10 =	vmul.f32 v10, v26;
	v8 =	vld.idx.msk [tilespmem:v12+s26+$0x0], $0xffff;
	v13 =	vadd.f32 v14, v13  }
0x471: {  	v31 =	vld.idx.msk [tilespmem:v12+s29+$0x0], $0xffff;
	v14 =	vmul.f32 v30, v4;
	v7 =	vadd.f32 v11, v7;
	v11 =	vor.u32 $0x2, v28  }
0x472: {  	v58 =	vor.u32 $0x1, v27;
	v12 =	vld.idx.msk [tilespmem:v12+s31+$0x0], $0xffff  }
0x473: {  	v9 =	vmul.f32 v9, v5;
	v30 =	vld.idx.msk [tilespmem:v32+s24+$0x0], $0xffff;
	v13 =	vadd.f32 v14, v13;
	v7 =	vadd.f32 v10, v7  }
0x474: {  	v10 =	vld.idx.msk [tilespmem:v32+s29+$0x0], $0xffff;
	v14 =	vmul.f32 v29, v22  }
0x475: {  	s0 =	sand.u32 $0x70, s17;
	v8 =	vmul.f32 v8, v20;
	v9 =	vadd.f32 v9, v13;
	v13 =	vld.idx.msk [tilespmem:v32+s31+$0x0], $0xffff;
	[tilespmem:s1+$0x80] =	vst v7  }
0x476: {  	s7 =	sor.u32 s0, s11;
	v7 =	vld.idx.msk [tilespmem:v11+s24+$0x0], $0xffff  }
0x477: {  	v8 =	vadd.f32 v8, v14;
	v14 =	vmul.f32 v31, v19;
	[tilespmem:s7+$0x0] =	vst v9;
	v9 =	vld.idx.msk [tilespmem:v11+s26+$0x0], $0xffff  }
0x478: {  	v29 =	vmul.f32 v30, v16;
	v30 =	vmul.f32 v34, v17;
	v31 =	vld.idx.msk [tilespmem:v58+s24+$0x0], $0xffff  }
0x479: {  	v12 =	vmul.f32 v12, v18;
	v59 =	vld.idx.msk [tilespmem:v11+s29+$0x0], $0xffff;
	v8 =	vadd.f32 v14, v8;
	v14 =	vor.u32 $0xB, v6  }
0x47a: {  	v29 =	vadd.f32 v30, v29;
	v30 =	vld.idx.msk [tilespmem:v58+s26+$0x0], $0xffff;
	v10 =	vmul.f32 v10, v15  }
0x47b: {  	s30 =	sor.u32 $0x17100, s12;
	v11 =	vld.idx.msk [tilespmem:v11+s31+$0x0], $0xffff;
	v8 =	vadd.f32 v12, v8  }
0x47c: {  	s11 =	sor.u32 s10, s30;
	v60 =	vld.idx.msk [tilespmem:v58+s31+$0x0], $0xffff;
	v13 =	vmul.f32 v13, v1;
	v10 =	vadd.f32 v10, v29  }
0x47d: {  	v12 =	vor.u32 $0x8, v21;
	v29 =	vld.idx.msk [tilespmem:v58+s29+$0x0], $0xffff;
	[tilespmem:s11+$0x0] =	vst v8;
	v7 =	vmul.f32 v7, v23;
	v8 =	vmul.f32 v9, v24  }
0x47e: {  	v9 =	vld.idx.msk [tilespmem:v14+s24+$0x0], $0xffff;
	v10 =	vadd.f32 v13, v10  }
0x47f: {  	v13 =	vld.idx.msk [tilespmem:v14+s26+$0x0], $0xffff;
	v7 =	vadd.f32 v8, v7;
	v8 =	vmul.f32 v59, v25  }
0x480: {  	v31 =	vmul.f32 v31, v2;
	[tilespmem:s13+$0x380] =	vst v10;
	v10 =	vmul.f32 v30, v3;
	v30 =	vld.idx.msk [tilespmem:v14+s29+$0x0], $0xffff  }
0x481: {  	v14 =	vld.idx.msk [tilespmem:v14+s31+$0x0], $0xffff;
	v7 =	vadd.f32 v8, v7;
	v8 =	vmul.f32 v11, v26;
	v11 =	vor.u32 $0x3, v28  }
0x482: {  	v61 =	vld.idx.msk [tilespmem:v12+s24+$0x0], $0xffff;
	v29 =	vmul.f32 v29, v4;
	v10 =	vadd.f32 v10, v31  }
0x483: {  	v7 =	vadd.f32 v8, v7;
	v8 =	vld.idx.msk [tilespmem:v12+s26+$0x0], $0xffff  }
0x484: {  	v9 =	vmul.f32 v9, v22;
	v13 =	vmul.f32 v13, v20;
	v10 =	vadd.f32 v29, v10;
	v29 =	vld.idx.msk [tilespmem:v12+s29+$0x0], $0xffff  }
0x485: {  	v32 =	vmul.f32 v60, v5;
	[tilespmem:s1+$0x100] =	vst v7;
	v7 =	vld.idx.msk [tilespmem:v12+s31+$0x0], $0xffff  }
0x486: {  	v31 =	vor.u32 $0x2, v27;
	v9 =	vadd.f32 v13, v9;
	v12 =	vmul.f32 v30, v19;
	v13 =	vld.idx.msk [tilespmem:v11+s24+$0x0], $0xffff  }
0x487: {  	v10 =	vadd.f32 v32, v10;
	v30 =	vld.idx.msk [tilespmem:v11+s26+$0x0], $0xffff  }
0x488: {  	v62 =	vld.idx.msk [tilespmem:v11+s29+$0x0], $0xffff;
	v9 =	vadd.f32 v12, v9;
	v12 =	vmul.f32 v14, v18;
	v14 =	vor.u32 $0xC, v6  }
0x489: {  	v11 =	vld.idx.msk [tilespmem:v11+s31+$0x0], $0xffff  }
0x48a: {  	s13 =	sor.u32 $0x17180, s12;
	[tilespmem:s7+$0x80] =	vst v10;
	v10 =	vmul.f32 v61, v16;
	v8 =	vmul.f32 v8, v17;
	v9 =	vadd.f32 v12, v9  }
0x48b: {  	s15 =	sor.u32 s10, s13;
	v63 =	vld.idx.msk [tilespmem:v31+s24+$0x0], $0xffff  }
0x48c: {  	v12 =	vmul.f32 v29, v15;
	v8 =	vadd.f32 v8, v10;
	v10 =	vld.idx.msk [tilespmem:v31+s26+$0x0], $0xffff;
	[tilespmem:s15+$0x0] =	vst v9  }
0x48d: {  	v9 =	vmul.f32 v13, v23;
	v13 =	vmul.f32 v30, v24;
	v29 =	vld.idx.msk [tilespmem:v14+s24+$0x0], $0xffff  }
0x48e: {  	v7 =	vmul.f32 v7, v1;
	v30 =	vor.u32 $0x9, v21;
	v8 =	vadd.f32 v12, v8;
	v12 =	vld.idx.msk [tilespmem:v14+s26+$0x0], $0xffff  }
0x48f: {  	v36 =	vld.idx.msk [tilespmem:v31+s29+$0x0], $0xffff;
	v9 =	vadd.f32 v13, v9;
	v13 =	vmul.f32 v62, v25  }
0x490: {  	v7 =	vadd.f32 v7, v8;
	v8 =	vld.idx.msk [tilespmem:v14+s29+$0x0], $0xffff  }
0x491: {  	s4 =	sor.u32 s6, s19;
	v31 =	vld.idx.msk [tilespmem:v31+s31+$0x0], $0xffff;
	v11 =	vmul.f32 v11, v26;
	v9 =	vadd.f32 v13, v9;
	v13 =	vor.u32 $0x4, v28  }
0x492: {  	v33 =	vmul.f32 v63, v2;
	[tilespmem:s4+$0x0] =	vst v7;
	v7 =	vmul.f32 v10, v3;
	v10 =	vld.idx.msk [tilespmem:v14+s31+$0x0], $0xffff  }
0x493: {  	v9 =	vadd.f32 v11, v9;
	v11 =	vld.idx.msk [tilespmem:v30+s24+$0x0], $0xffff;
	v14 =	vmul.f32 v29, v22;
	v12 =	vmul.f32 v12, v20  }
0x494: {  	v32 =	vmul.f32 v36, v4;
	v29 =	vld.idx.msk [tilespmem:v30+s26+$0x0], $0xffff;
	v7 =	vadd.f32 v7, v33  }
0x495: {  	[tilespmem:s1+$0x180] =	vst v9;
	v9 =	vld.idx.msk [tilespmem:v30+s29+$0x0], $0xffff;
	v12 =	vadd.f32 v12, v14;
	v8 =	vmul.f32 v8, v19  }
0x496: {  	v31 =	vmul.f32 v31, v5;
	v14 =	vor.u32 $0x3, v27;
	v37 =	vld.idx.msk [tilespmem:v13+s24+$0x0], $0xffff;
	v7 =	vadd.f32 v32, v7  }
0x497: {  	v38 =	vld.idx.msk [tilespmem:v13+s26+$0x0], $0xffff;
	v8 =	vadd.f32 v8, v12;
	v10 =	vmul.f32 v10, v18;
	v12 =	vor.u32 $0xD, v6  }
0x498: {  	v30 =	vld.idx.msk [tilespmem:v30+s31+$0x0], $0xffff;
	v7 =	vadd.f32 v31, v7  }
0x499: {  	s16 =	sor.u32 $0x17200, s12;
	v31 =	vld.idx.msk [tilespmem:v13+s29+$0x0], $0xffff;
	v11 =	vmul.f32 v11, v16;
	v8 =	vadd.f32 v10, v8;
	v10 =	vmul.f32 v29, v17  }
0x49a: {  	s17 =	sor.u32 s10, s16;
	v13 =	vld.idx.msk [tilespmem:v13+s31+$0x0], $0xffff;
	[tilespmem:s7+$0x100] =	vst v7  }
0x49b: {  	v7 =	vmul.f32 v9, v15;
	v9 =	vld.idx.msk [tilespmem:v14+s24+$0x0], $0xffff;
	[tilespmem:s17+$0x0] =	vst v8;
	v8 =	vadd.f32 v10, v11  }
0x49c: {  	v10 =	vmul.f32 v37, v23;
	v11 =	vmul.f32 v38, v24;
	v29 =	vld.idx.msk [tilespmem:v12+s24+$0x0], $0xffff  }
0x49d: {  	v39 =	vld.idx.msk [tilespmem:v12+s26+$0x0], $0xffff;
	v7 =	vadd.f32 v7, v8;
	v8 =	vmul.f32 v30, v1  }
0x49e: {  	v40 =	vld.idx.msk [tilespmem:v12+s29+$0x0], $0xffff;
	v30 =	vor.u32 $0xA, v21;
	v10 =	vadd.f32 v11, v10;
	v11 =	vmul.f32 v31, v25  }
0x49f: {  	v31 =	vld.idx.msk [tilespmem:v14+s26+$0x0], $0xffff  }
0x4a0: {  	v12 =	vld.idx.msk [tilespmem:v12+s31+$0x0], $0xffff;
	v7 =	vadd.f32 v8, v7;
	v8 =	vadd.f32 v11, v10;
	v10 =	vmul.f32 v13, v26  }
0x4a1: {  	s8 =	sor.u32 s6, s25;
	v11 =	vor.u32 $0x5, v28;
	v13 =	vld.idx.msk [tilespmem:v14+s29+$0x0], $0xffff  }
0x4a2: {  	[tilespmem:s8+$0x0] =	vst v7;
	v7 =	vadd.f32 v10, v8;
	v8 =	vld.idx.msk [tilespmem:v14+s31+$0x0], $0xffff  }
0x4a3: {  	v10 =	vmul.f32 v29, v22;
	v14 =	vmul.f32 v39, v20;
	v29 =	vld.idx.msk [tilespmem:v30+s24+$0x0], $0xffff  }
0x4a4: {  	v9 =	vmul.f32 v9, v2;
	v31 =	vmul.f32 v31, v3;
	v43 =	vld.idx.msk [tilespmem:v30+s29+$0x0], $0xffff  }
0x4a5: {  	[tilespmem:s1+$0x200] =	vst v7;
	v7 =	vld.idx.msk [tilespmem:v30+s26+$0x0], $0xffff;
	v10 =	vadd.f32 v14, v10;
	v14 =	vmul.f32 v40, v19  }
0x4a6: {  	v12 =	vmul.f32 v12, v18;
	v41 =	vld.idx.msk [tilespmem:v11+s24+$0x0], $0xffff;
	v9 =	vadd.f32 v31, v9  }
0x4a7: {  	v13 =	vmul.f32 v13, v4;
	v31 =	vld.idx.msk [tilespmem:v11+s26+$0x0], $0xffff;
	v10 =	vadd.f32 v14, v10;
	v14 =	vor.u32 $0xE, v6  }
0x4a8: {  	v35 =	vld.idx.msk [tilespmem:v11+s29+$0x0], $0xffff  }
0x4a9: {  	s25 =	sor.u32 $0x17280, s12;
	v11 =	vld.idx.msk [tilespmem:v11+s31+$0x0], $0xffff;
	v9 =	vadd.f32 v13, v9;
	v8 =	vmul.f32 v8, v5;
	v10 =	vadd.f32 v12, v10  }
0x4aa: {  	s19 =	sor.u32 s10, s25;
	v42 =	vor.u32 $0x4, v27;
	v13 =	vld.idx.msk [tilespmem:v30+s31+$0x0], $0xffff  }
0x4ab: {  	v12 =	vmul.f32 v29, v16;
	v8 =	vadd.f32 v8, v9;
	v7 =	vmul.f32 v7, v17;
	[tilespmem:s19+$0x0] =	vst v10  }
0x4ac: {  	v9 =	vmul.f32 v41, v23;
	v10 =	vmul.f32 v31, v24;
	v29 =	vld.idx.msk [tilespmem:v14+s24+$0x0], $0xffff  }
0x4ad: {  	[tilespmem:s7+$0x180] =	vst v8;
	v8 =	vld.idx.msk [tilespmem:v14+s26+$0x0], $0xffff;
	v7 =	vadd.f32 v7, v12;
	v12 =	vmul.f32 v43, v15  }
0x4ae: {  	v44 =	vld.idx.msk [tilespmem:v14+s29+$0x0], $0xffff;
	v9 =	vadd.f32 v10, v9;
	v10 =	vmul.f32 v35, v25  }
0x4af: {  	v31 =	vor.u32 $0xB, v21;
	v14 =	vld.idx.msk [tilespmem:v14+s31+$0x0], $0xffff;
	v7 =	vadd.f32 v12, v7;
	v12 =	vmul.f32 v13, v1  }
0x4b0: {  	v30 =	vld.idx.msk [tilespmem:v42+s24+$0x0], $0xffff;
	v9 =	vadd.f32 v10, v9;
	v10 =	vmul.f32 v11, v26;
	v11 =	vor.u32 $0x6, v28  }
0x4b1: {  	v13 =	vld.idx.msk [tilespmem:v42+s26+$0x0], $0xffff;
	v7 =	vadd.f32 v12, v7  }
0x4b2: {  	s3 =	sor.u32 s6, s30;
	v12 =	vld.idx.msk [tilespmem:v42+s31+$0x0], $0xffff;
	v9 =	vadd.f32 v10, v9  }
0x4b3: {  	v10 =	vld.idx.msk [tilespmem:v42+s29+$0x0], $0xffff;
	[tilespmem:s3+$0x0] =	vst v7  }
0x4b4: {  	[tilespmem:s1+$0x280] =	vst v9;
	v7 =	vld.idx.msk [tilespmem:v31+s24+$0x0], $0xffff  }
0x4b5: {  	v8 =	vmul.f32 v8, v20;
	v9 =	vmul.f32 v29, v22;
	v29 =	vld.idx.msk [tilespmem:v11+s24+$0x0], $0xffff  }
0x4b6: {  	v30 =	vmul.f32 v30, v2;
	v45 =	vld.idx.msk [tilespmem:v11+s26+$0x0], $0xffff  }
0x4b7: {  	v13 =	vmul.f32 v13, v3;
	v46 =	vld.idx.msk [tilespmem:v31+s26+$0x0], $0xffff;
	v8 =	vadd.f32 v8, v9;
	v9 =	vmul.f32 v44, v19  }
0x4b8: {  	v47 =	vor.u32 $0x5, v27;
	v48 =	vld.idx.msk [tilespmem:v11+s29+$0x0], $0xffff  }
0x4b9: {  	v10 =	vmul.f32 v10, v4;
	v8 =	vadd.f32 v9, v8;
	v9 =	vadd.f32 v13, v30;
	v13 =	vld.idx.msk [tilespmem:v31+s29+$0x0], $0xffff  }
0x4ba: {  	v6 =	vor.u32 $0xF, v6;
	v14 =	vmul.f32 v14, v18;
	v11 =	vld.idx.msk [tilespmem:v11+s31+$0x0], $0xffff;
	v12 =	vmul.f32 v12, v5  }
0x4bb: {  	v9 =	vadd.f32 v10, v9;
	v10 =	vmul.f32 v29, v23;
	v29 =	vmul.f32 v45, v24  }
0x4bc: {  	s9 =	sor.u32 $0x17300, s12;
	v7 =	vmul.f32 v7, v16;
	v30 =	vmul.f32 v46, v17;
	v8 =	vadd.f32 v14, v8;
	v14 =	vld.idx.msk [tilespmem:v31+s31+$0x0], $0xffff  }
0x4bd: {  	s21 =	sor.u32 s10, s9;
	v9 =	vadd.f32 v12, v9;
	v10 =	vadd.f32 v29, v10;
	v12 =	vmul.f32 v48, v25  }
0x4be: {  	v7 =	vadd.f32 v30, v7;
	[tilespmem:s21+$0x0] =	vst v8;
	v8 =	vmul.f32 v13, v15  }
0x4bf: {  	v29 =	vld.idx.msk [tilespmem:v6+s24+$0x0], $0xffff;
	[tilespmem:s7+$0x200] =	vst v9;
	v9 =	vadd.f32 v12, v10;
	v10 =	vmul.f32 v11, v26;
	v11 =	vor.u32 $0x7, v28  }
0x4c0: {  	v13 =	vld.idx.msk [tilespmem:v47+s24+$0x0], $0xffff  }
0x4c1: {  	v7 =	vadd.f32 v8, v7;
	v8 =	vmul.f32 v14, v1;
	v9 =	vadd.f32 v10, v9;
	v10 =	vld.idx.msk [tilespmem:v47+s26+$0x0], $0xffff  }
0x4c2: {  	v12 =	vor.u32 $0xC, v21;
	v14 =	vld.idx.msk [tilespmem:v47+s29+$0x0], $0xffff  }
0x4c3: {  	v7 =	vadd.f32 v8, v7;
	v8 =	vld.idx.msk [tilespmem:v47+s31+$0x0], $0xffff;
	[tilespmem:s1+$0x300] =	vst v9  }
0x4c4: {  	s2 =	sor.u32 s6, s13;
	v9 =	vld.idx.msk [tilespmem:v11+s24+$0x0], $0xffff  }
0x4c5: {  	[tilespmem:s2+$0x0] =	vst v7;
	v7 =	vld.idx.msk [tilespmem:v11+s26+$0x0], $0xffff  }
0x4c6: {  	v31 =	vld.idx.msk [tilespmem:v11+s29+$0x0], $0xffff;
	v13 =	vmul.f32 v13, v2;
	v10 =	vmul.f32 v10, v3  }
0x4c7: {  	v30 =	vld.idx.msk [tilespmem:v12+s24+$0x0], $0xffff  }
0x4c8: {  	v14 =	vmul.f32 v14, v4;
	v49 =	vld.idx.msk [tilespmem:v12+s26+$0x0], $0xffff;
	v10 =	vadd.f32 v10, v13  }
0x4c9: {  	v11 =	vld.idx.msk [tilespmem:v11+s31+$0x0], $0xffff;
	v8 =	vmul.f32 v8, v5;
	v13 =	vor.u32 $0x6, v27  }
0x4ca: {  	v50 =	vld.idx.msk [tilespmem:v12+s29+$0x0], $0xffff;
	v9 =	vmul.f32 v9, v23;
	v7 =	vmul.f32 v7, v24;
	v10 =	vadd.f32 v14, v10  }
0x4cb: {  	v33 =	vld.idx.msk [tilespmem:v6+s26+$0x0], $0xffff  }
0x4cc: {  	v12 =	vld.idx.msk [tilespmem:v12+s31+$0x0], $0xffff;
	v7 =	vadd.f32 v7, v9;
	v9 =	vmul.f32 v31, v25;
	v8 =	vadd.f32 v8, v10  }
0x4cd: {  	v32 =	vld.idx.msk [tilespmem:v6+s29+$0x0], $0xffff;
	v14 =	vmul.f32 v49, v17;
	v10 =	vmul.f32 v30, v16  }
0x4ce: {  	v30 =	vld.idx.msk [tilespmem:v6+s31+$0x0], $0xffff;
	v6 =	vadd.f32 v9, v7;
	v7 =	vmul.f32 v11, v26;
	v9 =	vor.u32 $0x8, v28;
	[tilespmem:s7+$0x280] =	vst v8  }
0x4cf: {  	v8 =	vadd.f32 v14, v10;
	v10 =	vmul.f32 v50, v15;
	v37 =	vld.idx.msk [tilespmem:v13+s24+$0x0], $0xffff  }
0x4d0: {  	v6 =	vadd.f32 v7, v6;
	v14 =	vld.idx.msk [tilespmem:v13+s26+$0x0], $0xffff  }
0x4d1: {  	v38 =	vor.u32 $0xD, v21;
	v7 =	vmul.f32 v12, v1;
	v39 =	vld.idx.msk [tilespmem:v13+s29+$0x0], $0xffff;
	v8 =	vadd.f32 v10, v8  }
0x4d2: {  	v40 =	vld.idx.msk [tilespmem:v13+s31+$0x0], $0xffff;
	[tilespmem:s1+$0x380] =	vst v6  }
0x4d3: {  	v6 =	vld.idx.msk [tilespmem:v9+s24+$0x0], $0xffff;
	v7 =	vadd.f32 v7, v8  }
0x4d4: {  	s23 =	simm.s32 $0x40;
	s28 =	sor.u32 s6, s16;
	v8 =	vld.idx.msk [tilespmem:v9+s26+$0x0], $0xffff  }
0x4d5: {  	v10 =	vmov s23;
	v11 =	vld.idx.msk [tilespmem:v9+s29+$0x0], $0xffff;
	[tilespmem:s28+$0x0] =	vst v7  }
0x4d6: {  	v7 =	vshll.u32 v10, $0x4;
	v35 =	vld.idx.msk [tilespmem:v38+s24+$0x0], $0xffff  }
0x4d7: {  	v10 =	vor.u32 v0, v7;
	v7 =	vld.idx.msk [tilespmem:v9+s31+$0x0], $0xffff  }
0x4d8: {  	v36 =	vld.idx.msk [tilespmem:v38+s26+$0x0], $0xffff  }
0x4d9: {  	v37 =	vmul.f32 v37, v2;
	v14 =	vmul.f32 v14, v3;
	v34 =	vld.idx.msk [tilespmem:v38+s29+$0x0], $0xffff  }
0x4da: {  	s3 =	simm.s32 $0x3850;
	v38 =	vld.idx.msk [tilespmem:v38+s31+$0x0], $0xffff;
	v9 =	vmul.f32 v6, v23;
	v8 =	vmul.f32 v8, v24  }
0x4db: {  	s8 =	simm.s32 $0x3A50;
	v6 =	vld [tilespmem:s3+$0xFFFFFFF0]  }
0x4dc: {  	v56 =	vmul.f32 v39, v4;
	v14 =	vadd.f32 v14, v37;
	v8 =	vadd.f32 v8, v9;
	v9 =	vld [tilespmem:s8+$0xFFFFFFF0]  }
0x4dd: {  	v11 =	vmul.f32 v11, v25;
	v12 =	vld.idx.msk [tilespmem:v10+s24+$0x0], $0xffff  }
0x4de: {  	s13 =	simm.s32 $0x50;
	v42 =	vor.u32 $0x9, v28;
	v58 =	vmul.f32 v40, v5;
	v14 =	vadd.f32 v56, v14;
	v41 =	vld.idx.msk [tilespmem:v10+s26+$0x0], $0xffff  }
0x4df: {  	v13 =	vmov s13;
	s1 =	simm.s32 $0x3E50;
	v7 =	vmul.f32 v7, v26;
	v43 =	vld.idx.msk [tilespmem:v10+s31+$0x0], $0xffff;
	v11 =	vadd.f32 v11, v8  }
0x4e0: {  	v37 =	vadd.f32 v58, v14;
	v14 =	vld [tilespmem:s1+$0x0];
	v8 =	vshll.u32 v13, $0x4  }
0x4e1: {  	s11 =	simm.s32 $0x3C50;
	s15 =	sor.u32 $0x17000, s14;
	v13 =	vld.idx.msk [tilespmem:v10+s29+$0x0], $0xffff;
	v31 =	vor.u32 v0, v8;
	v11 =	vadd.f32 v7, v11  }
0x4e2: {  	s30 =	sor.u32 s5, s15;
	v8 =	vld [tilespmem:s11+$0xFFFFFFF0]  }
0x4e3: {  	v7 =	vld [tilespmem:s1+$0xFFFFFFF0];
	[tilespmem:s30+$0x0] =	vst v11  }
0x4e4: {  	v51 =	vld.idx.msk [tilespmem:v42+s24+$0x0], $0xffff  }
0x4e5: {  	v11 =	vmul.f32 v12, v6;
	v12 =	vmul.f32 v41, v9;
	v44 =	vld.idx.msk [tilespmem:v42+s26+$0x0], $0xffff  }
0x4e6: {  	v45 =	vld.idx.msk [tilespmem:v31+s24+$0x0], $0xffff  }
0x4e7: {  	v11 =	vadd.f32 v12, v11;
	v12 =	vmul.f32 v13, v8;
	v13 =	vld.idx.msk [tilespmem:v42+s29+$0x0], $0xffff  }
0x4e8: {  	v46 =	vld.idx.msk [tilespmem:v31+s26+$0x0], $0xffff  }
0x4e9: {  	v42 =	vld.idx.msk [tilespmem:v42+s31+$0x0], $0xffff  }
0x4ea: {  	s4 =	simm.s32 $0x200;
	v52 =	vor.u32 $0x1, v10;
	v53 =	vld.idx.msk [tilespmem:v31+s29+$0x0], $0xffff;
	v11 =	vadd.f32 v12, v11;
	v12 =	vmul.f32 v43, v7  }
0x4eb: {  	s19 =	sand.u32 $0xC00, s4;
	v40 =	vld.idx.msk [tilespmem:v31+s31+$0x0], $0xffff  }
0x4ec: {  	s17 =	sor.u32 $0x16000, s19;
	s21 =	sand.u32 $0x60, s23;
	v47 =	vadd.f32 v12, v11;
	v11 =	vld [tilespmem:s3+$0x0];
	v41 =	vmul.f32 v51, v23;
	v44 =	vmul.f32 v44, v24  }
0x4ed: {  	s2 =	sor.u32 s21, s17;
	v12 =	vld [tilespmem:s8+$0x0]  }
0x4ee: {  	v49 =	vor.u32 $0x7, v27;
	v55 =	vmul.f32 v13, v25;
	v13 =	vld [tilespmem:s11+$0x0];
	[tilespmem:s2+$0x0] =	vst v47;
	v41 =	vadd.f32 v44, v41  }
0x4ef: {  	v48 =	vld.idx.msk [tilespmem:v52+s24+$0x0], $0xffff  }
0x4f0: {  	v42 =	vmul.f32 v42, v26;
	v44 =	vor.u32 $0xA, v28;
	v57 =	vld.idx.msk [tilespmem:v52+s26+$0x0], $0xffff;
	v41 =	vadd.f32 v55, v41  }
0x4f1: {  	[tilespmem:s7+$0x300] =	vst v37;
	v50 =	vld.idx.msk [tilespmem:v52+s29+$0x0], $0xffff  }
0x4f2: {  	s30 =	sor.u32 $0x17080, s14;
	v59 =	vld.idx.msk [tilespmem:v52+s31+$0x0], $0xffff;
	v61 =	vmul.f32 v45, v11;
	v62 =	vmul.f32 v46, v12;
	v41 =	vadd.f32 v42, v41  }
0x4f3: {  	s16 =	sor.u32 s5, s30;
	v55 =	vld.idx.msk [tilespmem:v49+s24+$0x0], $0xffff  }
0x4f4: {  	v56 =	vmul.f32 v53, v13;
	v37 =	vadd.f32 v62, v61;
	v62 =	vld.idx.msk [tilespmem:v49+s31+$0x0], $0xffff;
	[tilespmem:s16+$0x0] =	vst v41  }
0x4f5: {  	v60 =	vmul.f32 v48, v6;
	v39 =	vmul.f32 v57, v9;
	v43 =	vld.idx.msk [tilespmem:v44+s24+$0x0], $0xffff  }
0x4f6: {  	v51 =	vor.u32 $0x1, v31;
	v40 =	vmul.f32 v40, v14;
	v63 =	vld.idx.msk [tilespmem:v44+s26+$0x0], $0xffff  }
0x4f7: {  	v54 =	vmul.f32 v50, v8;
	v57 =	vld.idx.msk [tilespmem:v44+s29+$0x0], $0xffff;
	v37 =	vadd.f32 v56, v37;
	v39 =	vadd.f32 v39, v60  }
0x4f8: {  	v42 =	vor.u32 $0x2, v10;
	v60 =	vld.idx.msk [tilespmem:v49+s29+$0x0], $0xffff  }
0x4f9: {  	s23 =	sand.u32 $0x70, s13;
	v58 =	vmul.f32 v59, v7;
	v59 =	vld.idx.msk [tilespmem:v49+s26+$0x0], $0xffff;
	v37 =	vadd.f32 v40, v37;
	v39 =	vadd.f32 v54, v39  }
0x4fa: {  	s17 =	sor.u32 s23, s17;
	v35 =	vmul.f32 v35, v16;
	v44 =	vld.idx.msk [tilespmem:v44+s31+$0x0], $0xffff  }
0x4fb: {  	[tilespmem:s17+$0x0] =	vst v37;
	v39 =	vadd.f32 v58, v39;
	v43 =	vmul.f32 v43, v23;
	v61 =	vmul.f32 v63, v24  }
0x4fc: {  	v36 =	vmul.f32 v36, v17;
	v49 =	vmul.f32 v57, v25;
	v57 =	vld.idx.msk [tilespmem:v51+s24+$0x0], $0xffff  }
0x4fd: {  	v41 =	vmul.f32 v60, v4;
	v60 =	vld.idx.msk [tilespmem:v51+s26+$0x0], $0xffff;
	[tilespmem:s2+$0x80] =	vst v39;
	v63 =	vadd.f32 v61, v43  }
0x4fe: {  	v55 =	vmul.f32 v55, v2;
	v56 =	vmul.f32 v59, v3;
	v52 =	vld.idx.msk [tilespmem:v42+s24+$0x0], $0xffff  }
0x4ff: {  	v48 =	vor.u32 $0xB, v28;
	v54 =	vmul.f32 v44, v26;
	v53 =	vld.idx.msk [tilespmem:v42+s26+$0x0], $0xffff;
	v39 =	vadd.f32 v49, v63  }
0x500: {  	v59 =	vadd.f32 v56, v55;
	v56 =	vld.idx.msk [tilespmem:v51+s31+$0x0], $0xffff  }
0x501: {  	s28 =	sor.u32 $0x17100, s14;
	v35 =	vadd.f32 v36, v35;
	v58 =	vld.idx.msk [tilespmem:v42+s29+$0x0], $0xffff;
	v63 =	vmul.f32 v34, v15;
	v39 =	vadd.f32 v54, v39  }
0x502: {  	v38 =	vmul.f32 v38, v1;
	s16 =	sor.u32 s5, s28;
	v40 =	vmul.f32 v62, v5;
	v61 =	vld.idx.msk [tilespmem:v51+s29+$0x0], $0xffff  }
0x503: {  	v42 =	vld.idx.msk [tilespmem:v42+s31+$0x0], $0xffff;
	v41 =	vadd.f32 v41, v59;
	v34 =	vor.u32 $0xE, v21;
	v35 =	vadd.f32 v63, v35;
	[tilespmem:s16+$0x0] =	vst v39  }
0x504: {  	v39 =	vor.u32 $0x8, v27;
	v45 =	vmul.f32 v52, v6;
	v37 =	vmul.f32 v53, v9;
	v62 =	vld.idx.msk [tilespmem:v48+s24+$0x0], $0xffff  }
0x505: {  	v35 =	vadd.f32 v38, v35;
	v53 =	vld.idx.msk [tilespmem:v48+s26+$0x0], $0xffff  }
0x506: {  	v52 =	vadd.f32 v40, v41;
	v55 =	vmul.f32 v58, v8;
	s16 =	sor.u32 s6, s25;
	v58 =	vld.idx.msk [tilespmem:v48+s29+$0x0], $0xffff;
	v54 =	vadd.f32 v37, v45  }
0x507: {  	v57 =	vmul.f32 v57, v11;
	v44 =	vmul.f32 v60, v12;
	v48 =	vld.idx.msk [tilespmem:v48+s31+$0x0], $0xffff;
	[tilespmem:s16+$0x0] =	vst v35  }
0x508: {  	v59 =	vmul.f32 v42, v7;
	v42 =	vor.u32 $0x3, v10;
	[tilespmem:s7+$0x380] =	vst v52;
	v35 =	vld.idx.msk [tilespmem:v34+s24+$0x0], $0xffff;
	v36 =	vadd.f32 v55, v54  }
0x509: {  	v43 =	vmul.f32 v61, v13;
	v44 =	vadd.f32 v44, v57;
	v60 =	vld.idx.msk [tilespmem:v39+s24+$0x0], $0xffff  }
0x50a: {  	v61 =	vld.idx.msk [tilespmem:v39+s26+$0x0], $0xffff;
	v36 =	vadd.f32 v59, v36  }
0x50b: {  	v51 =	vmul.f32 v56, v14;
	v43 =	vadd.f32 v43, v44;
	v63 =	vld.idx.msk [tilespmem:v39+s29+$0x0], $0xffff  }
0x50c: {  	v46 =	vor.u32 $0x2, v31;
	v39 =	vld.idx.msk [tilespmem:v39+s31+$0x0], $0xffff;
	v62 =	vmul.f32 v62, v23;
	v40 =	vmul.f32 v53, v24;
	[tilespmem:s2+$0x100] =	vst v36  }
0x50d: {  	v52 =	vld.idx.msk [tilespmem:v42+s24+$0x0], $0xffff  }
0x50e: {  	v53 =	vmul.f32 v58, v25;
	v38 =	vadd.f32 v40, v62;
	v36 =	vadd.f32 v51, v43;
	v54 =	vld.idx.msk [tilespmem:v42+s26+$0x0], $0xffff  }
0x50f: {  	v55 =	vmul.f32 v48, v26;
	v57 =	vld.idx.msk [tilespmem:v42+s29+$0x0], $0xffff  }
0x510: {  	v56 =	vor.u32 $0xC, v28;
	v38 =	vadd.f32 v53, v38;
	[tilespmem:s17+$0x80] =	vst v36;
	v58 =	vmul.f32 v60, v2;
	v60 =	vld.idx.msk [tilespmem:v42+s31+$0x0], $0xffff  }
0x511: {  	v37 =	vmul.f32 v61, v3;
	v59 =	vld.idx.msk [tilespmem:v46+s24+$0x0], $0xffff  }
0x512: {  	s13 =	sor.u32 $0x17180, s14;
	v62 =	vld.idx.msk [tilespmem:v46+s26+$0x0], $0xffff;
	v38 =	vadd.f32 v55, v38  }
0x513: {  	s25 =	sor.u32 s5, s13;
	v61 =	vmul.f32 v63, v4;
	v53 =	vld.idx.msk [tilespmem:v46+s29+$0x0], $0xffff;
	v36 =	vadd.f32 v37, v58  }
0x514: {  	v45 =	vor.u32 $0x9, v27;
	v39 =	vmul.f32 v39, v5;
	v46 =	vld.idx.msk [tilespmem:v46+s31+$0x0], $0xffff;
	[tilespmem:s25+$0x0] =	vst v38  }
0x515: {  	v63 =	vmul.f32 v52, v6;
	v49 =	vmul.f32 v54, v9;
	v36 =	vadd.f32 v61, v36;
	v50 =	vld.idx.msk [tilespmem:v56+s24+$0x0], $0xffff  }
0x516: {  	v51 =	vld.idx.msk [tilespmem:v56+s26+$0x0], $0xffff  }
0x517: {  	v52 =	vmul.f32 v57, v8;
	v54 =	vld.idx.msk [tilespmem:v56+s29+$0x0], $0xffff;
	v38 =	vadd.f32 v49, v63;
	v36 =	vadd.f32 v39, v36  }
0x518: {  	s16 =	sor.u32 s0, s15;
	v55 =	vor.u32 $0x4, v10;
	v40 =	vmul.f32 v60, v7;
	v56 =	vld.idx.msk [tilespmem:v56+s31+$0x0], $0xffff  }
0x519: {  	v57 =	vmul.f32 v59, v11;
	v37 =	vmul.f32 v62, v12;
	v38 =	vadd.f32 v52, v38;
	[tilespmem:s16+$0x0] =	vst v36  }
0x51a: {  	v58 =	vld.idx.msk [tilespmem:v45+s24+$0x0], $0xffff  }
0x51b: {  	v60 =	vmul.f32 v53, v13;
	v37 =	vadd.f32 v37, v57;
	v59 =	vld.idx.msk [tilespmem:v45+s26+$0x0], $0xffff;
	v38 =	vadd.f32 v40, v38  }
0x51c: {  	v61 =	vld.idx.msk [tilespmem:v45+s29+$0x0], $0xffff;
	v44 =	vmul.f32 v50, v23;
	v42 =	vmul.f32 v51, v24  }
0x51d: {  	v45 =	vld.idx.msk [tilespmem:v45+s31+$0x0], $0xffff;
	v39 =	vmul.f32 v54, v25;
	v37 =	vadd.f32 v60, v37;
	[tilespmem:s2+$0x180] =	vst v38  }
0x51e: {  	v51 =	vmul.f32 v46, v14;
	v42 =	vadd.f32 v42, v44;
	v44 =	vor.u32 $0x3, v31;
	v62 =	vld.idx.msk [tilespmem:v55+s24+$0x0], $0xffff  }
0x51f: {  	v63 =	vld.idx.msk [tilespmem:v55+s26+$0x0], $0xffff  }
0x520: {  	v36 =	vmul.f32 v56, v26;
	v37 =	vadd.f32 v51, v37;
	v52 =	vld.idx.msk [tilespmem:v55+s29+$0x0], $0xffff;
	v39 =	vadd.f32 v39, v42  }
0x521: {  	v41 =	vld.idx.msk [tilespmem:v55+s31+$0x0], $0xffff;
	v42 =	vor.u32 $0xD, v28  }
0x522: {  	[tilespmem:s17+$0x100] =	vst v37;
	v39 =	vadd.f32 v36, v39;
	v36 =	vld.idx.msk [tilespmem:v34+s26+$0x0], $0xffff  }
0x523: {  	s7 =	sor.u32 $0x17200, s14;
	v53 =	vmul.f32 v58, v2;
	v54 =	vmul.f32 v59, v3;
	v43 =	vld.idx.msk [tilespmem:v44+s24+$0x0], $0xffff  }
0x524: {  	s25 =	sor.u32 s5, s7;
	v55 =	vmul.f32 v61, v4;
	v56 =	vmul.f32 v62, v6;
	v62 =	vld.idx.msk [tilespmem:v44+s26+$0x0], $0xffff  }
0x525: {  	v38 =	vadd.f32 v54, v53;
	[tilespmem:s25+$0x0] =	vst v39;
	v61 =	vmul.f32 v52, v8;
	v52 =	vld.idx.msk [tilespmem:v44+s29+$0x0], $0xffff  }
0x526: {  	v60 =	vmul.f32 v45, v5;
	v58 =	vld.idx.msk [tilespmem:v42+s24+$0x0], $0xffff  }
0x527: {  	v45 =	vor.u32 $0xA, v27;
	v57 =	vmul.f32 v63, v9;
	v37 =	vadd.f32 v55, v38;
	v59 =	vld.idx.msk [tilespmem:v42+s26+$0x0], $0xffff  }
0x528: {  	v38 =	vld.idx.msk [tilespmem:v44+s31+$0x0], $0xffff  }
0x529: {  	v63 =	vld.idx.msk [tilespmem:v42+s29+$0x0], $0xffff;
	v39 =	vadd.f32 v57, v56;
	v37 =	vadd.f32 v60, v37  }
0x52a: {  	s16 =	sor.u32 s0, s30;
	v40 =	vor.u32 $0x5, v10;
	v51 =	vmul.f32 v41, v7;
	v42 =	vld.idx.msk [tilespmem:v42+s31+$0x0], $0xffff  }
0x52b: {  	v50 =	vadd.f32 v61, v39;
	[tilespmem:s16+$0x0] =	vst v37;
	v43 =	vmul.f32 v43, v11;
	v57 =	vmul.f32 v62, v12  }
0x52c: {  	v56 =	vld.idx.msk [tilespmem:v45+s24+$0x0], $0xffff;
	v54 =	vmul.f32 v58, v23;
	v55 =	vmul.f32 v59, v24  }
0x52d: {  	v41 =	vmul.f32 v52, v13;
	v62 =	vld.idx.msk [tilespmem:v45+s29+$0x0], $0xffff;
	v53 =	vadd.f32 v51, v50;
	v37 =	vadd.f32 v57, v43  }
0x52e: {  	v58 =	vld.idx.msk [tilespmem:v45+s26+$0x0], $0xffff;
	v60 =	vmul.f32 v63, v25;
	v39 =	vadd.f32 v55, v54  }
0x52f: {  	v38 =	vmul.f32 v38, v14;
	[tilespmem:s2+$0x200] =	vst v53;
	v53 =	vld.idx.msk [tilespmem:v45+s31+$0x0], $0xffff;
	v37 =	vadd.f32 v41, v37  }
0x530: {  	v42 =	vmul.f32 v42, v26;
	v50 =	vor.u32 $0x4, v31;
	v63 =	vld.idx.msk [tilespmem:v40+s29+$0x0], $0xffff;
	v39 =	vadd.f32 v60, v39  }
0x531: {  	v59 =	vld.idx.msk [tilespmem:v40+s24+$0x0], $0xffff;
	v37 =	vadd.f32 v38, v37  }
0x532: {  	s15 =	sor.u32 $0x17280, s14;
	v61 =	vld.idx.msk [tilespmem:v40+s26+$0x0], $0xffff;
	v39 =	vadd.f32 v42, v39  }
0x533: {  	s25 =	sor.u32 s5, s15;
	v43 =	vor.u32 $0xE, v28;
	v40 =	vld.idx.msk [tilespmem:v40+s31+$0x0], $0xffff;
	[tilespmem:s17+$0x180] =	vst v37  }
0x534: {  	v54 =	vmul.f32 v56, v2;
	v55 =	vmul.f32 v58, v3;
	[tilespmem:s25+$0x0] =	vst v39;
	v39 =	vld.idx.msk [tilespmem:v34+s29+$0x0], $0xffff  }
0x535: {  	v60 =	vmul.f32 v62, v4;
	v62 =	vmul.f32 v63, v8;
	v63 =	vld.idx.msk [tilespmem:v50+s24+$0x0], $0xffff  }
0x536: {  	v38 =	vadd.f32 v55, v54;
	v55 =	vld.idx.msk [tilespmem:v50+s26+$0x0], $0xffff  }
0x537: {  	v34 =	vld.idx.msk [tilespmem:v34+s31+$0x0], $0xffff  }
0x538: {  	v56 =	vmul.f32 v59, v6;
	v57 =	vmul.f32 v61, v9;
	v58 =	vld.idx.msk [tilespmem:v43+s24+$0x0], $0xffff  }
0x539: {  	v48 =	vor.u32 $0xB, v27;
	v59 =	vld.idx.msk [tilespmem:v43+s26+$0x0], $0xffff  }
0x53a: {  	v41 =	vmul.f32 v53, v5;
	v52 =	vld.idx.msk [tilespmem:v43+s29+$0x0], $0xffff;
	v38 =	vadd.f32 v60, v38;
	v61 =	vadd.f32 v57, v56  }
0x53b: {  	v54 =	vor.u32 $0x6, v10;
	v43 =	vld.idx.msk [tilespmem:v43+s31+$0x0], $0xffff  }
0x53c: {  	v40 =	vmul.f32 v40, v7;
	v56 =	vld.idx.msk [tilespmem:v50+s29+$0x0], $0xffff;
	v38 =	vadd.f32 v41, v38;
	v53 =	vadd.f32 v62, v61  }
0x53d: {  	v22 =	vmul.f32 v29, v22;
	s28 =	sor.u32 s0, s28;
	v57 =	vld.idx.msk [tilespmem:v50+s31+$0x0], $0xffff  }
0x53e: {  	[tilespmem:s28+$0x0] =	vst v38;
	v40 =	vadd.f32 v40, v53;
	v47 =	vmul.f32 v58, v23;
	v37 =	vmul.f32 v59, v24  }
0x53f: {  	v20 =	vmul.f32 v33, v20;
	v19 =	vmul.f32 v32, v19;
	v38 =	vld.idx.msk [tilespmem:v48+s24+$0x0], $0xffff  }
0x540: {  	v58 =	vmul.f32 v52, v25;
	v60 =	vld.idx.msk [tilespmem:v48+s26+$0x0], $0xffff;
	[tilespmem:s2+$0x280] =	vst v40;
	v37 =	vadd.f32 v37, v47  }
0x541: {  	v46 =	vmul.f32 v63, v11;
	v45 =	vmul.f32 v55, v12;
	v40 =	vld.idx.msk [tilespmem:v54+s24+$0x0], $0xffff  }
0x542: {  	v28 =	vor.u32 $0xF, v28;
	v43 =	vmul.f32 v43, v26;
	v59 =	vld.idx.msk [tilespmem:v54+s26+$0x0], $0xffff;
	v37 =	vadd.f32 v58, v37  }
0x543: {  	v20 =	vadd.f32 v20, v22;
	v62 =	vld.idx.msk [tilespmem:v48+s29+$0x0], $0xffff;
	v45 =	vadd.f32 v45, v46;
	v41 =	vmul.f32 v56, v13  }
0x544: {  	s25 =	sor.u32 $0x17300, s14;
	v61 =	vld.idx.msk [tilespmem:v54+s29+$0x0], $0xffff;
	v37 =	vadd.f32 v43, v37  }
0x545: {  	v20 =	vadd.f32 v19, v20;
	s30 =	sor.u32 s5, s25;
	v51 =	vld.idx.msk [tilespmem:v48+s31+$0x0], $0xffff;
	v42 =	vmul.f32 v57, v14;
	v41 =	vadd.f32 v41, v45  }
0x546: {  	v63 =	vor.u32 $0x5, v31;
	v29 =	vld.idx.msk [tilespmem:v54+s31+$0x0], $0xffff;
	v38 =	vmul.f32 v38, v2;
	v47 =	vmul.f32 v60, v3;
	[tilespmem:s30+$0x0] =	vst v37  }
0x547: {  	v41 =	vadd.f32 v42, v41;
	v40 =	vmul.f32 v40, v6;
	v52 =	vmul.f32 v59, v9;
	v46 =	vld.idx.msk [tilespmem:v28+s24+$0x0], $0xffff  }
0x548: {  	v30 =	vmul.f32 v30, v18;
	v43 =	vmul.f32 v62, v4;
	v38 =	vadd.f32 v47, v38;
	v42 =	vld.idx.msk [tilespmem:v28+s26+$0x0], $0xffff  }
0x549: {  	[tilespmem:s17+$0x200] =	vst v41;
	v54 =	vmul.f32 v61, v8;
	v41 =	vld.idx.msk [tilespmem:v28+s29+$0x0], $0xffff;
	v53 =	vadd.f32 v52, v40  }
0x54a: {  	v57 =	vor.u32 $0xC, v27;
	v58 =	vmul.f32 v51, v5;
	v22 =	vld.idx.msk [tilespmem:v28+s31+$0x0], $0xffff;
	v28 =	vadd.f32 v43, v38  }
0x54b: {  	v55 =	vor.u32 $0x7, v10;
	v29 =	vmul.f32 v29, v7;
	v56 =	vld.idx.msk [tilespmem:v63+s24+$0x0], $0xffff;
	v33 =	vadd.f32 v54, v53  }
0x54c: {  	v59 =	vld.idx.msk [tilespmem:v63+s26+$0x0], $0xffff;
	v18 =	vadd.f32 v58, v28  }
0x54d: {  	v20 =	vadd.f32 v30, v20;
	s13 =	sor.u32 s0, s13;
	v61 =	vld.idx.msk [tilespmem:v63+s29+$0x0], $0xffff;
	v29 =	vadd.f32 v29, v33  }
0x54e: {  	v19 =	vmul.f32 v35, v16;
	v60 =	vmul.f32 v36, v17;
	v63 =	vld.idx.msk [tilespmem:v63+s31+$0x0], $0xffff;
	[tilespmem:s13+$0x0] =	vst v18  }
0x54f: {  	v30 =	vor.u32 $0x7, v31;
	v34 =	vmul.f32 v34, v1;
	v62 =	vor.u32 $0xF, v21;
	v51 =	vld.idx.msk [tilespmem:v57+s24+$0x0], $0xffff;
	[tilespmem:s2+$0x300] =	vst v29  }
0x550: {  	v21 =	vor.u32 $0xD, v27;
	v28 =	vadd.f32 v60, v19;
	v29 =	vmul.f32 v39, v15;
	v48 =	vld.idx.msk [tilespmem:v55+s24+$0x0], $0xffff  }
0x551: {  	v19 =	vor.u32 $0xE, v27;
	v52 =	vmul.f32 v56, v11;
	v33 =	vmul.f32 v59, v12;
	v49 =	vld.idx.msk [tilespmem:v55+s26+$0x0], $0xffff  }
0x552: {  	s28 =	sor.u32 $0x17380, s12;
	v18 =	vor.u32 $0xF, v27;
	v36 =	vmul.f32 v61, v13;
	v54 =	vld.idx.msk [tilespmem:v57+s26+$0x0], $0xffff;
	v27 =	vadd.f32 v29, v28  }
0x553: {  	s10 =	sor.u32 s10, s28;
	v23 =	vmul.f32 v46, v23;
	v24 =	vmul.f32 v42, v24;
	v33 =	vadd.f32 v33, v52;
	v53 =	vld.idx.msk [tilespmem:v55+s29+$0x0], $0xffff  }
0x554: {  	v50 =	vor.u32 $0x6, v31;
	[tilespmem:s10+$0x0] =	vst v20;
	v32 =	vmul.f32 v63, v14;
	v56 =	vld.idx.msk [tilespmem:v57+s31+$0x0], $0xffff;
	v27 =	vadd.f32 v34, v27  }
0x555: {  	s9 =	sor.u32 s6, s9;
	v23 =	vadd.f32 v24, v23;
	v24 =	vmul.f32 v41, v25;
	v40 =	vld.idx.msk [tilespmem:v55+s31+$0x0], $0xffff;
	v33 =	vadd.f32 v36, v33  }
0x556: {  	v20 =	vor.u32 $0xF, v31;
	v55 =	vld.idx.msk [tilespmem:v57+s29+$0x0], $0xffff;
	[tilespmem:s9+$0x0] =	vst v27;
	v35 =	vmul.f32 v48, v6;
	v37 =	vmul.f32 v49, v9  }
0x557: {  	v22 =	vmul.f32 v22, v26;
	v29 =	vor.u32 $0x8, v31;
	v32 =	vadd.f32 v32, v33;
	v57 =	vld.idx.msk [tilespmem:v62+s24+$0x0], $0xffff  }
0x558: {  	v23 =	vadd.f32 v24, v23;
	v26 =	vmul.f32 v53, v8;
	v58 =	vld.idx.msk [tilespmem:v62+s26+$0x0], $0xffff;
	v25 =	vadd.f32 v37, v35  }
0x559: {  	v28 =	vor.u32 $0x9, v31;
	v24 =	vmul.f32 v51, v2;
	v34 =	vmul.f32 v54, v3;
	[tilespmem:s17+$0x280] =	vst v32;
	v59 =	vld.idx.msk [tilespmem:v62+s29+$0x0], $0xffff  }
0x55a: {  	v33 =	vor.u32 $0x8, v10;
	v40 =	vmul.f32 v40, v7;
	v38 =	vld.idx.msk [tilespmem:v50+s26+$0x0], $0xffff;
	v60 =	vadd.f32 v26, v25  }
0x55b: {  	s30 =	sor.u32 $0x17380, s14;
	v22 =	vadd.f32 v22, v23;
	v61 =	vadd.f32 v34, v24;
	v26 =	vld.idx.msk [tilespmem:v62+s31+$0x0], $0xffff;
	v62 =	vmul.f32 v55, v4  }
0x55c: {  	s5 =	sor.u32 s5, s30;
	v63 =	vmul.f32 v56, v5;
	v23 =	vor.u32 $0xD, v31;
	v35 =	vld.idx.msk [tilespmem:v50+s24+$0x0], $0xffff;
	v40 =	vadd.f32 v40, v60  }
0x55d: {  	s12 =	simm.s32 $0x4;
	v27 =	vor.u32 $0xA, v31;
	v24 =	vor.u32 $0xC, v31;
	[tilespmem:s5+$0x0] =	vst v22;
	v36 =	vld.idx.msk [tilespmem:v50+s29+$0x0], $0xffff;
	v32 =	vadd.f32 v62, v61  }
0x55e: {  	s6 =	sor.u32 s6, s28;
	s10 =	sor.u32 s0, s25;
	v22 =	vor.u32 $0xE, v31;
	s5 =	sor.u32 s0, s15;
	v39 =	vld.idx.msk [tilespmem:v50+s31+$0x0], $0xffff;
	v16 =	vmul.f32 v57, v16;
	v17 =	vmul.f32 v58, v17;
	[tilespmem:s2+$0x380] =	vst v40  }
0x55f: {  	v25 =	vor.u32 $0xB, v31;
	v31 =	vmul.f32 v59, v15;
	s2 =	sor.u32 s0, s7;
	s7 =	sor.u32 s0, s30;
	s0 =	simm.s32 $0x70;
	v32 =	vadd.f32 v63, v32;
	v37 =	vld.idx.msk [tilespmem:v33+s24+$0x0], $0xffff  }
.LBB2_15:
0x560: {  	s9 =	sadd.s32 $0xFFFFFFF0, s0;
	v15 =	vmov s0;
	s14 =	sand.u32 $0x70, s0;
	v34 =	vld.idx.msk [tilespmem:v33+s26+$0x0], $0xffff;
	v49 =	vadd.f32 v17, v16;
	v50 =	vmul.f32 v26, v1;
	v1 =	vmovc v5;
	v5 =	vmovc v14  }
0x561: {  	v16 =	vmul.f32 v35, v11;
	v14 =	vmov s9;
	v15 =	vshll.u32 v15, $0x4;
	[tilespmem:s2+$0x0] =	vst v32  }
0x562: {  	v32 =	vmul.f32 v38, v12;
	v14 =	vshll.u32 v14, $0x4;
	v51 =	vor.u32 v0, v15;
	v17 =	vld.idx.msk [tilespmem:v33+s29+$0x0], $0xffff  }
0x563: {  	v38 =	vor.u32 v0, v14;
	v47 =	vor.u32 $0x1, v51;
	v45 =	vor.u32 $0x2, v51;
	v14 =	vld.idx.msk [tilespmem:v21+s24+$0x0], $0xffff  }
0x564: {  	v43 =	vor.u32 $0x3, v51;
	v41 =	vor.u32 $0x4, v51;
	v26 =	vor.u32 $0x5, v51;
	v40 =	vld.idx.msk [tilespmem:v33+s31+$0x0], $0xffff  }
0x565: {  	v15 =	vor.u32 $0x6, v51;
	v16 =	vadd.f32 v32, v16;
	v32 =	vmul.f32 v36, v13;
	v52 =	vld.idx.msk [tilespmem:v21+s26+$0x0], $0xffff  }
0x566: {  	s3 =	sadd.s32 $0x20, s3;
	v48 =	vor.u32 $0x7, v51;
	v35 =	vmul.f32 v37, v6;
	v34 =	vmul.f32 v34, v9;
	v37 =	vld.idx.msk [tilespmem:v21+s29+$0x0], $0xffff  }
0x567: {  	v46 =	vor.u32 $0x8, v51;
	v16 =	vadd.f32 v32, v16;
	v32 =	vmul.f32 v39, v5;
	v33 =	vld [tilespmem:s3+$0xFFFFFFF0]  }
0x568: {  	v44 =	vor.u32 $0x9, v51;
	v34 =	vadd.f32 v34, v35;
	v17 =	vmul.f32 v17, v8;
	v53 =	vld.idx.msk [tilespmem:v38+s24+$0x0], $0xffff  }
0x569: {  	s8 =	sadd.s32 $0x20, s8;
	v42 =	vor.u32 $0xA, v51;
	v39 =	vor.u32 $0xB, v51;
	v16 =	vadd.f32 v32, v16;
	v54 =	vld.idx.msk [tilespmem:v38+s26+$0x0], $0xffff  }
0x56a: {  	v55 =	vor.u32 $0x9, v10;
	v32 =	vadd.f32 v17, v34;
	v34 =	vmul.f32 v40, v7;
	v35 =	vld [tilespmem:s8+$0xFFFFFFF0]  }
0x56b: {  	s11 =	sadd.s32 $0x20, s11;
	v57 =	vor.u32 $0xD, v51;
	v14 =	vmul.f32 v14, v2;
	v17 =	vor.u32 $0xC, v51;
	v56 =	vld.idx.msk [tilespmem:v38+s29+$0x0], $0xffff;
	[tilespmem:s17+$0x300] =	vst v16  }
0x56c: {  	s2 =	sor.u32 $0x17000, s19;
	v32 =	vadd.f32 v34, v32;
	v34 =	vmul.f32 v52, v3;
	v52 =	vmul.f32 v37, v4;
	v36 =	vld [tilespmem:s11+$0xFFFFFFF0]  }
0x56d: {  	s1 =	sadd.s32 $0x20, s1;
	s13 =	sor.u32 s21, s2;
	s2 =	sor.u32 s23, s2;
	v31 =	vadd.f32 v31, v49;
	v40 =	vor.u32 $0xE, v51;
	v16 =	vor.u32 $0xF, v51;
	v58 =	vld.idx.msk [tilespmem:v38+s31+$0x0], $0xffff  }
0x56e: {  	v14 =	vadd.f32 v34, v14;
	v37 =	vld [tilespmem:s1+$0xFFFFFFF0];
	[tilespmem:s13+$0x0] =	vst v32  }
0x56f: {  	v31 =	vadd.f32 v50, v31;
	v32 =	vmul.f32 v53, v33;
	v34 =	vmul.f32 v54, v35;
	v53 =	vld.idx.msk [tilespmem:v55+s24+$0x0], $0xffff  }
0x570: {  	s12 =	sadd.s32 $0x2, s12;
	v49 =	vadd.f32 v52, v14;
	v50 =	vld.idx.msk [tilespmem:v55+s26+$0x0], $0xffff  }
0x571: {  	p0 =	slt.u32 s12, $0x1E;
	v14 =	vadd.f32 v34, v32;
	v32 =	vmul.f32 v56, v36;
	v52 =	vld.idx.msk [tilespmem:v51+s24+$0x0], $0xffff;
	[tilespmem:s6+$0x0] =	vst v31;
	s6 =	smov.u32 s7  }
0x572: {  	v34 =	vld.idx.msk [tilespmem:v55+s29+$0x0], $0xffff  }
0x573: {  	s4 =	sadd.s32 $0x100, s4;
	v54 =	vor.u32 $0x1, v38;
	v14 =	vadd.f32 v32, v14;
	v31 =	vmul.f32 v58, v37;
	v56 =	vld.idx.msk [tilespmem:v51+s26+$0x0], $0xffff  }
0x574: {  	s7 =	sand.u32 $0xC00, s4;
	v55 =	vld.idx.msk [tilespmem:v55+s31+$0x0], $0xffff  }
0x575: {  	s25 =	sand.u32 $0x60, s9;
	s13 =	sor.u32 $0x16000, s7;
	v14 =	vadd.f32 v31, v14;
	v32 =	vld [tilespmem:s3+$0x0]  }
0x576: {  	s9 =	sor.u32 s25, s13;
	s13 =	sor.u32 s14, s13;
	v53 =	vmul.f32 v53, v6;
	v50 =	vmul.f32 v50, v9;
	v31 =	vld [tilespmem:s8+$0x0]  }
0x577: {  	[tilespmem:s9+$0x0] =	vst v14;
	v58 =	vld.idx.msk [tilespmem:v51+s29+$0x0], $0xffff  }
0x578: {  	v14 =	vadd.f32 v50, v53;
	v50 =	vmul.f32 v34, v8;
	v59 =	vld.idx.msk [tilespmem:v54+s24+$0x0], $0xffff  }
0x579: {  	v53 =	vld.idx.msk [tilespmem:v54+s26+$0x0], $0xffff  }
0x57a: {  	v14 =	vadd.f32 v50, v14;
	v50 =	vmul.f32 v55, v7;
	v55 =	vor.u32 $0xA, v10;
	v34 =	vld [tilespmem:s11+$0x0]  }
0x57b: {  	v52 =	vmul.f32 v52, v32;
	v60 =	vld.idx.msk [tilespmem:v54+s29+$0x0], $0xffff;
	v56 =	vmul.f32 v56, v31  }
0x57c: {  	s15 =	sor.u32 $0x17080, s19;
	v50 =	vadd.f32 v50, v14;
	v51 =	vld.idx.msk [tilespmem:v51+s31+$0x0], $0xffff  }
0x57d: {  	s16 =	sor.u32 s21, s15;
	s30 =	sor.u32 s23, s15;
	v54 =	vld.idx.msk [tilespmem:v54+s31+$0x0], $0xffff;
	v52 =	vadd.f32 v56, v52  }
0x57e: {  	v14 =	vld [tilespmem:s1+$0x0];
	[tilespmem:s16+$0x0] =	vst v50  }
0x57f: {  	v50 =	vmul.f32 v59, v33;
	v53 =	vmul.f32 v53, v35;
	v56 =	vld.idx.msk [tilespmem:v55+s24+$0x0], $0xffff  }
0x580: {  	v58 =	vmul.f32 v58, v34;
	v59 =	vld.idx.msk [tilespmem:v55+s26+$0x0], $0xffff  }
0x581: {  	v50 =	vadd.f32 v53, v50;
	v53 =	vmul.f32 v60, v36;
	v60 =	vld.idx.msk [tilespmem:v30+s24+$0x0], $0xffff  }
0x582: {  	v52 =	vadd.f32 v58, v52;
	v58 =	vld.idx.msk [tilespmem:v55+s29+$0x0], $0xffff  }
0x583: {  	v50 =	vadd.f32 v53, v50;
	v53 =	vmul.f32 v54, v37;
	v54 =	vor.u32 $0x2, v38;
	v61 =	vld.idx.msk [tilespmem:v30+s26+$0x0], $0xffff  }
0x584: {  	v51 =	vmul.f32 v51, v14;
	v55 =	vld.idx.msk [tilespmem:v55+s31+$0x0], $0xffff  }
0x585: {  	v50 =	vadd.f32 v53, v50;
	v53 =	vld.idx.msk [tilespmem:v30+s29+$0x0], $0xffff  }
0x586: {  	v51 =	vadd.f32 v51, v52;
	v52 =	vmul.f32 v56, v6;
	v56 =	vmul.f32 v59, v9;
	v59 =	vld.idx.msk [tilespmem:v30+s31+$0x0], $0xffff  }
0x587: {  	v30 =	vmovc v48;
	[tilespmem:s9+$0x80] =	vst v50;
	v50 =	vmul.f32 v60, v11;
	v60 =	vld.idx.msk [tilespmem:v21+s31+$0x0], $0xffff;
	v21 =	vmov v23;
	v23 =	vmov v57  }
0x588: {  	v48 =	vld.idx.msk [tilespmem:v54+s24+$0x0], $0xffff;
	[tilespmem:s13+$0x0] =	vst v51;
	v51 =	vadd.f32 v56, v52;
	v52 =	vmul.f32 v58, v8  }
0x589: {  	v57 =	vmul.f32 v61, v12;
	v56 =	vld.idx.msk [tilespmem:v54+s26+$0x0], $0xffff  }
0x58a: {  	v58 =	vld.idx.msk [tilespmem:v47+s24+$0x0], $0xffff;
	v51 =	vadd.f32 v52, v51;
	v52 =	vmul.f32 v55, v7;
	v55 =	vor.u32 $0xB, v10  }
0x58b: {  	v50 =	vadd.f32 v57, v50;
	v53 =	vmul.f32 v53, v13;
	v61 =	vld.idx.msk [tilespmem:v54+s29+$0x0], $0xffff  }
0x58c: {  	s15 =	sor.u32 $0x17100, s19;
	v57 =	vld.idx.msk [tilespmem:v47+s26+$0x0], $0xffff;
	v51 =	vadd.f32 v52, v51;
	v52 =	vmul.f32 v59, v5  }
0x58d: {  	s28 =	sor.u32 s23, s15;
	s16 =	sor.u32 s21, s15;
	v50 =	vadd.f32 v53, v50;
	v53 =	vmul.f32 v60, v1;
	v54 =	vld.idx.msk [tilespmem:v54+s31+$0x0], $0xffff  }
0x58e: {  	v59 =	vld.idx.msk [tilespmem:v47+s29+$0x0], $0xffff;
	[tilespmem:s16+$0x0] =	vst v51  }
0x58f: {  	v48 =	vmul.f32 v48, v33;
	v51 =	vmul.f32 v56, v35;
	v50 =	vadd.f32 v52, v50;
	v56 =	vld.idx.msk [tilespmem:v55+s24+$0x0], $0xffff  }
0x590: {  	v49 =	vadd.f32 v53, v49;
	v52 =	vmul.f32 v58, v32;
	v58 =	vld.idx.msk [tilespmem:v55+s26+$0x0], $0xffff  }
0x591: {  	v48 =	vadd.f32 v51, v48;
	v51 =	vmul.f32 v61, v36;
	v47 =	vld.idx.msk [tilespmem:v47+s31+$0x0], $0xffff;
	[tilespmem:s17+$0x380] =	vst v50;
	s17 =	smov.u32 s13  }
0x592: {  	v50 =	vmul.f32 v57, v31;
	v53 =	vld.idx.msk [tilespmem:v55+s29+$0x0], $0xffff;
	[tilespmem:s5+$0x0] =	vst v49  }
0x593: {  	v48 =	vadd.f32 v51, v48;
	v49 =	vmul.f32 v54, v37;
	v51 =	vor.u32 $0x3, v38;
	v54 =	vld.idx.msk [tilespmem:v29+s24+$0x0], $0xffff  }
0x594: {  	v50 =	vadd.f32 v50, v52;
	v52 =	vmul.f32 v59, v34;
	v55 =	vld.idx.msk [tilespmem:v55+s31+$0x0], $0xffff  }
0x595: {  	v48 =	vadd.f32 v49, v48;
	v49 =	vld.idx.msk [tilespmem:v29+s26+$0x0], $0xffff  }
0x596: {  	v50 =	vadd.f32 v52, v50;
	v52 =	vmul.f32 v56, v6;
	v56 =	vmul.f32 v58, v9;
	v57 =	vld.idx.msk [tilespmem:v29+s29+$0x0], $0xffff  }
0x597: {  	v47 =	vmul.f32 v47, v14;
	[tilespmem:s9+$0x100] =	vst v48;
	v48 =	vld.idx.msk [tilespmem:v29+s31+$0x0], $0xffff;
	v29 =	vmov v46  }
0x598: {  	v52 =	vadd.f32 v56, v52;
	v53 =	vmul.f32 v53, v8;
	v46 =	vld.idx.msk [tilespmem:v51+s24+$0x0], $0xffff  }
0x599: {  	v47 =	vadd.f32 v47, v50;
	v50 =	vmul.f32 v54, v11;
	v56 =	vld.idx.msk [tilespmem:v51+s26+$0x0], $0xffff  }
0x59a: {  	v54 =	vor.u32 $0xC, v10;
	v52 =	vadd.f32 v53, v52;
	v53 =	vmul.f32 v55, v7;
	v55 =	vld.idx.msk [tilespmem:v19+s24+$0x0], $0xffff  }
0x59b: {  	v58 =	vld.idx.msk [tilespmem:v51+s29+$0x0], $0xffff;
	[tilespmem:s17+$0x80] =	vst v47;
	v47 =	vmul.f32 v49, v12  }
0x59c: {  	s5 =	sor.u32 $0x17180, s19;
	v52 =	vadd.f32 v53, v52;
	v53 =	vmul.f32 v57, v13;
	v49 =	vld.idx.msk [tilespmem:v45+s24+$0x0], $0xffff  }
0x59d: {  	s15 =	sor.u32 s21, s5;
	s13 =	sor.u32 s23, s5;
	v48 =	vmul.f32 v48, v5;
	v51 =	vld.idx.msk [tilespmem:v51+s31+$0x0], $0xffff;
	v47 =	vadd.f32 v47, v50  }
0x59e: {  	v50 =	vld.idx.msk [tilespmem:v45+s26+$0x0], $0xffff;
	[tilespmem:s15+$0x0] =	vst v52  }
0x59f: {  	v46 =	vmul.f32 v46, v33;
	v52 =	vmul.f32 v56, v35;
	v56 =	vld.idx.msk [tilespmem:v54+s24+$0x0], $0xffff;
	v47 =	vadd.f32 v53, v47  }
0x5a0: {  	v55 =	vmul.f32 v55, v2;
	v53 =	vld.idx.msk [tilespmem:v54+s26+$0x0], $0xffff  }
0x5a1: {  	v46 =	vadd.f32 v52, v46;
	v52 =	vmul.f32 v58, v36;
	v57 =	vld.idx.msk [tilespmem:v45+s29+$0x0], $0xffff;
	v47 =	vadd.f32 v48, v47  }
0x5a2: {  	v48 =	vmul.f32 v49, v32;
	v49 =	vld.idx.msk [tilespmem:v54+s29+$0x0], $0xffff  }
0x5a3: {  	v46 =	vadd.f32 v52, v46;
	v51 =	vmul.f32 v51, v37;
	v52 =	vor.u32 $0x4, v38;
	v45 =	vld.idx.msk [tilespmem:v45+s31+$0x0], $0xffff;
	[tilespmem:s2+$0x0] =	vst v47  }
0x5a4: {  	v47 =	vmul.f32 v50, v31;
	v50 =	vld.idx.msk [tilespmem:v54+s31+$0x0], $0xffff  }
0x5a5: {  	v46 =	vadd.f32 v51, v46;
	v51 =	vld.idx.msk [tilespmem:v28+s24+$0x0], $0xffff  }
0x5a6: {  	v47 =	vadd.f32 v47, v48;
	v48 =	vmul.f32 v56, v6;
	v53 =	vmul.f32 v53, v9;
	v54 =	vld.idx.msk [tilespmem:v28+s26+$0x0], $0xffff  }
0x5a7: {  	[tilespmem:s9+$0x180] =	vst v46;
	v46 =	vmul.f32 v57, v34;
	v56 =	vld.idx.msk [tilespmem:v28+s29+$0x0], $0xffff  }
0x5a8: {  	v48 =	vadd.f32 v53, v48;
	v49 =	vmul.f32 v49, v8;
	v57 =	vld.idx.msk [tilespmem:v52+s24+$0x0], $0xffff  }
0x5a9: {  	v45 =	vmul.f32 v45, v14;
	v53 =	vld.idx.msk [tilespmem:v52+s26+$0x0], $0xffff;
	v46 =	vadd.f32 v46, v47  }
0x5aa: {  	v47 =	vadd.f32 v49, v48;
	v48 =	vmul.f32 v50, v7;
	v49 =	vor.u32 $0xD, v10;
	v50 =	vld.idx.msk [tilespmem:v28+s31+$0x0], $0xffff;
	v28 =	vmovc v44  }
0x5ab: {  	v44 =	vld.idx.msk [tilespmem:v52+s29+$0x0], $0xffff;
	v45 =	vadd.f32 v45, v46;
	v46 =	vmul.f32 v51, v11  }
0x5ac: {  	s2 =	sor.u32 $0x17200, s19;
	v47 =	vadd.f32 v48, v47;
	v48 =	vmul.f32 v54, v12;
	v51 =	vld.idx.msk [tilespmem:v19+s26+$0x0], $0xffff  }
0x5ad: {  	s5 =	sor.u32 s21, s2;
	s2 =	sor.u32 s23, s2;
	v52 =	vld.idx.msk [tilespmem:v52+s31+$0x0], $0xffff;
	[tilespmem:s17+$0x100] =	vst v45;
	v45 =	vmul.f32 v56, v13  }
0x5ae: {  	v46 =	vadd.f32 v48, v46;
	v54 =	vld.idx.msk [tilespmem:v43+s24+$0x0], $0xffff;
	[tilespmem:s5+$0x0] =	vst v47  }
0x5af: {  	v47 =	vmul.f32 v57, v33;
	v48 =	vmul.f32 v53, v35;
	v53 =	vld.idx.msk [tilespmem:v49+s24+$0x0], $0xffff  }
0x5b0: {  	v45 =	vadd.f32 v45, v46;
	v46 =	vmul.f32 v50, v5;
	v56 =	vld.idx.msk [tilespmem:v49+s26+$0x0], $0xffff  }
0x5b1: {  	v47 =	vadd.f32 v48, v47;
	v44 =	vmul.f32 v44, v36;
	v48 =	vld.idx.msk [tilespmem:v43+s26+$0x0], $0xffff  }
0x5b2: {  	v45 =	vadd.f32 v46, v45;
	v46 =	vmul.f32 v51, v3;
	v50 =	vld.idx.msk [tilespmem:v49+s29+$0x0], $0xffff  }
0x5b3: {  	v51 =	vor.u32 $0x5, v38;
	v44 =	vadd.f32 v44, v47;
	v47 =	vmul.f32 v52, v37;
	v52 =	vld.idx.msk [tilespmem:v43+s29+$0x0], $0xffff  }
0x5b4: {  	v54 =	vmul.f32 v54, v32;
	v49 =	vld.idx.msk [tilespmem:v49+s31+$0x0], $0xffff;
	[tilespmem:s30+$0x0] =	vst v45;
	v45 =	vadd.f32 v46, v55  }
0x5b5: {  	v44 =	vadd.f32 v47, v44;
	v43 =	vld.idx.msk [tilespmem:v43+s31+$0x0], $0xffff  }
0x5b6: {  	v46 =	vmul.f32 v53, v6;
	v47 =	vmul.f32 v56, v9;
	v53 =	vld.idx.msk [tilespmem:v27+s24+$0x0], $0xffff  }
0x5b7: {  	[tilespmem:s9+$0x200] =	vst v44;
	v44 =	vmul.f32 v48, v31;
	v48 =	vld.idx.msk [tilespmem:v27+s26+$0x0], $0xffff  }
0x5b8: {  	v46 =	vadd.f32 v47, v46;
	v47 =	vmul.f32 v50, v8;
	v55 =	vld.idx.msk [tilespmem:v51+s24+$0x0], $0xffff  }
0x5b9: {  	v52 =	vmul.f32 v52, v34;
	v50 =	vld.idx.msk [tilespmem:v51+s26+$0x0], $0xffff;
	v44 =	vadd.f32 v44, v54  }
0x5ba: {  	v46 =	vadd.f32 v47, v46;
	v47 =	vmul.f32 v49, v7;
	v49 =	vor.u32 $0xE, v10;
	v54 =	vld.idx.msk [tilespmem:v27+s29+$0x0], $0xffff  }
0x5bb: {  	v43 =	vmul.f32 v43, v14;
	v56 =	vld.idx.msk [tilespmem:v51+s29+$0x0], $0xffff;
	v44 =	vadd.f32 v52, v44  }
0x5bc: {  	s5 =	sor.u32 $0x17280, s19;
	v46 =	vadd.f32 v47, v46;
	v47 =	vmul.f32 v53, v11;
	v52 =	vld.idx.msk [tilespmem:v27+s31+$0x0], $0xffff;
	v27 =	vmov v42  }
0x5bd: {  	s15 =	sor.u32 s21, s5;
	s5 =	sor.u32 s23, s5;
	v42 =	vld.idx.msk [tilespmem:v51+s31+$0x0], $0xffff;
	v43 =	vadd.f32 v43, v44;
	v44 =	vmul.f32 v48, v12  }
0x5be: {  	[tilespmem:s15+$0x0] =	vst v46;
	v46 =	vld.idx.msk [tilespmem:v19+s29+$0x0], $0xffff  }
0x5bf: {  	v48 =	vmul.f32 v55, v33;
	v50 =	vmul.f32 v50, v35;
	[tilespmem:s17+$0x180] =	vst v43;
	v43 =	vld.idx.msk [tilespmem:v49+s24+$0x0], $0xffff  }
0x5c0: {  	v44 =	vadd.f32 v44, v47;
	v47 =	vmul.f32 v54, v13;
	v51 =	vld.idx.msk [tilespmem:v49+s26+$0x0], $0xffff  }
0x5c1: {  	v48 =	vadd.f32 v50, v48;
	v50 =	vmul.f32 v56, v36;
	v53 =	vld.idx.msk [tilespmem:v41+s24+$0x0], $0xffff  }
0x5c2: {  	v44 =	vadd.f32 v47, v44;
	v47 =	vmul.f32 v52, v5;
	v54 =	vld.idx.msk [tilespmem:v49+s29+$0x0], $0xffff  }
0x5c3: {  	v48 =	vadd.f32 v50, v48;
	v42 =	vmul.f32 v42, v37;
	v50 =	vor.u32 $0x6, v38;
	v52 =	vld.idx.msk [tilespmem:v41+s26+$0x0], $0xffff  }
0x5c4: {  	v44 =	vadd.f32 v47, v44;
	v46 =	vmul.f32 v46, v4;
	v49 =	vld.idx.msk [tilespmem:v49+s31+$0x0], $0xffff  }
0x5c5: {  	v42 =	vadd.f32 v42, v48;
	v47 =	vld.idx.msk [tilespmem:v41+s29+$0x0], $0xffff  }
0x5c6: {  	v43 =	vmul.f32 v43, v6;
	v48 =	vmul.f32 v51, v9;
	v41 =	vld.idx.msk [tilespmem:v41+s31+$0x0], $0xffff;
	[tilespmem:s28+$0x0] =	vst v44  }
0x5c7: {  	v45 =	vadd.f32 v46, v45;
	[tilespmem:s9+$0x280] =	vst v42;
	v42 =	vmul.f32 v53, v32;
	v44 =	vld.idx.msk [tilespmem:v25+s24+$0x0], $0xffff  }
0x5c8: {  	v43 =	vadd.f32 v48, v43;
	v48 =	vmul.f32 v54, v8;
	v46 =	vld.idx.msk [tilespmem:v50+s24+$0x0], $0xffff  }
0x5c9: {  	v52 =	vmul.f32 v52, v31;
	v51 =	vld.idx.msk [tilespmem:v50+s26+$0x0], $0xffff  }
0x5ca: {  	v43 =	vadd.f32 v48, v43;
	v48 =	vmul.f32 v49, v7;
	v49 =	vor.u32 $0xF, v10;
	v10 =	vmovc v38;
	v53 =	vld.idx.msk [tilespmem:v25+s26+$0x0], $0xffff  }
0x5cb: {  	v42 =	vadd.f32 v52, v42;
	v47 =	vmul.f32 v47, v34;
	v38 =	vld.idx.msk [tilespmem:v50+s29+$0x0], $0xffff  }
0x5cc: {  	s15 =	sor.u32 $0x17300, s19;
	v41 =	vmul.f32 v41, v14;
	v43 =	vadd.f32 v48, v43;
	v48 =	vld.idx.msk [tilespmem:v25+s29+$0x0], $0xffff  }
0x5cd: {  	s16 =	sor.u32 s21, s15;
	s15 =	sor.u32 s23, s15;
	v42 =	vadd.f32 v47, v42;
	v44 =	vmul.f32 v44, v11;
	v50 =	vld.idx.msk [tilespmem:v50+s31+$0x0], $0xffff  }
0x5ce: {  	[tilespmem:s16+$0x0] =	vst v43;
	v43 =	vld.idx.msk [tilespmem:v25+s31+$0x0], $0xffff;
	v25 =	vmov v39  }
0x5cf: {  	v39 =	vmul.f32 v46, v33;
	v46 =	vmul.f32 v51, v35;
	v41 =	vadd.f32 v41, v42;
	v42 =	vld.idx.msk [tilespmem:v49+s24+$0x0], $0xffff  }
0x5d0: {  	v51 =	vmul.f32 v53, v12;
	v47 =	vld.idx.msk [tilespmem:v49+s26+$0x0], $0xffff  }
0x5d1: {  	v39 =	vadd.f32 v46, v39;
	v38 =	vmul.f32 v38, v36;
	[tilespmem:s17+$0x200] =	vst v41;
	v41 =	vld.idx.msk [tilespmem:v19+s31+$0x0], $0xffff;
	v19 =	vmov v22  }
0x5d2: {  	v44 =	vadd.f32 v51, v44;
	v48 =	vmul.f32 v48, v13;
	v22 =	vmov v40;
	v46 =	vld.idx.msk [tilespmem:v49+s29+$0x0], $0xffff  }
0x5d3: {  	v40 =	vor.u32 $0x7, v10;
	v38 =	vadd.f32 v38, v39;
	v39 =	vmul.f32 v50, v37;
	v50 =	vld.idx.msk [tilespmem:v26+s24+$0x0], $0xffff  }
0x5d4: {  	v44 =	vadd.f32 v48, v44;
	v43 =	vmul.f32 v43, v5;
	v49 =	vld.idx.msk [tilespmem:v49+s31+$0x0], $0xffff  }
0x5d5: {  	v38 =	vadd.f32 v39, v38;
	v39 =	vld.idx.msk [tilespmem:v26+s26+$0x0], $0xffff  }
0x5d6: {  	v42 =	vmul.f32 v42, v6;
	v47 =	vmul.f32 v47, v9;
	v43 =	vadd.f32 v43, v44;
	v48 =	vld.idx.msk [tilespmem:v26+s29+$0x0], $0xffff  }
0x5d7: {  	v6 =	vmov v33;
	v9 =	vmov v35;
	[tilespmem:s9+$0x300] =	vst v38;
	v26 =	vld.idx.msk [tilespmem:v26+s31+$0x0], $0xffff;
	v38 =	vmul.f32 v41, v1  }
0x5d8: {  	v35 =	vadd.f32 v47, v42;
	v41 =	vmul.f32 v46, v8;
	v8 =	vmov v36;
	v33 =	vld.idx.msk [tilespmem:v40+s24+$0x0], $0xffff;
	[tilespmem:s13+$0x0] =	vst v43  }
0x5d9: {  	v42 =	vmul.f32 v50, v32;
	v36 =	vld.idx.msk [tilespmem:v40+s26+$0x0], $0xffff;
	v38 =	vadd.f32 v38, v45  }
0x5da: {  	v35 =	vadd.f32 v41, v35;
	v41 =	vmul.f32 v49, v7;
	v7 =	vmov v37;
	v43 =	vld.idx.msk [tilespmem:v24+s24+$0x0], $0xffff  }
0x5db: {  	v39 =	vmul.f32 v39, v31;
	v37 =	vld.idx.msk [tilespmem:v40+s29+$0x0], $0xffff;
	[tilespmem:s10+$0x0] =	vst v38;
	s10 =	smov.u32 s15  }
0x5dc: {  	s13 =	sor.u32 $0x17380, s19;
	s19 =	smov.u32 s7;
	v38 =	vmul.f32 v48, v34;
	v35 =	vadd.f32 v41, v35;
	v41 =	vld.idx.msk [tilespmem:v24+s26+$0x0], $0xffff  }
0x5dd: {  	s7 =	sor.u32 s23, s13;
	s23 =	smov.u32 s14;
	s15 =	sor.u32 s21, s13;
	v39 =	vadd.f32 v39, v42;
	v26 =	vmul.f32 v26, v14;
	v40 =	vld.idx.msk [tilespmem:v40+s31+$0x0], $0xffff  }
0x5de: {  	s21 =	smov.u32 s25;
	[tilespmem:s15+$0x0] =	vst v35;
	v42 =	vld.idx.msk [tilespmem:v24+s29+$0x0], $0xffff  }
0x5df: {  	v33 =	vmul.f32 v33, v6;
	v35 =	vmul.f32 v36, v9;
	v36 =	vadd.f32 v38, v39;
	v39 =	vld.idx.msk [tilespmem:v24+s31+$0x0], $0xffff  }
0x5e0: {  	v38 =	vmul.f32 v43, v11;
	v24 =	vmov v17;
	v43 =	vld.idx.msk [tilespmem:v18+s24+$0x0], $0xffff  }
0x5e1: {  	v17 =	vadd.f32 v35, v33;
	v33 =	vmul.f32 v37, v8;
	v26 =	vadd.f32 v26, v36;
	v37 =	vld.idx.msk [tilespmem:v18+s26+$0x0], $0xffff  }
0x5e2: {  	v36 =	vmul.f32 v41, v12;
	v41 =	vld.idx.msk [tilespmem:v18+s29+$0x0], $0xffff  }
0x5e3: {  	v17 =	vadd.f32 v33, v17;
	v40 =	vmul.f32 v40, v7;
	v33 =	vor.u32 $0x8, v10;
	[tilespmem:s17+$0x280] =	vst v26;
	v26 =	vld.idx.msk [tilespmem:v18+s31+$0x0], $0xffff  }
.Ltmp7:
0x5e4: {  	v44 =	vadd.f32 v36, v38;
	v42 =	vmul.f32 v42, v13;
	v18 =	vmovc v20;
	v20 =	vmov v16;
	v35 =	vld.idx.msk [tilespmem:v15+s24+$0x0], $0xffff;
	(pc) =	sbr.rel @p0 .LBB2_15-.Ltmp7, $4  }
0x5e5: {  	v17 =	vadd.f32 v40, v17;
	v40 =	vmul.f32 v39, v5;
	v38 =	vld.idx.msk [tilespmem:v15+s26+$0x0], $0xffff  }
0x5e6: {  	v42 =	vadd.f32 v42, v44;
	v16 =	vmul.f32 v43, v2;
	v2 =	vmovc v11;
	v11 =	vmov v32;
	v36 =	vld.idx.msk [tilespmem:v15+s29+$0x0], $0xffff  }
0x5e7: {  	[tilespmem:s9+$0x380] =	vst v17;
	v39 =	vld.idx.msk [tilespmem:v15+s31+$0x0], $0xffff;
	v17 =	vmul.f32 v37, v3;
	v3 =	vmov v12;
	v12 =	vmov v31  }
0x5e8: {  	s0 =	sadd.s32 $0x20, s0;
	v32 =	vadd.f32 v40, v42;
	v31 =	vmul.f32 v41, v4;
	v4 =	vmovc v13;
	v13 =	vmov v34;
	v37 =	vld.idx.msk [tilespmem:v33+s24+$0x0], $0xffff  }
0x5e9: {  	_ = 	snop  }
0x5ea: {  	v15 =	vmul.f32 v35, v11;
	v34 =	vmul.f32 v38, v12;
	_ =	sdelay $0x1  }
0x5eb: {  	v38 =	vmul.f32 v36, v13;
	v15 =	vadd.f32 v34, v15;
	_ =	sdelay $0x1  }
0x5ec: {  	v40 =	vmul.f32 v39, v14;
	v15 =	vadd.f32 v38, v15;
	_ =	sdelay $0x1  }
0x5ed: {  	v15 =	vadd.f32 v40, v15;
	_ =	sdelay $0x1  }
0x5ee: {  	[tilespmem:s17+$0x300] =	vst v15  }
0x5ef: {  	v15 =	vld.idx.msk [tilespmem:v30+s24+$0x0], $0xffff  }
0x5f0: {  	v41 =	vld.idx.msk [tilespmem:v30+s26+$0x0], $0xffff;
	_ =	sdelay $0x1  }
0x5f1: {  	v42 =	vld.idx.msk [tilespmem:v30+s29+$0x0], $0xffff;
	_ =	sdelay $0x1  }
0x5f2: {  	v43 =	vld.idx.msk [tilespmem:v30+s31+$0x0], $0xffff  }
0x5f3: {  	v15 =	vmul.f32 v15, v11;
	v34 =	vmul.f32 v41, v12;
	_ =	sdelay $0x1  }
0x5f4: {  	v45 =	vld.idx.msk [tilespmem:v33+s26+$0x0], $0xffff;
	v44 =	vmul.f32 v42, v13;
	v15 =	vadd.f32 v34, v15;
	_ =	sdelay $0x1  }
0x5f5: {  	v46 =	vld.idx.msk [tilespmem:v33+s29+$0x0], $0xffff;
	v30 =	vmul.f32 v43, v14;
	v15 =	vadd.f32 v44, v15;
	_ =	sdelay $0x1  }
0x5f6: {  	v47 =	vld.idx.msk [tilespmem:v33+s31+$0x0], $0xffff;
	v15 =	vadd.f32 v30, v15  }
0x5f7: {  	v48 =	vmul.f32 v37, v6;
	v49 =	vmul.f32 v45, v9  }
0x5f8: {  	[tilespmem:s17+$0x380] =	vst v15  }
0x5f9: {  	v52 =	vmul.f32 v46, v8;
	v15 =	vadd.f32 v49, v48;
	v50 =	vld.idx.msk [tilespmem:v29+s24+$0x0], $0xffff  }
0x5fa: {  	v51 =	vld.idx.msk [tilespmem:v29+s26+$0x0], $0xffff  }
0x5fb: {  	v54 =	vor.u32 $0x9, v10;
	v30 =	vmul.f32 v47, v7;
	v15 =	vadd.f32 v52, v15  }
0x5fc: {  	v53 =	vld.idx.msk [tilespmem:v29+s29+$0x0], $0xffff  }
0x5fd: {  	s0 =	sor.u32 $0x17000, s19;
	v15 =	vadd.f32 v30, v15  }
0x5fe: {  	s1 =	sor.u32 s21, s0;
	v55 =	vld.idx.msk [tilespmem:v29+s31+$0x0], $0xffff  }
0x5ff: {  	v56 =	vmul.f32 v50, v11;
	v57 =	vmul.f32 v51, v12;
	[tilespmem:s1+$0x0] =	vst v15  }
0x600: {  	v59 =	vld.idx.msk [tilespmem:v54+s24+$0x0], $0xffff  }
0x601: {  	v58 =	vmul.f32 v53, v13;
	v60 =	vld.idx.msk [tilespmem:v54+s26+$0x0], $0xffff;
	v30 =	vadd.f32 v57, v56;
	_ =	sdelay $0x1  }
0x602: {  	v29 =	vmul.f32 v55, v14;
	v61 =	vld.idx.msk [tilespmem:v54+s29+$0x0], $0xffff;
	v15 =	vadd.f32 v58, v30;
	_ =	sdelay $0x1  }
0x603: {  	v62 =	vld.idx.msk [tilespmem:v54+s31+$0x0], $0xffff;
	v15 =	vadd.f32 v29, v15  }
0x604: {  	s0 =	sor.u32 s23, s0;
	v63 =	vmul.f32 v59, v6;
	v36 =	vmul.f32 v60, v9  }
0x605: {  	[tilespmem:s0+$0x0] =	vst v15  }
0x606: {  	v30 =	vmul.f32 v61, v8;
	v15 =	vadd.f32 v36, v63;
	v37 =	vld.idx.msk [tilespmem:v28+s24+$0x0], $0xffff  }
0x607: {  	v38 =	vld.idx.msk [tilespmem:v28+s26+$0x0], $0xffff  }
0x608: {  	v40 =	vor.u32 $0xA, v10;
	v29 =	vmul.f32 v62, v7;
	v15 =	vadd.f32 v30, v15  }
0x609: {  	v39 =	vld.idx.msk [tilespmem:v28+s29+$0x0], $0xffff  }
0x60a: {  	s25 =	sor.u32 $0x17080, s19;
	v15 =	vadd.f32 v29, v15  }
0x60b: {  	s28 =	sor.u32 s21, s25;
	v41 =	vld.idx.msk [tilespmem:v28+s31+$0x0], $0xffff  }
0x60c: {  	v42 =	vmul.f32 v37, v11;
	v43 =	vmul.f32 v38, v12;
	[tilespmem:s28+$0x0] =	vst v15  }
0x60d: {  	v45 =	vld.idx.msk [tilespmem:v40+s24+$0x0], $0xffff  }
0x60e: {  	v44 =	vmul.f32 v39, v13;
	v46 =	vld.idx.msk [tilespmem:v40+s26+$0x0], $0xffff;
	v29 =	vadd.f32 v43, v42;
	_ =	sdelay $0x1  }
0x60f: {  	v28 =	vmul.f32 v41, v14;
	v47 =	vld.idx.msk [tilespmem:v40+s29+$0x0], $0xffff;
	v15 =	vadd.f32 v44, v29;
	_ =	sdelay $0x1  }
0x610: {  	v48 =	vld.idx.msk [tilespmem:v40+s31+$0x0], $0xffff;
	v15 =	vadd.f32 v28, v15  }
0x611: {  	s0 =	sor.u32 s23, s25;
	v49 =	vmul.f32 v45, v6;
	v50 =	vmul.f32 v46, v9  }
0x612: {  	[tilespmem:s0+$0x0] =	vst v15  }
0x613: {  	v29 =	vmul.f32 v47, v8;
	v15 =	vadd.f32 v50, v49;
	v51 =	vld.idx.msk [tilespmem:v27+s24+$0x0], $0xffff  }
0x614: {  	v52 =	vld.idx.msk [tilespmem:v27+s26+$0x0], $0xffff  }
0x615: {  	v54 =	vor.u32 $0xB, v10;
	v28 =	vmul.f32 v48, v7;
	v15 =	vadd.f32 v29, v15  }
0x616: {  	v53 =	vld.idx.msk [tilespmem:v27+s29+$0x0], $0xffff  }
0x617: {  	s30 =	sor.u32 $0x17100, s19;
	v15 =	vadd.f32 v28, v15  }
0x618: {  	s3 =	sor.u32 s21, s30;
	v55 =	vld.idx.msk [tilespmem:v27+s31+$0x0], $0xffff  }
0x619: {  	v56 =	vmul.f32 v51, v11;
	v57 =	vmul.f32 v52, v12;
	[tilespmem:s3+$0x0] =	vst v15  }
0x61a: {  	v60 =	vld.idx.msk [tilespmem:v54+s24+$0x0], $0xffff  }
0x61b: {  	v59 =	vmul.f32 v53, v13;
	v61 =	vld.idx.msk [tilespmem:v54+s26+$0x0], $0xffff;
	v58 =	vadd.f32 v57, v56;
	_ =	sdelay $0x1  }
0x61c: {  	v27 =	vmul.f32 v55, v14;
	v62 =	vld.idx.msk [tilespmem:v54+s29+$0x0], $0xffff;
	v15 =	vadd.f32 v59, v58;
	_ =	sdelay $0x1  }
0x61d: {  	v63 =	vld.idx.msk [tilespmem:v54+s31+$0x0], $0xffff;
	v15 =	vadd.f32 v27, v15  }
0x61e: {  	s0 =	sor.u32 s23, s30;
	v36 =	vmul.f32 v60, v6;
	v37 =	vmul.f32 v61, v9  }
0x61f: {  	[tilespmem:s0+$0x0] =	vst v15  }
0x620: {  	v28 =	vmul.f32 v62, v8;
	v15 =	vadd.f32 v37, v36;
	v38 =	vld.idx.msk [tilespmem:v25+s24+$0x0], $0xffff  }
0x621: {  	v39 =	vld.idx.msk [tilespmem:v25+s26+$0x0], $0xffff  }
0x622: {  	v41 =	vor.u32 $0xC, v10;
	v27 =	vmul.f32 v63, v7;
	v15 =	vadd.f32 v28, v15  }
0x623: {  	v40 =	vld.idx.msk [tilespmem:v25+s29+$0x0], $0xffff  }
0x624: {  	s4 =	sor.u32 $0x17180, s19;
	v15 =	vadd.f32 v27, v15  }
0x625: {  	s8 =	sor.u32 s21, s4;
	v42 =	vld.idx.msk [tilespmem:v25+s31+$0x0], $0xffff  }
0x626: {  	v43 =	vmul.f32 v38, v11;
	v44 =	vmul.f32 v39, v12;
	[tilespmem:s8+$0x0] =	vst v15  }
0x627: {  	v47 =	vld.idx.msk [tilespmem:v41+s24+$0x0], $0xffff  }
0x628: {  	v46 =	vmul.f32 v40, v13;
	v48 =	vld.idx.msk [tilespmem:v41+s26+$0x0], $0xffff;
	v45 =	vadd.f32 v44, v43;
	_ =	sdelay $0x1  }
0x629: {  	v25 =	vmul.f32 v42, v14;
	v49 =	vld.idx.msk [tilespmem:v41+s29+$0x0], $0xffff;
	v15 =	vadd.f32 v46, v45;
	_ =	sdelay $0x1  }
0x62a: {  	v50 =	vld.idx.msk [tilespmem:v41+s31+$0x0], $0xffff;
	v15 =	vadd.f32 v25, v15  }
0x62b: {  	s0 =	sor.u32 s23, s4;
	v51 =	vmul.f32 v47, v6;
	v52 =	vmul.f32 v48, v9  }
0x62c: {  	[tilespmem:s0+$0x0] =	vst v15  }
0x62d: {  	v27 =	vmul.f32 v49, v8;
	v15 =	vadd.f32 v52, v51;
	v53 =	vld.idx.msk [tilespmem:v24+s24+$0x0], $0xffff  }
0x62e: {  	v54 =	vld.idx.msk [tilespmem:v24+s26+$0x0], $0xffff  }
0x62f: {  	v56 =	vor.u32 $0xD, v10;
	v25 =	vmul.f32 v50, v7;
	v15 =	vadd.f32 v27, v15  }
0x630: {  	v55 =	vld.idx.msk [tilespmem:v24+s29+$0x0], $0xffff  }
0x631: {  	s9 =	sor.u32 $0x17200, s19;
	v15 =	vadd.f32 v25, v15  }
0x632: {  	[tilespmem:s2+$0x0] =	vst v32;
	s11 =	sor.u32 s21, s9;
	v57 =	vld.idx.msk [tilespmem:v24+s31+$0x0], $0xffff  }
0x633: {  	v32 =	vld.idx.msk [tilespmem:v21+s26+$0x0], $0xffff;
	v58 =	vmul.f32 v53, v11;
	v59 =	vmul.f32 v54, v12;
	[tilespmem:s11+$0x0] =	vst v15  }
0x634: {  	v63 =	vld.idx.msk [tilespmem:v56+s24+$0x0], $0xffff  }
0x635: {  	v62 =	vmul.f32 v55, v13;
	v36 =	vld.idx.msk [tilespmem:v56+s26+$0x0], $0xffff;
	v61 =	vadd.f32 v59, v58  }
0x636: {  	v60 =	vld.idx.msk [tilespmem:v21+s24+$0x0], $0xffff  }
0x637: {  	v24 =	vmul.f32 v57, v14;
	v38 =	vld.idx.msk [tilespmem:v56+s29+$0x0], $0xffff;
	v15 =	vadd.f32 v62, v61  }
0x638: {  	v37 =	vld.idx.msk [tilespmem:v21+s29+$0x0], $0xffff  }
0x639: {  	v27 =	vld.idx.msk [tilespmem:v56+s31+$0x0], $0xffff;
	v15 =	vadd.f32 v24, v15  }
0x63a: {  	s0 =	sor.u32 s23, s9;
	v42 =	vmul.f32 v63, v6;
	v43 =	vmul.f32 v36, v9  }
0x63b: {  	v39 =	vld.idx.msk [tilespmem:v21+s31+$0x0], $0xffff;
	v40 =	vmul.f32 v60, v2;
	[tilespmem:s0+$0x0] =	vst v15  }
0x63c: {  	v41 =	vmul.f32 v32, v3;
	v46 =	vmul.f32 v38, v8;
	v15 =	vadd.f32 v43, v42;
	v44 =	vld.idx.msk [tilespmem:v23+s24+$0x0], $0xffff  }
0x63d: {  	v48 =	vor.u32 $0xE, v10;
	v25 =	vmul.f32 v37, v4;
	v45 =	vld.idx.msk [tilespmem:v23+s26+$0x0], $0xffff  }
0x63e: {  	v24 =	vadd.f32 v41, v40;
	v27 =	vmul.f32 v27, v7;
	v15 =	vadd.f32 v46, v15  }
0x63f: {  	v47 =	vld.idx.msk [tilespmem:v23+s29+$0x0], $0xffff  }
0x640: {  	s12 =	sor.u32 $0x17280, s19;
	v21 =	vmul.f32 v39, v5;
	v24 =	vadd.f32 v25, v24;
	v15 =	vadd.f32 v27, v15  }
0x641: {  	s13 =	sor.u32 s21, s12;
	v49 =	vld.idx.msk [tilespmem:v23+s31+$0x0], $0xffff  }
0x642: {  	v21 =	vadd.f32 v21, v24;
	v50 =	vmul.f32 v44, v11;
	v51 =	vmul.f32 v45, v12;
	[tilespmem:s13+$0x0] =	vst v15  }
0x643: {  	v53 =	vld.idx.msk [tilespmem:v48+s24+$0x0], $0xffff  }
0x644: {  	[tilespmem:s5+$0x0] =	vst v21;
	v52 =	vmul.f32 v47, v13;
	v54 =	vld.idx.msk [tilespmem:v48+s26+$0x0], $0xffff;
	v24 =	vadd.f32 v51, v50  }
0x645: {  	v21 =	vld.idx.msk [tilespmem:v19+s24+$0x0], $0xffff  }
0x646: {  	v23 =	vmul.f32 v49, v14;
	v56 =	vld.idx.msk [tilespmem:v48+s29+$0x0], $0xffff;
	v15 =	vadd.f32 v52, v24  }
0x647: {  	v55 =	vld.idx.msk [tilespmem:v19+s26+$0x0], $0xffff  }
0x648: {  	v28 =	vld.idx.msk [tilespmem:v48+s31+$0x0], $0xffff;
	v15 =	vadd.f32 v23, v15  }
0x649: {  	s0 =	sor.u32 s23, s12;
	v57 =	vld.idx.msk [tilespmem:v19+s29+$0x0], $0xffff;
	v58 =	vmul.f32 v53, v6;
	v59 =	vmul.f32 v54, v9  }
0x64a: {  	v63 =	vld.idx.msk [tilespmem:v19+s31+$0x0], $0xffff;
	[tilespmem:s0+$0x0] =	vst v15  }
0x64b: {  	v62 =	vmul.f32 v56, v8;
	v15 =	vadd.f32 v59, v58;
	v60 =	vld.idx.msk [tilespmem:v22+s24+$0x0], $0xffff  }
0x64c: {  	v34 =	vor.u32 $0xF, v10;
	v21 =	vmul.f32 v21, v2;
	v61 =	vld.idx.msk [tilespmem:v22+s26+$0x0], $0xffff  }
0x64d: {  	v24 =	vmul.f32 v55, v3;
	v33 =	vmul.f32 v28, v7;
	v15 =	vadd.f32 v62, v15  }
0x64e: {  	v32 =	vld.idx.msk [tilespmem:v22+s29+$0x0], $0xffff  }
0x64f: {  	s14 =	sor.u32 $0x17300, s19;
	v21 =	vadd.f32 v24, v21;
	v23 =	vmul.f32 v57, v4;
	v15 =	vadd.f32 v33, v15  }
0x650: {  	s15 =	sor.u32 s21, s14;
	v38 =	vmul.f32 v63, v5;
	v35 =	vld.idx.msk [tilespmem:v22+s31+$0x0], $0xffff  }
0x651: {  	v21 =	vadd.f32 v23, v21;
	v36 =	vmul.f32 v60, v11;
	v37 =	vmul.f32 v61, v12;
	[tilespmem:s15+$0x0] =	vst v15  }
0x652: {  	v41 =	vld.idx.msk [tilespmem:v34+s24+$0x0], $0xffff  }
0x653: {  	v40 =	vmul.f32 v32, v13;
	v15 =	vadd.f32 v38, v21;
	v42 =	vld.idx.msk [tilespmem:v34+s26+$0x0], $0xffff;
	v39 =	vadd.f32 v37, v36  }
0x654: {  	v44 =	vld.idx.msk [tilespmem:v34+s29+$0x0], $0xffff  }
0x655: {  	v43 =	vmul.f32 v35, v14;
	v10 =	vld.idx.msk [tilespmem:v34+s31+$0x0], $0xffff;
	[tilespmem:s10+$0x0] =	vst v15;
	v19 =	vadd.f32 v40, v39  }
0x656: {  	v46 =	vld.idx.msk [tilespmem:v18+s24+$0x0], $0xffff  }
0x657: {  	v47 =	vld.idx.msk [tilespmem:v18+s26+$0x0], $0xffff;
	v45 =	vadd.f32 v43, v19  }
0x658: {  	s0 =	sor.u32 s23, s14;
	v49 =	vld.idx.msk [tilespmem:v18+s29+$0x0], $0xffff  }
0x659: {  	v54 =	vld.idx.msk [tilespmem:v18+s31+$0x0], $0xffff;
	[tilespmem:s0+$0x0] =	vst v45  }
0x65a: {  	v16 =	vadd.f32 v17, v16;
	v1 =	vmul.f32 v26, v1;
	v15 =	vld.idx.msk [tilespmem:v20+s24+$0x0], $0xffff  }
0x65b: {  	v50 =	vmul.f32 v41, v6;
	v51 =	vmul.f32 v42, v9;
	v48 =	vld.idx.msk [tilespmem:v20+s26+$0x0], $0xffff  }
0x65c: {  	v16 =	vadd.f32 v31, v16;
	v2 =	vmul.f32 v46, v2;
	v3 =	vmul.f32 v47, v3  }
0x65d: {  	v53 =	vmul.f32 v44, v8;
	v6 =	vadd.f32 v51, v50;
	v52 =	vld.idx.msk [tilespmem:v20+s29+$0x0], $0xffff  }
0x65e: {  	v1 =	vadd.f32 v1, v16;
	v58 =	vmul.f32 v49, v4;
	v2 =	vadd.f32 v3, v2  }
0x65f: {  	v61 =	vmul.f32 v54, v5;
	v55 =	vld.idx.msk [tilespmem:v20+s31+$0x0], $0xffff;
	v6 =	vadd.f32 v53, v6;
	v3 =	vmul.f32 v10, v7  }
0x660: {  	v2 =	vadd.f32 v58, v2;
	v56 =	vmul.f32 v15, v11;
	v57 =	vmul.f32 v48, v12  }
0x661: {  	s16 =	sor.u32 $0x17380, s19;
	v3 =	vadd.f32 v3, v6  }
0x662: {  	[tilespmem:s6+$0x0] =	vst v1;
	s17 =	sor.u32 s21, s16;
	v59 =	vmul.f32 v52, v13;
	v1 =	vadd.f32 v61, v2;
	v60 =	vadd.f32 v57, v56  }
0x663: {  	[tilespmem:s17+$0x0] =	vst v3  }
0x664: {  	v62 =	vmul.f32 v55, v14;
	[tilespmem:s7+$0x0] =	vst v1;
	v63 =	vadd.f32 v59, v60  }
0x665: {  	s12 =	rddreg [dreg:$0x5]  }
0x666: {  	s1 =	rddreg [dreg:$0xf];
	v2 =	vadd.f32 v62, v63  }
0x667: {  	s19 =	rddreg [dreg:$0x3];
	s0 =	sor.u32 s23, s16;
	s1 =	sadd.s32 s12, s1  }
0x668: {  	s21 =	simm.s32 $0x16000;
	s7 =	simm.s32 $0x0;
	[tilespmem:s0+$0x0] =	vst v2;
	s0 =	sadd.s32 s19, s1  }
0x669: {  	[hbm4b:s0+s7] =	stream.linear.scatter [tilespmem:s21], [sflag:$0x3], $0x1000, $0x38;
	[tilespmem:$0x18000] =	vst v63  }
0x66a: {  	s4 =	rddreg [dreg:$0xe]  }
0x66b: {  	p0 =	sne.s32 s4, $0x20  }
.Ltmp8:
0x66c: {  	s23 =	rddreg [dreg:$0x9];
	(pc) =	sbr.rel @p0 .LBB2_4-.Ltmp8, $4  }
.Ltmp9:
0x66d: {  	s28 =	rddreg [dreg:$0xc];
	(pc) =	sbr.rel @!p0 .LBB2_17-.Ltmp9, $4  }
0x66e: {  	s25 =	simm.s32 $0x17000;
	s30 =	rddreg [dreg:$0xd];
	s0 =	sadd.s32 s1, s23  }
0x66f: {  	[hbm4b:s0+s7] =	stream.linear.scatter [tilespmem:s25], [sflag:$0x3], $0x1000, $0x38;
	[tilespmem:$0x18000] =	vst v63  }
0x670: {  	s16 =	simm.s32 $0x4000;
	s2 =	sadd.s32 $0x1, s30;
	s0 =	sadd.s32 $0x2, s28  }
0x671: {  	_ = 	snop  }
.LBB2_10:
.Ltmp10:
0x672: {  	(pc) =	sbr.rel @p1 .LBB2_14-.Ltmp10, $4  }
.Ltmp11:
0x673: {  	(pc) =	sbr.rel @!p1 .LBB2_11-.Ltmp11, $4  }
0x674: {  	_ = 	snop  }
0x675: {  	_ = 	snop  }
0x676: {  	s24 =	simm.s32 $0xC000  }
0x677: {  	_ = 	snop  }
.LBB2_18:
0x678: {  	_ =	sfence.sel $0x180000  }
0x679: {  	[bflag:$0x0] =	sbarrier.arrive $0xFFFF  }
0x67a: {  	_ =	strace $0x90000047  }
0x67b: {  	s0 =	stileid.u32;
	[bflag:$0x2] =	sbarrier.arrive $0xFFFF  }
0x67c: {  	p0 =	sne.s32 s0, $0x0;
	s0 =	rddreg [dreg:$0x4]  }
0x67d: {  	s0 =	sadd.s32 @!p0 $0x100000, s0  }
0x67e: {  	[sflag:s0] =	ssyncadd.tile.s32 @!p0 $0x1;
	_ =	shalt  }
.Lfunc_end2:
_tile_overlayer_lowered:
.L_overlay_start_2:
0x67f: {  	(tag) =	ssettag $0x2  }
0x680: {  	s0 =	rddreg [dreg:$0x0];
	s2 =	stileid.u32  }
0x681: {  	s1 =	rddreg [dreg:$0x1];
	p0 =	sne.s32 s2, $0x0  }
0x682: {  	s3 =	rddreg [dreg:$0x2];
	[bflag:$0x3] =	sbarrier.arrive $0xFFFF;
	s2 =	simm.s32 @!p0 $0x1C04  }
0x683: {  	[timem:s3], [sflag:s2] =	dma.local @!p0 [hbm:s0], s1  }
0x684: {  	s0 =	simm.s32 @!p0 $0x4  }
0x685: {  	_ =	swait.ge @!p0 [sflag:s0], s1  }
0x686: {  	s1 =	ssub.s32 @!p0 $0x0, s1;
	[sflag:s0] =	ssyncset.done @!p0 $0x0  }
0x687: {  	[sflag:s0] =	ssyncadd.s32 @!p0 s1  }
0x688: {  	[bflag:$0x3] =	sbarrier.arrive $0xFFFF  }
0x689: {  	_ =	shalt  }

</sc_bundles>
